<compile_context>
chip_gen: v7x
topology: tpu7x:2x2x1
jax: 0.10.2.dev20260603
libtpu: 0.0.44.dev20260713+nightly
codegen_flags: <defaults>
</compile_context>

<pallas_src>
import functools

import jax
import jax.numpy as jnp
from jax import lax
from jax.experimental import pallas as pl
from jax.experimental.pallas import tpu as pltpu
from jax.experimental.pallas import tpu_sc as plsc

HIDDEN = 2048
EPS = 1e-6
L = 16
NC = 2
NS = 16
NW = NC * NS
CH = 8
NSL = HIDDEN // L


def _rsqrt_newton(x):
    i = lax.bitcast_convert_type(x, jnp.int32)
    i = jnp.full((L,), 0x5F3759DF, jnp.int32) - (i >> 1)
    y = lax.bitcast_convert_type(i, jnp.float32)
    for _ in range(3):
        y = y * (1.5 - 0.5 * x * y * y)
    return y


def _lane_allreduce_sum(x):
    idx = lax.iota(jnp.int32, L)
    for k in (1, 2, 4, 8):
        x = x + x.at[idx ^ k].get(mode="promise_in_bounds")
    return x


def _make_sc_kernel(nb, seq):
    n_tokens = nb * seq
    tpw = n_tokens // NW
    ppw = tpw // nb
    pch = CH // nb
    nch = tpw // CH
    npair = nch // 2

    mesh = plsc.VectorSubcoreMesh(core_axis_name="c", subcore_axis_name="s")

    @functools.partial(
        pl.kernel,
        out_type=jax.ShapeDtypeStruct((n_tokens, HIDDEN), jnp.float32),
        mesh=mesh,
        scratch_types=[
            pltpu.VMEM((tpw,), jnp.int32),
            pltpu.VMEM((CH, HIDDEN), jnp.float32),
            pltpu.VMEM((CH, HIDDEN), jnp.float32),
            pltpu.VMEM((pch, HIDDEN), jnp.float32),
            pltpu.VMEM((pch, HIDDEN), jnp.float32),
            pltpu.VMEM((CH, HIDDEN), jnp.float32),
            pltpu.VMEM((CH, HIDDEN), jnp.float32),
            pltpu.VMEM((CH, HIDDEN), jnp.float32),
            pltpu.VMEM((HIDDEN,), jnp.float32),
            pltpu.VMEM((HIDDEN,), jnp.float32),
            pltpu.SemaphoreType.DMA,
            pltpu.SemaphoreType.DMA,
            pltpu.SemaphoreType.DMA,
            pltpu.SemaphoreType.DMA,
            pltpu.SemaphoreType.DMA,
            pltpu.SemaphoreType.DMA,
        ],
    )
    def k(ids_hbm, wemb_hbm, pemb_hbm, gamma_hbm, beta_hbm, out_hbm,
          idx_v, rows0, rows1, pos0, pos1, ost0, ost1, xbuf, g_v, b_v,
          gs0, gs1, ps0, ps1, ss0, ss1):
        cid = lax.axis_index("c")
        sid = lax.axis_index("s")
        wid = sid * NC + cid
        base = wid * tpw
        pos_base = wid * ppw
        pltpu.sync_copy(ids_hbm.at[pl.ds(base, tpw)], idx_v)

        rows = (rows0, rows1)
        pos = (pos0, pos1)
        ost = (ost0, ost1)
        gs = (gs0, gs1)
        ps = (ps0, ps1)
        ss = (ss0, ss1)

        def issue(c, b):
            pltpu.async_copy(
                pemb_hbm.at[pl.ds(pos_base + c * pch, pch)], pos[b], ps[b])
            pltpu.async_copy(
                wemb_hbm.at[idx_v.at[pl.ds(c * CH, CH)]], rows[b], gs[b])

        def wait_in(b):
            pltpu.make_async_copy(
                pemb_hbm.at[pl.ds(0, pch)], pos[b], ps[b]).wait()
            pltpu.make_async_copy(
                pemb_hbm.at[pl.ds(0, CH)], rows[b], gs[b]).wait()

        def wait_store(b):
            for bi in range(nb):
                pltpu.make_async_copy(
                    ost[b].at[pl.ds(bi * pch, pch)],
                    out_hbm.at[pl.ds(0, pch)], ss[b]).wait()

        def compute(c, b):
            rv, pv, ov = rows[b], pos[b], ost[b]

            def p1(j, carry):
                accs, ws, ps_ = carry
                sl = pl.ds(j * L, L)
                out = []
                for t in range(CH):
                    x = ws[t] + ps_[t // nb]
                    xbuf[t, sl] = x
                    out.append(accs[2 * t] + x)
                    out.append(accs[2 * t + 1] + x * x)
                jn = (j + 1) & (NSL - 1)
                sln = pl.ds(jn * L, L)
                nws = tuple(rv[t, sln] for t in range(CH))
                nps = tuple(pv[p_, sln] for p_ in range(pch))
                return (tuple(out), nws, nps)

            zero = jnp.zeros((L,), jnp.float32)
            sl0 = pl.ds(0, L)
            w0 = tuple(rv[t, sl0] for t in range(CH))
            p0 = tuple(pv[p_, sl0] for p_ in range(pch))
            st, _, _ = plsc.parallel_loop(
                0, NSL, carry=((zero,) * (2 * CH), w0, p0))(p1)

            stats = []
            for t in range(CH):
                mean = _lane_allreduce_sum(st[2 * t]) * (1.0 / HIDDEN)
                var = (_lane_allreduce_sum(st[2 * t + 1]) * (1.0 / HIDDEN)
                       - mean * mean)
                stats.append((mean, _rsqrt_newton(var + EPS)))

            def p2(j):
                sl = pl.ds(j * L, L)
                g = g_v[sl]
                b_ = b_v[sl]
                for t in range(CH):
                    mean, inv = stats[t]
                    ov[(t % nb) * pch + t // nb, sl] = (
                        (xbuf[t, sl] - mean) * inv * g + b_)

            plsc.parallel_loop(0, NSL, unroll=2)(p2)
            for bi in range(nb):
                pltpu.async_copy(
                    ov.at[pl.ds(bi * pch, pch)],
                    out_hbm.at[pl.ds(bi * seq + pos_base + c * pch, pch)],
                    ss[b])

        issue(0, 0)
        issue(1, 1)
        pltpu.async_copy(gamma_hbm, g_v, ss0)
        pltpu.async_copy(beta_hbm, b_v, ss1)
        pltpu.make_async_copy(gamma_hbm, g_v, ss0).wait()
        pltpu.make_async_copy(beta_hbm, b_v, ss1).wait()

        def pair(i, _):
            c0 = 2 * i
            for b in range(2):
                c = c0 + b
                wait_in(b)

                @pl.when(c >= 2)
                def _():
                    wait_store(b)

                compute(c, b)

                @pl.when(c + 2 < nch)
                def _():
                    issue(c + 2, b)
            return 0

        lax.fori_loop(0, npair, pair, 0)
        wait_store(0)
        wait_store(1)

    return k


def kernel(input_ids, word_emb, pos_emb, gamma, beta):
    b, s = input_ids.shape
    n = b * s
    ids = input_ids.T.reshape(n).astype(jnp.int32)
    k = _make_sc_kernel(b, s)
    out = k(ids, word_emb, pos_emb, gamma, beta)
    return out.reshape(b, s, HIDDEN)

# --- scband reference (transcript-rebuilt; emitter-appended) ---
"""Pipeline reference for scband-pulse-embeddings-64424509440474 (READ-ONLY COPY).

The authoritative reference and input builder live on the scoring server;
editing this copy changes nothing except your own understanding.
"""

import jax, jax.numpy as jnp
import numpy as np

VOCAB = 32000
HIDDEN = 2048
MAX_POS = 2048
BATCH = 4
SEQ = 2048
EPS = 1e-6


def setup_inputs(seed: int = 0) -> dict:
    key = jax.random.key(seed)
    k1, k2, k3 = jax.random.split(key, 3)
    input_ids = jax.random.randint(k1, (BATCH, SEQ), 0, VOCAB, dtype=jnp.int64 if jax.config.jax_enable_x64 else jnp.int32)
    word_emb = jax.random.normal(k2, (VOCAB, HIDDEN), dtype=jnp.float32) * 0.02
    # padding_idx=0: row zeroed like torch nn.Embedding(padding_idx=0)
    word_emb = word_emb.at[0].set(0.0)
    pos_emb = jax.random.normal(k3, (MAX_POS, HIDDEN), dtype=jnp.float32) * 0.02
    gamma = jnp.ones((HIDDEN,), dtype=jnp.float32)
    beta = jnp.zeros((HIDDEN,), dtype=jnp.float32)
    return {"input_ids": input_ids, "word_emb": word_emb, "pos_emb": pos_emb, "gamma": gamma, "beta": beta}


def reference(input_ids, word_emb, pos_emb, gamma, beta):
    seq_len = input_ids.shape[1]
    position_ids = jnp.arange(seq_len)[None, :]  # [1, S]
    word_embeds = jnp.take(word_emb, input_ids, axis=0)          # [B, S, H]
    position_embeds = jnp.take(pos_emb, position_ids, axis=0)     # [1, S, H]
    embeddings = word_embeds + position_embeds                    # broadcast over batch
    mean = jnp.mean(embeddings, axis=-1, keepdims=True)
    var = jnp.var(embeddings, axis=-1, keepdims=True)
    embeddings = (embeddings - mean) / jnp.sqrt(var + EPS)
    embeddings = embeddings * gamma + beta
    # dropout is identity in eval mode
    return embeddings

if __name__ == "__main__":
    import jax
    _d = setup_inputs()
    print(jax.jit(kernel)(*tuple(_d.values())))

</pallas_src>

<mosaic_0001>
#map = affine_map<(d0, d1) -> (0)>
#map1 = affine_map<(d0, d1) -> (0, 0)>
module attributes {stable_mosaic.version = 14 : i64} {
  func.func @k(%arg0: i32, %arg1: i32, %arg2: memref<8192xi32, #tpu.memory_space<hbm>>, %arg3: memref<32000x2048xf32, #tpu.memory_space<hbm>>, %arg4: memref<2048x2048xf32, #tpu.memory_space<hbm>>, %arg5: memref<2048xf32, #tpu.memory_space<hbm>>, %arg6: memref<2048xf32, #tpu.memory_space<hbm>>, %arg7: memref<8192x2048xf32, #tpu.memory_space<hbm>>, %arg8: memref<256xi32, #tpu.memory_space<vmem>>, %arg9: memref<8x2048xf32, #tpu.memory_space<vmem>>, %arg10: memref<8x2048xf32, #tpu.memory_space<vmem>>, %arg11: memref<2x2048xf32, #tpu.memory_space<vmem>>, %arg12: memref<2x2048xf32, #tpu.memory_space<vmem>>, %arg13: memref<8x2048xf32, #tpu.memory_space<vmem>>, %arg14: memref<8x2048xf32, #tpu.memory_space<vmem>>, %arg15: memref<8x2048xf32, #tpu.memory_space<vmem>>, %arg16: memref<2048xf32, #tpu.memory_space<vmem>>, %arg17: memref<2048xf32, #tpu.memory_space<vmem>>, %arg18: memref<!tpu.dma_semaphore, #tpu.memory_space<semaphore_mem>>, %arg19: memref<!tpu.dma_semaphore, #tpu.memory_space<semaphore_mem>>, %arg20: memref<!tpu.dma_semaphore, #tpu.memory_space<semaphore_mem>>, %arg21: memref<!tpu.dma_semaphore, #tpu.memory_space<semaphore_mem>>, %arg22: memref<!tpu.dma_semaphore, #tpu.memory_space<semaphore_mem>>, %arg23: memref<!tpu.dma_semaphore, #tpu.memory_space<semaphore_mem>>) attributes {dimension_semantics = [#tpu.dimension_semantics<core_parallel>, #tpu.dimension_semantics<subcore_parallel>], iteration_bounds = array<i64: 2, 16>, scalar_prefetch = 0 : i64, scratch_operands = 16 : i64, tpu.core_type = #tpu.core_type<sc_vector_subcore>, window_params = [{transform_indices = #map}, {transform_indices = #map1}, {transform_indices = #map1}, {transform_indices = #map}, {transform_indices = #map}, {transform_indices = #map1}]} {
    %mul3A = arith.constant 2 : i32
    %mul3A_0 = arith.muli %arg1, %mul3A : i32
    %add3A = arith.addi %mul3A_0, %arg0 : i32
    %mul3A_1 = arith.constant 256 : i32
    %mul3A_2 = arith.muli %add3A, %mul3A_1 : i32
    %mul3A_3 = arith.constant 64 : i32
    %mul3A_4 = arith.muli %add3A, %mul3A_3 : i32
    "tpu.region"() ({
      %run_scoped3A = tpu.sem_alloc : memref<!tpu.dma_semaphore, #tpu.memory_space<semaphore_mem>>
      %dma_start3A_127 = tpu.memref_slice %arg2[%mul3A_2] : memref<8192xi32, #tpu.memory_space<hbm>> -> memref<256xi32, #tpu.memory_space<hbm>>
      %dma_start3A_128 = tpu.memref_slice %arg2[%mul3A_2] : memref<8192xi32, #tpu.memory_space<hbm>> -> memref<256xi32, #tpu.memory_space<hbm>>
      tpu.enqueue_dma source(%dma_start3A_128 : memref<256xi32, #tpu.memory_space<hbm>>) target(%arg8 : memref<256xi32, #tpu.memory_space<vmem>>) target_semaphore(%run_scoped3A : memref<!tpu.dma_semaphore, #tpu.memory_space<semaphore_mem>>)
      %dma_wait3A_129 = tpu.memref_slice %arg2[%mul3A_2] : memref<8192xi32, #tpu.memory_space<hbm>> -> memref<256xi32, #tpu.memory_space<hbm>>
      %dma_wait3A_130 = tpu.memref_slice %arg2[%mul3A_2] : memref<8192xi32, #tpu.memory_space<hbm>> -> memref<256xi32, #tpu.memory_space<hbm>>
      tpu.wait_dma2 semaphore(%run_scoped3A : memref<!tpu.dma_semaphore, #tpu.memory_space<semaphore_mem>>) src(%dma_wait3A_130 : memref<256xi32, #tpu.memory_space<hbm>>) dst(%arg8 : memref<256xi32, #tpu.memory_space<vmem>>)
      tpu.yield
    }) : () -> ()
    %add3A_5 = arith.constant 0 : i32
    %add3A_6 = arith.addi %mul3A_4, %add3A_5 : i32
    %dma_start3A = arith.constant 0 : i32
    %dma_start3A_7 = tpu.memref_slice %arg4[%add3A_6, %dma_start3A] : memref<2048x2048xf32, #tpu.memory_space<hbm>> -> memref<2x2048xf32, #tpu.memory_space<hbm>>
    %dma_start3A_8 = arith.constant 0 : i32
    %dma_start3A_9 = tpu.memref_slice %arg4[%add3A_6, %dma_start3A_8] : memref<2048x2048xf32, #tpu.memory_space<hbm>> -> memref<2x2048xf32, #tpu.memory_space<hbm>>
    tpu.enqueue_dma source(%dma_start3A_9 : memref<2x2048xf32, #tpu.memory_space<hbm>>) target(%arg11 : memref<2x2048xf32, #tpu.memory_space<vmem>>) target_semaphore(%arg20 : memref<!tpu.dma_semaphore, #tpu.memory_space<semaphore_mem>>)
    %dma_start3A_10 = arith.constant 0 : i32
    %dma_start3A_11 = tpu.memref_slice %arg8[%dma_start3A_10] : memref<256xi32, #tpu.memory_space<vmem>> -> memref<8xi32, #tpu.memory_space<vmem>>
    %dma_start3A_12 = arith.constant 0 : i32
    %dma_start3A_13 = arith.constant 0 : i32
    %dma_start3A_14 = tpu.memref_slice %arg3[%dma_start3A_12, %dma_start3A_13] : memref<32000x2048xf32, #tpu.memory_space<hbm>> -> memref<32000x2048xf32, #tpu.memory_space<hbm>>
    tpu.enqueue_indirect_dma source(%dma_start3A_14 : memref<32000x2048xf32, #tpu.memory_space<hbm>>) target(%arg9 : memref<8x2048xf32, #tpu.memory_space<vmem>>) offsets(%dma_start3A_11 : memref<8xi32, #tpu.memory_space<vmem>>) semaphore(%arg18 : memref<!tpu.dma_semaphore, #tpu.memory_space<semaphore_mem>>)
    %add3A_15 = arith.constant 2 : i32
    %add3A_16 = arith.addi %mul3A_4, %add3A_15 : i32
    %dma_start3A_17 = arith.constant 0 : i32
    %dma_start3A_18 = tpu.memref_slice %arg4[%add3A_16, %dma_start3A_17] : memref<2048x2048xf32, #tpu.memory_space<hbm>> -> memref<2x2048xf32, #tpu.memory_space<hbm>>
    %dma_start3A_19 = arith.constant 0 : i32
    %dma_start3A_20 = tpu.memref_slice %arg4[%add3A_16, %dma_start3A_19] : memref<2048x2048xf32, #tpu.memory_space<hbm>> -> memref<2x2048xf32, #tpu.memory_space<hbm>>
    tpu.enqueue_dma source(%dma_start3A_20 : memref<2x2048xf32, #tpu.memory_space<hbm>>) target(%arg12 : memref<2x2048xf32, #tpu.memory_space<vmem>>) target_semaphore(%arg21 : memref<!tpu.dma_semaphore, #tpu.memory_space<semaphore_mem>>)
    %dma_start3A_21 = arith.constant 8 : i32
    %dma_start3A_22 = tpu.memref_slice %arg8[%dma_start3A_21] : memref<256xi32, #tpu.memory_space<vmem>> -> memref<8xi32, #tpu.memory_space<vmem>>
    %dma_start3A_23 = arith.constant 0 : i32
    %dma_start3A_24 = arith.constant 0 : i32
    %dma_start3A_25 = tpu.memref_slice %arg3[%dma_start3A_23, %dma_start3A_24] : memref<32000x2048xf32, #tpu.memory_space<hbm>> -> memref<32000x2048xf32, #tpu.memory_space<hbm>>
    tpu.enqueue_indirect_dma source(%dma_start3A_25 : memref<32000x2048xf32, #tpu.memory_space<hbm>>) target(%arg10 : memref<8x2048xf32, #tpu.memory_space<vmem>>) offsets(%dma_start3A_22 : memref<8xi32, #tpu.memory_space<vmem>>) semaphore(%arg19 : memref<!tpu.dma_semaphore, #tpu.memory_space<semaphore_mem>>)
    tpu.enqueue_dma source(%arg5 : memref<2048xf32, #tpu.memory_space<hbm>>) target(%arg16 : memref<2048xf32, #tpu.memory_space<vmem>>) target_semaphore(%arg22 : memref<!tpu.dma_semaphore, #tpu.memory_space<semaphore_mem>>)
    tpu.enqueue_dma source(%arg6 : memref<2048xf32, #tpu.memory_space<hbm>>) target(%arg17 : memref<2048xf32, #tpu.memory_space<vmem>>) target_semaphore(%arg23 : memref<!tpu.dma_semaphore, #tpu.memory_space<semaphore_mem>>)
    tpu.wait_dma2 semaphore(%arg22 : memref<!tpu.dma_semaphore, #tpu.memory_space<semaphore_mem>>) src(%arg5 : memref<2048xf32, #tpu.memory_space<hbm>>) dst(%arg16 : memref<2048xf32, #tpu.memory_space<vmem>>)
    tpu.wait_dma2 semaphore(%arg23 : memref<!tpu.dma_semaphore, #tpu.memory_space<semaphore_mem>>) src(%arg6 : memref<2048xf32, #tpu.memory_space<hbm>>) dst(%arg17 : memref<2048xf32, #tpu.memory_space<vmem>>)
    %scan3A = arith.constant 0 : i32
    %scan3A_26 = arith.constant 0 : i32
    %scan3A_27 = arith.constant 16 : i32
    %scan3A_28 = arith.addi %scan3A_26, %scan3A_27 : i32
    %scan3A_29 = arith.constant 1 : i32
    %scan3A_30 = scf.for %scan3A_127 = %scan3A_26 to %scan3A_28 step %scan3A_29 iter_args(%scan3A_128 = %scan3A) -> (i32)  : i32 {
      %mul3A_129 = arith.constant 2 : i32
      %mul3A_130 = arith.muli %mul3A_129, %scan3A_127 : i32
      %add3A_131 = arith.constant 0 : i32
      %add3A_132 = arith.addi %mul3A_130, %add3A_131 : i32
      %dma_wait3A_133 = arith.constant 0 : i32
      %dma_wait3A_134 = arith.constant 0 : i32
      %dma_wait3A_135 = tpu.memref_slice %arg4[%dma_wait3A_133, %dma_wait3A_134] : memref<2048x2048xf32, #tpu.memory_space<hbm>> -> memref<2x2048xf32, #tpu.memory_space<hbm>>
      %dma_wait3A_136 = arith.constant 0 : i32
      %dma_wait3A_137 = arith.constant 0 : i32
      %dma_wait3A_138 = tpu.memref_slice %arg4[%dma_wait3A_136, %dma_wait3A_137] : memref<2048x2048xf32, #tpu.memory_space<hbm>> -> memref<2x2048xf32, #tpu.memory_space<hbm>>
      tpu.wait_dma2 semaphore(%arg20 : memref<!tpu.dma_semaphore, #tpu.memory_space<semaphore_mem>>) src(%dma_wait3A_138 : memref<2x2048xf32, #tpu.memory_space<hbm>>) dst(%arg11 : memref<2x2048xf32, #tpu.memory_space<vmem>>)
      %dma_wait3A_139 = arith.constant 0 : i32
      %dma_wait3A_140 = arith.constant 0 : i32
      %dma_wait3A_141 = tpu.memref_slice %arg4[%dma_wait3A_139, %dma_wait3A_140] : memref<2048x2048xf32, #tpu.memory_space<hbm>> -> memref<8x2048xf32, #tpu.memory_space<hbm>>
      %dma_wait3A_142 = arith.constant 0 : i32
      %dma_wait3A_143 = arith.constant 0 : i32
      %dma_wait3A_144 = tpu.memref_slice %arg4[%dma_wait3A_142, %dma_wait3A_143] : memref<2048x2048xf32, #tpu.memory_space<hbm>> -> memref<8x2048xf32, #tpu.memory_space<hbm>>
      tpu.wait_dma2 semaphore(%arg18 : memref<!tpu.dma_semaphore, #tpu.memory_space<semaphore_mem>>) src(%dma_wait3A_144 : memref<8x2048xf32, #tpu.memory_space<hbm>>) dst(%arg9 : memref<8x2048xf32, #tpu.memory_space<vmem>>)
      %ge3A = arith.constant 2 : i32
      %ge3A_145 = arith.cmpi sge, %add3A_132, %ge3A : i32
      %convert_element_type3A = arith.extui %ge3A_145 : i1 to i32
      %cond3A = arith.constant 0 : i32
      %cond3A_146 = arith.cmpi ne, %convert_element_type3A, %cond3A : i32
      scf.if %cond3A_146 {
        %dma_wait3A_2968 = arith.constant 0 : i32
        %dma_wait3A_2969 = arith.constant 0 : i32
        %dma_wait3A_2970 = tpu.memref_slice %arg13[%dma_wait3A_2968, %dma_wait3A_2969] : memref<8x2048xf32, #tpu.memory_space<vmem>> -> memref<2x2048xf32, #tpu.memory_space<vmem>>
        %dma_wait3A_2971 = arith.constant 0 : i32
        %dma_wait3A_2972 = arith.constant 0 : i32
        %dma_wait3A_2973 = tpu.memref_slice %arg7[%dma_wait3A_2971, %dma_wait3A_2972] : memref<8192x2048xf32, #tpu.memory_space<hbm>> -> memref<2x2048xf32, #tpu.memory_space<hbm>>
        %dma_wait3A_2974 = arith.constant 0 : i32
        %dma_wait3A_2975 = arith.constant 0 : i32
        %dma_wait3A_2976 = tpu.memref_slice %arg7[%dma_wait3A_2974, %dma_wait3A_2975] : memref<8192x2048xf32, #tpu.memory_space<hbm>> -> memref<2x2048xf32, #tpu.memory_space<hbm>>
        %dma_wait3A_2977 = arith.constant 0 : i32
        %dma_wait3A_2978 = arith.constant 0 : i32
        %dma_wait3A_2979 = tpu.memref_slice %arg13[%dma_wait3A_2977, %dma_wait3A_2978] : memref<8x2048xf32, #tpu.memory_space<vmem>> -> memref<2x2048xf32, #tpu.memory_space<vmem>>
        tpu.wait_dma2 semaphore(%arg22 : memref<!tpu.dma_semaphore, #tpu.memory_space<semaphore_mem>>) src(%dma_wait3A_2979 : memref<2x2048xf32, #tpu.memory_space<vmem>>) dst(%dma_wait3A_2976 : memref<2x2048xf32, #tpu.memory_space<hbm>>)
        %dma_wait3A_2980 = arith.constant 2 : i32
        %dma_wait3A_2981 = arith.constant 0 : i32
        %dma_wait3A_2982 = tpu.memref_slice %arg13[%dma_wait3A_2980, %dma_wait3A_2981] : memref<8x2048xf32, #tpu.memory_space<vmem>> -> memref<2x2048xf32, #tpu.memory_space<vmem>>
        %dma_wait3A_2983 = arith.constant 0 : i32
        %dma_wait3A_2984 = arith.constant 0 : i32
        %dma_wait3A_2985 = tpu.memref_slice %arg7[%dma_wait3A_2983, %dma_wait3A_2984] : memref<8192x2048xf32, #tpu.memory_space<hbm>> -> memref<2x2048xf32, #tpu.memory_space<hbm>>
        %dma_wait3A_2986 = arith.constant 0 : i32
        %dma_wait3A_2987 = arith.constant 0 : i32
        %dma_wait3A_2988 = tpu.memref_slice %arg7[%dma_wait3A_2986, %dma_wait3A_2987] : memref<8192x2048xf32, #tpu.memory_space<hbm>> -> memref<2x2048xf32, #tpu.memory_space<hbm>>
        %dma_wait3A_2989 = arith.constant 2 : i32
        %dma_wait3A_2990 = arith.constant 0 : i32
        %dma_wait3A_2991 = tpu.memref_slice %arg13[%dma_wait3A_2989, %dma_wait3A_2990] : memref<8x2048xf32, #tpu.memory_space<vmem>> -> memref<2x2048xf32, #tpu.memory_space<vmem>>
        tpu.wait_dma2 semaphore(%arg22 : memref<!tpu.dma_semaphore, #tpu.memory_space<semaphore_mem>>) src(%dma_wait3A_2991 : memref<2x2048xf32, #tpu.memory_space<vmem>>) dst(%dma_wait3A_2988 : memref<2x2048xf32, #tpu.memory_space<hbm>>)
        %dma_wait3A_2992 = arith.constant 4 : i32
        %dma_wait3A_2993 = arith.constant 0 : i32
        %dma_wait3A_2994 = tpu.memref_slice %arg13[%dma_wait3A_2992, %dma_wait3A_2993] : memref<8x2048xf32, #tpu.memory_space<vmem>> -> memref<2x2048xf32, #tpu.memory_space<vmem>>
        %dma_wait3A_2995 = arith.constant 0 : i32
        %dma_wait3A_2996 = arith.constant 0 : i32
        %dma_wait3A_2997 = tpu.memref_slice %arg7[%dma_wait3A_2995, %dma_wait3A_2996] : memref<8192x2048xf32, #tpu.memory_space<hbm>> -> memref<2x2048xf32, #tpu.memory_space<hbm>>
        %dma_wait3A_2998 = arith.constant 0 : i32
        %dma_wait3A_2999 = arith.constant 0 : i32
        %dma_wait3A_3000 = tpu.memref_slice %arg7[%dma_wait3A_2998, %dma_wait3A_2999] : memref<8192x2048xf32, #tpu.memory_space<hbm>> -> memref<2x2048xf32, #tpu.memory_space<hbm>>
        %dma_wait3A_3001 = arith.constant 4 : i32
        %dma_wait3A_3002 = arith.constant 0 : i32
        %dma_wait3A_3003 = tpu.memref_slice %arg13[%dma_wait3A_3001, %dma_wait3A_3002] : memref<8x2048xf32, #tpu.memory_space<vmem>> -> memref<2x2048xf32, #tpu.memory_space<vmem>>
        tpu.wait_dma2 semaphore(%arg22 : memref<!tpu.dma_semaphore, #tpu.memory_space<semaphore_mem>>) src(%dma_wait3A_3003 : memref<2x2048xf32, #tpu.memory_space<vmem>>) dst(%dma_wait3A_3000 : memref<2x2048xf32, #tpu.memory_space<hbm>>)
        %dma_wait3A_3004 = arith.constant 6 : i32
        %dma_wait3A_3005 = arith.constant 0 : i32
        %dma_wait3A_3006 = tpu.memref_slice %arg13[%dma_wait3A_3004, %dma_wait3A_3005] : memref<8x2048xf32, #tpu.memory_space<vmem>> -> memref<2x2048xf32, #tpu.memory_space<vmem>>
        %dma_wait3A_3007 = arith.constant 0 : i32
        %dma_wait3A_3008 = arith.constant 0 : i32
        %dma_wait3A_3009 = tpu.memref_slice %arg7[%dma_wait3A_3007, %dma_wait3A_3008] : memref<8192x2048xf32, #tpu.memory_space<hbm>> -> memref<2x2048xf32, #tpu.memory_space<hbm>>
        %dma_wait3A_3010 = arith.constant 0 : i32
        %dma_wait3A_3011 = arith.constant 0 : i32
        %dma_wait3A_3012 = tpu.memref_slice %arg7[%dma_wait3A_3010, %dma_wait3A_3011] : memref<8192x2048xf32, #tpu.memory_space<hbm>> -> memref<2x2048xf32, #tpu.memory_space<hbm>>
        %dma_wait3A_3013 = arith.constant 6 : i32
        %dma_wait3A_3014 = arith.constant 0 : i32
        %dma_wait3A_3015 = tpu.memref_slice %arg13[%dma_wait3A_3013, %dma_wait3A_3014] : memref<8x2048xf32, #tpu.memory_space<vmem>> -> memref<2x2048xf32, #tpu.memory_space<vmem>>
        tpu.wait_dma2 semaphore(%arg22 : memref<!tpu.dma_semaphore, #tpu.memory_space<semaphore_mem>>) src(%dma_wait3A_3015 : memref<2x2048xf32, #tpu.memory_space<vmem>>) dst(%dma_wait3A_3012 : memref<2x2048xf32, #tpu.memory_space<hbm>>)
      } else {
      }
      %broadcast_in_dim3A = arith.constant 0.000000e+00 : f32
      %broadcast_in_dim3A_147 = vector.broadcast %broadcast_in_dim3A : f32 to vector<16xf32>
      %get3A = arith.constant 0 : i32
      %get3A_148 = arith.index_cast %get3A : i32 to index
      %get3A_149 = arith.constant 0 : index
      %get3A_150 = tpu.vector_load %arg9[%get3A_148, %get3A_149] {strides = array<i32>} : memref<8x2048xf32, #tpu.memory_space<vmem>>, vector<1x16xf32>,
      %get3A_151 = vector.shape_cast %get3A_150 : vector<1x16xf32> to vector<16xf32>
      %get3A_152 = arith.constant 1 : i32
      %get3A_153 = arith.index_cast %get3A_152 : i32 to index
      %get3A_154 = arith.constant 0 : index
      %get3A_155 = tpu.vector_load %arg9[%get3A_153, %get3A_154] {strides = array<i32>} : memref<8x2048xf32, #tpu.memory_space<vmem>>, vector<1x16xf32>,
      %get3A_156 = vector.shape_cast %get3A_155 : vector<1x16xf32> to vector<16xf32>
      %get3A_157 = arith.constant 2 : i32
      %get3A_158 = arith.index_cast %get3A_157 : i32 to index
      %get3A_159 = arith.constant 0 : index
      %get3A_160 = tpu.vector_load %arg9[%get3A_158, %get3A_159] {strides = array<i32>} : memref<8x2048xf32, #tpu.memory_space<vmem>>, vector<1x16xf32>,
      %get3A_161 = vector.shape_cast %get3A_160 : vector<1x16xf32> to vector<16xf32>
      %get3A_162 = arith.constant 3 : i32
      %get3A_163 = arith.index_cast %get3A_162 : i32 to index
      %get3A_164 = arith.constant 0 : index
      %get3A_165 = tpu.vector_load %arg9[%get3A_163, %get3A_164] {strides = array<i32>} : memref<8x2048xf32, #tpu.memory_space<vmem>>, vector<1x16xf32>,
      %get3A_166 = vector.shape_cast %get3A_165 : vector<1x16xf32> to vector<16xf32>
      %get3A_167 = arith.constant 4 : i32
      %get3A_168 = arith.index_cast %get3A_167 : i32 to index
      %get3A_169 = arith.constant 0 : index
      %get3A_170 = tpu.vector_load %arg9[%get3A_168, %get3A_169] {strides = array<i32>} : memref<8x2048xf32, #tpu.memory_space<vmem>>, vector<1x16xf32>,
      %get3A_171 = vector.shape_cast %get3A_170 : vector<1x16xf32> to vector<16xf32>
      %get3A_172 = arith.constant 5 : i32
      %get3A_173 = arith.index_cast %get3A_172 : i32 to index
      %get3A_174 = arith.constant 0 : index
      %get3A_175 = tpu.vector_load %arg9[%get3A_173, %get3A_174] {strides = array<i32>} : memref<8x2048xf32, #tpu.memory_space<vmem>>, vector<1x16xf32>,
      %get3A_176 = vector.shape_cast %get3A_175 : vector<1x16xf32> to vector<16xf32>
      %get3A_177 = arith.constant 6 : i32
      %get3A_178 = arith.index_cast %get3A_177 : i32 to index
      %get3A_179 = arith.constant 0 : index
      %get3A_180 = tpu.vector_load %arg9[%get3A_178, %get3A_179] {strides = array<i32>} : memref<8x2048xf32, #tpu.memory_space<vmem>>, vector<1x16xf32>,
      %get3A_181 = vector.shape_cast %get3A_180 : vector<1x16xf32> to vector<16xf32>
      %get3A_182 = arith.constant 7 : i32
      %get3A_183 = arith.index_cast %get3A_182 : i32 to index
      %get3A_184 = arith.constant 0 : index
      %get3A_185 = tpu.vector_load %arg9[%get3A_183, %get3A_184] {strides = array<i32>} : memref<8x2048xf32, #tpu.memory_space<vmem>>, vector<1x16xf32>,
      %get3A_186 = vector.shape_cast %get3A_185 : vector<1x16xf32> to vector<16xf32>
      %get3A_187 = arith.constant 0 : i32
      %get3A_188 = arith.index_cast %get3A_187 : i32 to index
      %get3A_189 = arith.constant 0 : index
      %get3A_190 = tpu.vector_load %arg11[%get3A_188, %get3A_189] {strides = array<i32>} : memref<2x2048xf32, #tpu.memory_space<vmem>>, vector<1x16xf32>,
      %get3A_191 = vector.shape_cast %get3A_190 : vector<1x16xf32> to vector<16xf32>
      %get3A_192 = arith.constant 1 : i32
      %get3A_193 = arith.index_cast %get3A_192 : i32 to index
      %get3A_194 = arith.constant 0 : index
      %get3A_195 = tpu.vector_load %arg11[%get3A_193, %get3A_194] {strides = array<i32>} : memref<2x2048xf32, #tpu.memory_space<vmem>>, vector<1x16xf32>,
      %get3A_196 = vector.shape_cast %get3A_195 : vector<1x16xf32> to vector<16xf32>
      %parallel_loop3A = arith.constant 0 : i32
      %parallel_loop3A_197 = arith.constant 128 : i32
      %parallel_loop3A_198 = arith.constant 1 : i32
      %parallel_loop3A_199:26 = scf.for %parallel_loop3A_2968 = %parallel_loop3A to %parallel_loop3A_197 step %parallel_loop3A_198 iter_args(%parallel_loop3A_2969 = %broadcast_in_dim3A_147, %parallel_loop3A_2970 = %broadcast_in_dim3A_147, %parallel_loop3A_2971 = %broadcast_in_dim3A_147, %parallel_loop3A_2972 = %broadcast_in_dim3A_147, %parallel_loop3A_2973 = %broadcast_in_dim3A_147, %parallel_loop3A_2974 = %broadcast_in_dim3A_147, %parallel_loop3A_2975 = %broadcast_in_dim3A_147, %parallel_loop3A_2976 = %broadcast_in_dim3A_147, %parallel_loop3A_2977 = %broadcast_in_dim3A_147, %parallel_loop3A_2978 = %broadcast_in_dim3A_147, %parallel_loop3A_2979 = %broadcast_in_dim3A_147, %parallel_loop3A_2980 = %broadcast_in_dim3A_147, %parallel_loop3A_2981 = %broadcast_in_dim3A_147, %parallel_loop3A_2982 = %broadcast_in_dim3A_147, %parallel_loop3A_2983 = %broadcast_in_dim3A_147, %parallel_loop3A_2984 = %broadcast_in_dim3A_147, %parallel_loop3A_2985 = %get3A_151, %parallel_loop3A_2986 = %get3A_156, %parallel_loop3A_2987 = %get3A_161, %parallel_loop3A_2988 = %get3A_166, %parallel_loop3A_2989 = %get3A_171, %parallel_loop3A_2990 = %get3A_176, %parallel_loop3A_2991 = %get3A_181, %parallel_loop3A_2992 = %get3A_186, %parallel_loop3A_2993 = %get3A_191, %parallel_loop3A_2994 = %get3A_196) -> (vector<16xf32>, vector<16xf32>, vector<16xf32>, vector<16xf32>, vector<16xf32>, vector<16xf32>, vector<16xf32>, vector<16xf32>, vector<16xf32>, vector<16xf32>, vector<16xf32>, vector<16xf32>, vector<16xf32>, vector<16xf32>, vector<16xf32>, vector<16xf32>, vector<16xf32>, vector<16xf32>, vector<16xf32>, vector<16xf32>, vector<16xf32>, vector<16xf32>, vector<16xf32>, vector<16xf32>, vector<16xf32>, vector<16xf32>)  : i32 {
        %parallel_loop3A_2995 = arith.constant 16 : i32
        %parallel_loop3A_2996 = arith.muli %parallel_loop3A_2968, %parallel_loop3A_2995 : i32
        %parallel_loop3A_2997 = arith.addf %parallel_loop3A_2985, %parallel_loop3A_2993 : vector<16xf32>
        %parallel_loop3A_2998 = arith.constant 0 : i32
        %parallel_loop3A_2999 = arith.index_cast %parallel_loop3A_2998 : i32 to index
        %parallel_loop3A_3000 = arith.index_cast %parallel_loop3A_2996 : i32 to index
        %parallel_loop3A_3001 = tpu.vector_load %arg15[%parallel_loop3A_2999, %parallel_loop3A_3000] {strides = array<i32>} : memref<8x2048xf32, #tpu.memory_space<vmem>>, vector<1x16xf32>,
        %parallel_loop3A_3002 = vector.shape_cast %parallel_loop3A_3001 : vector<1x16xf32> to vector<16xf32>
        %parallel_loop3A_3003 = vector.shape_cast %parallel_loop3A_2997 : vector<16xf32> to vector<1x16xf32>
        tpu.vector_store %arg15[%parallel_loop3A_2999, %parallel_loop3A_3000], %parallel_loop3A_3003 {strides = array<i32>} : memref<8x2048xf32, #tpu.memory_space<vmem>>, vector<1x16xf32>,
        %parallel_loop3A_3004 = arith.addf %parallel_loop3A_2969, %parallel_loop3A_2997 : vector<16xf32>
        %parallel_loop3A_3005 = arith.mulf %parallel_loop3A_2997, %parallel_loop3A_2997 : vector<16xf32>
        %parallel_loop3A_3006 = arith.addf %parallel_loop3A_2970, %parallel_loop3A_3005 : vector<16xf32>
        %parallel_loop3A_3007 = arith.addf %parallel_loop3A_2986, %parallel_loop3A_2993 : vector<16xf32>
        %parallel_loop3A_3008 = arith.constant 1 : i32
        %parallel_loop3A_3009 = arith.index_cast %parallel_loop3A_3008 : i32 to index
        %parallel_loop3A_3010 = arith.index_cast %parallel_loop3A_2996 : i32 to index
        %parallel_loop3A_3011 = tpu.vector_load %arg15[%parallel_loop3A_3009, %parallel_loop3A_3010] {strides = array<i32>} : memref<8x2048xf32, #tpu.memory_space<vmem>>, vector<1x16xf32>,
        %parallel_loop3A_3012 = vector.shape_cast %parallel_loop3A_3011 : vector<1x16xf32> to vector<16xf32>
        %parallel_loop3A_3013 = vector.shape_cast %parallel_loop3A_3007 : vector<16xf32> to vector<1x16xf32>
        tpu.vector_store %arg15[%parallel_loop3A_3009, %parallel_loop3A_3010], %parallel_loop3A_3013 {strides = array<i32>} : memref<8x2048xf32, #tpu.memory_space<vmem>>, vector<1x16xf32>,
        %parallel_loop3A_3014 = arith.addf %parallel_loop3A_2971, %parallel_loop3A_3007 : vector<16xf32>
        %parallel_loop3A_3015 = arith.mulf %parallel_loop3A_3007, %parallel_loop3A_3007 : vector<16xf32>
        %parallel_loop3A_3016 = arith.addf %parallel_loop3A_2972, %parallel_loop3A_3015 : vector<16xf32>
        %parallel_loop3A_3017 = arith.addf %parallel_loop3A_2987, %parallel_loop3A_2993 : vector<16xf32>
        %parallel_loop3A_3018 = arith.constant 2 : i32
        %parallel_loop3A_3019 = arith.index_cast %parallel_loop3A_3018 : i32 to index
        %parallel_loop3A_3020 = arith.index_cast %parallel_loop3A_2996 : i32 to index
        %parallel_loop3A_3021 = tpu.vector_load %arg15[%parallel_loop3A_3019, %parallel_loop3A_3020] {strides = array<i32>} : memref<8x2048xf32, #tpu.memory_space<vmem>>, vector<1x16xf32>,
        %parallel_loop3A_3022 = vector.shape_cast %parallel_loop3A_3021 : vector<1x16xf32> to vector<16xf32>
        %parallel_loop3A_3023 = vector.shape_cast %parallel_loop3A_3017 : vector<16xf32> to vector<1x16xf32>
        tpu.vector_store %arg15[%parallel_loop3A_3019, %parallel_loop3A_3020], %parallel_loop3A_3023 {strides = array<i32>} : memref<8x2048xf32, #tpu.memory_space<vmem>>, vector<1x16xf32>,
        %parallel_loop3A_3024 = arith.addf %parallel_loop3A_2973, %parallel_loop3A_3017 : vector<16xf32>
        %parallel_loop3A_3025 = arith.mulf %parallel_loop3A_3017, %parallel_loop3A_3017 : vector<16xf32>
        %parallel_loop3A_3026 = arith.addf %parallel_loop3A_2974, %parallel_loop3A_3025 : vector<16xf32>
        %parallel_loop3A_3027 = arith.addf %parallel_loop3A_2988, %parallel_loop3A_2993 : vector<16xf32>
        %parallel_loop3A_3028 = arith.constant 3 : i32
        %parallel_loop3A_3029 = arith.index_cast %parallel_loop3A_3028 : i32 to index
        %parallel_loop3A_3030 = arith.index_cast %parallel_loop3A_2996 : i32 to index
        %parallel_loop3A_3031 = tpu.vector_load %arg15[%parallel_loop3A_3029, %parallel_loop3A_3030] {strides = array<i32>} : memref<8x2048xf32, #tpu.memory_space<vmem>>, vector<1x16xf32>,
        %parallel_loop3A_3032 = vector.shape_cast %parallel_loop3A_3031 : vector<1x16xf32> to vector<16xf32>
        %parallel_loop3A_3033 = vector.shape_cast %parallel_loop3A_3027 : vector<16xf32> to vector<1x16xf32>
        tpu.vector_store %arg15[%parallel_loop3A_3029, %parallel_loop3A_3030], %parallel_loop3A_3033 {strides = array<i32>} : memref<8x2048xf32, #tpu.memory_space<vmem>>, vector<1x16xf32>,
        %parallel_loop3A_3034 = arith.addf %parallel_loop3A_2975, %parallel_loop3A_3027 : vector<16xf32>
        %parallel_loop3A_3035 = arith.mulf %parallel_loop3A_3027, %parallel_loop3A_3027 : vector<16xf32>
        %parallel_loop3A_3036 = arith.addf %parallel_loop3A_2976, %parallel_loop3A_3035 : vector<16xf32>
        %parallel_loop3A_3037 = arith.addf %parallel_loop3A_2989, %parallel_loop3A_2994 : vector<16xf32>
        %parallel_loop3A_3038 = arith.constant 4 : i32
        %parallel_loop3A_3039 = arith.index_cast %parallel_loop3A_3038 : i32 to index
        %parallel_loop3A_3040 = arith.index_cast %parallel_loop3A_2996 : i32 to index
        %parallel_loop3A_3041 = tpu.vector_load %arg15[%parallel_loop3A_3039, %parallel_loop3A_3040] {strides = array<i32>} : memref<8x2048xf32, #tpu.memory_space<vmem>>, vector<1x16xf32>,
        %parallel_loop3A_3042 = vector.shape_cast %parallel_loop3A_3041 : vector<1x16xf32> to vector<16xf32>
        %parallel_loop3A_3043 = vector.shape_cast %parallel_loop3A_3037 : vector<16xf32> to vector<1x16xf32>
        tpu.vector_store %arg15[%parallel_loop3A_3039, %parallel_loop3A_3040], %parallel_loop3A_3043 {strides = array<i32>} : memref<8x2048xf32, #tpu.memory_space<vmem>>, vector<1x16xf32>,
        %parallel_loop3A_3044 = arith.addf %parallel_loop3A_2977, %parallel_loop3A_3037 : vector<16xf32>
        %parallel_loop3A_3045 = arith.mulf %parallel_loop3A_3037, %parallel_loop3A_3037 : vector<16xf32>
        %parallel_loop3A_3046 = arith.addf %parallel_loop3A_2978, %parallel_loop3A_3045 : vector<16xf32>
        %parallel_loop3A_3047 = arith.addf %parallel_loop3A_2990, %parallel_loop3A_2994 : vector<16xf32>
        %parallel_loop3A_3048 = arith.constant 5 : i32
        %parallel_loop3A_3049 = arith.index_cast %parallel_loop3A_3048 : i32 to index
        %parallel_loop3A_3050 = arith.index_cast %parallel_loop3A_2996 : i32 to index
        %parallel_loop3A_3051 = tpu.vector_load %arg15[%parallel_loop3A_3049, %parallel_loop3A_3050] {strides = array<i32>} : memref<8x2048xf32, #tpu.memory_space<vmem>>, vector<1x16xf32>,
        %parallel_loop3A_3052 = vector.shape_cast %parallel_loop3A_3051 : vector<1x16xf32> to vector<16xf32>
        %parallel_loop3A_3053 = vector.shape_cast %parallel_loop3A_3047 : vector<16xf32> to vector<1x16xf32>
        tpu.vector_store %arg15[%parallel_loop3A_3049, %parallel_loop3A_3050], %parallel_loop3A_3053 {strides = array<i32>} : memref<8x2048xf32, #tpu.memory_space<vmem>>, vector<1x16xf32>,
        %parallel_loop3A_3054 = arith.addf %parallel_loop3A_2979, %parallel_loop3A_3047 : vector<16xf32>
        %parallel_loop3A_3055 = arith.mulf %parallel_loop3A_3047, %parallel_loop3A_3047 : vector<16xf32>
        %parallel_loop3A_3056 = arith.addf %parallel_loop3A_2980, %parallel_loop3A_3055 : vector<16xf32>
        %parallel_loop3A_3057 = arith.addf %parallel_loop3A_2991, %parallel_loop3A_2994 : vector<16xf32>
        %parallel_loop3A_3058 = arith.constant 6 : i32
        %parallel_loop3A_3059 = arith.index_cast %parallel_loop3A_3058 : i32 to index
        %parallel_loop3A_3060 = arith.index_cast %parallel_loop3A_2996 : i32 to index
        %parallel_loop3A_3061 = tpu.vector_load %arg15[%parallel_loop3A_3059, %parallel_loop3A_3060] {strides = array<i32>} : memref<8x2048xf32, #tpu.memory_space<vmem>>, vector<1x16xf32>,
        %parallel_loop3A_3062 = vector.shape_cast %parallel_loop3A_3061 : vector<1x16xf32> to vector<16xf32>
        %parallel_loop3A_3063 = vector.shape_cast %parallel_loop3A_3057 : vector<16xf32> to vector<1x16xf32>
        tpu.vector_store %arg15[%parallel_loop3A_3059, %parallel_loop3A_3060], %parallel_loop3A_3063 {strides = array<i32>} : memref<8x2048xf32, #tpu.memory_space<vmem>>, vector<1x16xf32>,
        %parallel_loop3A_3064 = arith.addf %parallel_loop3A_2981, %parallel_loop3A_3057 : vector<16xf32>
        %parallel_loop3A_3065 = arith.mulf %parallel_loop3A_3057, %parallel_loop3A_3057 : vector<16xf32>
        %parallel_loop3A_3066 = arith.addf %parallel_loop3A_2982, %parallel_loop3A_3065 : vector<16xf32>
        %parallel_loop3A_3067 = arith.addf %parallel_loop3A_2992, %parallel_loop3A_2994 : vector<16xf32>
        %parallel_loop3A_3068 = arith.constant 7 : i32
        %parallel_loop3A_3069 = arith.index_cast %parallel_loop3A_3068 : i32 to index
        %parallel_loop3A_3070 = arith.index_cast %parallel_loop3A_2996 : i32 to index
        %parallel_loop3A_3071 = tpu.vector_load %arg15[%parallel_loop3A_3069, %parallel_loop3A_3070] {strides = array<i32>} : memref<8x2048xf32, #tpu.memory_space<vmem>>, vector<1x16xf32>,
        %parallel_loop3A_3072 = vector.shape_cast %parallel_loop3A_3071 : vector<1x16xf32> to vector<16xf32>
        %parallel_loop3A_3073 = vector.shape_cast %parallel_loop3A_3067 : vector<16xf32> to vector<1x16xf32>
        tpu.vector_store %arg15[%parallel_loop3A_3069, %parallel_loop3A_3070], %parallel_loop3A_3073 {strides = array<i32>} : memref<8x2048xf32, #tpu.memory_space<vmem>>, vector<1x16xf32>,
        %parallel_loop3A_3074 = arith.addf %parallel_loop3A_2983, %parallel_loop3A_3067 : vector<16xf32>
        %parallel_loop3A_3075 = arith.mulf %parallel_loop3A_3067, %parallel_loop3A_3067 : vector<16xf32>
        %parallel_loop3A_3076 = arith.addf %parallel_loop3A_2984, %parallel_loop3A_3075 : vector<16xf32>
        %parallel_loop3A_3077 = arith.constant 1 : i32
        %parallel_loop3A_3078 = arith.addi %parallel_loop3A_2968, %parallel_loop3A_3077 : i32
        %parallel_loop3A_3079 = arith.constant 127 : i32
        %parallel_loop3A_3080 = arith.andi %parallel_loop3A_3078, %parallel_loop3A_3079 : i32
        %parallel_loop3A_3081 = arith.constant 16 : i32
        %parallel_loop3A_3082 = arith.muli %parallel_loop3A_3080, %parallel_loop3A_3081 : i32
        %parallel_loop3A_3083 = arith.constant 0 : i32
        %parallel_loop3A_3084 = arith.index_cast %parallel_loop3A_3083 : i32 to index
        %parallel_loop3A_3085 = arith.index_cast %parallel_loop3A_3082 : i32 to index
        %parallel_loop3A_3086 = tpu.vector_load %arg9[%parallel_loop3A_3084, %parallel_loop3A_3085] {strides = array<i32>} : memref<8x2048xf32, #tpu.memory_space<vmem>>, vector<1x16xf32>,
        %parallel_loop3A_3087 = vector.shape_cast %parallel_loop3A_3086 : vector<1x16xf32> to vector<16xf32>
        %parallel_loop3A_3088 = arith.constant 1 : i32
        %parallel_loop3A_3089 = arith.index_cast %parallel_loop3A_3088 : i32 to index
        %parallel_loop3A_3090 = arith.index_cast %parallel_loop3A_3082 : i32 to index
        %parallel_loop3A_3091 = tpu.vector_load %arg9[%parallel_loop3A_3089, %parallel_loop3A_3090] {strides = array<i32>} : memref<8x2048xf32, #tpu.memory_space<vmem>>, vector<1x16xf32>,
        %parallel_loop3A_3092 = vector.shape_cast %parallel_loop3A_3091 : vector<1x16xf32> to vector<16xf32>
        %parallel_loop3A_3093 = arith.constant 2 : i32
        %parallel_loop3A_3094 = arith.index_cast %parallel_loop3A_3093 : i32 to index
        %parallel_loop3A_3095 = arith.index_cast %parallel_loop3A_3082 : i32 to index
        %parallel_loop3A_3096 = tpu.vector_load %arg9[%parallel_loop3A_3094, %parallel_loop3A_3095] {strides = array<i32>} : memref<8x2048xf32, #tpu.memory_space<vmem>>, vector<1x16xf32>,
        %parallel_loop3A_3097 = vector.shape_cast %parallel_loop3A_3096 : vector<1x16xf32> to vector<16xf32>
        %parallel_loop3A_3098 = arith.constant 3 : i32
        %parallel_loop3A_3099 = arith.index_cast %parallel_loop3A_3098 : i32 to index
        %parallel_loop3A_3100 = arith.index_cast %parallel_loop3A_3082 : i32 to index
        %parallel_loop3A_3101 = tpu.vector_load %arg9[%parallel_loop3A_3099, %parallel_loop3A_3100] {strides = array<i32>} : memref<8x2048xf32, #tpu.memory_space<vmem>>, vector<1x16xf32>,
        %parallel_loop3A_3102 = vector.shape_cast %parallel_loop3A_3101 : vector<1x16xf32> to vector<16xf32>
        %parallel_loop3A_3103 = arith.constant 4 : i32
        %parallel_loop3A_3104 = arith.index_cast %parallel_loop3A_3103 : i32 to index
        %parallel_loop3A_3105 = arith.index_cast %parallel_loop3A_3082 : i32 to index
        %parallel_loop3A_3106 = tpu.vector_load %arg9[%parallel_loop3A_3104, %parallel_loop3A_3105] {strides = array<i32>} : memref<8x2048xf32, #tpu.memory_space<vmem>>, vector<1x16xf32>,
        %parallel_loop3A_3107 = vector.shape_cast %parallel_loop3A_3106 : vector<1x16xf32> to vector<16xf32>
        %parallel_loop3A_3108 = arith.constant 5 : i32
        %parallel_loop3A_3109 = arith.index_cast %parallel_loop3A_3108 : i32 to index
        %parallel_loop3A_3110 = arith.index_cast %parallel_loop3A_3082 : i32 to index
        %parallel_loop3A_3111 = tpu.vector_load %arg9[%parallel_loop3A_3109, %parallel_loop3A_3110] {strides = array<i32>} : memref<8x2048xf32, #tpu.memory_space<vmem>>, vector<1x16xf32>,
        %parallel_loop3A_3112 = vector.shape_cast %parallel_loop3A_3111 : vector<1x16xf32> to vector<16xf32>
        %parallel_loop3A_3113 = arith.constant 6 : i32
        %parallel_loop3A_3114 = arith.index_cast %parallel_loop3A_3113 : i32 to index
        %parallel_loop3A_3115 = arith.index_cast %parallel_loop3A_3082 : i32 to index
        %parallel_loop3A_3116 = tpu.vector_load %arg9[%parallel_loop3A_3114, %parallel_loop3A_3115] {strides = array<i32>} : memref<8x2048xf32, #tpu.memory_space<vmem>>, vector<1x16xf32>,
        %parallel_loop3A_3117 = vector.shape_cast %parallel_loop3A_3116 : vector<1x16xf32> to vector<16xf32>
        %parallel_loop3A_3118 = arith.constant 7 : i32
        %parallel_loop3A_3119 = arith.index_cast %parallel_loop3A_3118 : i32 to index
        %parallel_loop3A_3120 = arith.index_cast %parallel_loop3A_3082 : i32 to index
        %parallel_loop3A_3121 = tpu.vector_load %arg9[%parallel_loop3A_3119, %parallel_loop3A_3120] {strides = array<i32>} : memref<8x2048xf32, #tpu.memory_space<vmem>>, vector<1x16xf32>,
        %parallel_loop3A_3122 = vector.shape_cast %parallel_loop3A_3121 : vector<1x16xf32> to vector<16xf32>
        %parallel_loop3A_3123 = arith.constant 0 : i32
        %parallel_loop3A_3124 = arith.index_cast %parallel_loop3A_3123 : i32 to index
        %parallel_loop3A_3125 = arith.index_cast %parallel_loop3A_3082 : i32 to index
        %parallel_loop3A_3126 = tpu.vector_load %arg11[%parallel_loop3A_3124, %parallel_loop3A_3125] {strides = array<i32>} : memref<2x2048xf32, #tpu.memory_space<vmem>>, vector<1x16xf32>,
        %parallel_loop3A_3127 = vector.shape_cast %parallel_loop3A_3126 : vector<1x16xf32> to vector<16xf32>
        %parallel_loop3A_3128 = arith.constant 1 : i32
        %parallel_loop3A_3129 = arith.index_cast %parallel_loop3A_3128 : i32 to index
        %parallel_loop3A_3130 = arith.index_cast %parallel_loop3A_3082 : i32 to index
        %parallel_loop3A_3131 = tpu.vector_load %arg11[%parallel_loop3A_3129, %parallel_loop3A_3130] {strides = array<i32>} : memref<2x2048xf32, #tpu.memory_space<vmem>>, vector<1x16xf32>,
        %parallel_loop3A_3132 = vector.shape_cast %parallel_loop3A_3131 : vector<1x16xf32> to vector<16xf32>
        scf.yield %parallel_loop3A_3004, %parallel_loop3A_3006, %parallel_loop3A_3014, %parallel_loop3A_3016, %parallel_loop3A_3024, %parallel_loop3A_3026, %parallel_loop3A_3034, %parallel_loop3A_3036, %parallel_loop3A_3044, %parallel_loop3A_3046, %parallel_loop3A_3054, %parallel_loop3A_3056, %parallel_loop3A_3064, %parallel_loop3A_3066, %parallel_loop3A_3074, %parallel_loop3A_3076, %parallel_loop3A_3087, %parallel_loop3A_3092, %parallel_loop3A_3097, %parallel_loop3A_3102, %parallel_loop3A_3107, %parallel_loop3A_3112, %parallel_loop3A_3117, %parallel_loop3A_3122, %parallel_loop3A_3127, %parallel_loop3A_3132 : vector<16xf32>, vector<16xf32>, vector<16xf32>, vector<16xf32>, vector<16xf32>, vector<16xf32>, vector<16xf32>, vector<16xf32>, vector<16xf32>, vector<16xf32>, vector<16xf32>, vector<16xf32>, vector<16xf32>, vector<16xf32>, vector<16xf32>, vector<16xf32>, vector<16xf32>, vector<16xf32>, vector<16xf32>, vector<16xf32>, vector<16xf32>, vector<16xf32>, vector<16xf32>, vector<16xf32>, vector<16xf32>, vector<16xf32>
      } {sc.loop_unroll_factor = 1 : i64, sc.parallel_access}
      %iota3A = tpu.iota {dimensions = array<i32: 0>} : vector<16xi32>
      %xor3A = arith.constant 1 : i32
      %xor3A_200 = vector.broadcast %xor3A : i32 to vector<16xi32>
      %xor3A_201 = arith.xori %iota3A, %xor3A_200 : vector<16xi32>
      %lt3A = arith.constant 0 : i32
      %lt3A_202 = vector.broadcast %lt3A : i32 to vector<16xi32>
      %lt3A_203 = arith.cmpi slt, %xor3A_201, %lt3A_202 : vector<16xi32>
      %add3A_204 = arith.constant 16 : i32
      %add3A_205 = vector.broadcast %add3A_204 : i32 to vector<16xi32>
      %add3A_206 = arith.addi %xor3A_201, %add3A_205 : vector<16xi32>
      %select_n3A = arith.select %lt3A_203, %add3A_206, %xor3A_201 : vector<16xi1>, vector<16xi32>
      %broadcast_in_dim3A_207 = vector.shape_cast %select_n3A : vector<16xi32> to vector<16x1xi32>
      %gather3A = vector.shape_cast %broadcast_in_dim3A_207 : vector<16x1xi32> to vector<16xi32>
      %gather3A_208 = tpu.dynamic_gather %parallel_loop3A_199#0[%gather3A] in [0] : vector<16xf32>, vector<16xi32> -> vector<16xf32>
      %add3A_209 = arith.addf %parallel_loop3A_199#0, %gather3A_208 : vector<16xf32>
      %xor3A_210 = arith.constant 2 : i32
      %xor3A_211 = vector.broadcast %xor3A_210 : i32 to vector<16xi32>
      %xor3A_212 = arith.xori %iota3A, %xor3A_211 : vector<16xi32>
      %lt3A_213 = arith.constant 0 : i32
      %lt3A_214 = vector.broadcast %lt3A_213 : i32 to vector<16xi32>
      %lt3A_215 = arith.cmpi slt, %xor3A_212, %lt3A_214 : vector<16xi32>
      %add3A_216 = arith.constant 16 : i32
      %add3A_217 = vector.broadcast %add3A_216 : i32 to vector<16xi32>
      %add3A_218 = arith.addi %xor3A_212, %add3A_217 : vector<16xi32>
      %select_n3A_219 = arith.select %lt3A_215, %add3A_218, %xor3A_212 : vector<16xi1>, vector<16xi32>
      %broadcast_in_dim3A_220 = vector.shape_cast %select_n3A_219 : vector<16xi32> to vector<16x1xi32>
      %gather3A_221 = vector.shape_cast %broadcast_in_dim3A_220 : vector<16x1xi32> to vector<16xi32>
      %gather3A_222 = tpu.dynamic_gather %add3A_209[%gather3A_221] in [0] : vector<16xf32>, vector<16xi32> -> vector<16xf32>
      %add3A_223 = arith.addf %add3A_209, %gather3A_222 : vector<16xf32>
      %xor3A_224 = arith.constant 4 : i32
      %xor3A_225 = vector.broadcast %xor3A_224 : i32 to vector<16xi32>
      %xor3A_226 = arith.xori %iota3A, %xor3A_225 : vector<16xi32>
      %lt3A_227 = arith.constant 0 : i32
      %lt3A_228 = vector.broadcast %lt3A_227 : i32 to vector<16xi32>
      %lt3A_229 = arith.cmpi slt, %xor3A_226, %lt3A_228 : vector<16xi32>
      %add3A_230 = arith.constant 16 : i32
      %add3A_231 = vector.broadcast %add3A_230 : i32 to vector<16xi32>
      %add3A_232 = arith.addi %xor3A_226, %add3A_231 : vector<16xi32>
      %select_n3A_233 = arith.select %lt3A_229, %add3A_232, %xor3A_226 : vector<16xi1>, vector<16xi32>
      %broadcast_in_dim3A_234 = vector.shape_cast %select_n3A_233 : vector<16xi32> to vector<16x1xi32>
      %gather3A_235 = vector.shape_cast %broadcast_in_dim3A_234 : vector<16x1xi32> to vector<16xi32>
      %gather3A_236 = tpu.dynamic_gather %add3A_223[%gather3A_235] in [0] : vector<16xf32>, vector<16xi32> -> vector<16xf32>
      %add3A_237 = arith.addf %add3A_223, %gather3A_236 : vector<16xf32>
      %xor3A_238 = arith.constant 8 : i32
      %xor3A_239 = vector.broadcast %xor3A_238 : i32 to vector<16xi32>
      %xor3A_240 = arith.xori %iota3A, %xor3A_239 : vector<16xi32>
      %lt3A_241 = arith.constant 0 : i32
      %lt3A_242 = vector.broadcast %lt3A_241 : i32 to vector<16xi32>
      %lt3A_243 = arith.cmpi slt, %xor3A_240, %lt3A_242 : vector<16xi32>
      %add3A_244 = arith.constant 16 : i32
      %add3A_245 = vector.broadcast %add3A_244 : i32 to vector<16xi32>
      %add3A_246 = arith.addi %xor3A_240, %add3A_245 : vector<16xi32>
      %select_n3A_247 = arith.select %lt3A_243, %add3A_246, %xor3A_240 : vector<16xi1>, vector<16xi32>
      %broadcast_in_dim3A_248 = vector.shape_cast %select_n3A_247 : vector<16xi32> to vector<16x1xi32>
      %gather3A_249 = vector.shape_cast %broadcast_in_dim3A_248 : vector<16x1xi32> to vector<16xi32>
      %gather3A_250 = tpu.dynamic_gather %add3A_237[%gather3A_249] in [0] : vector<16xf32>, vector<16xi32> -> vector<16xf32>
      %add3A_251 = arith.addf %add3A_237, %gather3A_250 : vector<16xf32>
      %mul3A_252 = arith.constant 4.8828125E-4 : f32
      %mul3A_253 = vector.broadcast %mul3A_252 : f32 to vector<16xf32>
      %mul3A_254 = arith.mulf %add3A_251, %mul3A_253 : vector<16xf32>
      %iota3A_255 = tpu.iota {dimensions = array<i32: 0>} : vector<16xi32>
      %xor3A_256 = arith.constant 1 : i32
      %xor3A_257 = vector.broadcast %xor3A_256 : i32 to vector<16xi32>
      %xor3A_258 = arith.xori %iota3A_255, %xor3A_257 : vector<16xi32>
      %lt3A_259 = arith.constant 0 : i32
      %lt3A_260 = vector.broadcast %lt3A_259 : i32 to vector<16xi32>
      %lt3A_261 = arith.cmpi slt, %xor3A_258, %lt3A_260 : vector<16xi32>
      %add3A_262 = arith.constant 16 : i32
      %add3A_263 = vector.broadcast %add3A_262 : i32 to vector<16xi32>
      %add3A_264 = arith.addi %xor3A_258, %add3A_263 : vector<16xi32>
      %select_n3A_265 = arith.select %lt3A_261, %add3A_264, %xor3A_258 : vector<16xi1>, vector<16xi32>
      %broadcast_in_dim3A_266 = vector.shape_cast %select_n3A_265 : vector<16xi32> to vector<16x1xi32>
      %gather3A_267 = vector.shape_cast %broadcast_in_dim3A_266 : vector<16x1xi32> to vector<16xi32>
      %gather3A_268 = tpu.dynamic_gather %parallel_loop3A_199#1[%gather3A_267] in [0] : vector<16xf32>, vector<16xi32> -> vector<16xf32>
      %add3A_269 = arith.addf %parallel_loop3A_199#1, %gather3A_268 : vector<16xf32>
      %xor3A_270 = arith.constant 2 : i32
      %xor3A_271 = vector.broadcast %xor3A_270 : i32 to vector<16xi32>
      %xor3A_272 = arith.xori %iota3A_255, %xor3A_271 : vector<16xi32>
      %lt3A_273 = arith.constant 0 : i32
      %lt3A_274 = vector.broadcast %lt3A_273 : i32 to vector<16xi32>
      %lt3A_275 = arith.cmpi slt, %xor3A_272, %lt3A_274 : vector<16xi32>
      %add3A_276 = arith.constant 16 : i32
      %add3A_277 = vector.broadcast %add3A_276 : i32 to vector<16xi32>
      %add3A_278 = arith.addi %xor3A_272, %add3A_277 : vector<16xi32>
      %select_n3A_279 = arith.select %lt3A_275, %add3A_278, %xor3A_272 : vector<16xi1>, vector<16xi32>
      %broadcast_in_dim3A_280 = vector.shape_cast %select_n3A_279 : vector<16xi32> to vector<16x1xi32>
      %gather3A_281 = vector.shape_cast %broadcast_in_dim3A_280 : vector<16x1xi32> to vector<16xi32>
      %gather3A_282 = tpu.dynamic_gather %add3A_269[%gather3A_281] in [0] : vector<16xf32>, vector<16xi32> -> vector<16xf32>
      %add3A_283 = arith.addf %add3A_269, %gather3A_282 : vector<16xf32>
      %xor3A_284 = arith.constant 4 : i32
      %xor3A_285 = vector.broadcast %xor3A_284 : i32 to vector<16xi32>
      %xor3A_286 = arith.xori %iota3A_255, %xor3A_285 : vector<16xi32>
      %lt3A_287 = arith.constant 0 : i32
      %lt3A_288 = vector.broadcast %lt3A_287 : i32 to vector<16xi32>
      %lt3A_289 = arith.cmpi slt, %xor3A_286, %lt3A_288 : vector<16xi32>
      %add3A_290 = arith.constant 16 : i32
      %add3A_291 = vector.broadcast %add3A_290 : i32 to vector<16xi32>
      %add3A_292 = arith.addi %xor3A_286, %add3A_291 : vector<16xi32>
      %select_n3A_293 = arith.select %lt3A_289, %add3A_292, %xor3A_286 : vector<16xi1>, vector<16xi32>
      %broadcast_in_dim3A_294 = vector.shape_cast %select_n3A_293 : vector<16xi32> to vector<16x1xi32>
      %gather3A_295 = vector.shape_cast %broadcast_in_dim3A_294 : vector<16x1xi32> to vector<16xi32>
      %gather3A_296 = tpu.dynamic_gather %add3A_283[%gather3A_295] in [0] : vector<16xf32>, vector<16xi32> -> vector<16xf32>
      %add3A_297 = arith.addf %add3A_283, %gather3A_296 : vector<16xf32>
      %xor3A_298 = arith.constant 8 : i32
      %xor3A_299 = vector.broadcast %xor3A_298 : i32 to vector<16xi32>
      %xor3A_300 = arith.xori %iota3A_255, %xor3A_299 : vector<16xi32>
      %lt3A_301 = arith.constant 0 : i32
      %lt3A_302 = vector.broadcast %lt3A_301 : i32 to vector<16xi32>
      %lt3A_303 = arith.cmpi slt, %xor3A_300, %lt3A_302 : vector<16xi32>
      %add3A_304 = arith.constant 16 : i32
      %add3A_305 = vector.broadcast %add3A_304 : i32 to vector<16xi32>
      %add3A_306 = arith.addi %xor3A_300, %add3A_305 : vector<16xi32>
      %select_n3A_307 = arith.select %lt3A_303, %add3A_306, %xor3A_300 : vector<16xi1>, vector<16xi32>
      %broadcast_in_dim3A_308 = vector.shape_cast %select_n3A_307 : vector<16xi32> to vector<16x1xi32>
      %gather3A_309 = vector.shape_cast %broadcast_in_dim3A_308 : vector<16x1xi32> to vector<16xi32>
      %gather3A_310 = tpu.dynamic_gather %add3A_297[%gather3A_309] in [0] : vector<16xf32>, vector<16xi32> -> vector<16xf32>
      %add3A_311 = arith.addf %add3A_297, %gather3A_310 : vector<16xf32>
      %mul3A_312 = arith.constant 4.8828125E-4 : f32
      %mul3A_313 = vector.broadcast %mul3A_312 : f32 to vector<16xf32>
      %mul3A_314 = arith.mulf %add3A_311, %mul3A_313 : vector<16xf32>
      %mul3A_315 = arith.mulf %mul3A_254, %mul3A_254 : vector<16xf32>
      %sub3A = arith.subf %mul3A_314, %mul3A_315 : vector<16xf32>
      %add3A_316 = arith.constant 9.99999997E-7 : f32
      %add3A_317 = vector.broadcast %add3A_316 : f32 to vector<16xf32>
      %add3A_318 = arith.addf %sub3A, %add3A_317 : vector<16xf32>
      %bitcast_convert_type3A = tpu.bitcast %add3A_318 : vector<16xf32> -> vector<16xi32>
      %broadcast_in_dim3A_319 = arith.constant 1597463007 : i32
      %broadcast_in_dim3A_320 = vector.broadcast %broadcast_in_dim3A_319 : i32 to vector<16xi32>
      %shift_right_arithmetic3A = arith.constant 1 : i32
      %shift_right_arithmetic3A_321 = vector.broadcast %shift_right_arithmetic3A : i32 to vector<16xi32>
      %shift_right_arithmetic3A_322 = arith.shrsi %bitcast_convert_type3A, %shift_right_arithmetic3A_321 : vector<16xi32>
      %sub3A_323 = arith.subi %broadcast_in_dim3A_320, %shift_right_arithmetic3A_322 : vector<16xi32>
      %bitcast_convert_type3A_324 = tpu.bitcast %sub3A_323 : vector<16xi32> -> vector<16xf32>
      %mul3A_325 = arith.constant 5.000000e-01 : f32
      %mul3A_326 = vector.broadcast %mul3A_325 : f32 to vector<16xf32>
      %mul3A_327 = arith.mulf %mul3A_326, %add3A_318 : vector<16xf32>
      %mul3A_328 = arith.mulf %mul3A_327, %bitcast_convert_type3A_324 : vector<16xf32>
      %mul3A_329 = arith.mulf %mul3A_328, %bitcast_convert_type3A_324 : vector<16xf32>
      %sub3A_330 = arith.constant 1.500000e+00 : f32
      %sub3A_331 = vector.broadcast %sub3A_330 : f32 to vector<16xf32>
      %sub3A_332 = arith.subf %sub3A_331, %mul3A_329 : vector<16xf32>
      %mul3A_333 = arith.mulf %bitcast_convert_type3A_324, %sub3A_332 : vector<16xf32>
      %mul3A_334 = arith.constant 5.000000e-01 : f32
      %mul3A_335 = vector.broadcast %mul3A_334 : f32 to vector<16xf32>
      %mul3A_336 = arith.mulf %mul3A_335, %add3A_318 : vector<16xf32>
      %mul3A_337 = arith.mulf %mul3A_336, %mul3A_333 : vector<16xf32>
      %mul3A_338 = arith.mulf %mul3A_337, %mul3A_333 : vector<16xf32>
      %sub3A_339 = arith.constant 1.500000e+00 : f32
      %sub3A_340 = vector.broadcast %sub3A_339 : f32 to vector<16xf32>
      %sub3A_341 = arith.subf %sub3A_340, %mul3A_338 : vector<16xf32>
      %mul3A_342 = arith.mulf %mul3A_333, %sub3A_341 : vector<16xf32>
      %mul3A_343 = arith.constant 5.000000e-01 : f32
      %mul3A_344 = vector.broadcast %mul3A_343 : f32 to vector<16xf32>
      %mul3A_345 = arith.mulf %mul3A_344, %add3A_318 : vector<16xf32>
      %mul3A_346 = arith.mulf %mul3A_345, %mul3A_342 : vector<16xf32>
      %mul3A_347 = arith.mulf %mul3A_346, %mul3A_342 : vector<16xf32>
      %sub3A_348 = arith.constant 1.500000e+00 : f32
      %sub3A_349 = vector.broadcast %sub3A_348 : f32 to vector<16xf32>
      %sub3A_350 = arith.subf %sub3A_349, %mul3A_347 : vector<16xf32>
      %mul3A_351 = arith.mulf %mul3A_342, %sub3A_350 : vector<16xf32>
      %iota3A_352 = tpu.iota {dimensions = array<i32: 0>} : vector<16xi32>
      %xor3A_353 = arith.constant 1 : i32
      %xor3A_354 = vector.broadcast %xor3A_353 : i32 to vector<16xi32>
      %xor3A_355 = arith.xori %iota3A_352, %xor3A_354 : vector<16xi32>
      %lt3A_356 = arith.constant 0 : i32
      %lt3A_357 = vector.broadcast %lt3A_356 : i32 to vector<16xi32>
      %lt3A_358 = arith.cmpi slt, %xor3A_355, %lt3A_357 : vector<16xi32>
      %add3A_359 = arith.constant 16 : i32
      %add3A_360 = vector.broadcast %add3A_359 : i32 to vector<16xi32>
      %add3A_361 = arith.addi %xor3A_355, %add3A_360 : vector<16xi32>
      %select_n3A_362 = arith.select %lt3A_358, %add3A_361, %xor3A_355 : vector<16xi1>, vector<16xi32>
      %broadcast_in_dim3A_363 = vector.shape_cast %select_n3A_362 : vector<16xi32> to vector<16x1xi32>
      %gather3A_364 = vector.shape_cast %broadcast_in_dim3A_363 : vector<16x1xi32> to vector<16xi32>
      %gather3A_365 = tpu.dynamic_gather %parallel_loop3A_199#2[%gather3A_364] in [0] : vector<16xf32>, vector<16xi32> -> vector<16xf32>
      %add3A_366 = arith.addf %parallel_loop3A_199#2, %gather3A_365 : vector<16xf32>
      %xor3A_367 = arith.constant 2 : i32
      %xor3A_368 = vector.broadcast %xor3A_367 : i32 to vector<16xi32>
      %xor3A_369 = arith.xori %iota3A_352, %xor3A_368 : vector<16xi32>
      %lt3A_370 = arith.constant 0 : i32
      %lt3A_371 = vector.broadcast %lt3A_370 : i32 to vector<16xi32>
      %lt3A_372 = arith.cmpi slt, %xor3A_369, %lt3A_371 : vector<16xi32>
      %add3A_373 = arith.constant 16 : i32
      %add3A_374 = vector.broadcast %add3A_373 : i32 to vector<16xi32>
      %add3A_375 = arith.addi %xor3A_369, %add3A_374 : vector<16xi32>
      %select_n3A_376 = arith.select %lt3A_372, %add3A_375, %xor3A_369 : vector<16xi1>, vector<16xi32>
      %broadcast_in_dim3A_377 = vector.shape_cast %select_n3A_376 : vector<16xi32> to vector<16x1xi32>
      %gather3A_378 = vector.shape_cast %broadcast_in_dim3A_377 : vector<16x1xi32> to vector<16xi32>
      %gather3A_379 = tpu.dynamic_gather %add3A_366[%gather3A_378] in [0] : vector<16xf32>, vector<16xi32> -> vector<16xf32>
      %add3A_380 = arith.addf %add3A_366, %gather3A_379 : vector<16xf32>
      %xor3A_381 = arith.constant 4 : i32
      %xor3A_382 = vector.broadcast %xor3A_381 : i32 to vector<16xi32>
      %xor3A_383 = arith.xori %iota3A_352, %xor3A_382 : vector<16xi32>
      %lt3A_384 = arith.constant 0 : i32
      %lt3A_385 = vector.broadcast %lt3A_384 : i32 to vector<16xi32>
      %lt3A_386 = arith.cmpi slt, %xor3A_383, %lt3A_385 : vector<16xi32>
      %add3A_387 = arith.constant 16 : i32
      %add3A_388 = vector.broadcast %add3A_387 : i32 to vector<16xi32>
      %add3A_389 = arith.addi %xor3A_383, %add3A_388 : vector<16xi32>
      %select_n3A_390 = arith.select %lt3A_386, %add3A_389, %xor3A_383 : vector<16xi1>, vector<16xi32>
      %broadcast_in_dim3A_391 = vector.shape_cast %select_n3A_390 : vector<16xi32> to vector<16x1xi32>
      %gather3A_392 = vector.shape_cast %broadcast_in_dim3A_391 : vector<16x1xi32> to vector<16xi32>
      %gather3A_393 = tpu.dynamic_gather %add3A_380[%gather3A_392] in [0] : vector<16xf32>, vector<16xi32> -> vector<16xf32>
      %add3A_394 = arith.addf %add3A_380, %gather3A_393 : vector<16xf32>
      %xor3A_395 = arith.constant 8 : i32
      %xor3A_396 = vector.broadcast %xor3A_395 : i32 to vector<16xi32>
      %xor3A_397 = arith.xori %iota3A_352, %xor3A_396 : vector<16xi32>
      %lt3A_398 = arith.constant 0 : i32
      %lt3A_399 = vector.broadcast %lt3A_398 : i32 to vector<16xi32>
      %lt3A_400 = arith.cmpi slt, %xor3A_397, %lt3A_399 : vector<16xi32>
      %add3A_401 = arith.constant 16 : i32
      %add3A_402 = vector.broadcast %add3A_401 : i32 to vector<16xi32>
      %add3A_403 = arith.addi %xor3A_397, %add3A_402 : vector<16xi32>
      %select_n3A_404 = arith.select %lt3A_400, %add3A_403, %xor3A_397 : vector<16xi1>, vector<16xi32>
      %broadcast_in_dim3A_405 = vector.shape_cast %select_n3A_404 : vector<16xi32> to vector<16x1xi32>
      %gather3A_406 = vector.shape_cast %broadcast_in_dim3A_405 : vector<16x1xi32> to vector<16xi32>
      %gather3A_407 = tpu.dynamic_gather %add3A_394[%gather3A_406] in [0] : vector<16xf32>, vector<16xi32> -> vector<16xf32>
      %add3A_408 = arith.addf %add3A_394, %gather3A_407 : vector<16xf32>
      %mul3A_409 = arith.constant 4.8828125E-4 : f32
      %mul3A_410 = vector.broadcast %mul3A_409 : f32 to vector<16xf32>
      %mul3A_411 = arith.mulf %add3A_408, %mul3A_410 : vector<16xf32>
      %iota3A_412 = tpu.iota {dimensions = array<i32: 0>} : vector<16xi32>
      %xor3A_413 = arith.constant 1 : i32
      %xor3A_414 = vector.broadcast %xor3A_413 : i32 to vector<16xi32>
      %xor3A_415 = arith.xori %iota3A_412, %xor3A_414 : vector<16xi32>
      %lt3A_416 = arith.constant 0 : i32
      %lt3A_417 = vector.broadcast %lt3A_416 : i32 to vector<16xi32>
      %lt3A_418 = arith.cmpi slt, %xor3A_415, %lt3A_417 : vector<16xi32>
      %add3A_419 = arith.constant 16 : i32
      %add3A_420 = vector.broadcast %add3A_419 : i32 to vector<16xi32>
      %add3A_421 = arith.addi %xor3A_415, %add3A_420 : vector<16xi32>
      %select_n3A_422 = arith.select %lt3A_418, %add3A_421, %xor3A_415 : vector<16xi1>, vector<16xi32>
      %broadcast_in_dim3A_423 = vector.shape_cast %select_n3A_422 : vector<16xi32> to vector<16x1xi32>
      %gather3A_424 = vector.shape_cast %broadcast_in_dim3A_423 : vector<16x1xi32> to vector<16xi32>
      %gather3A_425 = tpu.dynamic_gather %parallel_loop3A_199#3[%gather3A_424] in [0] : vector<16xf32>, vector<16xi32> -> vector<16xf32>
      %add3A_426 = arith.addf %parallel_loop3A_199#3, %gather3A_425 : vector<16xf32>
      %xor3A_427 = arith.constant 2 : i32
      %xor3A_428 = vector.broadcast %xor3A_427 : i32 to vector<16xi32>
      %xor3A_429 = arith.xori %iota3A_412, %xor3A_428 : vector<16xi32>
      %lt3A_430 = arith.constant 0 : i32
      %lt3A_431 = vector.broadcast %lt3A_430 : i32 to vector<16xi32>
      %lt3A_432 = arith.cmpi slt, %xor3A_429, %lt3A_431 : vector<16xi32>
      %add3A_433 = arith.constant 16 : i32
      %add3A_434 = vector.broadcast %add3A_433 : i32 to vector<16xi32>
      %add3A_435 = arith.addi %xor3A_429, %add3A_434 : vector<16xi32>
      %select_n3A_436 = arith.select %lt3A_432, %add3A_435, %xor3A_429 : vector<16xi1>, vector<16xi32>
      %broadcast_in_dim3A_437 = vector.shape_cast %select_n3A_436 : vector<16xi32> to vector<16x1xi32>
      %gather3A_438 = vector.shape_cast %broadcast_in_dim3A_437 : vector<16x1xi32> to vector<16xi32>
      %gather3A_439 = tpu.dynamic_gather %add3A_426[%gather3A_438] in [0] : vector<16xf32>, vector<16xi32> -> vector<16xf32>
      %add3A_440 = arith.addf %add3A_426, %gather3A_439 : vector<16xf32>
      %xor3A_441 = arith.constant 4 : i32
      %xor3A_442 = vector.broadcast %xor3A_441 : i32 to vector<16xi32>
      %xor3A_443 = arith.xori %iota3A_412, %xor3A_442 : vector<16xi32>
      %lt3A_444 = arith.constant 0 : i32
      %lt3A_445 = vector.broadcast %lt3A_444 : i32 to vector<16xi32>
      %lt3A_446 = arith.cmpi slt, %xor3A_443, %lt3A_445 : vector<16xi32>
      %add3A_447 = arith.constant 16 : i32
      %add3A_448 = vector.broadcast %add3A_447 : i32 to vector<16xi32>
      %add3A_449 = arith.addi %xor3A_443, %add3A_448 : vector<16xi32>
      %select_n3A_450 = arith.select %lt3A_446, %add3A_449, %xor3A_443 : vector<16xi1>, vector<16xi32>
      %broadcast_in_dim3A_451 = vector.shape_cast %select_n3A_450 : vector<16xi32> to vector<16x1xi32>
      %gather3A_452 = vector.shape_cast %broadcast_in_dim3A_451 : vector<16x1xi32> to vector<16xi32>
      %gather3A_453 = tpu.dynamic_gather %add3A_440[%gather3A_452] in [0] : vector<16xf32>, vector<16xi32> -> vector<16xf32>
      %add3A_454 = arith.addf %add3A_440, %gather3A_453 : vector<16xf32>
      %xor3A_455 = arith.constant 8 : i32
      %xor3A_456 = vector.broadcast %xor3A_455 : i32 to vector<16xi32>
      %xor3A_457 = arith.xori %iota3A_412, %xor3A_456 : vector<16xi32>
      %lt3A_458 = arith.constant 0 : i32
      %lt3A_459 = vector.broadcast %lt3A_458 : i32 to vector<16xi32>
      %lt3A_460 = arith.cmpi slt, %xor3A_457, %lt3A_459 : vector<16xi32>
      %add3A_461 = arith.constant 16 : i32
      %add3A_462 = vector.broadcast %add3A_461 : i32 to vector<16xi32>
      %add3A_463 = arith.addi %xor3A_457, %add3A_462 : vector<16xi32>
      %select_n3A_464 = arith.select %lt3A_460, %add3A_463, %xor3A_457 : vector<16xi1>, vector<16xi32>
      %broadcast_in_dim3A_465 = vector.shape_cast %select_n3A_464 : vector<16xi32> to vector<16x1xi32>
      %gather3A_466 = vector.shape_cast %broadcast_in_dim3A_465 : vector<16x1xi32> to vector<16xi32>
      %gather3A_467 = tpu.dynamic_gather %add3A_454[%gather3A_466] in [0] : vector<16xf32>, vector<16xi32> -> vector<16xf32>
      %add3A_468 = arith.addf %add3A_454, %gather3A_467 : vector<16xf32>
      %mul3A_469 = arith.constant 4.8828125E-4 : f32
      %mul3A_470 = vector.broadcast %mul3A_469 : f32 to vector<16xf32>
      %mul3A_471 = arith.mulf %add3A_468, %mul3A_470 : vector<16xf32>
      %mul3A_472 = arith.mulf %mul3A_411, %mul3A_411 : vector<16xf32>
      %sub3A_473 = arith.subf %mul3A_471, %mul3A_472 : vector<16xf32>
      %add3A_474 = arith.constant 9.99999997E-7 : f32
      %add3A_475 = vector.broadcast %add3A_474 : f32 to vector<16xf32>
      %add3A_476 = arith.addf %sub3A_473, %add3A_475 : vector<16xf32>
      %bitcast_convert_type3A_477 = tpu.bitcast %add3A_476 : vector<16xf32> -> vector<16xi32>
      %broadcast_in_dim3A_478 = arith.constant 1597463007 : i32
      %broadcast_in_dim3A_479 = vector.broadcast %broadcast_in_dim3A_478 : i32 to vector<16xi32>
      %shift_right_arithmetic3A_480 = arith.constant 1 : i32
      %shift_right_arithmetic3A_481 = vector.broadcast %shift_right_arithmetic3A_480 : i32 to vector<16xi32>
      %shift_right_arithmetic3A_482 = arith.shrsi %bitcast_convert_type3A_477, %shift_right_arithmetic3A_481 : vector<16xi32>
      %sub3A_483 = arith.subi %broadcast_in_dim3A_479, %shift_right_arithmetic3A_482 : vector<16xi32>
      %bitcast_convert_type3A_484 = tpu.bitcast %sub3A_483 : vector<16xi32> -> vector<16xf32>
      %mul3A_485 = arith.constant 5.000000e-01 : f32
      %mul3A_486 = vector.broadcast %mul3A_485 : f32 to vector<16xf32>
      %mul3A_487 = arith.mulf %mul3A_486, %add3A_476 : vector<16xf32>
      %mul3A_488 = arith.mulf %mul3A_487, %bitcast_convert_type3A_484 : vector<16xf32>
      %mul3A_489 = arith.mulf %mul3A_488, %bitcast_convert_type3A_484 : vector<16xf32>
      %sub3A_490 = arith.constant 1.500000e+00 : f32
      %sub3A_491 = vector.broadcast %sub3A_490 : f32 to vector<16xf32>
      %sub3A_492 = arith.subf %sub3A_491, %mul3A_489 : vector<16xf32>
      %mul3A_493 = arith.mulf %bitcast_convert_type3A_484, %sub3A_492 : vector<16xf32>
      %mul3A_494 = arith.constant 5.000000e-01 : f32
      %mul3A_495 = vector.broadcast %mul3A_494 : f32 to vector<16xf32>
      %mul3A_496 = arith.mulf %mul3A_495, %add3A_476 : vector<16xf32>
      %mul3A_497 = arith.mulf %mul3A_496, %mul3A_493 : vector<16xf32>
      %mul3A_498 = arith.mulf %mul3A_497, %mul3A_493 : vector<16xf32>
      %sub3A_499 = arith.constant 1.500000e+00 : f32
      %sub3A_500 = vector.broadcast %sub3A_499 : f32 to vector<16xf32>
      %sub3A_501 = arith.subf %sub3A_500, %mul3A_498 : vector<16xf32>
      %mul3A_502 = arith.mulf %mul3A_493, %sub3A_501 : vector<16xf32>
      %mul3A_503 = arith.constant 5.000000e-01 : f32
      %mul3A_504 = vector.broadcast %mul3A_503 : f32 to vector<16xf32>
      %mul3A_505 = arith.mulf %mul3A_504, %add3A_476 : vector<16xf32>
      %mul3A_506 = arith.mulf %mul3A_505, %mul3A_502 : vector<16xf32>
      %mul3A_507 = arith.mulf %mul3A_506, %mul3A_502 : vector<16xf32>
      %sub3A_508 = arith.constant 1.500000e+00 : f32
      %sub3A_509 = vector.broadcast %sub3A_508 : f32 to vector<16xf32>
      %sub3A_510 = arith.subf %sub3A_509, %mul3A_507 : vector<16xf32>
      %mul3A_511 = arith.mulf %mul3A_502, %sub3A_510 : vector<16xf32>
      %iota3A_512 = tpu.iota {dimensions = array<i32: 0>} : vector<16xi32>
      %xor3A_513 = arith.constant 1 : i32
      %xor3A_514 = vector.broadcast %xor3A_513 : i32 to vector<16xi32>
      %xor3A_515 = arith.xori %iota3A_512, %xor3A_514 : vector<16xi32>
      %lt3A_516 = arith.constant 0 : i32
      %lt3A_517 = vector.broadcast %lt3A_516 : i32 to vector<16xi32>
      %lt3A_518 = arith.cmpi slt, %xor3A_515, %lt3A_517 : vector<16xi32>
      %add3A_519 = arith.constant 16 : i32
      %add3A_520 = vector.broadcast %add3A_519 : i32 to vector<16xi32>
      %add3A_521 = arith.addi %xor3A_515, %add3A_520 : vector<16xi32>
      %select_n3A_522 = arith.select %lt3A_518, %add3A_521, %xor3A_515 : vector<16xi1>, vector<16xi32>
      %broadcast_in_dim3A_523 = vector.shape_cast %select_n3A_522 : vector<16xi32> to vector<16x1xi32>
      %gather3A_524 = vector.shape_cast %broadcast_in_dim3A_523 : vector<16x1xi32> to vector<16xi32>
      %gather3A_525 = tpu.dynamic_gather %parallel_loop3A_199#4[%gather3A_524] in [0] : vector<16xf32>, vector<16xi32> -> vector<16xf32>
      %add3A_526 = arith.addf %parallel_loop3A_199#4, %gather3A_525 : vector<16xf32>
      %xor3A_527 = arith.constant 2 : i32
      %xor3A_528 = vector.broadcast %xor3A_527 : i32 to vector<16xi32>
      %xor3A_529 = arith.xori %iota3A_512, %xor3A_528 : vector<16xi32>
      %lt3A_530 = arith.constant 0 : i32
      %lt3A_531 = vector.broadcast %lt3A_530 : i32 to vector<16xi32>
      %lt3A_532 = arith.cmpi slt, %xor3A_529, %lt3A_531 : vector<16xi32>
      %add3A_533 = arith.constant 16 : i32
      %add3A_534 = vector.broadcast %add3A_533 : i32 to vector<16xi32>
      %add3A_535 = arith.addi %xor3A_529, %add3A_534 : vector<16xi32>
      %select_n3A_536 = arith.select %lt3A_532, %add3A_535, %xor3A_529 : vector<16xi1>, vector<16xi32>
      %broadcast_in_dim3A_537 = vector.shape_cast %select_n3A_536 : vector<16xi32> to vector<16x1xi32>
      %gather3A_538 = vector.shape_cast %broadcast_in_dim3A_537 : vector<16x1xi32> to vector<16xi32>
      %gather3A_539 = tpu.dynamic_gather %add3A_526[%gather3A_538] in [0] : vector<16xf32>, vector<16xi32> -> vector<16xf32>
      %add3A_540 = arith.addf %add3A_526, %gather3A_539 : vector<16xf32>
      %xor3A_541 = arith.constant 4 : i32
      %xor3A_542 = vector.broadcast %xor3A_541 : i32 to vector<16xi32>
      %xor3A_543 = arith.xori %iota3A_512, %xor3A_542 : vector<16xi32>
      %lt3A_544 = arith.constant 0 : i32
      %lt3A_545 = vector.broadcast %lt3A_544 : i32 to vector<16xi32>
      %lt3A_546 = arith.cmpi slt, %xor3A_543, %lt3A_545 : vector<16xi32>
      %add3A_547 = arith.constant 16 : i32
      %add3A_548 = vector.broadcast %add3A_547 : i32 to vector<16xi32>
      %add3A_549 = arith.addi %xor3A_543, %add3A_548 : vector<16xi32>
      %select_n3A_550 = arith.select %lt3A_546, %add3A_549, %xor3A_543 : vector<16xi1>, vector<16xi32>
      %broadcast_in_dim3A_551 = vector.shape_cast %select_n3A_550 : vector<16xi32> to vector<16x1xi32>
      %gather3A_552 = vector.shape_cast %broadcast_in_dim3A_551 : vector<16x1xi32> to vector<16xi32>
      %gather3A_553 = tpu.dynamic_gather %add3A_540[%gather3A_552] in [0] : vector<16xf32>, vector<16xi32> -> vector<16xf32>
      %add3A_554 = arith.addf %add3A_540, %gather3A_553 : vector<16xf32>
      %xor3A_555 = arith.constant 8 : i32
      %xor3A_556 = vector.broadcast %xor3A_555 : i32 to vector<16xi32>
      %xor3A_557 = arith.xori %iota3A_512, %xor3A_556 : vector<16xi32>
      %lt3A_558 = arith.constant 0 : i32
      %lt3A_559 = vector.broadcast %lt3A_558 : i32 to vector<16xi32>
      %lt3A_560 = arith.cmpi slt, %xor3A_557, %lt3A_559 : vector<16xi32>
      %add3A_561 = arith.constant 16 : i32
      %add3A_562 = vector.broadcast %add3A_561 : i32 to vector<16xi32>
      %add3A_563 = arith.addi %xor3A_557, %add3A_562 : vector<16xi32>
      %select_n3A_564 = arith.select %lt3A_560, %add3A_563, %xor3A_557 : vector<16xi1>, vector<16xi32>
      %broadcast_in_dim3A_565 = vector.shape_cast %select_n3A_564 : vector<16xi32> to vector<16x1xi32>
      %gather3A_566 = vector.shape_cast %broadcast_in_dim3A_565 : vector<16x1xi32> to vector<16xi32>
      %gather3A_567 = tpu.dynamic_gather %add3A_554[%gather3A_566] in [0] : vector<16xf32>, vector<16xi32> -> vector<16xf32>
      %add3A_568 = arith.addf %add3A_554, %gather3A_567 : vector<16xf32>
      %mul3A_569 = arith.constant 4.8828125E-4 : f32
      %mul3A_570 = vector.broadcast %mul3A_569 : f32 to vector<16xf32>
      %mul3A_571 = arith.mulf %add3A_568, %mul3A_570 : vector<16xf32>
      %iota3A_572 = tpu.iota {dimensions = array<i32: 0>} : vector<16xi32>
      %xor3A_573 = arith.constant 1 : i32
      %xor3A_574 = vector.broadcast %xor3A_573 : i32 to vector<16xi32>
      %xor3A_575 = arith.xori %iota3A_572, %xor3A_574 : vector<16xi32>
      %lt3A_576 = arith.constant 0 : i32
      %lt3A_577 = vector.broadcast %lt3A_576 : i32 to vector<16xi32>
      %lt3A_578 = arith.cmpi slt, %xor3A_575, %lt3A_577 : vector<16xi32>
      %add3A_579 = arith.constant 16 : i32
      %add3A_580 = vector.broadcast %add3A_579 : i32 to vector<16xi32>
      %add3A_581 = arith.addi %xor3A_575, %add3A_580 : vector<16xi32>
      %select_n3A_582 = arith.select %lt3A_578, %add3A_581, %xor3A_575 : vector<16xi1>, vector<16xi32>
      %broadcast_in_dim3A_583 = vector.shape_cast %select_n3A_582 : vector<16xi32> to vector<16x1xi32>
      %gather3A_584 = vector.shape_cast %broadcast_in_dim3A_583 : vector<16x1xi32> to vector<16xi32>
      %gather3A_585 = tpu.dynamic_gather %parallel_loop3A_199#5[%gather3A_584] in [0] : vector<16xf32>, vector<16xi32> -> vector<16xf32>
      %add3A_586 = arith.addf %parallel_loop3A_199#5, %gather3A_585 : vector<16xf32>
      %xor3A_587 = arith.constant 2 : i32
      %xor3A_588 = vector.broadcast %xor3A_587 : i32 to vector<16xi32>
      %xor3A_589 = arith.xori %iota3A_572, %xor3A_588 : vector<16xi32>
      %lt3A_590 = arith.constant 0 : i32
      %lt3A_591 = vector.broadcast %lt3A_590 : i32 to vector<16xi32>
      %lt3A_592 = arith.cmpi slt, %xor3A_589, %lt3A_591 : vector<16xi32>
      %add3A_593 = arith.constant 16 : i32
      %add3A_594 = vector.broadcast %add3A_593 : i32 to vector<16xi32>
      %add3A_595 = arith.addi %xor3A_589, %add3A_594 : vector<16xi32>
      %select_n3A_596 = arith.select %lt3A_592, %add3A_595, %xor3A_589 : vector<16xi1>, vector<16xi32>
      %broadcast_in_dim3A_597 = vector.shape_cast %select_n3A_596 : vector<16xi32> to vector<16x1xi32>
      %gather3A_598 = vector.shape_cast %broadcast_in_dim3A_597 : vector<16x1xi32> to vector<16xi32>
      %gather3A_599 = tpu.dynamic_gather %add3A_586[%gather3A_598] in [0] : vector<16xf32>, vector<16xi32> -> vector<16xf32>
      %add3A_600 = arith.addf %add3A_586, %gather3A_599 : vector<16xf32>
      %xor3A_601 = arith.constant 4 : i32
      %xor3A_602 = vector.broadcast %xor3A_601 : i32 to vector<16xi32>
      %xor3A_603 = arith.xori %iota3A_572, %xor3A_602 : vector<16xi32>
      %lt3A_604 = arith.constant 0 : i32
      %lt3A_605 = vector.broadcast %lt3A_604 : i32 to vector<16xi32>
      %lt3A_606 = arith.cmpi slt, %xor3A_603, %lt3A_605 : vector<16xi32>
      %add3A_607 = arith.constant 16 : i32
      %add3A_608 = vector.broadcast %add3A_607 : i32 to vector<16xi32>
      %add3A_609 = arith.addi %xor3A_603, %add3A_608 : vector<16xi32>
      %select_n3A_610 = arith.select %lt3A_606, %add3A_609, %xor3A_603 : vector<16xi1>, vector<16xi32>
      %broadcast_in_dim3A_611 = vector.shape_cast %select_n3A_610 : vector<16xi32> to vector<16x1xi32>
      %gather3A_612 = vector.shape_cast %broadcast_in_dim3A_611 : vector<16x1xi32> to vector<16xi32>
      %gather3A_613 = tpu.dynamic_gather %add3A_600[%gather3A_612] in [0] : vector<16xf32>, vector<16xi32> -> vector<16xf32>
      %add3A_614 = arith.addf %add3A_600, %gather3A_613 : vector<16xf32>
      %xor3A_615 = arith.constant 8 : i32
      %xor3A_616 = vector.broadcast %xor3A_615 : i32 to vector<16xi32>
      %xor3A_617 = arith.xori %iota3A_572, %xor3A_616 : vector<16xi32>
      %lt3A_618 = arith.constant 0 : i32
      %lt3A_619 = vector.broadcast %lt3A_618 : i32 to vector<16xi32>
      %lt3A_620 = arith.cmpi slt, %xor3A_617, %lt3A_619 : vector<16xi32>
      %add3A_621 = arith.constant 16 : i32
      %add3A_622 = vector.broadcast %add3A_621 : i32 to vector<16xi32>
      %add3A_623 = arith.addi %xor3A_617, %add3A_622 : vector<16xi32>
      %select_n3A_624 = arith.select %lt3A_620, %add3A_623, %xor3A_617 : vector<16xi1>, vector<16xi32>
      %broadcast_in_dim3A_625 = vector.shape_cast %select_n3A_624 : vector<16xi32> to vector<16x1xi32>
      %gather3A_626 = vector.shape_cast %broadcast_in_dim3A_625 : vector<16x1xi32> to vector<16xi32>
      %gather3A_627 = tpu.dynamic_gather %add3A_614[%gather3A_626] in [0] : vector<16xf32>, vector<16xi32> -> vector<16xf32>
      %add3A_628 = arith.addf %add3A_614, %gather3A_627 : vector<16xf32>
      %mul3A_629 = arith.constant 4.8828125E-4 : f32
      %mul3A_630 = vector.broadcast %mul3A_629 : f32 to vector<16xf32>
      %mul3A_631 = arith.mulf %add3A_628, %mul3A_630 : vector<16xf32>
      %mul3A_632 = arith.mulf %mul3A_571, %mul3A_571 : vector<16xf32>
      %sub3A_633 = arith.subf %mul3A_631, %mul3A_632 : vector<16xf32>
      %add3A_634 = arith.constant 9.99999997E-7 : f32
      %add3A_635 = vector.broadcast %add3A_634 : f32 to vector<16xf32>
      %add3A_636 = arith.addf %sub3A_633, %add3A_635 : vector<16xf32>
      %bitcast_convert_type3A_637 = tpu.bitcast %add3A_636 : vector<16xf32> -> vector<16xi32>
      %broadcast_in_dim3A_638 = arith.constant 1597463007 : i32
      %broadcast_in_dim3A_639 = vector.broadcast %broadcast_in_dim3A_638 : i32 to vector<16xi32>
      %shift_right_arithmetic3A_640 = arith.constant 1 : i32
      %shift_right_arithmetic3A_641 = vector.broadcast %shift_right_arithmetic3A_640 : i32 to vector<16xi32>
      %shift_right_arithmetic3A_642 = arith.shrsi %bitcast_convert_type3A_637, %shift_right_arithmetic3A_641 : vector<16xi32>
      %sub3A_643 = arith.subi %broadcast_in_dim3A_639, %shift_right_arithmetic3A_642 : vector<16xi32>
      %bitcast_convert_type3A_644 = tpu.bitcast %sub3A_643 : vector<16xi32> -> vector<16xf32>
      %mul3A_645 = arith.constant 5.000000e-01 : f32
      %mul3A_646 = vector.broadcast %mul3A_645 : f32 to vector<16xf32>
      %mul3A_647 = arith.mulf %mul3A_646, %add3A_636 : vector<16xf32>
      %mul3A_648 = arith.mulf %mul3A_647, %bitcast_convert_type3A_644 : vector<16xf32>
      %mul3A_649 = arith.mulf %mul3A_648, %bitcast_convert_type3A_644 : vector<16xf32>
      %sub3A_650 = arith.constant 1.500000e+00 : f32
      %sub3A_651 = vector.broadcast %sub3A_650 : f32 to vector<16xf32>
      %sub3A_652 = arith.subf %sub3A_651, %mul3A_649 : vector<16xf32>
      %mul3A_653 = arith.mulf %bitcast_convert_type3A_644, %sub3A_652 : vector<16xf32>
      %mul3A_654 = arith.constant 5.000000e-01 : f32
      %mul3A_655 = vector.broadcast %mul3A_654 : f32 to vector<16xf32>
      %mul3A_656 = arith.mulf %mul3A_655, %add3A_636 : vector<16xf32>
      %mul3A_657 = arith.mulf %mul3A_656, %mul3A_653 : vector<16xf32>
      %mul3A_658 = arith.mulf %mul3A_657, %mul3A_653 : vector<16xf32>
      %sub3A_659 = arith.constant 1.500000e+00 : f32
      %sub3A_660 = vector.broadcast %sub3A_659 : f32 to vector<16xf32>
      %sub3A_661 = arith.subf %sub3A_660, %mul3A_658 : vector<16xf32>
      %mul3A_662 = arith.mulf %mul3A_653, %sub3A_661 : vector<16xf32>
      %mul3A_663 = arith.constant 5.000000e-01 : f32
      %mul3A_664 = vector.broadcast %mul3A_663 : f32 to vector<16xf32>
      %mul3A_665 = arith.mulf %mul3A_664, %add3A_636 : vector<16xf32>
      %mul3A_666 = arith.mulf %mul3A_665, %mul3A_662 : vector<16xf32>
      %mul3A_667 = arith.mulf %mul3A_666, %mul3A_662 : vector<16xf32>
      %sub3A_668 = arith.constant 1.500000e+00 : f32
      %sub3A_669 = vector.broadcast %sub3A_668 : f32 to vector<16xf32>
      %sub3A_670 = arith.subf %sub3A_669, %mul3A_667 : vector<16xf32>
      %mul3A_671 = arith.mulf %mul3A_662, %sub3A_670 : vector<16xf32>
      %iota3A_672 = tpu.iota {dimensions = array<i32: 0>} : vector<16xi32>
      %xor3A_673 = arith.constant 1 : i32
      %xor3A_674 = vector.broadcast %xor3A_673 : i32 to vector<16xi32>
      %xor3A_675 = arith.xori %iota3A_672, %xor3A_674 : vector<16xi32>
      %lt3A_676 = arith.constant 0 : i32
      %lt3A_677 = vector.broadcast %lt3A_676 : i32 to vector<16xi32>
      %lt3A_678 = arith.cmpi slt, %xor3A_675, %lt3A_677 : vector<16xi32>
      %add3A_679 = arith.constant 16 : i32
      %add3A_680 = vector.broadcast %add3A_679 : i32 to vector<16xi32>
      %add3A_681 = arith.addi %xor3A_675, %add3A_680 : vector<16xi32>
      %select_n3A_682 = arith.select %lt3A_678, %add3A_681, %xor3A_675 : vector<16xi1>, vector<16xi32>
      %broadcast_in_dim3A_683 = vector.shape_cast %select_n3A_682 : vector<16xi32> to vector<16x1xi32>
      %gather3A_684 = vector.shape_cast %broadcast_in_dim3A_683 : vector<16x1xi32> to vector<16xi32>
      %gather3A_685 = tpu.dynamic_gather %parallel_loop3A_199#6[%gather3A_684] in [0] : vector<16xf32>, vector<16xi32> -> vector<16xf32>
      %add3A_686 = arith.addf %parallel_loop3A_199#6, %gather3A_685 : vector<16xf32>
      %xor3A_687 = arith.constant 2 : i32
      %xor3A_688 = vector.broadcast %xor3A_687 : i32 to vector<16xi32>
      %xor3A_689 = arith.xori %iota3A_672, %xor3A_688 : vector<16xi32>
      %lt3A_690 = arith.constant 0 : i32
      %lt3A_691 = vector.broadcast %lt3A_690 : i32 to vector<16xi32>
      %lt3A_692 = arith.cmpi slt, %xor3A_689, %lt3A_691 : vector<16xi32>
      %add3A_693 = arith.constant 16 : i32
      %add3A_694 = vector.broadcast %add3A_693 : i32 to vector<16xi32>
      %add3A_695 = arith.addi %xor3A_689, %add3A_694 : vector<16xi32>
      %select_n3A_696 = arith.select %lt3A_692, %add3A_695, %xor3A_689 : vector<16xi1>, vector<16xi32>
      %broadcast_in_dim3A_697 = vector.shape_cast %select_n3A_696 : vector<16xi32> to vector<16x1xi32>
      %gather3A_698 = vector.shape_cast %broadcast_in_dim3A_697 : vector<16x1xi32> to vector<16xi32>
      %gather3A_699 = tpu.dynamic_gather %add3A_686[%gather3A_698] in [0] : vector<16xf32>, vector<16xi32> -> vector<16xf32>
      %add3A_700 = arith.addf %add3A_686, %gather3A_699 : vector<16xf32>
      %xor3A_701 = arith.constant 4 : i32
      %xor3A_702 = vector.broadcast %xor3A_701 : i32 to vector<16xi32>
      %xor3A_703 = arith.xori %iota3A_672, %xor3A_702 : vector<16xi32>
      %lt3A_704 = arith.constant 0 : i32
      %lt3A_705 = vector.broadcast %lt3A_704 : i32 to vector<16xi32>
      %lt3A_706 = arith.cmpi slt, %xor3A_703, %lt3A_705 : vector<16xi32>
      %add3A_707 = arith.constant 16 : i32
      %add3A_708 = vector.broadcast %add3A_707 : i32 to vector<16xi32>
      %add3A_709 = arith.addi %xor3A_703, %add3A_708 : vector<16xi32>
      %select_n3A_710 = arith.select %lt3A_706, %add3A_709, %xor3A_703 : vector<16xi1>, vector<16xi32>
      %broadcast_in_dim3A_711 = vector.shape_cast %select_n3A_710 : vector<16xi32> to vector<16x1xi32>
      %gather3A_712 = vector.shape_cast %broadcast_in_dim3A_711 : vector<16x1xi32> to vector<16xi32>
      %gather3A_713 = tpu.dynamic_gather %add3A_700[%gather3A_712] in [0] : vector<16xf32>, vector<16xi32> -> vector<16xf32>
      %add3A_714 = arith.addf %add3A_700, %gather3A_713 : vector<16xf32>
      %xor3A_715 = arith.constant 8 : i32
      %xor3A_716 = vector.broadcast %xor3A_715 : i32 to vector<16xi32>
      %xor3A_717 = arith.xori %iota3A_672, %xor3A_716 : vector<16xi32>
      %lt3A_718 = arith.constant 0 : i32
      %lt3A_719 = vector.broadcast %lt3A_718 : i32 to vector<16xi32>
      %lt3A_720 = arith.cmpi slt, %xor3A_717, %lt3A_719 : vector<16xi32>
      %add3A_721 = arith.constant 16 : i32
      %add3A_722 = vector.broadcast %add3A_721 : i32 to vector<16xi32>
      %add3A_723 = arith.addi %xor3A_717, %add3A_722 : vector<16xi32>
      %select_n3A_724 = arith.select %lt3A_720, %add3A_723, %xor3A_717 : vector<16xi1>, vector<16xi32>
      %broadcast_in_dim3A_725 = vector.shape_cast %select_n3A_724 : vector<16xi32> to vector<16x1xi32>
      %gather3A_726 = vector.shape_cast %broadcast_in_dim3A_725 : vector<16x1xi32> to vector<16xi32>
      %gather3A_727 = tpu.dynamic_gather %add3A_714[%gather3A_726] in [0] : vector<16xf32>, vector<16xi32> -> vector<16xf32>
      %add3A_728 = arith.addf %add3A_714, %gather3A_727 : vector<16xf32>
      %mul3A_729 = arith.constant 4.8828125E-4 : f32
      %mul3A_730 = vector.broadcast %mul3A_729 : f32 to vector<16xf32>
      %mul3A_731 = arith.mulf %add3A_728, %mul3A_730 : vector<16xf32>
      %iota3A_732 = tpu.iota {dimensions = array<i32: 0>} : vector<16xi32>
      %xor3A_733 = arith.constant 1 : i32
      %xor3A_734 = vector.broadcast %xor3A_733 : i32 to vector<16xi32>
      %xor3A_735 = arith.xori %iota3A_732, %xor3A_734 : vector<16xi32>
      %lt3A_736 = arith.constant 0 : i32
      %lt3A_737 = vector.broadcast %lt3A_736 : i32 to vector<16xi32>
      %lt3A_738 = arith.cmpi slt, %xor3A_735, %lt3A_737 : vector<16xi32>
      %add3A_739 = arith.constant 16 : i32
      %add3A_740 = vector.broadcast %add3A_739 : i32 to vector<16xi32>
      %add3A_741 = arith.addi %xor3A_735, %add3A_740 : vector<16xi32>
      %select_n3A_742 = arith.select %lt3A_738, %add3A_741, %xor3A_735 : vector<16xi1>, vector<16xi32>
      %broadcast_in_dim3A_743 = vector.shape_cast %select_n3A_742 : vector<16xi32> to vector<16x1xi32>
      %gather3A_744 = vector.shape_cast %broadcast_in_dim3A_743 : vector<16x1xi32> to vector<16xi32>
      %gather3A_745 = tpu.dynamic_gather %parallel_loop3A_199#7[%gather3A_744] in [0] : vector<16xf32>, vector<16xi32> -> vector<16xf32>
      %add3A_746 = arith.addf %parallel_loop3A_199#7, %gather3A_745 : vector<16xf32>
      %xor3A_747 = arith.constant 2 : i32
      %xor3A_748 = vector.broadcast %xor3A_747 : i32 to vector<16xi32>
      %xor3A_749 = arith.xori %iota3A_732, %xor3A_748 : vector<16xi32>
      %lt3A_750 = arith.constant 0 : i32
      %lt3A_751 = vector.broadcast %lt3A_750 : i32 to vector<16xi32>
      %lt3A_752 = arith.cmpi slt, %xor3A_749, %lt3A_751 : vector<16xi32>
      %add3A_753 = arith.constant 16 : i32
      %add3A_754 = vector.broadcast %add3A_753 : i32 to vector<16xi32>
      %add3A_755 = arith.addi %xor3A_749, %add3A_754 : vector<16xi32>
      %select_n3A_756 = arith.select %lt3A_752, %add3A_755, %xor3A_749 : vector<16xi1>, vector<16xi32>
      %broadcast_in_dim3A_757 = vector.shape_cast %select_n3A_756 : vector<16xi32> to vector<16x1xi32>
      %gather3A_758 = vector.shape_cast %broadcast_in_dim3A_757 : vector<16x1xi32> to vector<16xi32>
      %gather3A_759 = tpu.dynamic_gather %add3A_746[%gather3A_758] in [0] : vector<16xf32>, vector<16xi32> -> vector<16xf32>
      %add3A_760 = arith.addf %add3A_746, %gather3A_759 : vector<16xf32>
      %xor3A_761 = arith.constant 4 : i32
      %xor3A_762 = vector.broadcast %xor3A_761 : i32 to vector<16xi32>
      %xor3A_763 = arith.xori %iota3A_732, %xor3A_762 : vector<16xi32>
      %lt3A_764 = arith.constant 0 : i32
      %lt3A_765 = vector.broadcast %lt3A_764 : i32 to vector<16xi32>
      %lt3A_766 = arith.cmpi slt, %xor3A_763, %lt3A_765 : vector<16xi32>
      %add3A_767 = arith.constant 16 : i32
      %add3A_768 = vector.broadcast %add3A_767 : i32 to vector<16xi32>
      %add3A_769 = arith.addi %xor3A_763, %add3A_768 : vector<16xi32>
      %select_n3A_770 = arith.select %lt3A_766, %add3A_769, %xor3A_763 : vector<16xi1>, vector<16xi32>
      %broadcast_in_dim3A_771 = vector.shape_cast %select_n3A_770 : vector<16xi32> to vector<16x1xi32>
      %gather3A_772 = vector.shape_cast %broadcast_in_dim3A_771 : vector<16x1xi32> to vector<16xi32>
      %gather3A_773 = tpu.dynamic_gather %add3A_760[%gather3A_772] in [0] : vector<16xf32>, vector<16xi32> -> vector<16xf32>
      %add3A_774 = arith.addf %add3A_760, %gather3A_773 : vector<16xf32>
      %xor3A_775 = arith.constant 8 : i32
      %xor3A_776 = vector.broadcast %xor3A_775 : i32 to vector<16xi32>
      %xor3A_777 = arith.xori %iota3A_732, %xor3A_776 : vector<16xi32>
      %lt3A_778 = arith.constant 0 : i32
      %lt3A_779 = vector.broadcast %lt3A_778 : i32 to vector<16xi32>
      %lt3A_780 = arith.cmpi slt, %xor3A_777, %lt3A_779 : vector<16xi32>
      %add3A_781 = arith.constant 16 : i32
      %add3A_782 = vector.broadcast %add3A_781 : i32 to vector<16xi32>
      %add3A_783 = arith.addi %xor3A_777, %add3A_782 : vector<16xi32>
      %select_n3A_784 = arith.select %lt3A_780, %add3A_783, %xor3A_777 : vector<16xi1>, vector<16xi32>
      %broadcast_in_dim3A_785 = vector.shape_cast %select_n3A_784 : vector<16xi32> to vector<16x1xi32>
      %gather3A_786 = vector.shape_cast %broadcast_in_dim3A_785 : vector<16x1xi32> to vector<16xi32>
      %gather3A_787 = tpu.dynamic_gather %add3A_774[%gather3A_786] in [0] : vector<16xf32>, vector<16xi32> -> vector<16xf32>
      %add3A_788 = arith.addf %add3A_774, %gather3A_787 : vector<16xf32>
      %mul3A_789 = arith.constant 4.8828125E-4 : f32
      %mul3A_790 = vector.broadcast %mul3A_789 : f32 to vector<16xf32>
      %mul3A_791 = arith.mulf %add3A_788, %mul3A_790 : vector<16xf32>
      %mul3A_792 = arith.mulf %mul3A_731, %mul3A_731 : vector<16xf32>
      %sub3A_793 = arith.subf %mul3A_791, %mul3A_792 : vector<16xf32>
      %add3A_794 = arith.constant 9.99999997E-7 : f32
      %add3A_795 = vector.broadcast %add3A_794 : f32 to vector<16xf32>
      %add3A_796 = arith.addf %sub3A_793, %add3A_795 : vector<16xf32>
      %bitcast_convert_type3A_797 = tpu.bitcast %add3A_796 : vector<16xf32> -> vector<16xi32>
      %broadcast_in_dim3A_798 = arith.constant 1597463007 : i32
      %broadcast_in_dim3A_799 = vector.broadcast %broadcast_in_dim3A_798 : i32 to vector<16xi32>
      %shift_right_arithmetic3A_800 = arith.constant 1 : i32
      %shift_right_arithmetic3A_801 = vector.broadcast %shift_right_arithmetic3A_800 : i32 to vector<16xi32>
      %shift_right_arithmetic3A_802 = arith.shrsi %bitcast_convert_type3A_797, %shift_right_arithmetic3A_801 : vector<16xi32>
      %sub3A_803 = arith.subi %broadcast_in_dim3A_799, %shift_right_arithmetic3A_802 : vector<16xi32>
      %bitcast_convert_type3A_804 = tpu.bitcast %sub3A_803 : vector<16xi32> -> vector<16xf32>
      %mul3A_805 = arith.constant 5.000000e-01 : f32
      %mul3A_806 = vector.broadcast %mul3A_805 : f32 to vector<16xf32>
      %mul3A_807 = arith.mulf %mul3A_806, %add3A_796 : vector<16xf32>
      %mul3A_808 = arith.mulf %mul3A_807, %bitcast_convert_type3A_804 : vector<16xf32>
      %mul3A_809 = arith.mulf %mul3A_808, %bitcast_convert_type3A_804 : vector<16xf32>
      %sub3A_810 = arith.constant 1.500000e+00 : f32
      %sub3A_811 = vector.broadcast %sub3A_810 : f32 to vector<16xf32>
      %sub3A_812 = arith.subf %sub3A_811, %mul3A_809 : vector<16xf32>
      %mul3A_813 = arith.mulf %bitcast_convert_type3A_804, %sub3A_812 : vector<16xf32>
      %mul3A_814 = arith.constant 5.000000e-01 : f32
      %mul3A_815 = vector.broadcast %mul3A_814 : f32 to vector<16xf32>
      %mul3A_816 = arith.mulf %mul3A_815, %add3A_796 : vector<16xf32>
      %mul3A_817 = arith.mulf %mul3A_816, %mul3A_813 : vector<16xf32>
      %mul3A_818 = arith.mulf %mul3A_817, %mul3A_813 : vector<16xf32>
      %sub3A_819 = arith.constant 1.500000e+00 : f32
      %sub3A_820 = vector.broadcast %sub3A_819 : f32 to vector<16xf32>
      %sub3A_821 = arith.subf %sub3A_820, %mul3A_818 : vector<16xf32>
      %mul3A_822 = arith.mulf %mul3A_813, %sub3A_821 : vector<16xf32>
      %mul3A_823 = arith.constant 5.000000e-01 : f32
      %mul3A_824 = vector.broadcast %mul3A_823 : f32 to vector<16xf32>
      %mul3A_825 = arith.mulf %mul3A_824, %add3A_796 : vector<16xf32>
      %mul3A_826 = arith.mulf %mul3A_825, %mul3A_822 : vector<16xf32>
      %mul3A_827 = arith.mulf %mul3A_826, %mul3A_822 : vector<16xf32>
      %sub3A_828 = arith.constant 1.500000e+00 : f32
      %sub3A_829 = vector.broadcast %sub3A_828 : f32 to vector<16xf32>
      %sub3A_830 = arith.subf %sub3A_829, %mul3A_827 : vector<16xf32>
      %mul3A_831 = arith.mulf %mul3A_822, %sub3A_830 : vector<16xf32>
      %iota3A_832 = tpu.iota {dimensions = array<i32: 0>} : vector<16xi32>
      %xor3A_833 = arith.constant 1 : i32
      %xor3A_834 = vector.broadcast %xor3A_833 : i32 to vector<16xi32>
      %xor3A_835 = arith.xori %iota3A_832, %xor3A_834 : vector<16xi32>
      %lt3A_836 = arith.constant 0 : i32
      %lt3A_837 = vector.broadcast %lt3A_836 : i32 to vector<16xi32>
      %lt3A_838 = arith.cmpi slt, %xor3A_835, %lt3A_837 : vector<16xi32>
      %add3A_839 = arith.constant 16 : i32
      %add3A_840 = vector.broadcast %add3A_839 : i32 to vector<16xi32>
      %add3A_841 = arith.addi %xor3A_835, %add3A_840 : vector<16xi32>
      %select_n3A_842 = arith.select %lt3A_838, %add3A_841, %xor3A_835 : vector<16xi1>, vector<16xi32>
      %broadcast_in_dim3A_843 = vector.shape_cast %select_n3A_842 : vector<16xi32> to vector<16x1xi32>
      %gather3A_844 = vector.shape_cast %broadcast_in_dim3A_843 : vector<16x1xi32> to vector<16xi32>
      %gather3A_845 = tpu.dynamic_gather %parallel_loop3A_199#8[%gather3A_844] in [0] : vector<16xf32>, vector<16xi32> -> vector<16xf32>
      %add3A_846 = arith.addf %parallel_loop3A_199#8, %gather3A_845 : vector<16xf32>
      %xor3A_847 = arith.constant 2 : i32
      %xor3A_848 = vector.broadcast %xor3A_847 : i32 to vector<16xi32>
      %xor3A_849 = arith.xori %iota3A_832, %xor3A_848 : vector<16xi32>
      %lt3A_850 = arith.constant 0 : i32
      %lt3A_851 = vector.broadcast %lt3A_850 : i32 to vector<16xi32>
      %lt3A_852 = arith.cmpi slt, %xor3A_849, %lt3A_851 : vector<16xi32>
      %add3A_853 = arith.constant 16 : i32
      %add3A_854 = vector.broadcast %add3A_853 : i32 to vector<16xi32>
      %add3A_855 = arith.addi %xor3A_849, %add3A_854 : vector<16xi32>
      %select_n3A_856 = arith.select %lt3A_852, %add3A_855, %xor3A_849 : vector<16xi1>, vector<16xi32>
      %broadcast_in_dim3A_857 = vector.shape_cast %select_n3A_856 : vector<16xi32> to vector<16x1xi32>
      %gather3A_858 = vector.shape_cast %broadcast_in_dim3A_857 : vector<16x1xi32> to vector<16xi32>
      %gather3A_859 = tpu.dynamic_gather %add3A_846[%gather3A_858] in [0] : vector<16xf32>, vector<16xi32> -> vector<16xf32>
      %add3A_860 = arith.addf %add3A_846, %gather3A_859 : vector<16xf32>
      %xor3A_861 = arith.constant 4 : i32
      %xor3A_862 = vector.broadcast %xor3A_861 : i32 to vector<16xi32>
      %xor3A_863 = arith.xori %iota3A_832, %xor3A_862 : vector<16xi32>
      %lt3A_864 = arith.constant 0 : i32
      %lt3A_865 = vector.broadcast %lt3A_864 : i32 to vector<16xi32>
      %lt3A_866 = arith.cmpi slt, %xor3A_863, %lt3A_865 : vector<16xi32>
      %add3A_867 = arith.constant 16 : i32
      %add3A_868 = vector.broadcast %add3A_867 : i32 to vector<16xi32>
      %add3A_869 = arith.addi %xor3A_863, %add3A_868 : vector<16xi32>
      %select_n3A_870 = arith.select %lt3A_866, %add3A_869, %xor3A_863 : vector<16xi1>, vector<16xi32>
      %broadcast_in_dim3A_871 = vector.shape_cast %select_n3A_870 : vector<16xi32> to vector<16x1xi32>
      %gather3A_872 = vector.shape_cast %broadcast_in_dim3A_871 : vector<16x1xi32> to vector<16xi32>
      %gather3A_873 = tpu.dynamic_gather %add3A_860[%gather3A_872] in [0] : vector<16xf32>, vector<16xi32> -> vector<16xf32>
      %add3A_874 = arith.addf %add3A_860, %gather3A_873 : vector<16xf32>
      %xor3A_875 = arith.constant 8 : i32
      %xor3A_876 = vector.broadcast %xor3A_875 : i32 to vector<16xi32>
      %xor3A_877 = arith.xori %iota3A_832, %xor3A_876 : vector<16xi32>
      %lt3A_878 = arith.constant 0 : i32
      %lt3A_879 = vector.broadcast %lt3A_878 : i32 to vector<16xi32>
      %lt3A_880 = arith.cmpi slt, %xor3A_877, %lt3A_879 : vector<16xi32>
      %add3A_881 = arith.constant 16 : i32
      %add3A_882 = vector.broadcast %add3A_881 : i32 to vector<16xi32>
      %add3A_883 = arith.addi %xor3A_877, %add3A_882 : vector<16xi32>
      %select_n3A_884 = arith.select %lt3A_880, %add3A_883, %xor3A_877 : vector<16xi1>, vector<16xi32>
      %broadcast_in_dim3A_885 = vector.shape_cast %select_n3A_884 : vector<16xi32> to vector<16x1xi32>
      %gather3A_886 = vector.shape_cast %broadcast_in_dim3A_885 : vector<16x1xi32> to vector<16xi32>
      %gather3A_887 = tpu.dynamic_gather %add3A_874[%gather3A_886] in [0] : vector<16xf32>, vector<16xi32> -> vector<16xf32>
      %add3A_888 = arith.addf %add3A_874, %gather3A_887 : vector<16xf32>
      %mul3A_889 = arith.constant 4.8828125E-4 : f32
      %mul3A_890 = vector.broadcast %mul3A_889 : f32 to vector<16xf32>
      %mul3A_891 = arith.mulf %add3A_888, %mul3A_890 : vector<16xf32>
      %iota3A_892 = tpu.iota {dimensions = array<i32: 0>} : vector<16xi32>
      %xor3A_893 = arith.constant 1 : i32
      %xor3A_894 = vector.broadcast %xor3A_893 : i32 to vector<16xi32>
      %xor3A_895 = arith.xori %iota3A_892, %xor3A_894 : vector<16xi32>
      %lt3A_896 = arith.constant 0 : i32
      %lt3A_897 = vector.broadcast %lt3A_896 : i32 to vector<16xi32>
      %lt3A_898 = arith.cmpi slt, %xor3A_895, %lt3A_897 : vector<16xi32>
      %add3A_899 = arith.constant 16 : i32
      %add3A_900 = vector.broadcast %add3A_899 : i32 to vector<16xi32>
      %add3A_901 = arith.addi %xor3A_895, %add3A_900 : vector<16xi32>
      %select_n3A_902 = arith.select %lt3A_898, %add3A_901, %xor3A_895 : vector<16xi1>, vector<16xi32>
      %broadcast_in_dim3A_903 = vector.shape_cast %select_n3A_902 : vector<16xi32> to vector<16x1xi32>
      %gather3A_904 = vector.shape_cast %broadcast_in_dim3A_903 : vector<16x1xi32> to vector<16xi32>
      %gather3A_905 = tpu.dynamic_gather %parallel_loop3A_199#9[%gather3A_904] in [0] : vector<16xf32>, vector<16xi32> -> vector<16xf32>
      %add3A_906 = arith.addf %parallel_loop3A_199#9, %gather3A_905 : vector<16xf32>
      %xor3A_907 = arith.constant 2 : i32
      %xor3A_908 = vector.broadcast %xor3A_907 : i32 to vector<16xi32>
      %xor3A_909 = arith.xori %iota3A_892, %xor3A_908 : vector<16xi32>
      %lt3A_910 = arith.constant 0 : i32
      %lt3A_911 = vector.broadcast %lt3A_910 : i32 to vector<16xi32>
      %lt3A_912 = arith.cmpi slt, %xor3A_909, %lt3A_911 : vector<16xi32>
      %add3A_913 = arith.constant 16 : i32
      %add3A_914 = vector.broadcast %add3A_913 : i32 to vector<16xi32>
      %add3A_915 = arith.addi %xor3A_909, %add3A_914 : vector<16xi32>
      %select_n3A_916 = arith.select %lt3A_912, %add3A_915, %xor3A_909 : vector<16xi1>, vector<16xi32>
      %broadcast_in_dim3A_917 = vector.shape_cast %select_n3A_916 : vector<16xi32> to vector<16x1xi32>
      %gather3A_918 = vector.shape_cast %broadcast_in_dim3A_917 : vector<16x1xi32> to vector<16xi32>
      %gather3A_919 = tpu.dynamic_gather %add3A_906[%gather3A_918] in [0] : vector<16xf32>, vector<16xi32> -> vector<16xf32>
      %add3A_920 = arith.addf %add3A_906, %gather3A_919 : vector<16xf32>
      %xor3A_921 = arith.constant 4 : i32
      %xor3A_922 = vector.broadcast %xor3A_921 : i32 to vector<16xi32>
      %xor3A_923 = arith.xori %iota3A_892, %xor3A_922 : vector<16xi32>
      %lt3A_924 = arith.constant 0 : i32
      %lt3A_925 = vector.broadcast %lt3A_924 : i32 to vector<16xi32>
      %lt3A_926 = arith.cmpi slt, %xor3A_923, %lt3A_925 : vector<16xi32>
      %add3A_927 = arith.constant 16 : i32
      %add3A_928 = vector.broadcast %add3A_927 : i32 to vector<16xi32>
      %add3A_929 = arith.addi %xor3A_923, %add3A_928 : vector<16xi32>
      %select_n3A_930 = arith.select %lt3A_926, %add3A_929, %xor3A_923 : vector<16xi1>, vector<16xi32>
      %broadcast_in_dim3A_931 = vector.shape_cast %select_n3A_930 : vector<16xi32> to vector<16x1xi32>
      %gather3A_932 = vector.shape_cast %broadcast_in_dim3A_931 : vector<16x1xi32> to vector<16xi32>
      %gather3A_933 = tpu.dynamic_gather %add3A_920[%gather3A_932] in [0] : vector<16xf32>, vector<16xi32> -> vector<16xf32>
      %add3A_934 = arith.addf %add3A_920, %gather3A_933 : vector<16xf32>
      %xor3A_935 = arith.constant 8 : i32
      %xor3A_936 = vector.broadcast %xor3A_935 : i32 to vector<16xi32>
      %xor3A_937 = arith.xori %iota3A_892, %xor3A_936 : vector<16xi32>
      %lt3A_938 = arith.constant 0 : i32
      %lt3A_939 = vector.broadcast %lt3A_938 : i32 to vector<16xi32>
      %lt3A_940 = arith.cmpi slt, %xor3A_937, %lt3A_939 : vector<16xi32>
      %add3A_941 = arith.constant 16 : i32
      %add3A_942 = vector.broadcast %add3A_941 : i32 to vector<16xi32>
      %add3A_943 = arith.addi %xor3A_937, %add3A_942 : vector<16xi32>
      %select_n3A_944 = arith.select %lt3A_940, %add3A_943, %xor3A_937 : vector<16xi1>, vector<16xi32>
      %broadcast_in_dim3A_945 = vector.shape_cast %select_n3A_944 : vector<16xi32> to vector<16x1xi32>
      %gather3A_946 = vector.shape_cast %broadcast_in_dim3A_945 : vector<16x1xi32> to vector<16xi32>
      %gather3A_947 = tpu.dynamic_gather %add3A_934[%gather3A_946] in [0] : vector<16xf32>, vector<16xi32> -> vector<16xf32>
      %add3A_948 = arith.addf %add3A_934, %gather3A_947 : vector<16xf32>
      %mul3A_949 = arith.constant 4.8828125E-4 : f32
      %mul3A_950 = vector.broadcast %mul3A_949 : f32 to vector<16xf32>
      %mul3A_951 = arith.mulf %add3A_948, %mul3A_950 : vector<16xf32>
      %mul3A_952 = arith.mulf %mul3A_891, %mul3A_891 : vector<16xf32>
      %sub3A_953 = arith.subf %mul3A_951, %mul3A_952 : vector<16xf32>
      %add3A_954 = arith.constant 9.99999997E-7 : f32
      %add3A_955 = vector.broadcast %add3A_954 : f32 to vector<16xf32>
      %add3A_956 = arith.addf %sub3A_953, %add3A_955 : vector<16xf32>
      %bitcast_convert_type3A_957 = tpu.bitcast %add3A_956 : vector<16xf32> -> vector<16xi32>
      %broadcast_in_dim3A_958 = arith.constant 1597463007 : i32
      %broadcast_in_dim3A_959 = vector.broadcast %broadcast_in_dim3A_958 : i32 to vector<16xi32>
      %shift_right_arithmetic3A_960 = arith.constant 1 : i32
      %shift_right_arithmetic3A_961 = vector.broadcast %shift_right_arithmetic3A_960 : i32 to vector<16xi32>
      %shift_right_arithmetic3A_962 = arith.shrsi %bitcast_convert_type3A_957, %shift_right_arithmetic3A_961 : vector<16xi32>
      %sub3A_963 = arith.subi %broadcast_in_dim3A_959, %shift_right_arithmetic3A_962 : vector<16xi32>
      %bitcast_convert_type3A_964 = tpu.bitcast %sub3A_963 : vector<16xi32> -> vector<16xf32>
      %mul3A_965 = arith.constant 5.000000e-01 : f32
      %mul3A_966 = vector.broadcast %mul3A_965 : f32 to vector<16xf32>
      %mul3A_967 = arith.mulf %mul3A_966, %add3A_956 : vector<16xf32>
      %mul3A_968 = arith.mulf %mul3A_967, %bitcast_convert_type3A_964 : vector<16xf32>
      %mul3A_969 = arith.mulf %mul3A_968, %bitcast_convert_type3A_964 : vector<16xf32>
      %sub3A_970 = arith.constant 1.500000e+00 : f32
      %sub3A_971 = vector.broadcast %sub3A_970 : f32 to vector<16xf32>
      %sub3A_972 = arith.subf %sub3A_971, %mul3A_969 : vector<16xf32>
      %mul3A_973 = arith.mulf %bitcast_convert_type3A_964, %sub3A_972 : vector<16xf32>
      %mul3A_974 = arith.constant 5.000000e-01 : f32
      %mul3A_975 = vector.broadcast %mul3A_974 : f32 to vector<16xf32>
      %mul3A_976 = arith.mulf %mul3A_975, %add3A_956 : vector<16xf32>
      %mul3A_977 = arith.mulf %mul3A_976, %mul3A_973 : vector<16xf32>
      %mul3A_978 = arith.mulf %mul3A_977, %mul3A_973 : vector<16xf32>
      %sub3A_979 = arith.constant 1.500000e+00 : f32
      %sub3A_980 = vector.broadcast %sub3A_979 : f32 to vector<16xf32>
      %sub3A_981 = arith.subf %sub3A_980, %mul3A_978 : vector<16xf32>
      %mul3A_982 = arith.mulf %mul3A_973, %sub3A_981 : vector<16xf32>
      %mul3A_983 = arith.constant 5.000000e-01 : f32
      %mul3A_984 = vector.broadcast %mul3A_983 : f32 to vector<16xf32>
      %mul3A_985 = arith.mulf %mul3A_984, %add3A_956 : vector<16xf32>
      %mul3A_986 = arith.mulf %mul3A_985, %mul3A_982 : vector<16xf32>
      %mul3A_987 = arith.mulf %mul3A_986, %mul3A_982 : vector<16xf32>
      %sub3A_988 = arith.constant 1.500000e+00 : f32
      %sub3A_989 = vector.broadcast %sub3A_988 : f32 to vector<16xf32>
      %sub3A_990 = arith.subf %sub3A_989, %mul3A_987 : vector<16xf32>
      %mul3A_991 = arith.mulf %mul3A_982, %sub3A_990 : vector<16xf32>
      %iota3A_992 = tpu.iota {dimensions = array<i32: 0>} : vector<16xi32>
      %xor3A_993 = arith.constant 1 : i32
      %xor3A_994 = vector.broadcast %xor3A_993 : i32 to vector<16xi32>
      %xor3A_995 = arith.xori %iota3A_992, %xor3A_994 : vector<16xi32>
      %lt3A_996 = arith.constant 0 : i32
      %lt3A_997 = vector.broadcast %lt3A_996 : i32 to vector<16xi32>
      %lt3A_998 = arith.cmpi slt, %xor3A_995, %lt3A_997 : vector<16xi32>
      %add3A_999 = arith.constant 16 : i32
      %add3A_1000 = vector.broadcast %add3A_999 : i32 to vector<16xi32>
      %add3A_1001 = arith.addi %xor3A_995, %add3A_1000 : vector<16xi32>
      %select_n3A_1002 = arith.select %lt3A_998, %add3A_1001, %xor3A_995 : vector<16xi1>, vector<16xi32>
      %broadcast_in_dim3A_1003 = vector.shape_cast %select_n3A_1002 : vector<16xi32> to vector<16x1xi32>
      %gather3A_1004 = vector.shape_cast %broadcast_in_dim3A_1003 : vector<16x1xi32> to vector<16xi32>
      %gather3A_1005 = tpu.dynamic_gather %parallel_loop3A_199#10[%gather3A_1004] in [0] : vector<16xf32>, vector<16xi32> -> vector<16xf32>
      %add3A_1006 = arith.addf %parallel_loop3A_199#10, %gather3A_1005 : vector<16xf32>
      %xor3A_1007 = arith.constant 2 : i32
      %xor3A_1008 = vector.broadcast %xor3A_1007 : i32 to vector<16xi32>
      %xor3A_1009 = arith.xori %iota3A_992, %xor3A_1008 : vector<16xi32>
      %lt3A_1010 = arith.constant 0 : i32
      %lt3A_1011 = vector.broadcast %lt3A_1010 : i32 to vector<16xi32>
      %lt3A_1012 = arith.cmpi slt, %xor3A_1009, %lt3A_1011 : vector<16xi32>
      %add3A_1013 = arith.constant 16 : i32
      %add3A_1014 = vector.broadcast %add3A_1013 : i32 to vector<16xi32>
      %add3A_1015 = arith.addi %xor3A_1009, %add3A_1014 : vector<16xi32>
      %select_n3A_1016 = arith.select %lt3A_1012, %add3A_1015, %xor3A_1009 : vector<16xi1>, vector<16xi32>
      %broadcast_in_dim3A_1017 = vector.shape_cast %select_n3A_1016 : vector<16xi32> to vector<16x1xi32>
      %gather3A_1018 = vector.shape_cast %broadcast_in_dim3A_1017 : vector<16x1xi32> to vector<16xi32>
      %gather3A_1019 = tpu.dynamic_gather %add3A_1006[%gather3A_1018] in [0] : vector<16xf32>, vector<16xi32> -> vector<16xf32>
      %add3A_1020 = arith.addf %add3A_1006, %gather3A_1019 : vector<16xf32>
      %xor3A_1021 = arith.constant 4 : i32
      %xor3A_1022 = vector.broadcast %xor3A_1021 : i32 to vector<16xi32>
      %xor3A_1023 = arith.xori %iota3A_992, %xor3A_1022 : vector<16xi32>
      %lt3A_1024 = arith.constant 0 : i32
      %lt3A_1025 = vector.broadcast %lt3A_1024 : i32 to vector<16xi32>
      %lt3A_1026 = arith.cmpi slt, %xor3A_1023, %lt3A_1025 : vector<16xi32>
      %add3A_1027 = arith.constant 16 : i32
      %add3A_1028 = vector.broadcast %add3A_1027 : i32 to vector<16xi32>
      %add3A_1029 = arith.addi %xor3A_1023, %add3A_1028 : vector<16xi32>
      %select_n3A_1030 = arith.select %lt3A_1026, %add3A_1029, %xor3A_1023 : vector<16xi1>, vector<16xi32>
      %broadcast_in_dim3A_1031 = vector.shape_cast %select_n3A_1030 : vector<16xi32> to vector<16x1xi32>
      %gather3A_1032 = vector.shape_cast %broadcast_in_dim3A_1031 : vector<16x1xi32> to vector<16xi32>
      %gather3A_1033 = tpu.dynamic_gather %add3A_1020[%gather3A_1032] in [0] : vector<16xf32>, vector<16xi32> -> vector<16xf32>
      %add3A_1034 = arith.addf %add3A_1020, %gather3A_1033 : vector<16xf32>
      %xor3A_1035 = arith.constant 8 : i32
      %xor3A_1036 = vector.broadcast %xor3A_1035 : i32 to vector<16xi32>
      %xor3A_1037 = arith.xori %iota3A_992, %xor3A_1036 : vector<16xi32>
      %lt3A_1038 = arith.constant 0 : i32
      %lt3A_1039 = vector.broadcast %lt3A_1038 : i32 to vector<16xi32>
      %lt3A_1040 = arith.cmpi slt, %xor3A_1037, %lt3A_1039 : vector<16xi32>
      %add3A_1041 = arith.constant 16 : i32
      %add3A_1042 = vector.broadcast %add3A_1041 : i32 to vector<16xi32>
      %add3A_1043 = arith.addi %xor3A_1037, %add3A_1042 : vector<16xi32>
      %select_n3A_1044 = arith.select %lt3A_1040, %add3A_1043, %xor3A_1037 : vector<16xi1>, vector<16xi32>
      %broadcast_in_dim3A_1045 = vector.shape_cast %select_n3A_1044 : vector<16xi32> to vector<16x1xi32>
      %gather3A_1046 = vector.shape_cast %broadcast_in_dim3A_1045 : vector<16x1xi32> to vector<16xi32>
      %gather3A_1047 = tpu.dynamic_gather %add3A_1034[%gather3A_1046] in [0] : vector<16xf32>, vector<16xi32> -> vector<16xf32>
      %add3A_1048 = arith.addf %add3A_1034, %gather3A_1047 : vector<16xf32>
      %mul3A_1049 = arith.constant 4.8828125E-4 : f32
      %mul3A_1050 = vector.broadcast %mul3A_1049 : f32 to vector<16xf32>
      %mul3A_1051 = arith.mulf %add3A_1048, %mul3A_1050 : vector<16xf32>
      %iota3A_1052 = tpu.iota {dimensions = array<i32: 0>} : vector<16xi32>
      %xor3A_1053 = arith.constant 1 : i32
      %xor3A_1054 = vector.broadcast %xor3A_1053 : i32 to vector<16xi32>
      %xor3A_1055 = arith.xori %iota3A_1052, %xor3A_1054 : vector<16xi32>
      %lt3A_1056 = arith.constant 0 : i32
      %lt3A_1057 = vector.broadcast %lt3A_1056 : i32 to vector<16xi32>
      %lt3A_1058 = arith.cmpi slt, %xor3A_1055, %lt3A_1057 : vector<16xi32>
      %add3A_1059 = arith.constant 16 : i32
      %add3A_1060 = vector.broadcast %add3A_1059 : i32 to vector<16xi32>
      %add3A_1061 = arith.addi %xor3A_1055, %add3A_1060 : vector<16xi32>
      %select_n3A_1062 = arith.select %lt3A_1058, %add3A_1061, %xor3A_1055 : vector<16xi1>, vector<16xi32>
      %broadcast_in_dim3A_1063 = vector.shape_cast %select_n3A_1062 : vector<16xi32> to vector<16x1xi32>
      %gather3A_1064 = vector.shape_cast %broadcast_in_dim3A_1063 : vector<16x1xi32> to vector<16xi32>
      %gather3A_1065 = tpu.dynamic_gather %parallel_loop3A_199#11[%gather3A_1064] in [0] : vector<16xf32>, vector<16xi32> -> vector<16xf32>
      %add3A_1066 = arith.addf %parallel_loop3A_199#11, %gather3A_1065 : vector<16xf32>
      %xor3A_1067 = arith.constant 2 : i32
      %xor3A_1068 = vector.broadcast %xor3A_1067 : i32 to vector<16xi32>
      %xor3A_1069 = arith.xori %iota3A_1052, %xor3A_1068 : vector<16xi32>
      %lt3A_1070 = arith.constant 0 : i32
      %lt3A_1071 = vector.broadcast %lt3A_1070 : i32 to vector<16xi32>
      %lt3A_1072 = arith.cmpi slt, %xor3A_1069, %lt3A_1071 : vector<16xi32>
      %add3A_1073 = arith.constant 16 : i32
      %add3A_1074 = vector.broadcast %add3A_1073 : i32 to vector<16xi32>
      %add3A_1075 = arith.addi %xor3A_1069, %add3A_1074 : vector<16xi32>
      %select_n3A_1076 = arith.select %lt3A_1072, %add3A_1075, %xor3A_1069 : vector<16xi1>, vector<16xi32>
      %broadcast_in_dim3A_1077 = vector.shape_cast %select_n3A_1076 : vector<16xi32> to vector<16x1xi32>
      %gather3A_1078 = vector.shape_cast %broadcast_in_dim3A_1077 : vector<16x1xi32> to vector<16xi32>
      %gather3A_1079 = tpu.dynamic_gather %add3A_1066[%gather3A_1078] in [0] : vector<16xf32>, vector<16xi32> -> vector<16xf32>
      %add3A_1080 = arith.addf %add3A_1066, %gather3A_1079 : vector<16xf32>
      %xor3A_1081 = arith.constant 4 : i32
      %xor3A_1082 = vector.broadcast %xor3A_1081 : i32 to vector<16xi32>
      %xor3A_1083 = arith.xori %iota3A_1052, %xor3A_1082 : vector<16xi32>
      %lt3A_1084 = arith.constant 0 : i32
      %lt3A_1085 = vector.broadcast %lt3A_1084 : i32 to vector<16xi32>
      %lt3A_1086 = arith.cmpi slt, %xor3A_1083, %lt3A_1085 : vector<16xi32>
      %add3A_1087 = arith.constant 16 : i32
      %add3A_1088 = vector.broadcast %add3A_1087 : i32 to vector<16xi32>
      %add3A_1089 = arith.addi %xor3A_1083, %add3A_1088 : vector<16xi32>
      %select_n3A_1090 = arith.select %lt3A_1086, %add3A_1089, %xor3A_1083 : vector<16xi1>, vector<16xi32>
      %broadcast_in_dim3A_1091 = vector.shape_cast %select_n3A_1090 : vector<16xi32> to vector<16x1xi32>
      %gather3A_1092 = vector.shape_cast %broadcast_in_dim3A_1091 : vector<16x1xi32> to vector<16xi32>
      %gather3A_1093 = tpu.dynamic_gather %add3A_1080[%gather3A_1092] in [0] : vector<16xf32>, vector<16xi32> -> vector<16xf32>
      %add3A_1094 = arith.addf %add3A_1080, %gather3A_1093 : vector<16xf32>
      %xor3A_1095 = arith.constant 8 : i32
      %xor3A_1096 = vector.broadcast %xor3A_1095 : i32 to vector<16xi32>
      %xor3A_1097 = arith.xori %iota3A_1052, %xor3A_1096 : vector<16xi32>
      %lt3A_1098 = arith.constant 0 : i32
      %lt3A_1099 = vector.broadcast %lt3A_1098 : i32 to vector<16xi32>
      %lt3A_1100 = arith.cmpi slt, %xor3A_1097, %lt3A_1099 : vector<16xi32>
      %add3A_1101 = arith.constant 16 : i32
      %add3A_1102 = vector.broadcast %add3A_1101 : i32 to vector<16xi32>
      %add3A_1103 = arith.addi %xor3A_1097, %add3A_1102 : vector<16xi32>
      %select_n3A_1104 = arith.select %lt3A_1100, %add3A_1103, %xor3A_1097 : vector<16xi1>, vector<16xi32>
      %broadcast_in_dim3A_1105 = vector.shape_cast %select_n3A_1104 : vector<16xi32> to vector<16x1xi32>
      %gather3A_1106 = vector.shape_cast %broadcast_in_dim3A_1105 : vector<16x1xi32> to vector<16xi32>
      %gather3A_1107 = tpu.dynamic_gather %add3A_1094[%gather3A_1106] in [0] : vector<16xf32>, vector<16xi32> -> vector<16xf32>
      %add3A_1108 = arith.addf %add3A_1094, %gather3A_1107 : vector<16xf32>
      %mul3A_1109 = arith.constant 4.8828125E-4 : f32
      %mul3A_1110 = vector.broadcast %mul3A_1109 : f32 to vector<16xf32>
      %mul3A_1111 = arith.mulf %add3A_1108, %mul3A_1110 : vector<16xf32>
      %mul3A_1112 = arith.mulf %mul3A_1051, %mul3A_1051 : vector<16xf32>
      %sub3A_1113 = arith.subf %mul3A_1111, %mul3A_1112 : vector<16xf32>
      %add3A_1114 = arith.constant 9.99999997E-7 : f32
      %add3A_1115 = vector.broadcast %add3A_1114 : f32 to vector<16xf32>
      %add3A_1116 = arith.addf %sub3A_1113, %add3A_1115 : vector<16xf32>
      %bitcast_convert_type3A_1117 = tpu.bitcast %add3A_1116 : vector<16xf32> -> vector<16xi32>
      %broadcast_in_dim3A_1118 = arith.constant 1597463007 : i32
      %broadcast_in_dim3A_1119 = vector.broadcast %broadcast_in_dim3A_1118 : i32 to vector<16xi32>
      %shift_right_arithmetic3A_1120 = arith.constant 1 : i32
      %shift_right_arithmetic3A_1121 = vector.broadcast %shift_right_arithmetic3A_1120 : i32 to vector<16xi32>
      %shift_right_arithmetic3A_1122 = arith.shrsi %bitcast_convert_type3A_1117, %shift_right_arithmetic3A_1121 : vector<16xi32>
      %sub3A_1123 = arith.subi %broadcast_in_dim3A_1119, %shift_right_arithmetic3A_1122 : vector<16xi32>
      %bitcast_convert_type3A_1124 = tpu.bitcast %sub3A_1123 : vector<16xi32> -> vector<16xf32>
      %mul3A_1125 = arith.constant 5.000000e-01 : f32
      %mul3A_1126 = vector.broadcast %mul3A_1125 : f32 to vector<16xf32>
      %mul3A_1127 = arith.mulf %mul3A_1126, %add3A_1116 : vector<16xf32>
      %mul3A_1128 = arith.mulf %mul3A_1127, %bitcast_convert_type3A_1124 : vector<16xf32>
      %mul3A_1129 = arith.mulf %mul3A_1128, %bitcast_convert_type3A_1124 : vector<16xf32>
      %sub3A_1130 = arith.constant 1.500000e+00 : f32
      %sub3A_1131 = vector.broadcast %sub3A_1130 : f32 to vector<16xf32>
      %sub3A_1132 = arith.subf %sub3A_1131, %mul3A_1129 : vector<16xf32>
      %mul3A_1133 = arith.mulf %bitcast_convert_type3A_1124, %sub3A_1132 : vector<16xf32>
      %mul3A_1134 = arith.constant 5.000000e-01 : f32
      %mul3A_1135 = vector.broadcast %mul3A_1134 : f32 to vector<16xf32>
      %mul3A_1136 = arith.mulf %mul3A_1135, %add3A_1116 : vector<16xf32>
      %mul3A_1137 = arith.mulf %mul3A_1136, %mul3A_1133 : vector<16xf32>
      %mul3A_1138 = arith.mulf %mul3A_1137, %mul3A_1133 : vector<16xf32>
      %sub3A_1139 = arith.constant 1.500000e+00 : f32
      %sub3A_1140 = vector.broadcast %sub3A_1139 : f32 to vector<16xf32>
      %sub3A_1141 = arith.subf %sub3A_1140, %mul3A_1138 : vector<16xf32>
      %mul3A_1142 = arith.mulf %mul3A_1133, %sub3A_1141 : vector<16xf32>
      %mul3A_1143 = arith.constant 5.000000e-01 : f32
      %mul3A_1144 = vector.broadcast %mul3A_1143 : f32 to vector<16xf32>
      %mul3A_1145 = arith.mulf %mul3A_1144, %add3A_1116 : vector<16xf32>
      %mul3A_1146 = arith.mulf %mul3A_1145, %mul3A_1142 : vector<16xf32>
      %mul3A_1147 = arith.mulf %mul3A_1146, %mul3A_1142 : vector<16xf32>
      %sub3A_1148 = arith.constant 1.500000e+00 : f32
      %sub3A_1149 = vector.broadcast %sub3A_1148 : f32 to vector<16xf32>
      %sub3A_1150 = arith.subf %sub3A_1149, %mul3A_1147 : vector<16xf32>
      %mul3A_1151 = arith.mulf %mul3A_1142, %sub3A_1150 : vector<16xf32>
      %iota3A_1152 = tpu.iota {dimensions = array<i32: 0>} : vector<16xi32>
      %xor3A_1153 = arith.constant 1 : i32
      %xor3A_1154 = vector.broadcast %xor3A_1153 : i32 to vector<16xi32>
      %xor3A_1155 = arith.xori %iota3A_1152, %xor3A_1154 : vector<16xi32>
      %lt3A_1156 = arith.constant 0 : i32
      %lt3A_1157 = vector.broadcast %lt3A_1156 : i32 to vector<16xi32>
      %lt3A_1158 = arith.cmpi slt, %xor3A_1155, %lt3A_1157 : vector<16xi32>
      %add3A_1159 = arith.constant 16 : i32
      %add3A_1160 = vector.broadcast %add3A_1159 : i32 to vector<16xi32>
      %add3A_1161 = arith.addi %xor3A_1155, %add3A_1160 : vector<16xi32>
      %select_n3A_1162 = arith.select %lt3A_1158, %add3A_1161, %xor3A_1155 : vector<16xi1>, vector<16xi32>
      %broadcast_in_dim3A_1163 = vector.shape_cast %select_n3A_1162 : vector<16xi32> to vector<16x1xi32>
      %gather3A_1164 = vector.shape_cast %broadcast_in_dim3A_1163 : vector<16x1xi32> to vector<16xi32>
      %gather3A_1165 = tpu.dynamic_gather %parallel_loop3A_199#12[%gather3A_1164] in [0] : vector<16xf32>, vector<16xi32> -> vector<16xf32>
      %add3A_1166 = arith.addf %parallel_loop3A_199#12, %gather3A_1165 : vector<16xf32>
      %xor3A_1167 = arith.constant 2 : i32
      %xor3A_1168 = vector.broadcast %xor3A_1167 : i32 to vector<16xi32>
      %xor3A_1169 = arith.xori %iota3A_1152, %xor3A_1168 : vector<16xi32>
      %lt3A_1170 = arith.constant 0 : i32
      %lt3A_1171 = vector.broadcast %lt3A_1170 : i32 to vector<16xi32>
      %lt3A_1172 = arith.cmpi slt, %xor3A_1169, %lt3A_1171 : vector<16xi32>
      %add3A_1173 = arith.constant 16 : i32
      %add3A_1174 = vector.broadcast %add3A_1173 : i32 to vector<16xi32>
      %add3A_1175 = arith.addi %xor3A_1169, %add3A_1174 : vector<16xi32>
      %select_n3A_1176 = arith.select %lt3A_1172, %add3A_1175, %xor3A_1169 : vector<16xi1>, vector<16xi32>
      %broadcast_in_dim3A_1177 = vector.shape_cast %select_n3A_1176 : vector<16xi32> to vector<16x1xi32>
      %gather3A_1178 = vector.shape_cast %broadcast_in_dim3A_1177 : vector<16x1xi32> to vector<16xi32>
      %gather3A_1179 = tpu.dynamic_gather %add3A_1166[%gather3A_1178] in [0] : vector<16xf32>, vector<16xi32> -> vector<16xf32>
      %add3A_1180 = arith.addf %add3A_1166, %gather3A_1179 : vector<16xf32>
      %xor3A_1181 = arith.constant 4 : i32
      %xor3A_1182 = vector.broadcast %xor3A_1181 : i32 to vector<16xi32>
      %xor3A_1183 = arith.xori %iota3A_1152, %xor3A_1182 : vector<16xi32>
      %lt3A_1184 = arith.constant 0 : i32
      %lt3A_1185 = vector.broadcast %lt3A_1184 : i32 to vector<16xi32>
      %lt3A_1186 = arith.cmpi slt, %xor3A_1183, %lt3A_1185 : vector<16xi32>
      %add3A_1187 = arith.constant 16 : i32
      %add3A_1188 = vector.broadcast %add3A_1187 : i32 to vector<16xi32>
      %add3A_1189 = arith.addi %xor3A_1183, %add3A_1188 : vector<16xi32>
      %select_n3A_1190 = arith.select %lt3A_1186, %add3A_1189, %xor3A_1183 : vector<16xi1>, vector<16xi32>
      %broadcast_in_dim3A_1191 = vector.shape_cast %select_n3A_1190 : vector<16xi32> to vector<16x1xi32>
      %gather3A_1192 = vector.shape_cast %broadcast_in_dim3A_1191 : vector<16x1xi32> to vector<16xi32>
      %gather3A_1193 = tpu.dynamic_gather %add3A_1180[%gather3A_1192] in [0] : vector<16xf32>, vector<16xi32> -> vector<16xf32>
      %add3A_1194 = arith.addf %add3A_1180, %gather3A_1193 : vector<16xf32>
      %xor3A_1195 = arith.constant 8 : i32
      %xor3A_1196 = vector.broadcast %xor3A_1195 : i32 to vector<16xi32>
      %xor3A_1197 = arith.xori %iota3A_1152, %xor3A_1196 : vector<16xi32>
      %lt3A_1198 = arith.constant 0 : i32
      %lt3A_1199 = vector.broadcast %lt3A_1198 : i32 to vector<16xi32>
      %lt3A_1200 = arith.cmpi slt, %xor3A_1197, %lt3A_1199 : vector<16xi32>
      %add3A_1201 = arith.constant 16 : i32
      %add3A_1202 = vector.broadcast %add3A_1201 : i32 to vector<16xi32>
      %add3A_1203 = arith.addi %xor3A_1197, %add3A_1202 : vector<16xi32>
      %select_n3A_1204 = arith.select %lt3A_1200, %add3A_1203, %xor3A_1197 : vector<16xi1>, vector<16xi32>
      %broadcast_in_dim3A_1205 = vector.shape_cast %select_n3A_1204 : vector<16xi32> to vector<16x1xi32>
      %gather3A_1206 = vector.shape_cast %broadcast_in_dim3A_1205 : vector<16x1xi32> to vector<16xi32>
      %gather3A_1207 = tpu.dynamic_gather %add3A_1194[%gather3A_1206] in [0] : vector<16xf32>, vector<16xi32> -> vector<16xf32>
      %add3A_1208 = arith.addf %add3A_1194, %gather3A_1207 : vector<16xf32>
      %mul3A_1209 = arith.constant 4.8828125E-4 : f32
      %mul3A_1210 = vector.broadcast %mul3A_1209 : f32 to vector<16xf32>
      %mul3A_1211 = arith.mulf %add3A_1208, %mul3A_1210 : vector<16xf32>
      %iota3A_1212 = tpu.iota {dimensions = array<i32: 0>} : vector<16xi32>
      %xor3A_1213 = arith.constant 1 : i32
      %xor3A_1214 = vector.broadcast %xor3A_1213 : i32 to vector<16xi32>
      %xor3A_1215 = arith.xori %iota3A_1212, %xor3A_1214 : vector<16xi32>
      %lt3A_1216 = arith.constant 0 : i32
      %lt3A_1217 = vector.broadcast %lt3A_1216 : i32 to vector<16xi32>
      %lt3A_1218 = arith.cmpi slt, %xor3A_1215, %lt3A_1217 : vector<16xi32>
      %add3A_1219 = arith.constant 16 : i32
      %add3A_1220 = vector.broadcast %add3A_1219 : i32 to vector<16xi32>
      %add3A_1221 = arith.addi %xor3A_1215, %add3A_1220 : vector<16xi32>
      %select_n3A_1222 = arith.select %lt3A_1218, %add3A_1221, %xor3A_1215 : vector<16xi1>, vector<16xi32>
      %broadcast_in_dim3A_1223 = vector.shape_cast %select_n3A_1222 : vector<16xi32> to vector<16x1xi32>
      %gather3A_1224 = vector.shape_cast %broadcast_in_dim3A_1223 : vector<16x1xi32> to vector<16xi32>
      %gather3A_1225 = tpu.dynamic_gather %parallel_loop3A_199#13[%gather3A_1224] in [0] : vector<16xf32>, vector<16xi32> -> vector<16xf32>
      %add3A_1226 = arith.addf %parallel_loop3A_199#13, %gather3A_1225 : vector<16xf32>
      %xor3A_1227 = arith.constant 2 : i32
      %xor3A_1228 = vector.broadcast %xor3A_1227 : i32 to vector<16xi32>
      %xor3A_1229 = arith.xori %iota3A_1212, %xor3A_1228 : vector<16xi32>
      %lt3A_1230 = arith.constant 0 : i32
      %lt3A_1231 = vector.broadcast %lt3A_1230 : i32 to vector<16xi32>
      %lt3A_1232 = arith.cmpi slt, %xor3A_1229, %lt3A_1231 : vector<16xi32>
      %add3A_1233 = arith.constant 16 : i32
      %add3A_1234 = vector.broadcast %add3A_1233 : i32 to vector<16xi32>
      %add3A_1235 = arith.addi %xor3A_1229, %add3A_1234 : vector<16xi32>
      %select_n3A_1236 = arith.select %lt3A_1232, %add3A_1235, %xor3A_1229 : vector<16xi1>, vector<16xi32>
      %broadcast_in_dim3A_1237 = vector.shape_cast %select_n3A_1236 : vector<16xi32> to vector<16x1xi32>
      %gather3A_1238 = vector.shape_cast %broadcast_in_dim3A_1237 : vector<16x1xi32> to vector<16xi32>
      %gather3A_1239 = tpu.dynamic_gather %add3A_1226[%gather3A_1238] in [0] : vector<16xf32>, vector<16xi32> -> vector<16xf32>
      %add3A_1240 = arith.addf %add3A_1226, %gather3A_1239 : vector<16xf32>
      %xor3A_1241 = arith.constant 4 : i32
      %xor3A_1242 = vector.broadcast %xor3A_1241 : i32 to vector<16xi32>
      %xor3A_1243 = arith.xori %iota3A_1212, %xor3A_1242 : vector<16xi32>
      %lt3A_1244 = arith.constant 0 : i32
      %lt3A_1245 = vector.broadcast %lt3A_1244 : i32 to vector<16xi32>
      %lt3A_1246 = arith.cmpi slt, %xor3A_1243, %lt3A_1245 : vector<16xi32>
      %add3A_1247 = arith.constant 16 : i32
      %add3A_1248 = vector.broadcast %add3A_1247 : i32 to vector<16xi32>
      %add3A_1249 = arith.addi %xor3A_1243, %add3A_1248 : vector<16xi32>
      %select_n3A_1250 = arith.select %lt3A_1246, %add3A_1249, %xor3A_1243 : vector<16xi1>, vector<16xi32>
      %broadcast_in_dim3A_1251 = vector.shape_cast %select_n3A_1250 : vector<16xi32> to vector<16x1xi32>
      %gather3A_1252 = vector.shape_cast %broadcast_in_dim3A_1251 : vector<16x1xi32> to vector<16xi32>
      %gather3A_1253 = tpu.dynamic_gather %add3A_1240[%gather3A_1252] in [0] : vector<16xf32>, vector<16xi32> -> vector<16xf32>
      %add3A_1254 = arith.addf %add3A_1240, %gather3A_1253 : vector<16xf32>
      %xor3A_1255 = arith.constant 8 : i32
      %xor3A_1256 = vector.broadcast %xor3A_1255 : i32 to vector<16xi32>
      %xor3A_1257 = arith.xori %iota3A_1212, %xor3A_1256 : vector<16xi32>
      %lt3A_1258 = arith.constant 0 : i32
      %lt3A_1259 = vector.broadcast %lt3A_1258 : i32 to vector<16xi32>
      %lt3A_1260 = arith.cmpi slt, %xor3A_1257, %lt3A_1259 : vector<16xi32>
      %add3A_1261 = arith.constant 16 : i32
      %add3A_1262 = vector.broadcast %add3A_1261 : i32 to vector<16xi32>
      %add3A_1263 = arith.addi %xor3A_1257, %add3A_1262 : vector<16xi32>
      %select_n3A_1264 = arith.select %lt3A_1260, %add3A_1263, %xor3A_1257 : vector<16xi1>, vector<16xi32>
      %broadcast_in_dim3A_1265 = vector.shape_cast %select_n3A_1264 : vector<16xi32> to vector<16x1xi32>
      %gather3A_1266 = vector.shape_cast %broadcast_in_dim3A_1265 : vector<16x1xi32> to vector<16xi32>
      %gather3A_1267 = tpu.dynamic_gather %add3A_1254[%gather3A_1266] in [0] : vector<16xf32>, vector<16xi32> -> vector<16xf32>
      %add3A_1268 = arith.addf %add3A_1254, %gather3A_1267 : vector<16xf32>
      %mul3A_1269 = arith.constant 4.8828125E-4 : f32
      %mul3A_1270 = vector.broadcast %mul3A_1269 : f32 to vector<16xf32>
      %mul3A_1271 = arith.mulf %add3A_1268, %mul3A_1270 : vector<16xf32>
      %mul3A_1272 = arith.mulf %mul3A_1211, %mul3A_1211 : vector<16xf32>
      %sub3A_1273 = arith.subf %mul3A_1271, %mul3A_1272 : vector<16xf32>
      %add3A_1274 = arith.constant 9.99999997E-7 : f32
      %add3A_1275 = vector.broadcast %add3A_1274 : f32 to vector<16xf32>
      %add3A_1276 = arith.addf %sub3A_1273, %add3A_1275 : vector<16xf32>
      %bitcast_convert_type3A_1277 = tpu.bitcast %add3A_1276 : vector<16xf32> -> vector<16xi32>
      %broadcast_in_dim3A_1278 = arith.constant 1597463007 : i32
      %broadcast_in_dim3A_1279 = vector.broadcast %broadcast_in_dim3A_1278 : i32 to vector<16xi32>
      %shift_right_arithmetic3A_1280 = arith.constant 1 : i32
      %shift_right_arithmetic3A_1281 = vector.broadcast %shift_right_arithmetic3A_1280 : i32 to vector<16xi32>
      %shift_right_arithmetic3A_1282 = arith.shrsi %bitcast_convert_type3A_1277, %shift_right_arithmetic3A_1281 : vector<16xi32>
      %sub3A_1283 = arith.subi %broadcast_in_dim3A_1279, %shift_right_arithmetic3A_1282 : vector<16xi32>
      %bitcast_convert_type3A_1284 = tpu.bitcast %sub3A_1283 : vector<16xi32> -> vector<16xf32>
      %mul3A_1285 = arith.constant 5.000000e-01 : f32
      %mul3A_1286 = vector.broadcast %mul3A_1285 : f32 to vector<16xf32>
      %mul3A_1287 = arith.mulf %mul3A_1286, %add3A_1276 : vector<16xf32>
      %mul3A_1288 = arith.mulf %mul3A_1287, %bitcast_convert_type3A_1284 : vector<16xf32>
      %mul3A_1289 = arith.mulf %mul3A_1288, %bitcast_convert_type3A_1284 : vector<16xf32>
      %sub3A_1290 = arith.constant 1.500000e+00 : f32
      %sub3A_1291 = vector.broadcast %sub3A_1290 : f32 to vector<16xf32>
      %sub3A_1292 = arith.subf %sub3A_1291, %mul3A_1289 : vector<16xf32>
      %mul3A_1293 = arith.mulf %bitcast_convert_type3A_1284, %sub3A_1292 : vector<16xf32>
      %mul3A_1294 = arith.constant 5.000000e-01 : f32
      %mul3A_1295 = vector.broadcast %mul3A_1294 : f32 to vector<16xf32>
      %mul3A_1296 = arith.mulf %mul3A_1295, %add3A_1276 : vector<16xf32>
      %mul3A_1297 = arith.mulf %mul3A_1296, %mul3A_1293 : vector<16xf32>
      %mul3A_1298 = arith.mulf %mul3A_1297, %mul3A_1293 : vector<16xf32>
      %sub3A_1299 = arith.constant 1.500000e+00 : f32
      %sub3A_1300 = vector.broadcast %sub3A_1299 : f32 to vector<16xf32>
      %sub3A_1301 = arith.subf %sub3A_1300, %mul3A_1298 : vector<16xf32>
      %mul3A_1302 = arith.mulf %mul3A_1293, %sub3A_1301 : vector<16xf32>
      %mul3A_1303 = arith.constant 5.000000e-01 : f32
      %mul3A_1304 = vector.broadcast %mul3A_1303 : f32 to vector<16xf32>
      %mul3A_1305 = arith.mulf %mul3A_1304, %add3A_1276 : vector<16xf32>
      %mul3A_1306 = arith.mulf %mul3A_1305, %mul3A_1302 : vector<16xf32>
      %mul3A_1307 = arith.mulf %mul3A_1306, %mul3A_1302 : vector<16xf32>
      %sub3A_1308 = arith.constant 1.500000e+00 : f32
      %sub3A_1309 = vector.broadcast %sub3A_1308 : f32 to vector<16xf32>
      %sub3A_1310 = arith.subf %sub3A_1309, %mul3A_1307 : vector<16xf32>
      %mul3A_1311 = arith.mulf %mul3A_1302, %sub3A_1310 : vector<16xf32>
      %iota3A_1312 = tpu.iota {dimensions = array<i32: 0>} : vector<16xi32>
      %xor3A_1313 = arith.constant 1 : i32
      %xor3A_1314 = vector.broadcast %xor3A_1313 : i32 to vector<16xi32>
      %xor3A_1315 = arith.xori %iota3A_1312, %xor3A_1314 : vector<16xi32>
      %lt3A_1316 = arith.constant 0 : i32
      %lt3A_1317 = vector.broadcast %lt3A_1316 : i32 to vector<16xi32>
      %lt3A_1318 = arith.cmpi slt, %xor3A_1315, %lt3A_1317 : vector<16xi32>
      %add3A_1319 = arith.constant 16 : i32
      %add3A_1320 = vector.broadcast %add3A_1319 : i32 to vector<16xi32>
      %add3A_1321 = arith.addi %xor3A_1315, %add3A_1320 : vector<16xi32>
      %select_n3A_1322 = arith.select %lt3A_1318, %add3A_1321, %xor3A_1315 : vector<16xi1>, vector<16xi32>
      %broadcast_in_dim3A_1323 = vector.shape_cast %select_n3A_1322 : vector<16xi32> to vector<16x1xi32>
      %gather3A_1324 = vector.shape_cast %broadcast_in_dim3A_1323 : vector<16x1xi32> to vector<16xi32>
      %gather3A_1325 = tpu.dynamic_gather %parallel_loop3A_199#14[%gather3A_1324] in [0] : vector<16xf32>, vector<16xi32> -> vector<16xf32>
      %add3A_1326 = arith.addf %parallel_loop3A_199#14, %gather3A_1325 : vector<16xf32>
      %xor3A_1327 = arith.constant 2 : i32
      %xor3A_1328 = vector.broadcast %xor3A_1327 : i32 to vector<16xi32>
      %xor3A_1329 = arith.xori %iota3A_1312, %xor3A_1328 : vector<16xi32>
      %lt3A_1330 = arith.constant 0 : i32
      %lt3A_1331 = vector.broadcast %lt3A_1330 : i32 to vector<16xi32>
      %lt3A_1332 = arith.cmpi slt, %xor3A_1329, %lt3A_1331 : vector<16xi32>
      %add3A_1333 = arith.constant 16 : i32
      %add3A_1334 = vector.broadcast %add3A_1333 : i32 to vector<16xi32>
      %add3A_1335 = arith.addi %xor3A_1329, %add3A_1334 : vector<16xi32>
      %select_n3A_1336 = arith.select %lt3A_1332, %add3A_1335, %xor3A_1329 : vector<16xi1>, vector<16xi32>
      %broadcast_in_dim3A_1337 = vector.shape_cast %select_n3A_1336 : vector<16xi32> to vector<16x1xi32>
      %gather3A_1338 = vector.shape_cast %broadcast_in_dim3A_1337 : vector<16x1xi32> to vector<16xi32>
      %gather3A_1339 = tpu.dynamic_gather %add3A_1326[%gather3A_1338] in [0] : vector<16xf32>, vector<16xi32> -> vector<16xf32>
      %add3A_1340 = arith.addf %add3A_1326, %gather3A_1339 : vector<16xf32>
      %xor3A_1341 = arith.constant 4 : i32
      %xor3A_1342 = vector.broadcast %xor3A_1341 : i32 to vector<16xi32>
      %xor3A_1343 = arith.xori %iota3A_1312, %xor3A_1342 : vector<16xi32>
      %lt3A_1344 = arith.constant 0 : i32
      %lt3A_1345 = vector.broadcast %lt3A_1344 : i32 to vector<16xi32>
      %lt3A_1346 = arith.cmpi slt, %xor3A_1343, %lt3A_1345 : vector<16xi32>
      %add3A_1347 = arith.constant 16 : i32
      %add3A_1348 = vector.broadcast %add3A_1347 : i32 to vector<16xi32>
      %add3A_1349 = arith.addi %xor3A_1343, %add3A_1348 : vector<16xi32>
      %select_n3A_1350 = arith.select %lt3A_1346, %add3A_1349, %xor3A_1343 : vector<16xi1>, vector<16xi32>
      %broadcast_in_dim3A_1351 = vector.shape_cast %select_n3A_1350 : vector<16xi32> to vector<16x1xi32>
      %gather3A_1352 = vector.shape_cast %broadcast_in_dim3A_1351 : vector<16x1xi32> to vector<16xi32>
      %gather3A_1353 = tpu.dynamic_gather %add3A_1340[%gather3A_1352] in [0] : vector<16xf32>, vector<16xi32> -> vector<16xf32>
      %add3A_1354 = arith.addf %add3A_1340, %gather3A_1353 : vector<16xf32>
      %xor3A_1355 = arith.constant 8 : i32
      %xor3A_1356 = vector.broadcast %xor3A_1355 : i32 to vector<16xi32>
      %xor3A_1357 = arith.xori %iota3A_1312, %xor3A_1356 : vector<16xi32>
      %lt3A_1358 = arith.constant 0 : i32
      %lt3A_1359 = vector.broadcast %lt3A_1358 : i32 to vector<16xi32>
      %lt3A_1360 = arith.cmpi slt, %xor3A_1357, %lt3A_1359 : vector<16xi32>
      %add3A_1361 = arith.constant 16 : i32
      %add3A_1362 = vector.broadcast %add3A_1361 : i32 to vector<16xi32>
      %add3A_1363 = arith.addi %xor3A_1357, %add3A_1362 : vector<16xi32>
      %select_n3A_1364 = arith.select %lt3A_1360, %add3A_1363, %xor3A_1357 : vector<16xi1>, vector<16xi32>
      %broadcast_in_dim3A_1365 = vector.shape_cast %select_n3A_1364 : vector<16xi32> to vector<16x1xi32>
      %gather3A_1366 = vector.shape_cast %broadcast_in_dim3A_1365 : vector<16x1xi32> to vector<16xi32>
      %gather3A_1367 = tpu.dynamic_gather %add3A_1354[%gather3A_1366] in [0] : vector<16xf32>, vector<16xi32> -> vector<16xf32>
      %add3A_1368 = arith.addf %add3A_1354, %gather3A_1367 : vector<16xf32>
      %mul3A_1369 = arith.constant 4.8828125E-4 : f32
      %mul3A_1370 = vector.broadcast %mul3A_1369 : f32 to vector<16xf32>
      %mul3A_1371 = arith.mulf %add3A_1368, %mul3A_1370 : vector<16xf32>
      %iota3A_1372 = tpu.iota {dimensions = array<i32: 0>} : vector<16xi32>
      %xor3A_1373 = arith.constant 1 : i32
      %xor3A_1374 = vector.broadcast %xor3A_1373 : i32 to vector<16xi32>
      %xor3A_1375 = arith.xori %iota3A_1372, %xor3A_1374 : vector<16xi32>
      %lt3A_1376 = arith.constant 0 : i32
      %lt3A_1377 = vector.broadcast %lt3A_1376 : i32 to vector<16xi32>
      %lt3A_1378 = arith.cmpi slt, %xor3A_1375, %lt3A_1377 : vector<16xi32>
      %add3A_1379 = arith.constant 16 : i32
      %add3A_1380 = vector.broadcast %add3A_1379 : i32 to vector<16xi32>
      %add3A_1381 = arith.addi %xor3A_1375, %add3A_1380 : vector<16xi32>
      %select_n3A_1382 = arith.select %lt3A_1378, %add3A_1381, %xor3A_1375 : vector<16xi1>, vector<16xi32>
      %broadcast_in_dim3A_1383 = vector.shape_cast %select_n3A_1382 : vector<16xi32> to vector<16x1xi32>
      %gather3A_1384 = vector.shape_cast %broadcast_in_dim3A_1383 : vector<16x1xi32> to vector<16xi32>
      %gather3A_1385 = tpu.dynamic_gather %parallel_loop3A_199#15[%gather3A_1384] in [0] : vector<16xf32>, vector<16xi32> -> vector<16xf32>
      %add3A_1386 = arith.addf %parallel_loop3A_199#15, %gather3A_1385 : vector<16xf32>
      %xor3A_1387 = arith.constant 2 : i32
      %xor3A_1388 = vector.broadcast %xor3A_1387 : i32 to vector<16xi32>
      %xor3A_1389 = arith.xori %iota3A_1372, %xor3A_1388 : vector<16xi32>
      %lt3A_1390 = arith.constant 0 : i32
      %lt3A_1391 = vector.broadcast %lt3A_1390 : i32 to vector<16xi32>
      %lt3A_1392 = arith.cmpi slt, %xor3A_1389, %lt3A_1391 : vector<16xi32>
      %add3A_1393 = arith.constant 16 : i32
      %add3A_1394 = vector.broadcast %add3A_1393 : i32 to vector<16xi32>
      %add3A_1395 = arith.addi %xor3A_1389, %add3A_1394 : vector<16xi32>
      %select_n3A_1396 = arith.select %lt3A_1392, %add3A_1395, %xor3A_1389 : vector<16xi1>, vector<16xi32>
      %broadcast_in_dim3A_1397 = vector.shape_cast %select_n3A_1396 : vector<16xi32> to vector<16x1xi32>
      %gather3A_1398 = vector.shape_cast %broadcast_in_dim3A_1397 : vector<16x1xi32> to vector<16xi32>
      %gather3A_1399 = tpu.dynamic_gather %add3A_1386[%gather3A_1398] in [0] : vector<16xf32>, vector<16xi32> -> vector<16xf32>
      %add3A_1400 = arith.addf %add3A_1386, %gather3A_1399 : vector<16xf32>
      %xor3A_1401 = arith.constant 4 : i32
      %xor3A_1402 = vector.broadcast %xor3A_1401 : i32 to vector<16xi32>
      %xor3A_1403 = arith.xori %iota3A_1372, %xor3A_1402 : vector<16xi32>
      %lt3A_1404 = arith.constant 0 : i32
      %lt3A_1405 = vector.broadcast %lt3A_1404 : i32 to vector<16xi32>
      %lt3A_1406 = arith.cmpi slt, %xor3A_1403, %lt3A_1405 : vector<16xi32>
      %add3A_1407 = arith.constant 16 : i32
      %add3A_1408 = vector.broadcast %add3A_1407 : i32 to vector<16xi32>
      %add3A_1409 = arith.addi %xor3A_1403, %add3A_1408 : vector<16xi32>
      %select_n3A_1410 = arith.select %lt3A_1406, %add3A_1409, %xor3A_1403 : vector<16xi1>, vector<16xi32>
      %broadcast_in_dim3A_1411 = vector.shape_cast %select_n3A_1410 : vector<16xi32> to vector<16x1xi32>
      %gather3A_1412 = vector.shape_cast %broadcast_in_dim3A_1411 : vector<16x1xi32> to vector<16xi32>
      %gather3A_1413 = tpu.dynamic_gather %add3A_1400[%gather3A_1412] in [0] : vector<16xf32>, vector<16xi32> -> vector<16xf32>
      %add3A_1414 = arith.addf %add3A_1400, %gather3A_1413 : vector<16xf32>
      %xor3A_1415 = arith.constant 8 : i32
      %xor3A_1416 = vector.broadcast %xor3A_1415 : i32 to vector<16xi32>
      %xor3A_1417 = arith.xori %iota3A_1372, %xor3A_1416 : vector<16xi32>
      %lt3A_1418 = arith.constant 0 : i32
      %lt3A_1419 = vector.broadcast %lt3A_1418 : i32 to vector<16xi32>
      %lt3A_1420 = arith.cmpi slt, %xor3A_1417, %lt3A_1419 : vector<16xi32>
      %add3A_1421 = arith.constant 16 : i32
      %add3A_1422 = vector.broadcast %add3A_1421 : i32 to vector<16xi32>
      %add3A_1423 = arith.addi %xor3A_1417, %add3A_1422 : vector<16xi32>
      %select_n3A_1424 = arith.select %lt3A_1420, %add3A_1423, %xor3A_1417 : vector<16xi1>, vector<16xi32>
      %broadcast_in_dim3A_1425 = vector.shape_cast %select_n3A_1424 : vector<16xi32> to vector<16x1xi32>
      %gather3A_1426 = vector.shape_cast %broadcast_in_dim3A_1425 : vector<16x1xi32> to vector<16xi32>
      %gather3A_1427 = tpu.dynamic_gather %add3A_1414[%gather3A_1426] in [0] : vector<16xf32>, vector<16xi32> -> vector<16xf32>
      %add3A_1428 = arith.addf %add3A_1414, %gather3A_1427 : vector<16xf32>
      %mul3A_1429 = arith.constant 4.8828125E-4 : f32
      %mul3A_1430 = vector.broadcast %mul3A_1429 : f32 to vector<16xf32>
      %mul3A_1431 = arith.mulf %add3A_1428, %mul3A_1430 : vector<16xf32>
      %mul3A_1432 = arith.mulf %mul3A_1371, %mul3A_1371 : vector<16xf32>
      %sub3A_1433 = arith.subf %mul3A_1431, %mul3A_1432 : vector<16xf32>
      %add3A_1434 = arith.constant 9.99999997E-7 : f32
      %add3A_1435 = vector.broadcast %add3A_1434 : f32 to vector<16xf32>
      %add3A_1436 = arith.addf %sub3A_1433, %add3A_1435 : vector<16xf32>
      %bitcast_convert_type3A_1437 = tpu.bitcast %add3A_1436 : vector<16xf32> -> vector<16xi32>
      %broadcast_in_dim3A_1438 = arith.constant 1597463007 : i32
      %broadcast_in_dim3A_1439 = vector.broadcast %broadcast_in_dim3A_1438 : i32 to vector<16xi32>
      %shift_right_arithmetic3A_1440 = arith.constant 1 : i32
      %shift_right_arithmetic3A_1441 = vector.broadcast %shift_right_arithmetic3A_1440 : i32 to vector<16xi32>
      %shift_right_arithmetic3A_1442 = arith.shrsi %bitcast_convert_type3A_1437, %shift_right_arithmetic3A_1441 : vector<16xi32>
      %sub3A_1443 = arith.subi %broadcast_in_dim3A_1439, %shift_right_arithmetic3A_1442 : vector<16xi32>
      %bitcast_convert_type3A_1444 = tpu.bitcast %sub3A_1443 : vector<16xi32> -> vector<16xf32>
      %mul3A_1445 = arith.constant 5.000000e-01 : f32
      %mul3A_1446 = vector.broadcast %mul3A_1445 : f32 to vector<16xf32>
      %mul3A_1447 = arith.mulf %mul3A_1446, %add3A_1436 : vector<16xf32>
      %mul3A_1448 = arith.mulf %mul3A_1447, %bitcast_convert_type3A_1444 : vector<16xf32>
      %mul3A_1449 = arith.mulf %mul3A_1448, %bitcast_convert_type3A_1444 : vector<16xf32>
      %sub3A_1450 = arith.constant 1.500000e+00 : f32
      %sub3A_1451 = vector.broadcast %sub3A_1450 : f32 to vector<16xf32>
      %sub3A_1452 = arith.subf %sub3A_1451, %mul3A_1449 : vector<16xf32>
      %mul3A_1453 = arith.mulf %bitcast_convert_type3A_1444, %sub3A_1452 : vector<16xf32>
      %mul3A_1454 = arith.constant 5.000000e-01 : f32
      %mul3A_1455 = vector.broadcast %mul3A_1454 : f32 to vector<16xf32>
      %mul3A_1456 = arith.mulf %mul3A_1455, %add3A_1436 : vector<16xf32>
      %mul3A_1457 = arith.mulf %mul3A_1456, %mul3A_1453 : vector<16xf32>
      %mul3A_1458 = arith.mulf %mul3A_1457, %mul3A_1453 : vector<16xf32>
      %sub3A_1459 = arith.constant 1.500000e+00 : f32
      %sub3A_1460 = vector.broadcast %sub3A_1459 : f32 to vector<16xf32>
      %sub3A_1461 = arith.subf %sub3A_1460, %mul3A_1458 : vector<16xf32>
      %mul3A_1462 = arith.mulf %mul3A_1453, %sub3A_1461 : vector<16xf32>
      %mul3A_1463 = arith.constant 5.000000e-01 : f32
      %mul3A_1464 = vector.broadcast %mul3A_1463 : f32 to vector<16xf32>
      %mul3A_1465 = arith.mulf %mul3A_1464, %add3A_1436 : vector<16xf32>
      %mul3A_1466 = arith.mulf %mul3A_1465, %mul3A_1462 : vector<16xf32>
      %mul3A_1467 = arith.mulf %mul3A_1466, %mul3A_1462 : vector<16xf32>
      %sub3A_1468 = arith.constant 1.500000e+00 : f32
      %sub3A_1469 = vector.broadcast %sub3A_1468 : f32 to vector<16xf32>
      %sub3A_1470 = arith.subf %sub3A_1469, %mul3A_1467 : vector<16xf32>
      %mul3A_1471 = arith.mulf %mul3A_1462, %sub3A_1470 : vector<16xf32>
      %parallel_loop3A_1472 = arith.constant 0 : i32
      %parallel_loop3A_1473 = arith.constant 128 : i32
      %parallel_loop3A_1474 = arith.constant 1 : i32
      scf.for %parallel_loop3A_2968 = %parallel_loop3A_1472 to %parallel_loop3A_1473 step %parallel_loop3A_1474  : i32 {
        %parallel_loop3A_2969 = arith.constant 16 : i32
        %parallel_loop3A_2970 = arith.muli %parallel_loop3A_2968, %parallel_loop3A_2969 : i32
        %parallel_loop3A_2971 = arith.index_cast %parallel_loop3A_2970 : i32 to index
        %parallel_loop3A_2972 = tpu.vector_load %arg16[%parallel_loop3A_2971] {strides = array<i32>} : memref<2048xf32, #tpu.memory_space<vmem>>, vector<16xf32>,
        %parallel_loop3A_2973 = vector.shape_cast %parallel_loop3A_2972 : vector<16xf32> to vector<16xf32>
        %parallel_loop3A_2974 = arith.index_cast %parallel_loop3A_2970 : i32 to index
        %parallel_loop3A_2975 = tpu.vector_load %arg17[%parallel_loop3A_2974] {strides = array<i32>} : memref<2048xf32, #tpu.memory_space<vmem>>, vector<16xf32>,
        %parallel_loop3A_2976 = vector.shape_cast %parallel_loop3A_2975 : vector<16xf32> to vector<16xf32>
        %parallel_loop3A_2977 = arith.constant 0 : i32
        %parallel_loop3A_2978 = arith.index_cast %parallel_loop3A_2977 : i32 to index
        %parallel_loop3A_2979 = arith.index_cast %parallel_loop3A_2970 : i32 to index
        %parallel_loop3A_2980 = tpu.vector_load %arg15[%parallel_loop3A_2978, %parallel_loop3A_2979] {strides = array<i32>} : memref<8x2048xf32, #tpu.memory_space<vmem>>, vector<1x16xf32>,
        %parallel_loop3A_2981 = vector.shape_cast %parallel_loop3A_2980 : vector<1x16xf32> to vector<16xf32>
        %parallel_loop3A_2982 = arith.subf %parallel_loop3A_2981, %mul3A_254 : vector<16xf32>
        %parallel_loop3A_2983 = arith.mulf %parallel_loop3A_2982, %mul3A_351 : vector<16xf32>
        %parallel_loop3A_2984 = arith.mulf %parallel_loop3A_2983, %parallel_loop3A_2973 : vector<16xf32>
        %parallel_loop3A_2985 = arith.addf %parallel_loop3A_2984, %parallel_loop3A_2976 : vector<16xf32>
        %parallel_loop3A_2986 = arith.constant 0 : i32
        %parallel_loop3A_2987 = arith.index_cast %parallel_loop3A_2986 : i32 to index
        %parallel_loop3A_2988 = arith.index_cast %parallel_loop3A_2970 : i32 to index
        %parallel_loop3A_2989 = tpu.vector_load %arg13[%parallel_loop3A_2987, %parallel_loop3A_2988] {strides = array<i32>} : memref<8x2048xf32, #tpu.memory_space<vmem>>, vector<1x16xf32>,
        %parallel_loop3A_2990 = vector.shape_cast %parallel_loop3A_2989 : vector<1x16xf32> to vector<16xf32>
        %parallel_loop3A_2991 = vector.shape_cast %parallel_loop3A_2985 : vector<16xf32> to vector<1x16xf32>
        tpu.vector_store %arg13[%parallel_loop3A_2987, %parallel_loop3A_2988], %parallel_loop3A_2991 {strides = array<i32>} : memref<8x2048xf32, #tpu.memory_space<vmem>>, vector<1x16xf32>,
        %parallel_loop3A_2992 = arith.constant 1 : i32
        %parallel_loop3A_2993 = arith.index_cast %parallel_loop3A_2992 : i32 to index
        %parallel_loop3A_2994 = arith.index_cast %parallel_loop3A_2970 : i32 to index
        %parallel_loop3A_2995 = tpu.vector_load %arg15[%parallel_loop3A_2993, %parallel_loop3A_2994] {strides = array<i32>} : memref<8x2048xf32, #tpu.memory_space<vmem>>, vector<1x16xf32>,
        %parallel_loop3A_2996 = vector.shape_cast %parallel_loop3A_2995 : vector<1x16xf32> to vector<16xf32>
        %parallel_loop3A_2997 = arith.subf %parallel_loop3A_2996, %mul3A_411 : vector<16xf32>
        %parallel_loop3A_2998 = arith.mulf %parallel_loop3A_2997, %mul3A_511 : vector<16xf32>
        %parallel_loop3A_2999 = arith.mulf %parallel_loop3A_2998, %parallel_loop3A_2973 : vector<16xf32>
        %parallel_loop3A_3000 = arith.addf %parallel_loop3A_2999, %parallel_loop3A_2976 : vector<16xf32>
        %parallel_loop3A_3001 = arith.constant 2 : i32
        %parallel_loop3A_3002 = arith.index_cast %parallel_loop3A_3001 : i32 to index
        %parallel_loop3A_3003 = arith.index_cast %parallel_loop3A_2970 : i32 to index
        %parallel_loop3A_3004 = tpu.vector_load %arg13[%parallel_loop3A_3002, %parallel_loop3A_3003] {strides = array<i32>} : memref<8x2048xf32, #tpu.memory_space<vmem>>, vector<1x16xf32>,
        %parallel_loop3A_3005 = vector.shape_cast %parallel_loop3A_3004 : vector<1x16xf32> to vector<16xf32>
        %parallel_loop3A_3006 = vector.shape_cast %parallel_loop3A_3000 : vector<16xf32> to vector<1x16xf32>
        tpu.vector_store %arg13[%parallel_loop3A_3002, %parallel_loop3A_3003], %parallel_loop3A_3006 {strides = array<i32>} : memref<8x2048xf32, #tpu.memory_space<vmem>>, vector<1x16xf32>,
        %parallel_loop3A_3007 = arith.constant 2 : i32
        %parallel_loop3A_3008 = arith.index_cast %parallel_loop3A_3007 : i32 to index
        %parallel_loop3A_3009 = arith.index_cast %parallel_loop3A_2970 : i32 to index
        %parallel_loop3A_3010 = tpu.vector_load %arg15[%parallel_loop3A_3008, %parallel_loop3A_3009] {strides = array<i32>} : memref<8x2048xf32, #tpu.memory_space<vmem>>, vector<1x16xf32>,
        %parallel_loop3A_3011 = vector.shape_cast %parallel_loop3A_3010 : vector<1x16xf32> to vector<16xf32>
        %parallel_loop3A_3012 = arith.subf %parallel_loop3A_3011, %mul3A_571 : vector<16xf32>
        %parallel_loop3A_3013 = arith.mulf %parallel_loop3A_3012, %mul3A_671 : vector<16xf32>
        %parallel_loop3A_3014 = arith.mulf %parallel_loop3A_3013, %parallel_loop3A_2973 : vector<16xf32>
        %parallel_loop3A_3015 = arith.addf %parallel_loop3A_3014, %parallel_loop3A_2976 : vector<16xf32>
        %parallel_loop3A_3016 = arith.constant 4 : i32
        %parallel_loop3A_3017 = arith.index_cast %parallel_loop3A_3016 : i32 to index
        %parallel_loop3A_3018 = arith.index_cast %parallel_loop3A_2970 : i32 to index
        %parallel_loop3A_3019 = tpu.vector_load %arg13[%parallel_loop3A_3017, %parallel_loop3A_3018] {strides = array<i32>} : memref<8x2048xf32, #tpu.memory_space<vmem>>, vector<1x16xf32>,
        %parallel_loop3A_3020 = vector.shape_cast %parallel_loop3A_3019 : vector<1x16xf32> to vector<16xf32>
        %parallel_loop3A_3021 = vector.shape_cast %parallel_loop3A_3015 : vector<16xf32> to vector<1x16xf32>
        tpu.vector_store %arg13[%parallel_loop3A_3017, %parallel_loop3A_3018], %parallel_loop3A_3021 {strides = array<i32>} : memref<8x2048xf32, #tpu.memory_space<vmem>>, vector<1x16xf32>,
        %parallel_loop3A_3022 = arith.constant 3 : i32
        %parallel_loop3A_3023 = arith.index_cast %parallel_loop3A_3022 : i32 to index
        %parallel_loop3A_3024 = arith.index_cast %parallel_loop3A_2970 : i32 to index
        %parallel_loop3A_3025 = tpu.vector_load %arg15[%parallel_loop3A_3023, %parallel_loop3A_3024] {strides = array<i32>} : memref<8x2048xf32, #tpu.memory_space<vmem>>, vector<1x16xf32>,
        %parallel_loop3A_3026 = vector.shape_cast %parallel_loop3A_3025 : vector<1x16xf32> to vector<16xf32>
        %parallel_loop3A_3027 = arith.subf %parallel_loop3A_3026, %mul3A_731 : vector<16xf32>
        %parallel_loop3A_3028 = arith.mulf %parallel_loop3A_3027, %mul3A_831 : vector<16xf32>
        %parallel_loop3A_3029 = arith.mulf %parallel_loop3A_3028, %parallel_loop3A_2973 : vector<16xf32>
        %parallel_loop3A_3030 = arith.addf %parallel_loop3A_3029, %parallel_loop3A_2976 : vector<16xf32>
        %parallel_loop3A_3031 = arith.constant 6 : i32
        %parallel_loop3A_3032 = arith.index_cast %parallel_loop3A_3031 : i32 to index
        %parallel_loop3A_3033 = arith.index_cast %parallel_loop3A_2970 : i32 to index
        %parallel_loop3A_3034 = tpu.vector_load %arg13[%parallel_loop3A_3032, %parallel_loop3A_3033] {strides = array<i32>} : memref<8x2048xf32, #tpu.memory_space<vmem>>, vector<1x16xf32>,
        %parallel_loop3A_3035 = vector.shape_cast %parallel_loop3A_3034 : vector<1x16xf32> to vector<16xf32>
        %parallel_loop3A_3036 = vector.shape_cast %parallel_loop3A_3030 : vector<16xf32> to vector<1x16xf32>
        tpu.vector_store %arg13[%parallel_loop3A_3032, %parallel_loop3A_3033], %parallel_loop3A_3036 {strides = array<i32>} : memref<8x2048xf32, #tpu.memory_space<vmem>>, vector<1x16xf32>,
        %parallel_loop3A_3037 = arith.constant 4 : i32
        %parallel_loop3A_3038 = arith.index_cast %parallel_loop3A_3037 : i32 to index
        %parallel_loop3A_3039 = arith.index_cast %parallel_loop3A_2970 : i32 to index
        %parallel_loop3A_3040 = tpu.vector_load %arg15[%parallel_loop3A_3038, %parallel_loop3A_3039] {strides = array<i32>} : memref<8x2048xf32, #tpu.memory_space<vmem>>, vector<1x16xf32>,
        %parallel_loop3A_3041 = vector.shape_cast %parallel_loop3A_3040 : vector<1x16xf32> to vector<16xf32>
        %parallel_loop3A_3042 = arith.subf %parallel_loop3A_3041, %mul3A_891 : vector<16xf32>
        %parallel_loop3A_3043 = arith.mulf %parallel_loop3A_3042, %mul3A_991 : vector<16xf32>
        %parallel_loop3A_3044 = arith.mulf %parallel_loop3A_3043, %parallel_loop3A_2973 : vector<16xf32>
        %parallel_loop3A_3045 = arith.addf %parallel_loop3A_3044, %parallel_loop3A_2976 : vector<16xf32>
        %parallel_loop3A_3046 = arith.constant 1 : i32
        %parallel_loop3A_3047 = arith.index_cast %parallel_loop3A_3046 : i32 to index
        %parallel_loop3A_3048 = arith.index_cast %parallel_loop3A_2970 : i32 to index
        %parallel_loop3A_3049 = tpu.vector_load %arg13[%parallel_loop3A_3047, %parallel_loop3A_3048] {strides = array<i32>} : memref<8x2048xf32, #tpu.memory_space<vmem>>, vector<1x16xf32>,
        %parallel_loop3A_3050 = vector.shape_cast %parallel_loop3A_3049 : vector<1x16xf32> to vector<16xf32>
        %parallel_loop3A_3051 = vector.shape_cast %parallel_loop3A_3045 : vector<16xf32> to vector<1x16xf32>
        tpu.vector_store %arg13[%parallel_loop3A_3047, %parallel_loop3A_3048], %parallel_loop3A_3051 {strides = array<i32>} : memref<8x2048xf32, #tpu.memory_space<vmem>>, vector<1x16xf32>,
        %parallel_loop3A_3052 = arith.constant 5 : i32
        %parallel_loop3A_3053 = arith.index_cast %parallel_loop3A_3052 : i32 to index
        %parallel_loop3A_3054 = arith.index_cast %parallel_loop3A_2970 : i32 to index
        %parallel_loop3A_3055 = tpu.vector_load %arg15[%parallel_loop3A_3053, %parallel_loop3A_3054] {strides = array<i32>} : memref<8x2048xf32, #tpu.memory_space<vmem>>, vector<1x16xf32>,
        %parallel_loop3A_3056 = vector.shape_cast %parallel_loop3A_3055 : vector<1x16xf32> to vector<16xf32>
        %parallel_loop3A_3057 = arith.subf %parallel_loop3A_3056, %mul3A_1051 : vector<16xf32>
        %parallel_loop3A_3058 = arith.mulf %parallel_loop3A_3057, %mul3A_1151 : vector<16xf32>
        %parallel_loop3A_3059 = arith.mulf %parallel_loop3A_3058, %parallel_loop3A_2973 : vector<16xf32>
        %parallel_loop3A_3060 = arith.addf %parallel_loop3A_3059, %parallel_loop3A_2976 : vector<16xf32>
        %parallel_loop3A_3061 = arith.constant 3 : i32
        %parallel_loop3A_3062 = arith.index_cast %parallel_loop3A_3061 : i32 to index
        %parallel_loop3A_3063 = arith.index_cast %parallel_loop3A_2970 : i32 to index
        %parallel_loop3A_3064 = tpu.vector_load %arg13[%parallel_loop3A_3062, %parallel_loop3A_3063] {strides = array<i32>} : memref<8x2048xf32, #tpu.memory_space<vmem>>, vector<1x16xf32>,
        %parallel_loop3A_3065 = vector.shape_cast %parallel_loop3A_3064 : vector<1x16xf32> to vector<16xf32>
        %parallel_loop3A_3066 = vector.shape_cast %parallel_loop3A_3060 : vector<16xf32> to vector<1x16xf32>
        tpu.vector_store %arg13[%parallel_loop3A_3062, %parallel_loop3A_3063], %parallel_loop3A_3066 {strides = array<i32>} : memref<8x2048xf32, #tpu.memory_space<vmem>>, vector<1x16xf32>,
        %parallel_loop3A_3067 = arith.constant 6 : i32
        %parallel_loop3A_3068 = arith.index_cast %parallel_loop3A_3067 : i32 to index
        %parallel_loop3A_3069 = arith.index_cast %parallel_loop3A_2970 : i32 to index
        %parallel_loop3A_3070 = tpu.vector_load %arg15[%parallel_loop3A_3068, %parallel_loop3A_3069] {strides = array<i32>} : memref<8x2048xf32, #tpu.memory_space<vmem>>, vector<1x16xf32>,
        %parallel_loop3A_3071 = vector.shape_cast %parallel_loop3A_3070 : vector<1x16xf32> to vector<16xf32>
        %parallel_loop3A_3072 = arith.subf %parallel_loop3A_3071, %mul3A_1211 : vector<16xf32>
        %parallel_loop3A_3073 = arith.mulf %parallel_loop3A_3072, %mul3A_1311 : vector<16xf32>
        %parallel_loop3A_3074 = arith.mulf %parallel_loop3A_3073, %parallel_loop3A_2973 : vector<16xf32>
        %parallel_loop3A_3075 = arith.addf %parallel_loop3A_3074, %parallel_loop3A_2976 : vector<16xf32>
        %parallel_loop3A_3076 = arith.constant 5 : i32
        %parallel_loop3A_3077 = arith.index_cast %parallel_loop3A_3076 : i32 to index
        %parallel_loop3A_3078 = arith.index_cast %parallel_loop3A_2970 : i32 to index
        %parallel_loop3A_3079 = tpu.vector_load %arg13[%parallel_loop3A_3077, %parallel_loop3A_3078] {strides = array<i32>} : memref<8x2048xf32, #tpu.memory_space<vmem>>, vector<1x16xf32>,
        %parallel_loop3A_3080 = vector.shape_cast %parallel_loop3A_3079 : vector<1x16xf32> to vector<16xf32>
        %parallel_loop3A_3081 = vector.shape_cast %parallel_loop3A_3075 : vector<16xf32> to vector<1x16xf32>
        tpu.vector_store %arg13[%parallel_loop3A_3077, %parallel_loop3A_3078], %parallel_loop3A_3081 {strides = array<i32>} : memref<8x2048xf32, #tpu.memory_space<vmem>>, vector<1x16xf32>,
        %parallel_loop3A_3082 = arith.constant 7 : i32
        %parallel_loop3A_3083 = arith.index_cast %parallel_loop3A_3082 : i32 to index
        %parallel_loop3A_3084 = arith.index_cast %parallel_loop3A_2970 : i32 to index
        %parallel_loop3A_3085 = tpu.vector_load %arg15[%parallel_loop3A_3083, %parallel_loop3A_3084] {strides = array<i32>} : memref<8x2048xf32, #tpu.memory_space<vmem>>, vector<1x16xf32>,
        %parallel_loop3A_3086 = vector.shape_cast %parallel_loop3A_3085 : vector<1x16xf32> to vector<16xf32>
        %parallel_loop3A_3087 = arith.subf %parallel_loop3A_3086, %mul3A_1371 : vector<16xf32>
        %parallel_loop3A_3088 = arith.mulf %parallel_loop3A_3087, %mul3A_1471 : vector<16xf32>
        %parallel_loop3A_3089 = arith.mulf %parallel_loop3A_3088, %parallel_loop3A_2973 : vector<16xf32>
        %parallel_loop3A_3090 = arith.addf %parallel_loop3A_3089, %parallel_loop3A_2976 : vector<16xf32>
        %parallel_loop3A_3091 = arith.constant 7 : i32
        %parallel_loop3A_3092 = arith.index_cast %parallel_loop3A_3091 : i32 to index
        %parallel_loop3A_3093 = arith.index_cast %parallel_loop3A_2970 : i32 to index
        %parallel_loop3A_3094 = tpu.vector_load %arg13[%parallel_loop3A_3092, %parallel_loop3A_3093] {strides = array<i32>} : memref<8x2048xf32, #tpu.memory_space<vmem>>, vector<1x16xf32>,
        %parallel_loop3A_3095 = vector.shape_cast %parallel_loop3A_3094 : vector<1x16xf32> to vector<16xf32>
        %parallel_loop3A_3096 = vector.shape_cast %parallel_loop3A_3090 : vector<16xf32> to vector<1x16xf32>
        tpu.vector_store %arg13[%parallel_loop3A_3092, %parallel_loop3A_3093], %parallel_loop3A_3096 {strides = array<i32>} : memref<8x2048xf32, #tpu.memory_space<vmem>>, vector<1x16xf32>,
      } {sc.loop_unroll_factor = 2 : i64, sc.parallel_access}
      %add3A_1475 = arith.constant 0 : i32
      %add3A_1476 = arith.addi %add3A_1475, %mul3A_4 : i32
      %mul3A_1477 = arith.constant 2 : i32
      %mul3A_1478 = arith.muli %add3A_132, %mul3A_1477 : i32
      %add3A_1479 = arith.addi %add3A_1476, %mul3A_1478 : i32
      %dma_start3A_1480 = arith.constant 0 : i32
      %dma_start3A_1481 = arith.constant 0 : i32
      %dma_start3A_1482 = tpu.memref_slice %arg13[%dma_start3A_1480, %dma_start3A_1481] : memref<8x2048xf32, #tpu.memory_space<vmem>> -> memref<2x2048xf32, #tpu.memory_space<vmem>>
      %dma_start3A_1483 = arith.constant 0 : i32
      %dma_start3A_1484 = tpu.memref_slice %arg7[%add3A_1479, %dma_start3A_1483] : memref<8192x2048xf32, #tpu.memory_space<hbm>> -> memref<2x2048xf32, #tpu.memory_space<hbm>>
      %dma_start3A_1485 = arith.constant 0 : i32
      %dma_start3A_1486 = tpu.memref_slice %arg7[%add3A_1479, %dma_start3A_1485] : memref<8192x2048xf32, #tpu.memory_space<hbm>> -> memref<2x2048xf32, #tpu.memory_space<hbm>>
      %dma_start3A_1487 = arith.constant 0 : i32
      %dma_start3A_1488 = arith.constant 0 : i32
      %dma_start3A_1489 = tpu.memref_slice %arg13[%dma_start3A_1487, %dma_start3A_1488] : memref<8x2048xf32, #tpu.memory_space<vmem>> -> memref<2x2048xf32, #tpu.memory_space<vmem>>
      tpu.enqueue_dma source(%dma_start3A_1489 : memref<2x2048xf32, #tpu.memory_space<vmem>>) target(%dma_start3A_1486 : memref<2x2048xf32, #tpu.memory_space<hbm>>) target_semaphore(%arg22 : memref<!tpu.dma_semaphore, #tpu.memory_space<semaphore_mem>>)
      %add3A_1490 = arith.constant 2048 : i32
      %add3A_1491 = arith.addi %add3A_1490, %mul3A_4 : i32
      %mul3A_1492 = arith.constant 2 : i32
      %mul3A_1493 = arith.muli %add3A_132, %mul3A_1492 : i32
      %add3A_1494 = arith.addi %add3A_1491, %mul3A_1493 : i32
      %dma_start3A_1495 = arith.constant 2 : i32
      %dma_start3A_1496 = arith.constant 0 : i32
      %dma_start3A_1497 = tpu.memref_slice %arg13[%dma_start3A_1495, %dma_start3A_1496] : memref<8x2048xf32, #tpu.memory_space<vmem>> -> memref<2x2048xf32, #tpu.memory_space<vmem>>
      %dma_start3A_1498 = arith.constant 0 : i32
      %dma_start3A_1499 = tpu.memref_slice %arg7[%add3A_1494, %dma_start3A_1498] : memref<8192x2048xf32, #tpu.memory_space<hbm>> -> memref<2x2048xf32, #tpu.memory_space<hbm>>
      %dma_start3A_1500 = arith.constant 0 : i32
      %dma_start3A_1501 = tpu.memref_slice %arg7[%add3A_1494, %dma_start3A_1500] : memref<8192x2048xf32, #tpu.memory_space<hbm>> -> memref<2x2048xf32, #tpu.memory_space<hbm>>
      %dma_start3A_1502 = arith.constant 2 : i32
      %dma_start3A_1503 = arith.constant 0 : i32
      %dma_start3A_1504 = tpu.memref_slice %arg13[%dma_start3A_1502, %dma_start3A_1503] : memref<8x2048xf32, #tpu.memory_space<vmem>> -> memref<2x2048xf32, #tpu.memory_space<vmem>>
      tpu.enqueue_dma source(%dma_start3A_1504 : memref<2x2048xf32, #tpu.memory_space<vmem>>) target(%dma_start3A_1501 : memref<2x2048xf32, #tpu.memory_space<hbm>>) target_semaphore(%arg22 : memref<!tpu.dma_semaphore, #tpu.memory_space<semaphore_mem>>)
      %add3A_1505 = arith.constant 4096 : i32
      %add3A_1506 = arith.addi %add3A_1505, %mul3A_4 : i32
      %mul3A_1507 = arith.constant 2 : i32
      %mul3A_1508 = arith.muli %add3A_132, %mul3A_1507 : i32
      %add3A_1509 = arith.addi %add3A_1506, %mul3A_1508 : i32
      %dma_start3A_1510 = arith.constant 4 : i32
      %dma_start3A_1511 = arith.constant 0 : i32
      %dma_start3A_1512 = tpu.memref_slice %arg13[%dma_start3A_1510, %dma_start3A_1511] : memref<8x2048xf32, #tpu.memory_space<vmem>> -> memref<2x2048xf32, #tpu.memory_space<vmem>>
      %dma_start3A_1513 = arith.constant 0 : i32
      %dma_start3A_1514 = tpu.memref_slice %arg7[%add3A_1509, %dma_start3A_1513] : memref<8192x2048xf32, #tpu.memory_space<hbm>> -> memref<2x2048xf32, #tpu.memory_space<hbm>>
      %dma_start3A_1515 = arith.constant 0 : i32
      %dma_start3A_1516 = tpu.memref_slice %arg7[%add3A_1509, %dma_start3A_1515] : memref<8192x2048xf32, #tpu.memory_space<hbm>> -> memref<2x2048xf32, #tpu.memory_space<hbm>>
      %dma_start3A_1517 = arith.constant 4 : i32
      %dma_start3A_1518 = arith.constant 0 : i32
      %dma_start3A_1519 = tpu.memref_slice %arg13[%dma_start3A_1517, %dma_start3A_1518] : memref<8x2048xf32, #tpu.memory_space<vmem>> -> memref<2x2048xf32, #tpu.memory_space<vmem>>
      tpu.enqueue_dma source(%dma_start3A_1519 : memref<2x2048xf32, #tpu.memory_space<vmem>>) target(%dma_start3A_1516 : memref<2x2048xf32, #tpu.memory_space<hbm>>) target_semaphore(%arg22 : memref<!tpu.dma_semaphore, #tpu.memory_space<semaphore_mem>>)
      %add3A_1520 = arith.constant 6144 : i32
      %add3A_1521 = arith.addi %add3A_1520, %mul3A_4 : i32
      %mul3A_1522 = arith.constant 2 : i32
      %mul3A_1523 = arith.muli %add3A_132, %mul3A_1522 : i32
      %add3A_1524 = arith.addi %add3A_1521, %mul3A_1523 : i32
      %dma_start3A_1525 = arith.constant 6 : i32
      %dma_start3A_1526 = arith.constant 0 : i32
      %dma_start3A_1527 = tpu.memref_slice %arg13[%dma_start3A_1525, %dma_start3A_1526] : memref<8x2048xf32, #tpu.memory_space<vmem>> -> memref<2x2048xf32, #tpu.memory_space<vmem>>
      %dma_start3A_1528 = arith.constant 0 : i32
      %dma_start3A_1529 = tpu.memref_slice %arg7[%add3A_1524, %dma_start3A_1528] : memref<8192x2048xf32, #tpu.memory_space<hbm>> -> memref<2x2048xf32, #tpu.memory_space<hbm>>
      %dma_start3A_1530 = arith.constant 0 : i32
      %dma_start3A_1531 = tpu.memref_slice %arg7[%add3A_1524, %dma_start3A_1530] : memref<8192x2048xf32, #tpu.memory_space<hbm>> -> memref<2x2048xf32, #tpu.memory_space<hbm>>
      %dma_start3A_1532 = arith.constant 6 : i32
      %dma_start3A_1533 = arith.constant 0 : i32
      %dma_start3A_1534 = tpu.memref_slice %arg13[%dma_start3A_1532, %dma_start3A_1533] : memref<8x2048xf32, #tpu.memory_space<vmem>> -> memref<2x2048xf32, #tpu.memory_space<vmem>>
      tpu.enqueue_dma source(%dma_start3A_1534 : memref<2x2048xf32, #tpu.memory_space<vmem>>) target(%dma_start3A_1531 : memref<2x2048xf32, #tpu.memory_space<hbm>>) target_semaphore(%arg22 : memref<!tpu.dma_semaphore, #tpu.memory_space<semaphore_mem>>)
      %add3A_1535 = arith.constant 2 : i32
      %add3A_1536 = arith.addi %add3A_132, %add3A_1535 : i32
      %lt3A_1537 = arith.constant 32 : i32
      %lt3A_1538 = arith.cmpi slt, %add3A_1536, %lt3A_1537 : i32
      %convert_element_type3A_1539 = arith.extui %lt3A_1538 : i1 to i32
      %cond3A_1540 = arith.constant 0 : i32
      %cond3A_1541 = arith.cmpi ne, %convert_element_type3A_1539, %cond3A_1540 : i32
      scf.if %cond3A_1541 {
        %add3A_2968 = arith.constant 2 : i32
        %add3A_2969 = arith.addi %add3A_132, %add3A_2968 : i32
        %mul3A_2970 = arith.constant 2 : i32
        %mul3A_2971 = arith.muli %add3A_2969, %mul3A_2970 : i32
        %add3A_2972 = arith.addi %mul3A_4, %mul3A_2971 : i32
        %dma_start3A_2973 = arith.constant 0 : i32
        %dma_start3A_2974 = tpu.memref_slice %arg4[%add3A_2972, %dma_start3A_2973] : memref<2048x2048xf32, #tpu.memory_space<hbm>> -> memref<2x2048xf32, #tpu.memory_space<hbm>>
        %dma_start3A_2975 = arith.constant 0 : i32
        %dma_start3A_2976 = tpu.memref_slice %arg4[%add3A_2972, %dma_start3A_2975] : memref<2048x2048xf32, #tpu.memory_space<hbm>> -> memref<2x2048xf32, #tpu.memory_space<hbm>>
        tpu.enqueue_dma source(%dma_start3A_2976 : memref<2x2048xf32, #tpu.memory_space<hbm>>) target(%arg11 : memref<2x2048xf32, #tpu.memory_space<vmem>>) target_semaphore(%arg20 : memref<!tpu.dma_semaphore, #tpu.memory_space<semaphore_mem>>)
        %mul3A_2977 = arith.constant 8 : i32
        %mul3A_2978 = arith.muli %add3A_2969, %mul3A_2977 : i32
        %dma_start3A_2979 = tpu.memref_slice %arg8[%mul3A_2978] : memref<256xi32, #tpu.memory_space<vmem>> -> memref<8xi32, #tpu.memory_space<vmem>>
        %dma_start3A_2980 = arith.constant 0 : i32
        %dma_start3A_2981 = arith.constant 0 : i32
        %dma_start3A_2982 = tpu.memref_slice %arg3[%dma_start3A_2980, %dma_start3A_2981] : memref<32000x2048xf32, #tpu.memory_space<hbm>> -> memref<32000x2048xf32, #tpu.memory_space<hbm>>
        tpu.enqueue_indirect_dma source(%dma_start3A_2982 : memref<32000x2048xf32, #tpu.memory_space<hbm>>) target(%arg9 : memref<8x2048xf32, #tpu.memory_space<vmem>>) offsets(%dma_start3A_2979 : memref<8xi32, #tpu.memory_space<vmem>>) semaphore(%arg18 : memref<!tpu.dma_semaphore, #tpu.memory_space<semaphore_mem>>)
      } else {
      }
      %add3A_1542 = arith.constant 1 : i32
      %add3A_1543 = arith.addi %mul3A_130, %add3A_1542 : i32
      %dma_wait3A_1544 = arith.constant 0 : i32
      %dma_wait3A_1545 = arith.constant 0 : i32
      %dma_wait3A_1546 = tpu.memref_slice %arg4[%dma_wait3A_1544, %dma_wait3A_1545] : memref<2048x2048xf32, #tpu.memory_space<hbm>> -> memref<2x2048xf32, #tpu.memory_space<hbm>>
      %dma_wait3A_1547 = arith.constant 0 : i32
      %dma_wait3A_1548 = arith.constant 0 : i32
      %dma_wait3A_1549 = tpu.memref_slice %arg4[%dma_wait3A_1547, %dma_wait3A_1548] : memref<2048x2048xf32, #tpu.memory_space<hbm>> -> memref<2x2048xf32, #tpu.memory_space<hbm>>
      tpu.wait_dma2 semaphore(%arg21 : memref<!tpu.dma_semaphore, #tpu.memory_space<semaphore_mem>>) src(%dma_wait3A_1549 : memref<2x2048xf32, #tpu.memory_space<hbm>>) dst(%arg12 : memref<2x2048xf32, #tpu.memory_space<vmem>>)
      %dma_wait3A_1550 = arith.constant 0 : i32
      %dma_wait3A_1551 = arith.constant 0 : i32
      %dma_wait3A_1552 = tpu.memref_slice %arg4[%dma_wait3A_1550, %dma_wait3A_1551] : memref<2048x2048xf32, #tpu.memory_space<hbm>> -> memref<8x2048xf32, #tpu.memory_space<hbm>>
      %dma_wait3A_1553 = arith.constant 0 : i32
      %dma_wait3A_1554 = arith.constant 0 : i32
      %dma_wait3A_1555 = tpu.memref_slice %arg4[%dma_wait3A_1553, %dma_wait3A_1554] : memref<2048x2048xf32, #tpu.memory_space<hbm>> -> memref<8x2048xf32, #tpu.memory_space<hbm>>
      tpu.wait_dma2 semaphore(%arg19 : memref<!tpu.dma_semaphore, #tpu.memory_space<semaphore_mem>>) src(%dma_wait3A_1555 : memref<8x2048xf32, #tpu.memory_space<hbm>>) dst(%arg10 : memref<8x2048xf32, #tpu.memory_space<vmem>>)
      %ge3A_1556 = arith.constant 2 : i32
      %ge3A_1557 = arith.cmpi sge, %add3A_1543, %ge3A_1556 : i32
      %convert_element_type3A_1558 = arith.extui %ge3A_1557 : i1 to i32
      %cond3A_1559 = arith.constant 0 : i32
      %cond3A_1560 = arith.cmpi ne, %convert_element_type3A_1558, %cond3A_1559 : i32
      scf.if %cond3A_1560 {
        %dma_wait3A_2968 = arith.constant 0 : i32
        %dma_wait3A_2969 = arith.constant 0 : i32
        %dma_wait3A_2970 = tpu.memref_slice %arg14[%dma_wait3A_2968, %dma_wait3A_2969] : memref<8x2048xf32, #tpu.memory_space<vmem>> -> memref<2x2048xf32, #tpu.memory_space<vmem>>
        %dma_wait3A_2971 = arith.constant 0 : i32
        %dma_wait3A_2972 = arith.constant 0 : i32
        %dma_wait3A_2973 = tpu.memref_slice %arg7[%dma_wait3A_2971, %dma_wait3A_2972] : memref<8192x2048xf32, #tpu.memory_space<hbm>> -> memref<2x2048xf32, #tpu.memory_space<hbm>>
        %dma_wait3A_2974 = arith.constant 0 : i32
        %dma_wait3A_2975 = arith.constant 0 : i32
        %dma_wait3A_2976 = tpu.memref_slice %arg7[%dma_wait3A_2974, %dma_wait3A_2975] : memref<8192x2048xf32, #tpu.memory_space<hbm>> -> memref<2x2048xf32, #tpu.memory_space<hbm>>
        %dma_wait3A_2977 = arith.constant 0 : i32
        %dma_wait3A_2978 = arith.constant 0 : i32
        %dma_wait3A_2979 = tpu.memref_slice %arg14[%dma_wait3A_2977, %dma_wait3A_2978] : memref<8x2048xf32, #tpu.memory_space<vmem>> -> memref<2x2048xf32, #tpu.memory_space<vmem>>
        tpu.wait_dma2 semaphore(%arg23 : memref<!tpu.dma_semaphore, #tpu.memory_space<semaphore_mem>>) src(%dma_wait3A_2979 : memref<2x2048xf32, #tpu.memory_space<vmem>>) dst(%dma_wait3A_2976 : memref<2x2048xf32, #tpu.memory_space<hbm>>)
        %dma_wait3A_2980 = arith.constant 2 : i32
        %dma_wait3A_2981 = arith.constant 0 : i32
        %dma_wait3A_2982 = tpu.memref_slice %arg14[%dma_wait3A_2980, %dma_wait3A_2981] : memref<8x2048xf32, #tpu.memory_space<vmem>> -> memref<2x2048xf32, #tpu.memory_space<vmem>>
        %dma_wait3A_2983 = arith.constant 0 : i32
        %dma_wait3A_2984 = arith.constant 0 : i32
        %dma_wait3A_2985 = tpu.memref_slice %arg7[%dma_wait3A_2983, %dma_wait3A_2984] : memref<8192x2048xf32, #tpu.memory_space<hbm>> -> memref<2x2048xf32, #tpu.memory_space<hbm>>
        %dma_wait3A_2986 = arith.constant 0 : i32
        %dma_wait3A_2987 = arith.constant 0 : i32
        %dma_wait3A_2988 = tpu.memref_slice %arg7[%dma_wait3A_2986, %dma_wait3A_2987] : memref<8192x2048xf32, #tpu.memory_space<hbm>> -> memref<2x2048xf32, #tpu.memory_space<hbm>>
        %dma_wait3A_2989 = arith.constant 2 : i32
        %dma_wait3A_2990 = arith.constant 0 : i32
        %dma_wait3A_2991 = tpu.memref_slice %arg14[%dma_wait3A_2989, %dma_wait3A_2990] : memref<8x2048xf32, #tpu.memory_space<vmem>> -> memref<2x2048xf32, #tpu.memory_space<vmem>>
        tpu.wait_dma2 semaphore(%arg23 : memref<!tpu.dma_semaphore, #tpu.memory_space<semaphore_mem>>) src(%dma_wait3A_2991 : memref<2x2048xf32, #tpu.memory_space<vmem>>) dst(%dma_wait3A_2988 : memref<2x2048xf32, #tpu.memory_space<hbm>>)
        %dma_wait3A_2992 = arith.constant 4 : i32
        %dma_wait3A_2993 = arith.constant 0 : i32
        %dma_wait3A_2994 = tpu.memref_slice %arg14[%dma_wait3A_2992, %dma_wait3A_2993] : memref<8x2048xf32, #tpu.memory_space<vmem>> -> memref<2x2048xf32, #tpu.memory_space<vmem>>
        %dma_wait3A_2995 = arith.constant 0 : i32
        %dma_wait3A_2996 = arith.constant 0 : i32
        %dma_wait3A_2997 = tpu.memref_slice %arg7[%dma_wait3A_2995, %dma_wait3A_2996] : memref<8192x2048xf32, #tpu.memory_space<hbm>> -> memref<2x2048xf32, #tpu.memory_space<hbm>>
        %dma_wait3A_2998 = arith.constant 0 : i32
        %dma_wait3A_2999 = arith.constant 0 : i32
        %dma_wait3A_3000 = tpu.memref_slice %arg7[%dma_wait3A_2998, %dma_wait3A_2999] : memref<8192x2048xf32, #tpu.memory_space<hbm>> -> memref<2x2048xf32, #tpu.memory_space<hbm>>
        %dma_wait3A_3001 = arith.constant 4 : i32
        %dma_wait3A_3002 = arith.constant 0 : i32
        %dma_wait3A_3003 = tpu.memref_slice %arg14[%dma_wait3A_3001, %dma_wait3A_3002] : memref<8x2048xf32, #tpu.memory_space<vmem>> -> memref<2x2048xf32, #tpu.memory_space<vmem>>
        tpu.wait_dma2 semaphore(%arg23 : memref<!tpu.dma_semaphore, #tpu.memory_space<semaphore_mem>>) src(%dma_wait3A_3003 : memref<2x2048xf32, #tpu.memory_space<vmem>>) dst(%dma_wait3A_3000 : memref<2x2048xf32, #tpu.memory_space<hbm>>)
        %dma_wait3A_3004 = arith.constant 6 : i32
        %dma_wait3A_3005 = arith.constant 0 : i32
        %dma_wait3A_3006 = tpu.memref_slice %arg14[%dma_wait3A_3004, %dma_wait3A_3005] : memref<8x2048xf32, #tpu.memory_space<vmem>> -> memref<2x2048xf32, #tpu.memory_space<vmem>>
        %dma_wait3A_3007 = arith.constant 0 : i32
        %dma_wait3A_3008 = arith.constant 0 : i32
        %dma_wait3A_3009 = tpu.memref_slice %arg7[%dma_wait3A_3007, %dma_wait3A_3008] : memref<8192x2048xf32, #tpu.memory_space<hbm>> -> memref<2x2048xf32, #tpu.memory_space<hbm>>
        %dma_wait3A_3010 = arith.constant 0 : i32
        %dma_wait3A_3011 = arith.constant 0 : i32
        %dma_wait3A_3012 = tpu.memref_slice %arg7[%dma_wait3A_3010, %dma_wait3A_3011] : memref<8192x2048xf32, #tpu.memory_space<hbm>> -> memref<2x2048xf32, #tpu.memory_space<hbm>>
        %dma_wait3A_3013 = arith.constant 6 : i32
        %dma_wait3A_3014 = arith.constant 0 : i32
        %dma_wait3A_3015 = tpu.memref_slice %arg14[%dma_wait3A_3013, %dma_wait3A_3014] : memref<8x2048xf32, #tpu.memory_space<vmem>> -> memref<2x2048xf32, #tpu.memory_space<vmem>>
        tpu.wait_dma2 semaphore(%arg23 : memref<!tpu.dma_semaphore, #tpu.memory_space<semaphore_mem>>) src(%dma_wait3A_3015 : memref<2x2048xf32, #tpu.memory_space<vmem>>) dst(%dma_wait3A_3012 : memref<2x2048xf32, #tpu.memory_space<hbm>>)
      } else {
      }
      %broadcast_in_dim3A_1561 = arith.constant 0.000000e+00 : f32
      %broadcast_in_dim3A_1562 = vector.broadcast %broadcast_in_dim3A_1561 : f32 to vector<16xf32>
      %get3A_1563 = arith.constant 0 : i32
      %get3A_1564 = arith.index_cast %get3A_1563 : i32 to index
      %get3A_1565 = arith.constant 0 : index
      %get3A_1566 = tpu.vector_load %arg10[%get3A_1564, %get3A_1565] {strides = array<i32>} : memref<8x2048xf32, #tpu.memory_space<vmem>>, vector<1x16xf32>,
      %get3A_1567 = vector.shape_cast %get3A_1566 : vector<1x16xf32> to vector<16xf32>
      %get3A_1568 = arith.constant 1 : i32
      %get3A_1569 = arith.index_cast %get3A_1568 : i32 to index
      %get3A_1570 = arith.constant 0 : index
      %get3A_1571 = tpu.vector_load %arg10[%get3A_1569, %get3A_1570] {strides = array<i32>} : memref<8x2048xf32, #tpu.memory_space<vmem>>, vector<1x16xf32>,
      %get3A_1572 = vector.shape_cast %get3A_1571 : vector<1x16xf32> to vector<16xf32>
      %get3A_1573 = arith.constant 2 : i32
      %get3A_1574 = arith.index_cast %get3A_1573 : i32 to index
      %get3A_1575 = arith.constant 0 : index
      %get3A_1576 = tpu.vector_load %arg10[%get3A_1574, %get3A_1575] {strides = array<i32>} : memref<8x2048xf32, #tpu.memory_space<vmem>>, vector<1x16xf32>,
      %get3A_1577 = vector.shape_cast %get3A_1576 : vector<1x16xf32> to vector<16xf32>
      %get3A_1578 = arith.constant 3 : i32
      %get3A_1579 = arith.index_cast %get3A_1578 : i32 to index
      %get3A_1580 = arith.constant 0 : index
      %get3A_1581 = tpu.vector_load %arg10[%get3A_1579, %get3A_1580] {strides = array<i32>} : memref<8x2048xf32, #tpu.memory_space<vmem>>, vector<1x16xf32>,
      %get3A_1582 = vector.shape_cast %get3A_1581 : vector<1x16xf32> to vector<16xf32>
      %get3A_1583 = arith.constant 4 : i32
      %get3A_1584 = arith.index_cast %get3A_1583 : i32 to index
      %get3A_1585 = arith.constant 0 : index
      %get3A_1586 = tpu.vector_load %arg10[%get3A_1584, %get3A_1585] {strides = array<i32>} : memref<8x2048xf32, #tpu.memory_space<vmem>>, vector<1x16xf32>,
      %get3A_1587 = vector.shape_cast %get3A_1586 : vector<1x16xf32> to vector<16xf32>
      %get3A_1588 = arith.constant 5 : i32
      %get3A_1589 = arith.index_cast %get3A_1588 : i32 to index
      %get3A_1590 = arith.constant 0 : index
      %get3A_1591 = tpu.vector_load %arg10[%get3A_1589, %get3A_1590] {strides = array<i32>} : memref<8x2048xf32, #tpu.memory_space<vmem>>, vector<1x16xf32>,
      %get3A_1592 = vector.shape_cast %get3A_1591 : vector<1x16xf32> to vector<16xf32>
      %get3A_1593 = arith.constant 6 : i32
      %get3A_1594 = arith.index_cast %get3A_1593 : i32 to index
      %get3A_1595 = arith.constant 0 : index
      %get3A_1596 = tpu.vector_load %arg10[%get3A_1594, %get3A_1595] {strides = array<i32>} : memref<8x2048xf32, #tpu.memory_space<vmem>>, vector<1x16xf32>,
      %get3A_1597 = vector.shape_cast %get3A_1596 : vector<1x16xf32> to vector<16xf32>
      %get3A_1598 = arith.constant 7 : i32
      %get3A_1599 = arith.index_cast %get3A_1598 : i32 to index
      %get3A_1600 = arith.constant 0 : index
      %get3A_1601 = tpu.vector_load %arg10[%get3A_1599, %get3A_1600] {strides = array<i32>} : memref<8x2048xf32, #tpu.memory_space<vmem>>, vector<1x16xf32>,
      %get3A_1602 = vector.shape_cast %get3A_1601 : vector<1x16xf32> to vector<16xf32>
      %get3A_1603 = arith.constant 0 : i32
      %get3A_1604 = arith.index_cast %get3A_1603 : i32 to index
      %get3A_1605 = arith.constant 0 : index
      %get3A_1606 = tpu.vector_load %arg12[%get3A_1604, %get3A_1605] {strides = array<i32>} : memref<2x2048xf32, #tpu.memory_space<vmem>>, vector<1x16xf32>,
      %get3A_1607 = vector.shape_cast %get3A_1606 : vector<1x16xf32> to vector<16xf32>
      %get3A_1608 = arith.constant 1 : i32
      %get3A_1609 = arith.index_cast %get3A_1608 : i32 to index
      %get3A_1610 = arith.constant 0 : index
      %get3A_1611 = tpu.vector_load %arg12[%get3A_1609, %get3A_1610] {strides = array<i32>} : memref<2x2048xf32, #tpu.memory_space<vmem>>, vector<1x16xf32>,
      %get3A_1612 = vector.shape_cast %get3A_1611 : vector<1x16xf32> to vector<16xf32>
      %parallel_loop3A_1613 = arith.constant 0 : i32
      %parallel_loop3A_1614 = arith.constant 128 : i32
      %parallel_loop3A_1615 = arith.constant 1 : i32
      %parallel_loop3A_1616:26 = scf.for %parallel_loop3A_2968 = %parallel_loop3A_1613 to %parallel_loop3A_1614 step %parallel_loop3A_1615 iter_args(%parallel_loop3A_2969 = %broadcast_in_dim3A_1562, %parallel_loop3A_2970 = %broadcast_in_dim3A_1562, %parallel_loop3A_2971 = %broadcast_in_dim3A_1562, %parallel_loop3A_2972 = %broadcast_in_dim3A_1562, %parallel_loop3A_2973 = %broadcast_in_dim3A_1562, %parallel_loop3A_2974 = %broadcast_in_dim3A_1562, %parallel_loop3A_2975 = %broadcast_in_dim3A_1562, %parallel_loop3A_2976 = %broadcast_in_dim3A_1562, %parallel_loop3A_2977 = %broadcast_in_dim3A_1562, %parallel_loop3A_2978 = %broadcast_in_dim3A_1562, %parallel_loop3A_2979 = %broadcast_in_dim3A_1562, %parallel_loop3A_2980 = %broadcast_in_dim3A_1562, %parallel_loop3A_2981 = %broadcast_in_dim3A_1562, %parallel_loop3A_2982 = %broadcast_in_dim3A_1562, %parallel_loop3A_2983 = %broadcast_in_dim3A_1562, %parallel_loop3A_2984 = %broadcast_in_dim3A_1562, %parallel_loop3A_2985 = %get3A_1567, %parallel_loop3A_2986 = %get3A_1572, %parallel_loop3A_2987 = %get3A_1577, %parallel_loop3A_2988 = %get3A_1582, %parallel_loop3A_2989 = %get3A_1587, %parallel_loop3A_2990 = %get3A_1592, %parallel_loop3A_2991 = %get3A_1597, %parallel_loop3A_2992 = %get3A_1602, %parallel_loop3A_2993 = %get3A_1607, %parallel_loop3A_2994 = %get3A_1612) -> (vector<16xf32>, vector<16xf32>, vector<16xf32>, vector<16xf32>, vector<16xf32>, vector<16xf32>, vector<16xf32>, vector<16xf32>, vector<16xf32>, vector<16xf32>, vector<16xf32>, vector<16xf32>, vector<16xf32>, vector<16xf32>, vector<16xf32>, vector<16xf32>, vector<16xf32>, vector<16xf32>, vector<16xf32>, vector<16xf32>, vector<16xf32>, vector<16xf32>, vector<16xf32>, vector<16xf32>, vector<16xf32>, vector<16xf32>)  : i32 {
        %parallel_loop3A_2995 = arith.constant 16 : i32
        %parallel_loop3A_2996 = arith.muli %parallel_loop3A_2968, %parallel_loop3A_2995 : i32
        %parallel_loop3A_2997 = arith.addf %parallel_loop3A_2985, %parallel_loop3A_2993 : vector<16xf32>
        %parallel_loop3A_2998 = arith.constant 0 : i32
        %parallel_loop3A_2999 = arith.index_cast %parallel_loop3A_2998 : i32 to index
        %parallel_loop3A_3000 = arith.index_cast %parallel_loop3A_2996 : i32 to index
        %parallel_loop3A_3001 = tpu.vector_load %arg15[%parallel_loop3A_2999, %parallel_loop3A_3000] {strides = array<i32>} : memref<8x2048xf32, #tpu.memory_space<vmem>>, vector<1x16xf32>,
        %parallel_loop3A_3002 = vector.shape_cast %parallel_loop3A_3001 : vector<1x16xf32> to vector<16xf32>
        %parallel_loop3A_3003 = vector.shape_cast %parallel_loop3A_2997 : vector<16xf32> to vector<1x16xf32>
        tpu.vector_store %arg15[%parallel_loop3A_2999, %parallel_loop3A_3000], %parallel_loop3A_3003 {strides = array<i32>} : memref<8x2048xf32, #tpu.memory_space<vmem>>, vector<1x16xf32>,
        %parallel_loop3A_3004 = arith.addf %parallel_loop3A_2969, %parallel_loop3A_2997 : vector<16xf32>
        %parallel_loop3A_3005 = arith.mulf %parallel_loop3A_2997, %parallel_loop3A_2997 : vector<16xf32>
        %parallel_loop3A_3006 = arith.addf %parallel_loop3A_2970, %parallel_loop3A_3005 : vector<16xf32>
        %parallel_loop3A_3007 = arith.addf %parallel_loop3A_2986, %parallel_loop3A_2993 : vector<16xf32>
        %parallel_loop3A_3008 = arith.constant 1 : i32
        %parallel_loop3A_3009 = arith.index_cast %parallel_loop3A_3008 : i32 to index
        %parallel_loop3A_3010 = arith.index_cast %parallel_loop3A_2996 : i32 to index
        %parallel_loop3A_3011 = tpu.vector_load %arg15[%parallel_loop3A_3009, %parallel_loop3A_3010] {strides = array<i32>} : memref<8x2048xf32, #tpu.memory_space<vmem>>, vector<1x16xf32>,
        %parallel_loop3A_3012 = vector.shape_cast %parallel_loop3A_3011 : vector<1x16xf32> to vector<16xf32>
        %parallel_loop3A_3013 = vector.shape_cast %parallel_loop3A_3007 : vector<16xf32> to vector<1x16xf32>
        tpu.vector_store %arg15[%parallel_loop3A_3009, %parallel_loop3A_3010], %parallel_loop3A_3013 {strides = array<i32>} : memref<8x2048xf32, #tpu.memory_space<vmem>>, vector<1x16xf32>,
        %parallel_loop3A_3014 = arith.addf %parallel_loop3A_2971, %parallel_loop3A_3007 : vector<16xf32>
        %parallel_loop3A_3015 = arith.mulf %parallel_loop3A_3007, %parallel_loop3A_3007 : vector<16xf32>
        %parallel_loop3A_3016 = arith.addf %parallel_loop3A_2972, %parallel_loop3A_3015 : vector<16xf32>
        %parallel_loop3A_3017 = arith.addf %parallel_loop3A_2987, %parallel_loop3A_2993 : vector<16xf32>
        %parallel_loop3A_3018 = arith.constant 2 : i32
        %parallel_loop3A_3019 = arith.index_cast %parallel_loop3A_3018 : i32 to index
        %parallel_loop3A_3020 = arith.index_cast %parallel_loop3A_2996 : i32 to index
        %parallel_loop3A_3021 = tpu.vector_load %arg15[%parallel_loop3A_3019, %parallel_loop3A_3020] {strides = array<i32>} : memref<8x2048xf32, #tpu.memory_space<vmem>>, vector<1x16xf32>,
        %parallel_loop3A_3022 = vector.shape_cast %parallel_loop3A_3021 : vector<1x16xf32> to vector<16xf32>
        %parallel_loop3A_3023 = vector.shape_cast %parallel_loop3A_3017 : vector<16xf32> to vector<1x16xf32>
        tpu.vector_store %arg15[%parallel_loop3A_3019, %parallel_loop3A_3020], %parallel_loop3A_3023 {strides = array<i32>} : memref<8x2048xf32, #tpu.memory_space<vmem>>, vector<1x16xf32>,
        %parallel_loop3A_3024 = arith.addf %parallel_loop3A_2973, %parallel_loop3A_3017 : vector<16xf32>
        %parallel_loop3A_3025 = arith.mulf %parallel_loop3A_3017, %parallel_loop3A_3017 : vector<16xf32>
        %parallel_loop3A_3026 = arith.addf %parallel_loop3A_2974, %parallel_loop3A_3025 : vector<16xf32>
        %parallel_loop3A_3027 = arith.addf %parallel_loop3A_2988, %parallel_loop3A_2993 : vector<16xf32>
        %parallel_loop3A_3028 = arith.constant 3 : i32
        %parallel_loop3A_3029 = arith.index_cast %parallel_loop3A_3028 : i32 to index
        %parallel_loop3A_3030 = arith.index_cast %parallel_loop3A_2996 : i32 to index
        %parallel_loop3A_3031 = tpu.vector_load %arg15[%parallel_loop3A_3029, %parallel_loop3A_3030] {strides = array<i32>} : memref<8x2048xf32, #tpu.memory_space<vmem>>, vector<1x16xf32>,
        %parallel_loop3A_3032 = vector.shape_cast %parallel_loop3A_3031 : vector<1x16xf32> to vector<16xf32>
        %parallel_loop3A_3033 = vector.shape_cast %parallel_loop3A_3027 : vector<16xf32> to vector<1x16xf32>
        tpu.vector_store %arg15[%parallel_loop3A_3029, %parallel_loop3A_3030], %parallel_loop3A_3033 {strides = array<i32>} : memref<8x2048xf32, #tpu.memory_space<vmem>>, vector<1x16xf32>,
        %parallel_loop3A_3034 = arith.addf %parallel_loop3A_2975, %parallel_loop3A_3027 : vector<16xf32>
        %parallel_loop3A_3035 = arith.mulf %parallel_loop3A_3027, %parallel_loop3A_3027 : vector<16xf32>
        %parallel_loop3A_3036 = arith.addf %parallel_loop3A_2976, %parallel_loop3A_3035 : vector<16xf32>
        %parallel_loop3A_3037 = arith.addf %parallel_loop3A_2989, %parallel_loop3A_2994 : vector<16xf32>
        %parallel_loop3A_3038 = arith.constant 4 : i32
        %parallel_loop3A_3039 = arith.index_cast %parallel_loop3A_3038 : i32 to index
        %parallel_loop3A_3040 = arith.index_cast %parallel_loop3A_2996 : i32 to index
        %parallel_loop3A_3041 = tpu.vector_load %arg15[%parallel_loop3A_3039, %parallel_loop3A_3040] {strides = array<i32>} : memref<8x2048xf32, #tpu.memory_space<vmem>>, vector<1x16xf32>,
        %parallel_loop3A_3042 = vector.shape_cast %parallel_loop3A_3041 : vector<1x16xf32> to vector<16xf32>
        %parallel_loop3A_3043 = vector.shape_cast %parallel_loop3A_3037 : vector<16xf32> to vector<1x16xf32>
        tpu.vector_store %arg15[%parallel_loop3A_3039, %parallel_loop3A_3040], %parallel_loop3A_3043 {strides = array<i32>} : memref<8x2048xf32, #tpu.memory_space<vmem>>, vector<1x16xf32>,
        %parallel_loop3A_3044 = arith.addf %parallel_loop3A_2977, %parallel_loop3A_3037 : vector<16xf32>
        %parallel_loop3A_3045 = arith.mulf %parallel_loop3A_3037, %parallel_loop3A_3037 : vector<16xf32>
        %parallel_loop3A_3046 = arith.addf %parallel_loop3A_2978, %parallel_loop3A_3045 : vector<16xf32>
        %parallel_loop3A_3047 = arith.addf %parallel_loop3A_2990, %parallel_loop3A_2994 : vector<16xf32>
        %parallel_loop3A_3048 = arith.constant 5 : i32
        %parallel_loop3A_3049 = arith.index_cast %parallel_loop3A_3048 : i32 to index
        %parallel_loop3A_3050 = arith.index_cast %parallel_loop3A_2996 : i32 to index
        %parallel_loop3A_3051 = tpu.vector_load %arg15[%parallel_loop3A_3049, %parallel_loop3A_3050] {strides = array<i32>} : memref<8x2048xf32, #tpu.memory_space<vmem>>, vector<1x16xf32>,
        %parallel_loop3A_3052 = vector.shape_cast %parallel_loop3A_3051 : vector<1x16xf32> to vector<16xf32>
        %parallel_loop3A_3053 = vector.shape_cast %parallel_loop3A_3047 : vector<16xf32> to vector<1x16xf32>
        tpu.vector_store %arg15[%parallel_loop3A_3049, %parallel_loop3A_3050], %parallel_loop3A_3053 {strides = array<i32>} : memref<8x2048xf32, #tpu.memory_space<vmem>>, vector<1x16xf32>,
        %parallel_loop3A_3054 = arith.addf %parallel_loop3A_2979, %parallel_loop3A_3047 : vector<16xf32>
        %parallel_loop3A_3055 = arith.mulf %parallel_loop3A_3047, %parallel_loop3A_3047 : vector<16xf32>
        %parallel_loop3A_3056 = arith.addf %parallel_loop3A_2980, %parallel_loop3A_3055 : vector<16xf32>
        %parallel_loop3A_3057 = arith.addf %parallel_loop3A_2991, %parallel_loop3A_2994 : vector<16xf32>
        %parallel_loop3A_3058 = arith.constant 6 : i32
        %parallel_loop3A_3059 = arith.index_cast %parallel_loop3A_3058 : i32 to index
        %parallel_loop3A_3060 = arith.index_cast %parallel_loop3A_2996 : i32 to index
        %parallel_loop3A_3061 = tpu.vector_load %arg15[%parallel_loop3A_3059, %parallel_loop3A_3060] {strides = array<i32>} : memref<8x2048xf32, #tpu.memory_space<vmem>>, vector<1x16xf32>,
        %parallel_loop3A_3062 = vector.shape_cast %parallel_loop3A_3061 : vector<1x16xf32> to vector<16xf32>
        %parallel_loop3A_3063 = vector.shape_cast %parallel_loop3A_3057 : vector<16xf32> to vector<1x16xf32>
        tpu.vector_store %arg15[%parallel_loop3A_3059, %parallel_loop3A_3060], %parallel_loop3A_3063 {strides = array<i32>} : memref<8x2048xf32, #tpu.memory_space<vmem>>, vector<1x16xf32>,
        %parallel_loop3A_3064 = arith.addf %parallel_loop3A_2981, %parallel_loop3A_3057 : vector<16xf32>
        %parallel_loop3A_3065 = arith.mulf %parallel_loop3A_3057, %parallel_loop3A_3057 : vector<16xf32>
        %parallel_loop3A_3066 = arith.addf %parallel_loop3A_2982, %parallel_loop3A_3065 : vector<16xf32>
        %parallel_loop3A_3067 = arith.addf %parallel_loop3A_2992, %parallel_loop3A_2994 : vector<16xf32>
        %parallel_loop3A_3068 = arith.constant 7 : i32
        %parallel_loop3A_3069 = arith.index_cast %parallel_loop3A_3068 : i32 to index
        %parallel_loop3A_3070 = arith.index_cast %parallel_loop3A_2996 : i32 to index
        %parallel_loop3A_3071 = tpu.vector_load %arg15[%parallel_loop3A_3069, %parallel_loop3A_3070] {strides = array<i32>} : memref<8x2048xf32, #tpu.memory_space<vmem>>, vector<1x16xf32>,
        %parallel_loop3A_3072 = vector.shape_cast %parallel_loop3A_3071 : vector<1x16xf32> to vector<16xf32>
        %parallel_loop3A_3073 = vector.shape_cast %parallel_loop3A_3067 : vector<16xf32> to vector<1x16xf32>
        tpu.vector_store %arg15[%parallel_loop3A_3069, %parallel_loop3A_3070], %parallel_loop3A_3073 {strides = array<i32>} : memref<8x2048xf32, #tpu.memory_space<vmem>>, vector<1x16xf32>,
        %parallel_loop3A_3074 = arith.addf %parallel_loop3A_2983, %parallel_loop3A_3067 : vector<16xf32>
        %parallel_loop3A_3075 = arith.mulf %parallel_loop3A_3067, %parallel_loop3A_3067 : vector<16xf32>
        %parallel_loop3A_3076 = arith.addf %parallel_loop3A_2984, %parallel_loop3A_3075 : vector<16xf32>
        %parallel_loop3A_3077 = arith.constant 1 : i32
        %parallel_loop3A_3078 = arith.addi %parallel_loop3A_2968, %parallel_loop3A_3077 : i32
        %parallel_loop3A_3079 = arith.constant 127 : i32
        %parallel_loop3A_3080 = arith.andi %parallel_loop3A_3078, %parallel_loop3A_3079 : i32
        %parallel_loop3A_3081 = arith.constant 16 : i32
        %parallel_loop3A_3082 = arith.muli %parallel_loop3A_3080, %parallel_loop3A_3081 : i32
        %parallel_loop3A_3083 = arith.constant 0 : i32
        %parallel_loop3A_3084 = arith.index_cast %parallel_loop3A_3083 : i32 to index
        %parallel_loop3A_3085 = arith.index_cast %parallel_loop3A_3082 : i32 to index
        %parallel_loop3A_3086 = tpu.vector_load %arg10[%parallel_loop3A_3084, %parallel_loop3A_3085] {strides = array<i32>} : memref<8x2048xf32, #tpu.memory_space<vmem>>, vector<1x16xf32>,
        %parallel_loop3A_3087 = vector.shape_cast %parallel_loop3A_3086 : vector<1x16xf32> to vector<16xf32>
        %parallel_loop3A_3088 = arith.constant 1 : i32
        %parallel_loop3A_3089 = arith.index_cast %parallel_loop3A_3088 : i32 to index
        %parallel_loop3A_3090 = arith.index_cast %parallel_loop3A_3082 : i32 to index
        %parallel_loop3A_3091 = tpu.vector_load %arg10[%parallel_loop3A_3089, %parallel_loop3A_3090] {strides = array<i32>} : memref<8x2048xf32, #tpu.memory_space<vmem>>, vector<1x16xf32>,
        %parallel_loop3A_3092 = vector.shape_cast %parallel_loop3A_3091 : vector<1x16xf32> to vector<16xf32>
        %parallel_loop3A_3093 = arith.constant 2 : i32
        %parallel_loop3A_3094 = arith.index_cast %parallel_loop3A_3093 : i32 to index
        %parallel_loop3A_3095 = arith.index_cast %parallel_loop3A_3082 : i32 to index
        %parallel_loop3A_3096 = tpu.vector_load %arg10[%parallel_loop3A_3094, %parallel_loop3A_3095] {strides = array<i32>} : memref<8x2048xf32, #tpu.memory_space<vmem>>, vector<1x16xf32>,
        %parallel_loop3A_3097 = vector.shape_cast %parallel_loop3A_3096 : vector<1x16xf32> to vector<16xf32>
        %parallel_loop3A_3098 = arith.constant 3 : i32
        %parallel_loop3A_3099 = arith.index_cast %parallel_loop3A_3098 : i32 to index
        %parallel_loop3A_3100 = arith.index_cast %parallel_loop3A_3082 : i32 to index
        %parallel_loop3A_3101 = tpu.vector_load %arg10[%parallel_loop3A_3099, %parallel_loop3A_3100] {strides = array<i32>} : memref<8x2048xf32, #tpu.memory_space<vmem>>, vector<1x16xf32>,
        %parallel_loop3A_3102 = vector.shape_cast %parallel_loop3A_3101 : vector<1x16xf32> to vector<16xf32>
        %parallel_loop3A_3103 = arith.constant 4 : i32
        %parallel_loop3A_3104 = arith.index_cast %parallel_loop3A_3103 : i32 to index
        %parallel_loop3A_3105 = arith.index_cast %parallel_loop3A_3082 : i32 to index
        %parallel_loop3A_3106 = tpu.vector_load %arg10[%parallel_loop3A_3104, %parallel_loop3A_3105] {strides = array<i32>} : memref<8x2048xf32, #tpu.memory_space<vmem>>, vector<1x16xf32>,
        %parallel_loop3A_3107 = vector.shape_cast %parallel_loop3A_3106 : vector<1x16xf32> to vector<16xf32>
        %parallel_loop3A_3108 = arith.constant 5 : i32
        %parallel_loop3A_3109 = arith.index_cast %parallel_loop3A_3108 : i32 to index
        %parallel_loop3A_3110 = arith.index_cast %parallel_loop3A_3082 : i32 to index
        %parallel_loop3A_3111 = tpu.vector_load %arg10[%parallel_loop3A_3109, %parallel_loop3A_3110] {strides = array<i32>} : memref<8x2048xf32, #tpu.memory_space<vmem>>, vector<1x16xf32>,
        %parallel_loop3A_3112 = vector.shape_cast %parallel_loop3A_3111 : vector<1x16xf32> to vector<16xf32>
        %parallel_loop3A_3113 = arith.constant 6 : i32
        %parallel_loop3A_3114 = arith.index_cast %parallel_loop3A_3113 : i32 to index
        %parallel_loop3A_3115 = arith.index_cast %parallel_loop3A_3082 : i32 to index
        %parallel_loop3A_3116 = tpu.vector_load %arg10[%parallel_loop3A_3114, %parallel_loop3A_3115] {strides = array<i32>} : memref<8x2048xf32, #tpu.memory_space<vmem>>, vector<1x16xf32>,
        %parallel_loop3A_3117 = vector.shape_cast %parallel_loop3A_3116 : vector<1x16xf32> to vector<16xf32>
        %parallel_loop3A_3118 = arith.constant 7 : i32
        %parallel_loop3A_3119 = arith.index_cast %parallel_loop3A_3118 : i32 to index
        %parallel_loop3A_3120 = arith.index_cast %parallel_loop3A_3082 : i32 to index
        %parallel_loop3A_3121 = tpu.vector_load %arg10[%parallel_loop3A_3119, %parallel_loop3A_3120] {strides = array<i32>} : memref<8x2048xf32, #tpu.memory_space<vmem>>, vector<1x16xf32>,
        %parallel_loop3A_3122 = vector.shape_cast %parallel_loop3A_3121 : vector<1x16xf32> to vector<16xf32>
        %parallel_loop3A_3123 = arith.constant 0 : i32
        %parallel_loop3A_3124 = arith.index_cast %parallel_loop3A_3123 : i32 to index
        %parallel_loop3A_3125 = arith.index_cast %parallel_loop3A_3082 : i32 to index
        %parallel_loop3A_3126 = tpu.vector_load %arg12[%parallel_loop3A_3124, %parallel_loop3A_3125] {strides = array<i32>} : memref<2x2048xf32, #tpu.memory_space<vmem>>, vector<1x16xf32>,
        %parallel_loop3A_3127 = vector.shape_cast %parallel_loop3A_3126 : vector<1x16xf32> to vector<16xf32>
        %parallel_loop3A_3128 = arith.constant 1 : i32
        %parallel_loop3A_3129 = arith.index_cast %parallel_loop3A_3128 : i32 to index
        %parallel_loop3A_3130 = arith.index_cast %parallel_loop3A_3082 : i32 to index
        %parallel_loop3A_3131 = tpu.vector_load %arg12[%parallel_loop3A_3129, %parallel_loop3A_3130] {strides = array<i32>} : memref<2x2048xf32, #tpu.memory_space<vmem>>, vector<1x16xf32>,
        %parallel_loop3A_3132 = vector.shape_cast %parallel_loop3A_3131 : vector<1x16xf32> to vector<16xf32>
        scf.yield %parallel_loop3A_3004, %parallel_loop3A_3006, %parallel_loop3A_3014, %parallel_loop3A_3016, %parallel_loop3A_3024, %parallel_loop3A_3026, %parallel_loop3A_3034, %parallel_loop3A_3036, %parallel_loop3A_3044, %parallel_loop3A_3046, %parallel_loop3A_3054, %parallel_loop3A_3056, %parallel_loop3A_3064, %parallel_loop3A_3066, %parallel_loop3A_3074, %parallel_loop3A_3076, %parallel_loop3A_3087, %parallel_loop3A_3092, %parallel_loop3A_3097, %parallel_loop3A_3102, %parallel_loop3A_3107, %parallel_loop3A_3112, %parallel_loop3A_3117, %parallel_loop3A_3122, %parallel_loop3A_3127, %parallel_loop3A_3132 : vector<16xf32>, vector<16xf32>, vector<16xf32>, vector<16xf32>, vector<16xf32>, vector<16xf32>, vector<16xf32>, vector<16xf32>, vector<16xf32>, vector<16xf32>, vector<16xf32>, vector<16xf32>, vector<16xf32>, vector<16xf32>, vector<16xf32>, vector<16xf32>, vector<16xf32>, vector<16xf32>, vector<16xf32>, vector<16xf32>, vector<16xf32>, vector<16xf32>, vector<16xf32>, vector<16xf32>, vector<16xf32>, vector<16xf32>
      } {sc.loop_unroll_factor = 1 : i64, sc.parallel_access}
      %iota3A_1617 = tpu.iota {dimensions = array<i32: 0>} : vector<16xi32>
      %xor3A_1618 = arith.constant 1 : i32
      %xor3A_1619 = vector.broadcast %xor3A_1618 : i32 to vector<16xi32>
      %xor3A_1620 = arith.xori %iota3A_1617, %xor3A_1619 : vector<16xi32>
      %lt3A_1621 = arith.constant 0 : i32
      %lt3A_1622 = vector.broadcast %lt3A_1621 : i32 to vector<16xi32>
      %lt3A_1623 = arith.cmpi slt, %xor3A_1620, %lt3A_1622 : vector<16xi32>
      %add3A_1624 = arith.constant 16 : i32
      %add3A_1625 = vector.broadcast %add3A_1624 : i32 to vector<16xi32>
      %add3A_1626 = arith.addi %xor3A_1620, %add3A_1625 : vector<16xi32>
      %select_n3A_1627 = arith.select %lt3A_1623, %add3A_1626, %xor3A_1620 : vector<16xi1>, vector<16xi32>
      %broadcast_in_dim3A_1628 = vector.shape_cast %select_n3A_1627 : vector<16xi32> to vector<16x1xi32>
      %gather3A_1629 = vector.shape_cast %broadcast_in_dim3A_1628 : vector<16x1xi32> to vector<16xi32>
      %gather3A_1630 = tpu.dynamic_gather %parallel_loop3A_1616#0[%gather3A_1629] in [0] : vector<16xf32>, vector<16xi32> -> vector<16xf32>
      %add3A_1631 = arith.addf %parallel_loop3A_1616#0, %gather3A_1630 : vector<16xf32>
      %xor3A_1632 = arith.constant 2 : i32
      %xor3A_1633 = vector.broadcast %xor3A_1632 : i32 to vector<16xi32>
      %xor3A_1634 = arith.xori %iota3A_1617, %xor3A_1633 : vector<16xi32>
      %lt3A_1635 = arith.constant 0 : i32
      %lt3A_1636 = vector.broadcast %lt3A_1635 : i32 to vector<16xi32>
      %lt3A_1637 = arith.cmpi slt, %xor3A_1634, %lt3A_1636 : vector<16xi32>
      %add3A_1638 = arith.constant 16 : i32
      %add3A_1639 = vector.broadcast %add3A_1638 : i32 to vector<16xi32>
      %add3A_1640 = arith.addi %xor3A_1634, %add3A_1639 : vector<16xi32>
      %select_n3A_1641 = arith.select %lt3A_1637, %add3A_1640, %xor3A_1634 : vector<16xi1>, vector<16xi32>
      %broadcast_in_dim3A_1642 = vector.shape_cast %select_n3A_1641 : vector<16xi32> to vector<16x1xi32>
      %gather3A_1643 = vector.shape_cast %broadcast_in_dim3A_1642 : vector<16x1xi32> to vector<16xi32>
      %gather3A_1644 = tpu.dynamic_gather %add3A_1631[%gather3A_1643] in [0] : vector<16xf32>, vector<16xi32> -> vector<16xf32>
      %add3A_1645 = arith.addf %add3A_1631, %gather3A_1644 : vector<16xf32>
      %xor3A_1646 = arith.constant 4 : i32
      %xor3A_1647 = vector.broadcast %xor3A_1646 : i32 to vector<16xi32>
      %xor3A_1648 = arith.xori %iota3A_1617, %xor3A_1647 : vector<16xi32>
      %lt3A_1649 = arith.constant 0 : i32
      %lt3A_1650 = vector.broadcast %lt3A_1649 : i32 to vector<16xi32>
      %lt3A_1651 = arith.cmpi slt, %xor3A_1648, %lt3A_1650 : vector<16xi32>
      %add3A_1652 = arith.constant 16 : i32
      %add3A_1653 = vector.broadcast %add3A_1652 : i32 to vector<16xi32>
      %add3A_1654 = arith.addi %xor3A_1648, %add3A_1653 : vector<16xi32>
      %select_n3A_1655 = arith.select %lt3A_1651, %add3A_1654, %xor3A_1648 : vector<16xi1>, vector<16xi32>
      %broadcast_in_dim3A_1656 = vector.shape_cast %select_n3A_1655 : vector<16xi32> to vector<16x1xi32>
      %gather3A_1657 = vector.shape_cast %broadcast_in_dim3A_1656 : vector<16x1xi32> to vector<16xi32>
      %gather3A_1658 = tpu.dynamic_gather %add3A_1645[%gather3A_1657] in [0] : vector<16xf32>, vector<16xi32> -> vector<16xf32>
      %add3A_1659 = arith.addf %add3A_1645, %gather3A_1658 : vector<16xf32>
      %xor3A_1660 = arith.constant 8 : i32
      %xor3A_1661 = vector.broadcast %xor3A_1660 : i32 to vector<16xi32>
      %xor3A_1662 = arith.xori %iota3A_1617, %xor3A_1661 : vector<16xi32>
      %lt3A_1663 = arith.constant 0 : i32
      %lt3A_1664 = vector.broadcast %lt3A_1663 : i32 to vector<16xi32>
      %lt3A_1665 = arith.cmpi slt, %xor3A_1662, %lt3A_1664 : vector<16xi32>
      %add3A_1666 = arith.constant 16 : i32
      %add3A_1667 = vector.broadcast %add3A_1666 : i32 to vector<16xi32>
      %add3A_1668 = arith.addi %xor3A_1662, %add3A_1667 : vector<16xi32>
      %select_n3A_1669 = arith.select %lt3A_1665, %add3A_1668, %xor3A_1662 : vector<16xi1>, vector<16xi32>
      %broadcast_in_dim3A_1670 = vector.shape_cast %select_n3A_1669 : vector<16xi32> to vector<16x1xi32>
      %gather3A_1671 = vector.shape_cast %broadcast_in_dim3A_1670 : vector<16x1xi32> to vector<16xi32>
      %gather3A_1672 = tpu.dynamic_gather %add3A_1659[%gather3A_1671] in [0] : vector<16xf32>, vector<16xi32> -> vector<16xf32>
      %add3A_1673 = arith.addf %add3A_1659, %gather3A_1672 : vector<16xf32>
      %mul3A_1674 = arith.constant 4.8828125E-4 : f32
      %mul3A_1675 = vector.broadcast %mul3A_1674 : f32 to vector<16xf32>
      %mul3A_1676 = arith.mulf %add3A_1673, %mul3A_1675 : vector<16xf32>
      %iota3A_1677 = tpu.iota {dimensions = array<i32: 0>} : vector<16xi32>
      %xor3A_1678 = arith.constant 1 : i32
      %xor3A_1679 = vector.broadcast %xor3A_1678 : i32 to vector<16xi32>
      %xor3A_1680 = arith.xori %iota3A_1677, %xor3A_1679 : vector<16xi32>
      %lt3A_1681 = arith.constant 0 : i32
      %lt3A_1682 = vector.broadcast %lt3A_1681 : i32 to vector<16xi32>
      %lt3A_1683 = arith.cmpi slt, %xor3A_1680, %lt3A_1682 : vector<16xi32>
      %add3A_1684 = arith.constant 16 : i32
      %add3A_1685 = vector.broadcast %add3A_1684 : i32 to vector<16xi32>
      %add3A_1686 = arith.addi %xor3A_1680, %add3A_1685 : vector<16xi32>
      %select_n3A_1687 = arith.select %lt3A_1683, %add3A_1686, %xor3A_1680 : vector<16xi1>, vector<16xi32>
      %broadcast_in_dim3A_1688 = vector.shape_cast %select_n3A_1687 : vector<16xi32> to vector<16x1xi32>
      %gather3A_1689 = vector.shape_cast %broadcast_in_dim3A_1688 : vector<16x1xi32> to vector<16xi32>
      %gather3A_1690 = tpu.dynamic_gather %parallel_loop3A_1616#1[%gather3A_1689] in [0] : vector<16xf32>, vector<16xi32> -> vector<16xf32>
      %add3A_1691 = arith.addf %parallel_loop3A_1616#1, %gather3A_1690 : vector<16xf32>
      %xor3A_1692 = arith.constant 2 : i32
      %xor3A_1693 = vector.broadcast %xor3A_1692 : i32 to vector<16xi32>
      %xor3A_1694 = arith.xori %iota3A_1677, %xor3A_1693 : vector<16xi32>
      %lt3A_1695 = arith.constant 0 : i32
      %lt3A_1696 = vector.broadcast %lt3A_1695 : i32 to vector<16xi32>
      %lt3A_1697 = arith.cmpi slt, %xor3A_1694, %lt3A_1696 : vector<16xi32>
      %add3A_1698 = arith.constant 16 : i32
      %add3A_1699 = vector.broadcast %add3A_1698 : i32 to vector<16xi32>
      %add3A_1700 = arith.addi %xor3A_1694, %add3A_1699 : vector<16xi32>
      %select_n3A_1701 = arith.select %lt3A_1697, %add3A_1700, %xor3A_1694 : vector<16xi1>, vector<16xi32>
      %broadcast_in_dim3A_1702 = vector.shape_cast %select_n3A_1701 : vector<16xi32> to vector<16x1xi32>
      %gather3A_1703 = vector.shape_cast %broadcast_in_dim3A_1702 : vector<16x1xi32> to vector<16xi32>
      %gather3A_1704 = tpu.dynamic_gather %add3A_1691[%gather3A_1703] in [0] : vector<16xf32>, vector<16xi32> -> vector<16xf32>
      %add3A_1705 = arith.addf %add3A_1691, %gather3A_1704 : vector<16xf32>
      %xor3A_1706 = arith.constant 4 : i32
      %xor3A_1707 = vector.broadcast %xor3A_1706 : i32 to vector<16xi32>
      %xor3A_1708 = arith.xori %iota3A_1677, %xor3A_1707 : vector<16xi32>
      %lt3A_1709 = arith.constant 0 : i32
      %lt3A_1710 = vector.broadcast %lt3A_1709 : i32 to vector<16xi32>
      %lt3A_1711 = arith.cmpi slt, %xor3A_1708, %lt3A_1710 : vector<16xi32>
      %add3A_1712 = arith.constant 16 : i32
      %add3A_1713 = vector.broadcast %add3A_1712 : i32 to vector<16xi32>
      %add3A_1714 = arith.addi %xor3A_1708, %add3A_1713 : vector<16xi32>
      %select_n3A_1715 = arith.select %lt3A_1711, %add3A_1714, %xor3A_1708 : vector<16xi1>, vector<16xi32>
      %broadcast_in_dim3A_1716 = vector.shape_cast %select_n3A_1715 : vector<16xi32> to vector<16x1xi32>
      %gather3A_1717 = vector.shape_cast %broadcast_in_dim3A_1716 : vector<16x1xi32> to vector<16xi32>
      %gather3A_1718 = tpu.dynamic_gather %add3A_1705[%gather3A_1717] in [0] : vector<16xf32>, vector<16xi32> -> vector<16xf32>
      %add3A_1719 = arith.addf %add3A_1705, %gather3A_1718 : vector<16xf32>
      %xor3A_1720 = arith.constant 8 : i32
      %xor3A_1721 = vector.broadcast %xor3A_1720 : i32 to vector<16xi32>
      %xor3A_1722 = arith.xori %iota3A_1677, %xor3A_1721 : vector<16xi32>
      %lt3A_1723 = arith.constant 0 : i32
      %lt3A_1724 = vector.broadcast %lt3A_1723 : i32 to vector<16xi32>
      %lt3A_1725 = arith.cmpi slt, %xor3A_1722, %lt3A_1724 : vector<16xi32>
      %add3A_1726 = arith.constant 16 : i32
      %add3A_1727 = vector.broadcast %add3A_1726 : i32 to vector<16xi32>
      %add3A_1728 = arith.addi %xor3A_1722, %add3A_1727 : vector<16xi32>
      %select_n3A_1729 = arith.select %lt3A_1725, %add3A_1728, %xor3A_1722 : vector<16xi1>, vector<16xi32>
      %broadcast_in_dim3A_1730 = vector.shape_cast %select_n3A_1729 : vector<16xi32> to vector<16x1xi32>
      %gather3A_1731 = vector.shape_cast %broadcast_in_dim3A_1730 : vector<16x1xi32> to vector<16xi32>
      %gather3A_1732 = tpu.dynamic_gather %add3A_1719[%gather3A_1731] in [0] : vector<16xf32>, vector<16xi32> -> vector<16xf32>
      %add3A_1733 = arith.addf %add3A_1719, %gather3A_1732 : vector<16xf32>
      %mul3A_1734 = arith.constant 4.8828125E-4 : f32
      %mul3A_1735 = vector.broadcast %mul3A_1734 : f32 to vector<16xf32>
      %mul3A_1736 = arith.mulf %add3A_1733, %mul3A_1735 : vector<16xf32>
      %mul3A_1737 = arith.mulf %mul3A_1676, %mul3A_1676 : vector<16xf32>
      %sub3A_1738 = arith.subf %mul3A_1736, %mul3A_1737 : vector<16xf32>
      %add3A_1739 = arith.constant 9.99999997E-7 : f32
      %add3A_1740 = vector.broadcast %add3A_1739 : f32 to vector<16xf32>
      %add3A_1741 = arith.addf %sub3A_1738, %add3A_1740 : vector<16xf32>
      %bitcast_convert_type3A_1742 = tpu.bitcast %add3A_1741 : vector<16xf32> -> vector<16xi32>
      %broadcast_in_dim3A_1743 = arith.constant 1597463007 : i32
      %broadcast_in_dim3A_1744 = vector.broadcast %broadcast_in_dim3A_1743 : i32 to vector<16xi32>
      %shift_right_arithmetic3A_1745 = arith.constant 1 : i32
      %shift_right_arithmetic3A_1746 = vector.broadcast %shift_right_arithmetic3A_1745 : i32 to vector<16xi32>
      %shift_right_arithmetic3A_1747 = arith.shrsi %bitcast_convert_type3A_1742, %shift_right_arithmetic3A_1746 : vector<16xi32>
      %sub3A_1748 = arith.subi %broadcast_in_dim3A_1744, %shift_right_arithmetic3A_1747 : vector<16xi32>
      %bitcast_convert_type3A_1749 = tpu.bitcast %sub3A_1748 : vector<16xi32> -> vector<16xf32>
      %mul3A_1750 = arith.constant 5.000000e-01 : f32
      %mul3A_1751 = vector.broadcast %mul3A_1750 : f32 to vector<16xf32>
      %mul3A_1752 = arith.mulf %mul3A_1751, %add3A_1741 : vector<16xf32>
      %mul3A_1753 = arith.mulf %mul3A_1752, %bitcast_convert_type3A_1749 : vector<16xf32>
      %mul3A_1754 = arith.mulf %mul3A_1753, %bitcast_convert_type3A_1749 : vector<16xf32>
      %sub3A_1755 = arith.constant 1.500000e+00 : f32
      %sub3A_1756 = vector.broadcast %sub3A_1755 : f32 to vector<16xf32>
      %sub3A_1757 = arith.subf %sub3A_1756, %mul3A_1754 : vector<16xf32>
      %mul3A_1758 = arith.mulf %bitcast_convert_type3A_1749, %sub3A_1757 : vector<16xf32>
      %mul3A_1759 = arith.constant 5.000000e-01 : f32
      %mul3A_1760 = vector.broadcast %mul3A_1759 : f32 to vector<16xf32>
      %mul3A_1761 = arith.mulf %mul3A_1760, %add3A_1741 : vector<16xf32>
      %mul3A_1762 = arith.mulf %mul3A_1761, %mul3A_1758 : vector<16xf32>
      %mul3A_1763 = arith.mulf %mul3A_1762, %mul3A_1758 : vector<16xf32>
      %sub3A_1764 = arith.constant 1.500000e+00 : f32
      %sub3A_1765 = vector.broadcast %sub3A_1764 : f32 to vector<16xf32>
      %sub3A_1766 = arith.subf %sub3A_1765, %mul3A_1763 : vector<16xf32>
      %mul3A_1767 = arith.mulf %mul3A_1758, %sub3A_1766 : vector<16xf32>
      %mul3A_1768 = arith.constant 5.000000e-01 : f32
      %mul3A_1769 = vector.broadcast %mul3A_1768 : f32 to vector<16xf32>
      %mul3A_1770 = arith.mulf %mul3A_1769, %add3A_1741 : vector<16xf32>
      %mul3A_1771 = arith.mulf %mul3A_1770, %mul3A_1767 : vector<16xf32>
      %mul3A_1772 = arith.mulf %mul3A_1771, %mul3A_1767 : vector<16xf32>
      %sub3A_1773 = arith.constant 1.500000e+00 : f32
      %sub3A_1774 = vector.broadcast %sub3A_1773 : f32 to vector<16xf32>
      %sub3A_1775 = arith.subf %sub3A_1774, %mul3A_1772 : vector<16xf32>
      %mul3A_1776 = arith.mulf %mul3A_1767, %sub3A_1775 : vector<16xf32>
      %iota3A_1777 = tpu.iota {dimensions = array<i32: 0>} : vector<16xi32>
      %xor3A_1778 = arith.constant 1 : i32
      %xor3A_1779 = vector.broadcast %xor3A_1778 : i32 to vector<16xi32>
      %xor3A_1780 = arith.xori %iota3A_1777, %xor3A_1779 : vector<16xi32>
      %lt3A_1781 = arith.constant 0 : i32
      %lt3A_1782 = vector.broadcast %lt3A_1781 : i32 to vector<16xi32>
      %lt3A_1783 = arith.cmpi slt, %xor3A_1780, %lt3A_1782 : vector<16xi32>
      %add3A_1784 = arith.constant 16 : i32
      %add3A_1785 = vector.broadcast %add3A_1784 : i32 to vector<16xi32>
      %add3A_1786 = arith.addi %xor3A_1780, %add3A_1785 : vector<16xi32>
      %select_n3A_1787 = arith.select %lt3A_1783, %add3A_1786, %xor3A_1780 : vector<16xi1>, vector<16xi32>
      %broadcast_in_dim3A_1788 = vector.shape_cast %select_n3A_1787 : vector<16xi32> to vector<16x1xi32>
      %gather3A_1789 = vector.shape_cast %broadcast_in_dim3A_1788 : vector<16x1xi32> to vector<16xi32>
      %gather3A_1790 = tpu.dynamic_gather %parallel_loop3A_1616#2[%gather3A_1789] in [0] : vector<16xf32>, vector<16xi32> -> vector<16xf32>
      %add3A_1791 = arith.addf %parallel_loop3A_1616#2, %gather3A_1790 : vector<16xf32>
      %xor3A_1792 = arith.constant 2 : i32
      %xor3A_1793 = vector.broadcast %xor3A_1792 : i32 to vector<16xi32>
      %xor3A_1794 = arith.xori %iota3A_1777, %xor3A_1793 : vector<16xi32>
      %lt3A_1795 = arith.constant 0 : i32
      %lt3A_1796 = vector.broadcast %lt3A_1795 : i32 to vector<16xi32>
      %lt3A_1797 = arith.cmpi slt, %xor3A_1794, %lt3A_1796 : vector<16xi32>
      %add3A_1798 = arith.constant 16 : i32
      %add3A_1799 = vector.broadcast %add3A_1798 : i32 to vector<16xi32>
      %add3A_1800 = arith.addi %xor3A_1794, %add3A_1799 : vector<16xi32>
      %select_n3A_1801 = arith.select %lt3A_1797, %add3A_1800, %xor3A_1794 : vector<16xi1>, vector<16xi32>
      %broadcast_in_dim3A_1802 = vector.shape_cast %select_n3A_1801 : vector<16xi32> to vector<16x1xi32>
      %gather3A_1803 = vector.shape_cast %broadcast_in_dim3A_1802 : vector<16x1xi32> to vector<16xi32>
      %gather3A_1804 = tpu.dynamic_gather %add3A_1791[%gather3A_1803] in [0] : vector<16xf32>, vector<16xi32> -> vector<16xf32>
      %add3A_1805 = arith.addf %add3A_1791, %gather3A_1804 : vector<16xf32>
      %xor3A_1806 = arith.constant 4 : i32
      %xor3A_1807 = vector.broadcast %xor3A_1806 : i32 to vector<16xi32>
      %xor3A_1808 = arith.xori %iota3A_1777, %xor3A_1807 : vector<16xi32>
      %lt3A_1809 = arith.constant 0 : i32
      %lt3A_1810 = vector.broadcast %lt3A_1809 : i32 to vector<16xi32>
      %lt3A_1811 = arith.cmpi slt, %xor3A_1808, %lt3A_1810 : vector<16xi32>
      %add3A_1812 = arith.constant 16 : i32
      %add3A_1813 = vector.broadcast %add3A_1812 : i32 to vector<16xi32>
      %add3A_1814 = arith.addi %xor3A_1808, %add3A_1813 : vector<16xi32>
      %select_n3A_1815 = arith.select %lt3A_1811, %add3A_1814, %xor3A_1808 : vector<16xi1>, vector<16xi32>
      %broadcast_in_dim3A_1816 = vector.shape_cast %select_n3A_1815 : vector<16xi32> to vector<16x1xi32>
      %gather3A_1817 = vector.shape_cast %broadcast_in_dim3A_1816 : vector<16x1xi32> to vector<16xi32>
      %gather3A_1818 = tpu.dynamic_gather %add3A_1805[%gather3A_1817] in [0] : vector<16xf32>, vector<16xi32> -> vector<16xf32>
      %add3A_1819 = arith.addf %add3A_1805, %gather3A_1818 : vector<16xf32>
      %xor3A_1820 = arith.constant 8 : i32
      %xor3A_1821 = vector.broadcast %xor3A_1820 : i32 to vector<16xi32>
      %xor3A_1822 = arith.xori %iota3A_1777, %xor3A_1821 : vector<16xi32>
      %lt3A_1823 = arith.constant 0 : i32
      %lt3A_1824 = vector.broadcast %lt3A_1823 : i32 to vector<16xi32>
      %lt3A_1825 = arith.cmpi slt, %xor3A_1822, %lt3A_1824 : vector<16xi32>
      %add3A_1826 = arith.constant 16 : i32
      %add3A_1827 = vector.broadcast %add3A_1826 : i32 to vector<16xi32>
      %add3A_1828 = arith.addi %xor3A_1822, %add3A_1827 : vector<16xi32>
      %select_n3A_1829 = arith.select %lt3A_1825, %add3A_1828, %xor3A_1822 : vector<16xi1>, vector<16xi32>
      %broadcast_in_dim3A_1830 = vector.shape_cast %select_n3A_1829 : vector<16xi32> to vector<16x1xi32>
      %gather3A_1831 = vector.shape_cast %broadcast_in_dim3A_1830 : vector<16x1xi32> to vector<16xi32>
      %gather3A_1832 = tpu.dynamic_gather %add3A_1819[%gather3A_1831] in [0] : vector<16xf32>, vector<16xi32> -> vector<16xf32>
      %add3A_1833 = arith.addf %add3A_1819, %gather3A_1832 : vector<16xf32>
      %mul3A_1834 = arith.constant 4.8828125E-4 : f32
      %mul3A_1835 = vector.broadcast %mul3A_1834 : f32 to vector<16xf32>
      %mul3A_1836 = arith.mulf %add3A_1833, %mul3A_1835 : vector<16xf32>
      %iota3A_1837 = tpu.iota {dimensions = array<i32: 0>} : vector<16xi32>
      %xor3A_1838 = arith.constant 1 : i32
      %xor3A_1839 = vector.broadcast %xor3A_1838 : i32 to vector<16xi32>
      %xor3A_1840 = arith.xori %iota3A_1837, %xor3A_1839 : vector<16xi32>
      %lt3A_1841 = arith.constant 0 : i32
      %lt3A_1842 = vector.broadcast %lt3A_1841 : i32 to vector<16xi32>
      %lt3A_1843 = arith.cmpi slt, %xor3A_1840, %lt3A_1842 : vector<16xi32>
      %add3A_1844 = arith.constant 16 : i32
      %add3A_1845 = vector.broadcast %add3A_1844 : i32 to vector<16xi32>
      %add3A_1846 = arith.addi %xor3A_1840, %add3A_1845 : vector<16xi32>
      %select_n3A_1847 = arith.select %lt3A_1843, %add3A_1846, %xor3A_1840 : vector<16xi1>, vector<16xi32>
      %broadcast_in_dim3A_1848 = vector.shape_cast %select_n3A_1847 : vector<16xi32> to vector<16x1xi32>
      %gather3A_1849 = vector.shape_cast %broadcast_in_dim3A_1848 : vector<16x1xi32> to vector<16xi32>
      %gather3A_1850 = tpu.dynamic_gather %parallel_loop3A_1616#3[%gather3A_1849] in [0] : vector<16xf32>, vector<16xi32> -> vector<16xf32>
      %add3A_1851 = arith.addf %parallel_loop3A_1616#3, %gather3A_1850 : vector<16xf32>
      %xor3A_1852 = arith.constant 2 : i32
      %xor3A_1853 = vector.broadcast %xor3A_1852 : i32 to vector<16xi32>
      %xor3A_1854 = arith.xori %iota3A_1837, %xor3A_1853 : vector<16xi32>
      %lt3A_1855 = arith.constant 0 : i32
      %lt3A_1856 = vector.broadcast %lt3A_1855 : i32 to vector<16xi32>
      %lt3A_1857 = arith.cmpi slt, %xor3A_1854, %lt3A_1856 : vector<16xi32>
      %add3A_1858 = arith.constant 16 : i32
      %add3A_1859 = vector.broadcast %add3A_1858 : i32 to vector<16xi32>
      %add3A_1860 = arith.addi %xor3A_1854, %add3A_1859 : vector<16xi32>
      %select_n3A_1861 = arith.select %lt3A_1857, %add3A_1860, %xor3A_1854 : vector<16xi1>, vector<16xi32>
      %broadcast_in_dim3A_1862 = vector.shape_cast %select_n3A_1861 : vector<16xi32> to vector<16x1xi32>
      %gather3A_1863 = vector.shape_cast %broadcast_in_dim3A_1862 : vector<16x1xi32> to vector<16xi32>
      %gather3A_1864 = tpu.dynamic_gather %add3A_1851[%gather3A_1863] in [0] : vector<16xf32>, vector<16xi32> -> vector<16xf32>
      %add3A_1865 = arith.addf %add3A_1851, %gather3A_1864 : vector<16xf32>
      %xor3A_1866 = arith.constant 4 : i32
      %xor3A_1867 = vector.broadcast %xor3A_1866 : i32 to vector<16xi32>
      %xor3A_1868 = arith.xori %iota3A_1837, %xor3A_1867 : vector<16xi32>
      %lt3A_1869 = arith.constant 0 : i32
      %lt3A_1870 = vector.broadcast %lt3A_1869 : i32 to vector<16xi32>
      %lt3A_1871 = arith.cmpi slt, %xor3A_1868, %lt3A_1870 : vector<16xi32>
      %add3A_1872 = arith.constant 16 : i32
      %add3A_1873 = vector.broadcast %add3A_1872 : i32 to vector<16xi32>
      %add3A_1874 = arith.addi %xor3A_1868, %add3A_1873 : vector<16xi32>
      %select_n3A_1875 = arith.select %lt3A_1871, %add3A_1874, %xor3A_1868 : vector<16xi1>, vector<16xi32>
      %broadcast_in_dim3A_1876 = vector.shape_cast %select_n3A_1875 : vector<16xi32> to vector<16x1xi32>
      %gather3A_1877 = vector.shape_cast %broadcast_in_dim3A_1876 : vector<16x1xi32> to vector<16xi32>
      %gather3A_1878 = tpu.dynamic_gather %add3A_1865[%gather3A_1877] in [0] : vector<16xf32>, vector<16xi32> -> vector<16xf32>
      %add3A_1879 = arith.addf %add3A_1865, %gather3A_1878 : vector<16xf32>
      %xor3A_1880 = arith.constant 8 : i32
      %xor3A_1881 = vector.broadcast %xor3A_1880 : i32 to vector<16xi32>
      %xor3A_1882 = arith.xori %iota3A_1837, %xor3A_1881 : vector<16xi32>
      %lt3A_1883 = arith.constant 0 : i32
      %lt3A_1884 = vector.broadcast %lt3A_1883 : i32 to vector<16xi32>
      %lt3A_1885 = arith.cmpi slt, %xor3A_1882, %lt3A_1884 : vector<16xi32>
      %add3A_1886 = arith.constant 16 : i32
      %add3A_1887 = vector.broadcast %add3A_1886 : i32 to vector<16xi32>
      %add3A_1888 = arith.addi %xor3A_1882, %add3A_1887 : vector<16xi32>
      %select_n3A_1889 = arith.select %lt3A_1885, %add3A_1888, %xor3A_1882 : vector<16xi1>, vector<16xi32>
      %broadcast_in_dim3A_1890 = vector.shape_cast %select_n3A_1889 : vector<16xi32> to vector<16x1xi32>
      %gather3A_1891 = vector.shape_cast %broadcast_in_dim3A_1890 : vector<16x1xi32> to vector<16xi32>
      %gather3A_1892 = tpu.dynamic_gather %add3A_1879[%gather3A_1891] in [0] : vector<16xf32>, vector<16xi32> -> vector<16xf32>
      %add3A_1893 = arith.addf %add3A_1879, %gather3A_1892 : vector<16xf32>
      %mul3A_1894 = arith.constant 4.8828125E-4 : f32
      %mul3A_1895 = vector.broadcast %mul3A_1894 : f32 to vector<16xf32>
      %mul3A_1896 = arith.mulf %add3A_1893, %mul3A_1895 : vector<16xf32>
      %mul3A_1897 = arith.mulf %mul3A_1836, %mul3A_1836 : vector<16xf32>
      %sub3A_1898 = arith.subf %mul3A_1896, %mul3A_1897 : vector<16xf32>
      %add3A_1899 = arith.constant 9.99999997E-7 : f32
      %add3A_1900 = vector.broadcast %add3A_1899 : f32 to vector<16xf32>
      %add3A_1901 = arith.addf %sub3A_1898, %add3A_1900 : vector<16xf32>
      %bitcast_convert_type3A_1902 = tpu.bitcast %add3A_1901 : vector<16xf32> -> vector<16xi32>
      %broadcast_in_dim3A_1903 = arith.constant 1597463007 : i32
      %broadcast_in_dim3A_1904 = vector.broadcast %broadcast_in_dim3A_1903 : i32 to vector<16xi32>
      %shift_right_arithmetic3A_1905 = arith.constant 1 : i32
      %shift_right_arithmetic3A_1906 = vector.broadcast %shift_right_arithmetic3A_1905 : i32 to vector<16xi32>
      %shift_right_arithmetic3A_1907 = arith.shrsi %bitcast_convert_type3A_1902, %shift_right_arithmetic3A_1906 : vector<16xi32>
      %sub3A_1908 = arith.subi %broadcast_in_dim3A_1904, %shift_right_arithmetic3A_1907 : vector<16xi32>
      %bitcast_convert_type3A_1909 = tpu.bitcast %sub3A_1908 : vector<16xi32> -> vector<16xf32>
      %mul3A_1910 = arith.constant 5.000000e-01 : f32
      %mul3A_1911 = vector.broadcast %mul3A_1910 : f32 to vector<16xf32>
      %mul3A_1912 = arith.mulf %mul3A_1911, %add3A_1901 : vector<16xf32>
      %mul3A_1913 = arith.mulf %mul3A_1912, %bitcast_convert_type3A_1909 : vector<16xf32>
      %mul3A_1914 = arith.mulf %mul3A_1913, %bitcast_convert_type3A_1909 : vector<16xf32>
      %sub3A_1915 = arith.constant 1.500000e+00 : f32
      %sub3A_1916 = vector.broadcast %sub3A_1915 : f32 to vector<16xf32>
      %sub3A_1917 = arith.subf %sub3A_1916, %mul3A_1914 : vector<16xf32>
      %mul3A_1918 = arith.mulf %bitcast_convert_type3A_1909, %sub3A_1917 : vector<16xf32>
      %mul3A_1919 = arith.constant 5.000000e-01 : f32
      %mul3A_1920 = vector.broadcast %mul3A_1919 : f32 to vector<16xf32>
      %mul3A_1921 = arith.mulf %mul3A_1920, %add3A_1901 : vector<16xf32>
      %mul3A_1922 = arith.mulf %mul3A_1921, %mul3A_1918 : vector<16xf32>
      %mul3A_1923 = arith.mulf %mul3A_1922, %mul3A_1918 : vector<16xf32>
      %sub3A_1924 = arith.constant 1.500000e+00 : f32
      %sub3A_1925 = vector.broadcast %sub3A_1924 : f32 to vector<16xf32>
      %sub3A_1926 = arith.subf %sub3A_1925, %mul3A_1923 : vector<16xf32>
      %mul3A_1927 = arith.mulf %mul3A_1918, %sub3A_1926 : vector<16xf32>
      %mul3A_1928 = arith.constant 5.000000e-01 : f32
      %mul3A_1929 = vector.broadcast %mul3A_1928 : f32 to vector<16xf32>
      %mul3A_1930 = arith.mulf %mul3A_1929, %add3A_1901 : vector<16xf32>
      %mul3A_1931 = arith.mulf %mul3A_1930, %mul3A_1927 : vector<16xf32>
      %mul3A_1932 = arith.mulf %mul3A_1931, %mul3A_1927 : vector<16xf32>
      %sub3A_1933 = arith.constant 1.500000e+00 : f32
      %sub3A_1934 = vector.broadcast %sub3A_1933 : f32 to vector<16xf32>
      %sub3A_1935 = arith.subf %sub3A_1934, %mul3A_1932 : vector<16xf32>
      %mul3A_1936 = arith.mulf %mul3A_1927, %sub3A_1935 : vector<16xf32>
      %iota3A_1937 = tpu.iota {dimensions = array<i32: 0>} : vector<16xi32>
      %xor3A_1938 = arith.constant 1 : i32
      %xor3A_1939 = vector.broadcast %xor3A_1938 : i32 to vector<16xi32>
      %xor3A_1940 = arith.xori %iota3A_1937, %xor3A_1939 : vector<16xi32>
      %lt3A_1941 = arith.constant 0 : i32
      %lt3A_1942 = vector.broadcast %lt3A_1941 : i32 to vector<16xi32>
      %lt3A_1943 = arith.cmpi slt, %xor3A_1940, %lt3A_1942 : vector<16xi32>
      %add3A_1944 = arith.constant 16 : i32
      %add3A_1945 = vector.broadcast %add3A_1944 : i32 to vector<16xi32>
      %add3A_1946 = arith.addi %xor3A_1940, %add3A_1945 : vector<16xi32>
      %select_n3A_1947 = arith.select %lt3A_1943, %add3A_1946, %xor3A_1940 : vector<16xi1>, vector<16xi32>
      %broadcast_in_dim3A_1948 = vector.shape_cast %select_n3A_1947 : vector<16xi32> to vector<16x1xi32>
      %gather3A_1949 = vector.shape_cast %broadcast_in_dim3A_1948 : vector<16x1xi32> to vector<16xi32>
      %gather3A_1950 = tpu.dynamic_gather %parallel_loop3A_1616#4[%gather3A_1949] in [0] : vector<16xf32>, vector<16xi32> -> vector<16xf32>
      %add3A_1951 = arith.addf %parallel_loop3A_1616#4, %gather3A_1950 : vector<16xf32>
      %xor3A_1952 = arith.constant 2 : i32
      %xor3A_1953 = vector.broadcast %xor3A_1952 : i32 to vector<16xi32>
      %xor3A_1954 = arith.xori %iota3A_1937, %xor3A_1953 : vector<16xi32>
      %lt3A_1955 = arith.constant 0 : i32
      %lt3A_1956 = vector.broadcast %lt3A_1955 : i32 to vector<16xi32>
      %lt3A_1957 = arith.cmpi slt, %xor3A_1954, %lt3A_1956 : vector<16xi32>
      %add3A_1958 = arith.constant 16 : i32
      %add3A_1959 = vector.broadcast %add3A_1958 : i32 to vector<16xi32>
      %add3A_1960 = arith.addi %xor3A_1954, %add3A_1959 : vector<16xi32>
      %select_n3A_1961 = arith.select %lt3A_1957, %add3A_1960, %xor3A_1954 : vector<16xi1>, vector<16xi32>
      %broadcast_in_dim3A_1962 = vector.shape_cast %select_n3A_1961 : vector<16xi32> to vector<16x1xi32>
      %gather3A_1963 = vector.shape_cast %broadcast_in_dim3A_1962 : vector<16x1xi32> to vector<16xi32>
      %gather3A_1964 = tpu.dynamic_gather %add3A_1951[%gather3A_1963] in [0] : vector<16xf32>, vector<16xi32> -> vector<16xf32>
      %add3A_1965 = arith.addf %add3A_1951, %gather3A_1964 : vector<16xf32>
      %xor3A_1966 = arith.constant 4 : i32
      %xor3A_1967 = vector.broadcast %xor3A_1966 : i32 to vector<16xi32>
      %xor3A_1968 = arith.xori %iota3A_1937, %xor3A_1967 : vector<16xi32>
      %lt3A_1969 = arith.constant 0 : i32
      %lt3A_1970 = vector.broadcast %lt3A_1969 : i32 to vector<16xi32>
      %lt3A_1971 = arith.cmpi slt, %xor3A_1968, %lt3A_1970 : vector<16xi32>
      %add3A_1972 = arith.constant 16 : i32
      %add3A_1973 = vector.broadcast %add3A_1972 : i32 to vector<16xi32>
      %add3A_1974 = arith.addi %xor3A_1968, %add3A_1973 : vector<16xi32>
      %select_n3A_1975 = arith.select %lt3A_1971, %add3A_1974, %xor3A_1968 : vector<16xi1>, vector<16xi32>
      %broadcast_in_dim3A_1976 = vector.shape_cast %select_n3A_1975 : vector<16xi32> to vector<16x1xi32>
      %gather3A_1977 = vector.shape_cast %broadcast_in_dim3A_1976 : vector<16x1xi32> to vector<16xi32>
      %gather3A_1978 = tpu.dynamic_gather %add3A_1965[%gather3A_1977] in [0] : vector<16xf32>, vector<16xi32> -> vector<16xf32>
      %add3A_1979 = arith.addf %add3A_1965, %gather3A_1978 : vector<16xf32>
      %xor3A_1980 = arith.constant 8 : i32
      %xor3A_1981 = vector.broadcast %xor3A_1980 : i32 to vector<16xi32>
      %xor3A_1982 = arith.xori %iota3A_1937, %xor3A_1981 : vector<16xi32>
      %lt3A_1983 = arith.constant 0 : i32
      %lt3A_1984 = vector.broadcast %lt3A_1983 : i32 to vector<16xi32>
      %lt3A_1985 = arith.cmpi slt, %xor3A_1982, %lt3A_1984 : vector<16xi32>
      %add3A_1986 = arith.constant 16 : i32
      %add3A_1987 = vector.broadcast %add3A_1986 : i32 to vector<16xi32>
      %add3A_1988 = arith.addi %xor3A_1982, %add3A_1987 : vector<16xi32>
      %select_n3A_1989 = arith.select %lt3A_1985, %add3A_1988, %xor3A_1982 : vector<16xi1>, vector<16xi32>
      %broadcast_in_dim3A_1990 = vector.shape_cast %select_n3A_1989 : vector<16xi32> to vector<16x1xi32>
      %gather3A_1991 = vector.shape_cast %broadcast_in_dim3A_1990 : vector<16x1xi32> to vector<16xi32>
      %gather3A_1992 = tpu.dynamic_gather %add3A_1979[%gather3A_1991] in [0] : vector<16xf32>, vector<16xi32> -> vector<16xf32>
      %add3A_1993 = arith.addf %add3A_1979, %gather3A_1992 : vector<16xf32>
      %mul3A_1994 = arith.constant 4.8828125E-4 : f32
      %mul3A_1995 = vector.broadcast %mul3A_1994 : f32 to vector<16xf32>
      %mul3A_1996 = arith.mulf %add3A_1993, %mul3A_1995 : vector<16xf32>
      %iota3A_1997 = tpu.iota {dimensions = array<i32: 0>} : vector<16xi32>
      %xor3A_1998 = arith.constant 1 : i32
      %xor3A_1999 = vector.broadcast %xor3A_1998 : i32 to vector<16xi32>
      %xor3A_2000 = arith.xori %iota3A_1997, %xor3A_1999 : vector<16xi32>
      %lt3A_2001 = arith.constant 0 : i32
      %lt3A_2002 = vector.broadcast %lt3A_2001 : i32 to vector<16xi32>
      %lt3A_2003 = arith.cmpi slt, %xor3A_2000, %lt3A_2002 : vector<16xi32>
      %add3A_2004 = arith.constant 16 : i32
      %add3A_2005 = vector.broadcast %add3A_2004 : i32 to vector<16xi32>
      %add3A_2006 = arith.addi %xor3A_2000, %add3A_2005 : vector<16xi32>
      %select_n3A_2007 = arith.select %lt3A_2003, %add3A_2006, %xor3A_2000 : vector<16xi1>, vector<16xi32>
      %broadcast_in_dim3A_2008 = vector.shape_cast %select_n3A_2007 : vector<16xi32> to vector<16x1xi32>
      %gather3A_2009 = vector.shape_cast %broadcast_in_dim3A_2008 : vector<16x1xi32> to vector<16xi32>
      %gather3A_2010 = tpu.dynamic_gather %parallel_loop3A_1616#5[%gather3A_2009] in [0] : vector<16xf32>, vector<16xi32> -> vector<16xf32>
      %add3A_2011 = arith.addf %parallel_loop3A_1616#5, %gather3A_2010 : vector<16xf32>
      %xor3A_2012 = arith.constant 2 : i32
      %xor3A_2013 = vector.broadcast %xor3A_2012 : i32 to vector<16xi32>
      %xor3A_2014 = arith.xori %iota3A_1997, %xor3A_2013 : vector<16xi32>
      %lt3A_2015 = arith.constant 0 : i32
      %lt3A_2016 = vector.broadcast %lt3A_2015 : i32 to vector<16xi32>
      %lt3A_2017 = arith.cmpi slt, %xor3A_2014, %lt3A_2016 : vector<16xi32>
      %add3A_2018 = arith.constant 16 : i32
      %add3A_2019 = vector.broadcast %add3A_2018 : i32 to vector<16xi32>
      %add3A_2020 = arith.addi %xor3A_2014, %add3A_2019 : vector<16xi32>
      %select_n3A_2021 = arith.select %lt3A_2017, %add3A_2020, %xor3A_2014 : vector<16xi1>, vector<16xi32>
      %broadcast_in_dim3A_2022 = vector.shape_cast %select_n3A_2021 : vector<16xi32> to vector<16x1xi32>
      %gather3A_2023 = vector.shape_cast %broadcast_in_dim3A_2022 : vector<16x1xi32> to vector<16xi32>
      %gather3A_2024 = tpu.dynamic_gather %add3A_2011[%gather3A_2023] in [0] : vector<16xf32>, vector<16xi32> -> vector<16xf32>
      %add3A_2025 = arith.addf %add3A_2011, %gather3A_2024 : vector<16xf32>
      %xor3A_2026 = arith.constant 4 : i32
      %xor3A_2027 = vector.broadcast %xor3A_2026 : i32 to vector<16xi32>
      %xor3A_2028 = arith.xori %iota3A_1997, %xor3A_2027 : vector<16xi32>
      %lt3A_2029 = arith.constant 0 : i32
      %lt3A_2030 = vector.broadcast %lt3A_2029 : i32 to vector<16xi32>
      %lt3A_2031 = arith.cmpi slt, %xor3A_2028, %lt3A_2030 : vector<16xi32>
      %add3A_2032 = arith.constant 16 : i32
      %add3A_2033 = vector.broadcast %add3A_2032 : i32 to vector<16xi32>
      %add3A_2034 = arith.addi %xor3A_2028, %add3A_2033 : vector<16xi32>
      %select_n3A_2035 = arith.select %lt3A_2031, %add3A_2034, %xor3A_2028 : vector<16xi1>, vector<16xi32>
      %broadcast_in_dim3A_2036 = vector.shape_cast %select_n3A_2035 : vector<16xi32> to vector<16x1xi32>
      %gather3A_2037 = vector.shape_cast %broadcast_in_dim3A_2036 : vector<16x1xi32> to vector<16xi32>
      %gather3A_2038 = tpu.dynamic_gather %add3A_2025[%gather3A_2037] in [0] : vector<16xf32>, vector<16xi32> -> vector<16xf32>
      %add3A_2039 = arith.addf %add3A_2025, %gather3A_2038 : vector<16xf32>
      %xor3A_2040 = arith.constant 8 : i32
      %xor3A_2041 = vector.broadcast %xor3A_2040 : i32 to vector<16xi32>
      %xor3A_2042 = arith.xori %iota3A_1997, %xor3A_2041 : vector<16xi32>
      %lt3A_2043 = arith.constant 0 : i32
      %lt3A_2044 = vector.broadcast %lt3A_2043 : i32 to vector<16xi32>
      %lt3A_2045 = arith.cmpi slt, %xor3A_2042, %lt3A_2044 : vector<16xi32>
      %add3A_2046 = arith.constant 16 : i32
      %add3A_2047 = vector.broadcast %add3A_2046 : i32 to vector<16xi32>
      %add3A_2048 = arith.addi %xor3A_2042, %add3A_2047 : vector<16xi32>
      %select_n3A_2049 = arith.select %lt3A_2045, %add3A_2048, %xor3A_2042 : vector<16xi1>, vector<16xi32>
      %broadcast_in_dim3A_2050 = vector.shape_cast %select_n3A_2049 : vector<16xi32> to vector<16x1xi32>
      %gather3A_2051 = vector.shape_cast %broadcast_in_dim3A_2050 : vector<16x1xi32> to vector<16xi32>
      %gather3A_2052 = tpu.dynamic_gather %add3A_2039[%gather3A_2051] in [0] : vector<16xf32>, vector<16xi32> -> vector<16xf32>
      %add3A_2053 = arith.addf %add3A_2039, %gather3A_2052 : vector<16xf32>
      %mul3A_2054 = arith.constant 4.8828125E-4 : f32
      %mul3A_2055 = vector.broadcast %mul3A_2054 : f32 to vector<16xf32>
      %mul3A_2056 = arith.mulf %add3A_2053, %mul3A_2055 : vector<16xf32>
      %mul3A_2057 = arith.mulf %mul3A_1996, %mul3A_1996 : vector<16xf32>
      %sub3A_2058 = arith.subf %mul3A_2056, %mul3A_2057 : vector<16xf32>
      %add3A_2059 = arith.constant 9.99999997E-7 : f32
      %add3A_2060 = vector.broadcast %add3A_2059 : f32 to vector<16xf32>
      %add3A_2061 = arith.addf %sub3A_2058, %add3A_2060 : vector<16xf32>
      %bitcast_convert_type3A_2062 = tpu.bitcast %add3A_2061 : vector<16xf32> -> vector<16xi32>
      %broadcast_in_dim3A_2063 = arith.constant 1597463007 : i32
      %broadcast_in_dim3A_2064 = vector.broadcast %broadcast_in_dim3A_2063 : i32 to vector<16xi32>
      %shift_right_arithmetic3A_2065 = arith.constant 1 : i32
      %shift_right_arithmetic3A_2066 = vector.broadcast %shift_right_arithmetic3A_2065 : i32 to vector<16xi32>
      %shift_right_arithmetic3A_2067 = arith.shrsi %bitcast_convert_type3A_2062, %shift_right_arithmetic3A_2066 : vector<16xi32>
      %sub3A_2068 = arith.subi %broadcast_in_dim3A_2064, %shift_right_arithmetic3A_2067 : vector<16xi32>
      %bitcast_convert_type3A_2069 = tpu.bitcast %sub3A_2068 : vector<16xi32> -> vector<16xf32>
      %mul3A_2070 = arith.constant 5.000000e-01 : f32
      %mul3A_2071 = vector.broadcast %mul3A_2070 : f32 to vector<16xf32>
      %mul3A_2072 = arith.mulf %mul3A_2071, %add3A_2061 : vector<16xf32>
      %mul3A_2073 = arith.mulf %mul3A_2072, %bitcast_convert_type3A_2069 : vector<16xf32>
      %mul3A_2074 = arith.mulf %mul3A_2073, %bitcast_convert_type3A_2069 : vector<16xf32>
      %sub3A_2075 = arith.constant 1.500000e+00 : f32
      %sub3A_2076 = vector.broadcast %sub3A_2075 : f32 to vector<16xf32>
      %sub3A_2077 = arith.subf %sub3A_2076, %mul3A_2074 : vector<16xf32>
      %mul3A_2078 = arith.mulf %bitcast_convert_type3A_2069, %sub3A_2077 : vector<16xf32>
      %mul3A_2079 = arith.constant 5.000000e-01 : f32
      %mul3A_2080 = vector.broadcast %mul3A_2079 : f32 to vector<16xf32>
      %mul3A_2081 = arith.mulf %mul3A_2080, %add3A_2061 : vector<16xf32>
      %mul3A_2082 = arith.mulf %mul3A_2081, %mul3A_2078 : vector<16xf32>
      %mul3A_2083 = arith.mulf %mul3A_2082, %mul3A_2078 : vector<16xf32>
      %sub3A_2084 = arith.constant 1.500000e+00 : f32
      %sub3A_2085 = vector.broadcast %sub3A_2084 : f32 to vector<16xf32>
      %sub3A_2086 = arith.subf %sub3A_2085, %mul3A_2083 : vector<16xf32>
      %mul3A_2087 = arith.mulf %mul3A_2078, %sub3A_2086 : vector<16xf32>
      %mul3A_2088 = arith.constant 5.000000e-01 : f32
      %mul3A_2089 = vector.broadcast %mul3A_2088 : f32 to vector<16xf32>
      %mul3A_2090 = arith.mulf %mul3A_2089, %add3A_2061 : vector<16xf32>
      %mul3A_2091 = arith.mulf %mul3A_2090, %mul3A_2087 : vector<16xf32>
      %mul3A_2092 = arith.mulf %mul3A_2091, %mul3A_2087 : vector<16xf32>
      %sub3A_2093 = arith.constant 1.500000e+00 : f32
      %sub3A_2094 = vector.broadcast %sub3A_2093 : f32 to vector<16xf32>
      %sub3A_2095 = arith.subf %sub3A_2094, %mul3A_2092 : vector<16xf32>
      %mul3A_2096 = arith.mulf %mul3A_2087, %sub3A_2095 : vector<16xf32>
      %iota3A_2097 = tpu.iota {dimensions = array<i32: 0>} : vector<16xi32>
      %xor3A_2098 = arith.constant 1 : i32
      %xor3A_2099 = vector.broadcast %xor3A_2098 : i32 to vector<16xi32>
      %xor3A_2100 = arith.xori %iota3A_2097, %xor3A_2099 : vector<16xi32>
      %lt3A_2101 = arith.constant 0 : i32
      %lt3A_2102 = vector.broadcast %lt3A_2101 : i32 to vector<16xi32>
      %lt3A_2103 = arith.cmpi slt, %xor3A_2100, %lt3A_2102 : vector<16xi32>
      %add3A_2104 = arith.constant 16 : i32
      %add3A_2105 = vector.broadcast %add3A_2104 : i32 to vector<16xi32>
      %add3A_2106 = arith.addi %xor3A_2100, %add3A_2105 : vector<16xi32>
      %select_n3A_2107 = arith.select %lt3A_2103, %add3A_2106, %xor3A_2100 : vector<16xi1>, vector<16xi32>
      %broadcast_in_dim3A_2108 = vector.shape_cast %select_n3A_2107 : vector<16xi32> to vector<16x1xi32>
      %gather3A_2109 = vector.shape_cast %broadcast_in_dim3A_2108 : vector<16x1xi32> to vector<16xi32>
      %gather3A_2110 = tpu.dynamic_gather %parallel_loop3A_1616#6[%gather3A_2109] in [0] : vector<16xf32>, vector<16xi32> -> vector<16xf32>
      %add3A_2111 = arith.addf %parallel_loop3A_1616#6, %gather3A_2110 : vector<16xf32>
      %xor3A_2112 = arith.constant 2 : i32
      %xor3A_2113 = vector.broadcast %xor3A_2112 : i32 to vector<16xi32>
      %xor3A_2114 = arith.xori %iota3A_2097, %xor3A_2113 : vector<16xi32>
      %lt3A_2115 = arith.constant 0 : i32
      %lt3A_2116 = vector.broadcast %lt3A_2115 : i32 to vector<16xi32>
      %lt3A_2117 = arith.cmpi slt, %xor3A_2114, %lt3A_2116 : vector<16xi32>
      %add3A_2118 = arith.constant 16 : i32
      %add3A_2119 = vector.broadcast %add3A_2118 : i32 to vector<16xi32>
      %add3A_2120 = arith.addi %xor3A_2114, %add3A_2119 : vector<16xi32>
      %select_n3A_2121 = arith.select %lt3A_2117, %add3A_2120, %xor3A_2114 : vector<16xi1>, vector<16xi32>
      %broadcast_in_dim3A_2122 = vector.shape_cast %select_n3A_2121 : vector<16xi32> to vector<16x1xi32>
      %gather3A_2123 = vector.shape_cast %broadcast_in_dim3A_2122 : vector<16x1xi32> to vector<16xi32>
      %gather3A_2124 = tpu.dynamic_gather %add3A_2111[%gather3A_2123] in [0] : vector<16xf32>, vector<16xi32> -> vector<16xf32>
      %add3A_2125 = arith.addf %add3A_2111, %gather3A_2124 : vector<16xf32>
      %xor3A_2126 = arith.constant 4 : i32
      %xor3A_2127 = vector.broadcast %xor3A_2126 : i32 to vector<16xi32>
      %xor3A_2128 = arith.xori %iota3A_2097, %xor3A_2127 : vector<16xi32>
      %lt3A_2129 = arith.constant 0 : i32
      %lt3A_2130 = vector.broadcast %lt3A_2129 : i32 to vector<16xi32>
      %lt3A_2131 = arith.cmpi slt, %xor3A_2128, %lt3A_2130 : vector<16xi32>
      %add3A_2132 = arith.constant 16 : i32
      %add3A_2133 = vector.broadcast %add3A_2132 : i32 to vector<16xi32>
      %add3A_2134 = arith.addi %xor3A_2128, %add3A_2133 : vector<16xi32>
      %select_n3A_2135 = arith.select %lt3A_2131, %add3A_2134, %xor3A_2128 : vector<16xi1>, vector<16xi32>
      %broadcast_in_dim3A_2136 = vector.shape_cast %select_n3A_2135 : vector<16xi32> to vector<16x1xi32>
      %gather3A_2137 = vector.shape_cast %broadcast_in_dim3A_2136 : vector<16x1xi32> to vector<16xi32>
      %gather3A_2138 = tpu.dynamic_gather %add3A_2125[%gather3A_2137] in [0] : vector<16xf32>, vector<16xi32> -> vector<16xf32>
      %add3A_2139 = arith.addf %add3A_2125, %gather3A_2138 : vector<16xf32>
      %xor3A_2140 = arith.constant 8 : i32
      %xor3A_2141 = vector.broadcast %xor3A_2140 : i32 to vector<16xi32>
      %xor3A_2142 = arith.xori %iota3A_2097, %xor3A_2141 : vector<16xi32>
      %lt3A_2143 = arith.constant 0 : i32
      %lt3A_2144 = vector.broadcast %lt3A_2143 : i32 to vector<16xi32>
      %lt3A_2145 = arith.cmpi slt, %xor3A_2142, %lt3A_2144 : vector<16xi32>
      %add3A_2146 = arith.constant 16 : i32
      %add3A_2147 = vector.broadcast %add3A_2146 : i32 to vector<16xi32>
      %add3A_2148 = arith.addi %xor3A_2142, %add3A_2147 : vector<16xi32>
      %select_n3A_2149 = arith.select %lt3A_2145, %add3A_2148, %xor3A_2142 : vector<16xi1>, vector<16xi32>
      %broadcast_in_dim3A_2150 = vector.shape_cast %select_n3A_2149 : vector<16xi32> to vector<16x1xi32>
      %gather3A_2151 = vector.shape_cast %broadcast_in_dim3A_2150 : vector<16x1xi32> to vector<16xi32>
      %gather3A_2152 = tpu.dynamic_gather %add3A_2139[%gather3A_2151] in [0] : vector<16xf32>, vector<16xi32> -> vector<16xf32>
      %add3A_2153 = arith.addf %add3A_2139, %gather3A_2152 : vector<16xf32>
      %mul3A_2154 = arith.constant 4.8828125E-4 : f32
      %mul3A_2155 = vector.broadcast %mul3A_2154 : f32 to vector<16xf32>
      %mul3A_2156 = arith.mulf %add3A_2153, %mul3A_2155 : vector<16xf32>
      %iota3A_2157 = tpu.iota {dimensions = array<i32: 0>} : vector<16xi32>
      %xor3A_2158 = arith.constant 1 : i32
      %xor3A_2159 = vector.broadcast %xor3A_2158 : i32 to vector<16xi32>
      %xor3A_2160 = arith.xori %iota3A_2157, %xor3A_2159 : vector<16xi32>
      %lt3A_2161 = arith.constant 0 : i32
      %lt3A_2162 = vector.broadcast %lt3A_2161 : i32 to vector<16xi32>
      %lt3A_2163 = arith.cmpi slt, %xor3A_2160, %lt3A_2162 : vector<16xi32>
      %add3A_2164 = arith.constant 16 : i32
      %add3A_2165 = vector.broadcast %add3A_2164 : i32 to vector<16xi32>
      %add3A_2166 = arith.addi %xor3A_2160, %add3A_2165 : vector<16xi32>
      %select_n3A_2167 = arith.select %lt3A_2163, %add3A_2166, %xor3A_2160 : vector<16xi1>, vector<16xi32>
      %broadcast_in_dim3A_2168 = vector.shape_cast %select_n3A_2167 : vector<16xi32> to vector<16x1xi32>
      %gather3A_2169 = vector.shape_cast %broadcast_in_dim3A_2168 : vector<16x1xi32> to vector<16xi32>
      %gather3A_2170 = tpu.dynamic_gather %parallel_loop3A_1616#7[%gather3A_2169] in [0] : vector<16xf32>, vector<16xi32> -> vector<16xf32>
      %add3A_2171 = arith.addf %parallel_loop3A_1616#7, %gather3A_2170 : vector<16xf32>
      %xor3A_2172 = arith.constant 2 : i32
      %xor3A_2173 = vector.broadcast %xor3A_2172 : i32 to vector<16xi32>
      %xor3A_2174 = arith.xori %iota3A_2157, %xor3A_2173 : vector<16xi32>
      %lt3A_2175 = arith.constant 0 : i32
      %lt3A_2176 = vector.broadcast %lt3A_2175 : i32 to vector<16xi32>
      %lt3A_2177 = arith.cmpi slt, %xor3A_2174, %lt3A_2176 : vector<16xi32>
      %add3A_2178 = arith.constant 16 : i32
      %add3A_2179 = vector.broadcast %add3A_2178 : i32 to vector<16xi32>
      %add3A_2180 = arith.addi %xor3A_2174, %add3A_2179 : vector<16xi32>
      %select_n3A_2181 = arith.select %lt3A_2177, %add3A_2180, %xor3A_2174 : vector<16xi1>, vector<16xi32>
      %broadcast_in_dim3A_2182 = vector.shape_cast %select_n3A_2181 : vector<16xi32> to vector<16x1xi32>
      %gather3A_2183 = vector.shape_cast %broadcast_in_dim3A_2182 : vector<16x1xi32> to vector<16xi32>
      %gather3A_2184 = tpu.dynamic_gather %add3A_2171[%gather3A_2183] in [0] : vector<16xf32>, vector<16xi32> -> vector<16xf32>
      %add3A_2185 = arith.addf %add3A_2171, %gather3A_2184 : vector<16xf32>
      %xor3A_2186 = arith.constant 4 : i32
      %xor3A_2187 = vector.broadcast %xor3A_2186 : i32 to vector<16xi32>
      %xor3A_2188 = arith.xori %iota3A_2157, %xor3A_2187 : vector<16xi32>
      %lt3A_2189 = arith.constant 0 : i32
      %lt3A_2190 = vector.broadcast %lt3A_2189 : i32 to vector<16xi32>
      %lt3A_2191 = arith.cmpi slt, %xor3A_2188, %lt3A_2190 : vector<16xi32>
      %add3A_2192 = arith.constant 16 : i32
      %add3A_2193 = vector.broadcast %add3A_2192 : i32 to vector<16xi32>
      %add3A_2194 = arith.addi %xor3A_2188, %add3A_2193 : vector<16xi32>
      %select_n3A_2195 = arith.select %lt3A_2191, %add3A_2194, %xor3A_2188 : vector<16xi1>, vector<16xi32>
      %broadcast_in_dim3A_2196 = vector.shape_cast %select_n3A_2195 : vector<16xi32> to vector<16x1xi32>
      %gather3A_2197 = vector.shape_cast %broadcast_in_dim3A_2196 : vector<16x1xi32> to vector<16xi32>
      %gather3A_2198 = tpu.dynamic_gather %add3A_2185[%gather3A_2197] in [0] : vector<16xf32>, vector<16xi32> -> vector<16xf32>
      %add3A_2199 = arith.addf %add3A_2185, %gather3A_2198 : vector<16xf32>
      %xor3A_2200 = arith.constant 8 : i32
      %xor3A_2201 = vector.broadcast %xor3A_2200 : i32 to vector<16xi32>
      %xor3A_2202 = arith.xori %iota3A_2157, %xor3A_2201 : vector<16xi32>
      %lt3A_2203 = arith.constant 0 : i32
      %lt3A_2204 = vector.broadcast %lt3A_2203 : i32 to vector<16xi32>
      %lt3A_2205 = arith.cmpi slt, %xor3A_2202, %lt3A_2204 : vector<16xi32>
      %add3A_2206 = arith.constant 16 : i32
      %add3A_2207 = vector.broadcast %add3A_2206 : i32 to vector<16xi32>
      %add3A_2208 = arith.addi %xor3A_2202, %add3A_2207 : vector<16xi32>
      %select_n3A_2209 = arith.select %lt3A_2205, %add3A_2208, %xor3A_2202 : vector<16xi1>, vector<16xi32>
      %broadcast_in_dim3A_2210 = vector.shape_cast %select_n3A_2209 : vector<16xi32> to vector<16x1xi32>
      %gather3A_2211 = vector.shape_cast %broadcast_in_dim3A_2210 : vector<16x1xi32> to vector<16xi32>
      %gather3A_2212 = tpu.dynamic_gather %add3A_2199[%gather3A_2211] in [0] : vector<16xf32>, vector<16xi32> -> vector<16xf32>
      %add3A_2213 = arith.addf %add3A_2199, %gather3A_2212 : vector<16xf32>
      %mul3A_2214 = arith.constant 4.8828125E-4 : f32
      %mul3A_2215 = vector.broadcast %mul3A_2214 : f32 to vector<16xf32>
      %mul3A_2216 = arith.mulf %add3A_2213, %mul3A_2215 : vector<16xf32>
      %mul3A_2217 = arith.mulf %mul3A_2156, %mul3A_2156 : vector<16xf32>
      %sub3A_2218 = arith.subf %mul3A_2216, %mul3A_2217 : vector<16xf32>
      %add3A_2219 = arith.constant 9.99999997E-7 : f32
      %add3A_2220 = vector.broadcast %add3A_2219 : f32 to vector<16xf32>
      %add3A_2221 = arith.addf %sub3A_2218, %add3A_2220 : vector<16xf32>
      %bitcast_convert_type3A_2222 = tpu.bitcast %add3A_2221 : vector<16xf32> -> vector<16xi32>
      %broadcast_in_dim3A_2223 = arith.constant 1597463007 : i32
      %broadcast_in_dim3A_2224 = vector.broadcast %broadcast_in_dim3A_2223 : i32 to vector<16xi32>
      %shift_right_arithmetic3A_2225 = arith.constant 1 : i32
      %shift_right_arithmetic3A_2226 = vector.broadcast %shift_right_arithmetic3A_2225 : i32 to vector<16xi32>
      %shift_right_arithmetic3A_2227 = arith.shrsi %bitcast_convert_type3A_2222, %shift_right_arithmetic3A_2226 : vector<16xi32>
      %sub3A_2228 = arith.subi %broadcast_in_dim3A_2224, %shift_right_arithmetic3A_2227 : vector<16xi32>
      %bitcast_convert_type3A_2229 = tpu.bitcast %sub3A_2228 : vector<16xi32> -> vector<16xf32>
      %mul3A_2230 = arith.constant 5.000000e-01 : f32
      %mul3A_2231 = vector.broadcast %mul3A_2230 : f32 to vector<16xf32>
      %mul3A_2232 = arith.mulf %mul3A_2231, %add3A_2221 : vector<16xf32>
      %mul3A_2233 = arith.mulf %mul3A_2232, %bitcast_convert_type3A_2229 : vector<16xf32>
      %mul3A_2234 = arith.mulf %mul3A_2233, %bitcast_convert_type3A_2229 : vector<16xf32>
      %sub3A_2235 = arith.constant 1.500000e+00 : f32
      %sub3A_2236 = vector.broadcast %sub3A_2235 : f32 to vector<16xf32>
      %sub3A_2237 = arith.subf %sub3A_2236, %mul3A_2234 : vector<16xf32>
      %mul3A_2238 = arith.mulf %bitcast_convert_type3A_2229, %sub3A_2237 : vector<16xf32>
      %mul3A_2239 = arith.constant 5.000000e-01 : f32
      %mul3A_2240 = vector.broadcast %mul3A_2239 : f32 to vector<16xf32>
      %mul3A_2241 = arith.mulf %mul3A_2240, %add3A_2221 : vector<16xf32>
      %mul3A_2242 = arith.mulf %mul3A_2241, %mul3A_2238 : vector<16xf32>
      %mul3A_2243 = arith.mulf %mul3A_2242, %mul3A_2238 : vector<16xf32>
      %sub3A_2244 = arith.constant 1.500000e+00 : f32
      %sub3A_2245 = vector.broadcast %sub3A_2244 : f32 to vector<16xf32>
      %sub3A_2246 = arith.subf %sub3A_2245, %mul3A_2243 : vector<16xf32>
      %mul3A_2247 = arith.mulf %mul3A_2238, %sub3A_2246 : vector<16xf32>
      %mul3A_2248 = arith.constant 5.000000e-01 : f32
      %mul3A_2249 = vector.broadcast %mul3A_2248 : f32 to vector<16xf32>
      %mul3A_2250 = arith.mulf %mul3A_2249, %add3A_2221 : vector<16xf32>
      %mul3A_2251 = arith.mulf %mul3A_2250, %mul3A_2247 : vector<16xf32>
      %mul3A_2252 = arith.mulf %mul3A_2251, %mul3A_2247 : vector<16xf32>
      %sub3A_2253 = arith.constant 1.500000e+00 : f32
      %sub3A_2254 = vector.broadcast %sub3A_2253 : f32 to vector<16xf32>
      %sub3A_2255 = arith.subf %sub3A_2254, %mul3A_2252 : vector<16xf32>
      %mul3A_2256 = arith.mulf %mul3A_2247, %sub3A_2255 : vector<16xf32>
      %iota3A_2257 = tpu.iota {dimensions = array<i32: 0>} : vector<16xi32>
      %xor3A_2258 = arith.constant 1 : i32
      %xor3A_2259 = vector.broadcast %xor3A_2258 : i32 to vector<16xi32>
      %xor3A_2260 = arith.xori %iota3A_2257, %xor3A_2259 : vector<16xi32>
      %lt3A_2261 = arith.constant 0 : i32
      %lt3A_2262 = vector.broadcast %lt3A_2261 : i32 to vector<16xi32>
      %lt3A_2263 = arith.cmpi slt, %xor3A_2260, %lt3A_2262 : vector<16xi32>
      %add3A_2264 = arith.constant 16 : i32
      %add3A_2265 = vector.broadcast %add3A_2264 : i32 to vector<16xi32>
      %add3A_2266 = arith.addi %xor3A_2260, %add3A_2265 : vector<16xi32>
      %select_n3A_2267 = arith.select %lt3A_2263, %add3A_2266, %xor3A_2260 : vector<16xi1>, vector<16xi32>
      %broadcast_in_dim3A_2268 = vector.shape_cast %select_n3A_2267 : vector<16xi32> to vector<16x1xi32>
      %gather3A_2269 = vector.shape_cast %broadcast_in_dim3A_2268 : vector<16x1xi32> to vector<16xi32>
      %gather3A_2270 = tpu.dynamic_gather %parallel_loop3A_1616#8[%gather3A_2269] in [0] : vector<16xf32>, vector<16xi32> -> vector<16xf32>
      %add3A_2271 = arith.addf %parallel_loop3A_1616#8, %gather3A_2270 : vector<16xf32>
      %xor3A_2272 = arith.constant 2 : i32
      %xor3A_2273 = vector.broadcast %xor3A_2272 : i32 to vector<16xi32>
      %xor3A_2274 = arith.xori %iota3A_2257, %xor3A_2273 : vector<16xi32>
      %lt3A_2275 = arith.constant 0 : i32
      %lt3A_2276 = vector.broadcast %lt3A_2275 : i32 to vector<16xi32>
      %lt3A_2277 = arith.cmpi slt, %xor3A_2274, %lt3A_2276 : vector<16xi32>
      %add3A_2278 = arith.constant 16 : i32
      %add3A_2279 = vector.broadcast %add3A_2278 : i32 to vector<16xi32>
      %add3A_2280 = arith.addi %xor3A_2274, %add3A_2279 : vector<16xi32>
      %select_n3A_2281 = arith.select %lt3A_2277, %add3A_2280, %xor3A_2274 : vector<16xi1>, vector<16xi32>
      %broadcast_in_dim3A_2282 = vector.shape_cast %select_n3A_2281 : vector<16xi32> to vector<16x1xi32>
      %gather3A_2283 = vector.shape_cast %broadcast_in_dim3A_2282 : vector<16x1xi32> to vector<16xi32>
      %gather3A_2284 = tpu.dynamic_gather %add3A_2271[%gather3A_2283] in [0] : vector<16xf32>, vector<16xi32> -> vector<16xf32>
      %add3A_2285 = arith.addf %add3A_2271, %gather3A_2284 : vector<16xf32>
      %xor3A_2286 = arith.constant 4 : i32
      %xor3A_2287 = vector.broadcast %xor3A_2286 : i32 to vector<16xi32>
      %xor3A_2288 = arith.xori %iota3A_2257, %xor3A_2287 : vector<16xi32>
      %lt3A_2289 = arith.constant 0 : i32
      %lt3A_2290 = vector.broadcast %lt3A_2289 : i32 to vector<16xi32>
      %lt3A_2291 = arith.cmpi slt, %xor3A_2288, %lt3A_2290 : vector<16xi32>
      %add3A_2292 = arith.constant 16 : i32
      %add3A_2293 = vector.broadcast %add3A_2292 : i32 to vector<16xi32>
      %add3A_2294 = arith.addi %xor3A_2288, %add3A_2293 : vector<16xi32>
      %select_n3A_2295 = arith.select %lt3A_2291, %add3A_2294, %xor3A_2288 : vector<16xi1>, vector<16xi32>
      %broadcast_in_dim3A_2296 = vector.shape_cast %select_n3A_2295 : vector<16xi32> to vector<16x1xi32>
      %gather3A_2297 = vector.shape_cast %broadcast_in_dim3A_2296 : vector<16x1xi32> to vector<16xi32>
      %gather3A_2298 = tpu.dynamic_gather %add3A_2285[%gather3A_2297] in [0] : vector<16xf32>, vector<16xi32> -> vector<16xf32>
      %add3A_2299 = arith.addf %add3A_2285, %gather3A_2298 : vector<16xf32>
      %xor3A_2300 = arith.constant 8 : i32
      %xor3A_2301 = vector.broadcast %xor3A_2300 : i32 to vector<16xi32>
      %xor3A_2302 = arith.xori %iota3A_2257, %xor3A_2301 : vector<16xi32>
      %lt3A_2303 = arith.constant 0 : i32
      %lt3A_2304 = vector.broadcast %lt3A_2303 : i32 to vector<16xi32>
      %lt3A_2305 = arith.cmpi slt, %xor3A_2302, %lt3A_2304 : vector<16xi32>
      %add3A_2306 = arith.constant 16 : i32
      %add3A_2307 = vector.broadcast %add3A_2306 : i32 to vector<16xi32>
      %add3A_2308 = arith.addi %xor3A_2302, %add3A_2307 : vector<16xi32>
      %select_n3A_2309 = arith.select %lt3A_2305, %add3A_2308, %xor3A_2302 : vector<16xi1>, vector<16xi32>
      %broadcast_in_dim3A_2310 = vector.shape_cast %select_n3A_2309 : vector<16xi32> to vector<16x1xi32>
      %gather3A_2311 = vector.shape_cast %broadcast_in_dim3A_2310 : vector<16x1xi32> to vector<16xi32>
      %gather3A_2312 = tpu.dynamic_gather %add3A_2299[%gather3A_2311] in [0] : vector<16xf32>, vector<16xi32> -> vector<16xf32>
      %add3A_2313 = arith.addf %add3A_2299, %gather3A_2312 : vector<16xf32>
      %mul3A_2314 = arith.constant 4.8828125E-4 : f32
      %mul3A_2315 = vector.broadcast %mul3A_2314 : f32 to vector<16xf32>
      %mul3A_2316 = arith.mulf %add3A_2313, %mul3A_2315 : vector<16xf32>
      %iota3A_2317 = tpu.iota {dimensions = array<i32: 0>} : vector<16xi32>
      %xor3A_2318 = arith.constant 1 : i32
      %xor3A_2319 = vector.broadcast %xor3A_2318 : i32 to vector<16xi32>
      %xor3A_2320 = arith.xori %iota3A_2317, %xor3A_2319 : vector<16xi32>
      %lt3A_2321 = arith.constant 0 : i32
      %lt3A_2322 = vector.broadcast %lt3A_2321 : i32 to vector<16xi32>
      %lt3A_2323 = arith.cmpi slt, %xor3A_2320, %lt3A_2322 : vector<16xi32>
      %add3A_2324 = arith.constant 16 : i32
      %add3A_2325 = vector.broadcast %add3A_2324 : i32 to vector<16xi32>
      %add3A_2326 = arith.addi %xor3A_2320, %add3A_2325 : vector<16xi32>
      %select_n3A_2327 = arith.select %lt3A_2323, %add3A_2326, %xor3A_2320 : vector<16xi1>, vector<16xi32>
      %broadcast_in_dim3A_2328 = vector.shape_cast %select_n3A_2327 : vector<16xi32> to vector<16x1xi32>
      %gather3A_2329 = vector.shape_cast %broadcast_in_dim3A_2328 : vector<16x1xi32> to vector<16xi32>
      %gather3A_2330 = tpu.dynamic_gather %parallel_loop3A_1616#9[%gather3A_2329] in [0] : vector<16xf32>, vector<16xi32> -> vector<16xf32>
      %add3A_2331 = arith.addf %parallel_loop3A_1616#9, %gather3A_2330 : vector<16xf32>
      %xor3A_2332 = arith.constant 2 : i32
      %xor3A_2333 = vector.broadcast %xor3A_2332 : i32 to vector<16xi32>
      %xor3A_2334 = arith.xori %iota3A_2317, %xor3A_2333 : vector<16xi32>
      %lt3A_2335 = arith.constant 0 : i32
      %lt3A_2336 = vector.broadcast %lt3A_2335 : i32 to vector<16xi32>
      %lt3A_2337 = arith.cmpi slt, %xor3A_2334, %lt3A_2336 : vector<16xi32>
      %add3A_2338 = arith.constant 16 : i32
      %add3A_2339 = vector.broadcast %add3A_2338 : i32 to vector<16xi32>
      %add3A_2340 = arith.addi %xor3A_2334, %add3A_2339 : vector<16xi32>
      %select_n3A_2341 = arith.select %lt3A_2337, %add3A_2340, %xor3A_2334 : vector<16xi1>, vector<16xi32>
      %broadcast_in_dim3A_2342 = vector.shape_cast %select_n3A_2341 : vector<16xi32> to vector<16x1xi32>
      %gather3A_2343 = vector.shape_cast %broadcast_in_dim3A_2342 : vector<16x1xi32> to vector<16xi32>
      %gather3A_2344 = tpu.dynamic_gather %add3A_2331[%gather3A_2343] in [0] : vector<16xf32>, vector<16xi32> -> vector<16xf32>
      %add3A_2345 = arith.addf %add3A_2331, %gather3A_2344 : vector<16xf32>
      %xor3A_2346 = arith.constant 4 : i32
      %xor3A_2347 = vector.broadcast %xor3A_2346 : i32 to vector<16xi32>
      %xor3A_2348 = arith.xori %iota3A_2317, %xor3A_2347 : vector<16xi32>
      %lt3A_2349 = arith.constant 0 : i32
      %lt3A_2350 = vector.broadcast %lt3A_2349 : i32 to vector<16xi32>
      %lt3A_2351 = arith.cmpi slt, %xor3A_2348, %lt3A_2350 : vector<16xi32>
      %add3A_2352 = arith.constant 16 : i32
      %add3A_2353 = vector.broadcast %add3A_2352 : i32 to vector<16xi32>
      %add3A_2354 = arith.addi %xor3A_2348, %add3A_2353 : vector<16xi32>
      %select_n3A_2355 = arith.select %lt3A_2351, %add3A_2354, %xor3A_2348 : vector<16xi1>, vector<16xi32>
      %broadcast_in_dim3A_2356 = vector.shape_cast %select_n3A_2355 : vector<16xi32> to vector<16x1xi32>
      %gather3A_2357 = vector.shape_cast %broadcast_in_dim3A_2356 : vector<16x1xi32> to vector<16xi32>
      %gather3A_2358 = tpu.dynamic_gather %add3A_2345[%gather3A_2357] in [0] : vector<16xf32>, vector<16xi32> -> vector<16xf32>
      %add3A_2359 = arith.addf %add3A_2345, %gather3A_2358 : vector<16xf32>
      %xor3A_2360 = arith.constant 8 : i32
      %xor3A_2361 = vector.broadcast %xor3A_2360 : i32 to vector<16xi32>
      %xor3A_2362 = arith.xori %iota3A_2317, %xor3A_2361 : vector<16xi32>
      %lt3A_2363 = arith.constant 0 : i32
      %lt3A_2364 = vector.broadcast %lt3A_2363 : i32 to vector<16xi32>
      %lt3A_2365 = arith.cmpi slt, %xor3A_2362, %lt3A_2364 : vector<16xi32>
      %add3A_2366 = arith.constant 16 : i32
      %add3A_2367 = vector.broadcast %add3A_2366 : i32 to vector<16xi32>
      %add3A_2368 = arith.addi %xor3A_2362, %add3A_2367 : vector<16xi32>
      %select_n3A_2369 = arith.select %lt3A_2365, %add3A_2368, %xor3A_2362 : vector<16xi1>, vector<16xi32>
      %broadcast_in_dim3A_2370 = vector.shape_cast %select_n3A_2369 : vector<16xi32> to vector<16x1xi32>
      %gather3A_2371 = vector.shape_cast %broadcast_in_dim3A_2370 : vector<16x1xi32> to vector<16xi32>
      %gather3A_2372 = tpu.dynamic_gather %add3A_2359[%gather3A_2371] in [0] : vector<16xf32>, vector<16xi32> -> vector<16xf32>
      %add3A_2373 = arith.addf %add3A_2359, %gather3A_2372 : vector<16xf32>
      %mul3A_2374 = arith.constant 4.8828125E-4 : f32
      %mul3A_2375 = vector.broadcast %mul3A_2374 : f32 to vector<16xf32>
      %mul3A_2376 = arith.mulf %add3A_2373, %mul3A_2375 : vector<16xf32>
      %mul3A_2377 = arith.mulf %mul3A_2316, %mul3A_2316 : vector<16xf32>
      %sub3A_2378 = arith.subf %mul3A_2376, %mul3A_2377 : vector<16xf32>
      %add3A_2379 = arith.constant 9.99999997E-7 : f32
      %add3A_2380 = vector.broadcast %add3A_2379 : f32 to vector<16xf32>
      %add3A_2381 = arith.addf %sub3A_2378, %add3A_2380 : vector<16xf32>
      %bitcast_convert_type3A_2382 = tpu.bitcast %add3A_2381 : vector<16xf32> -> vector<16xi32>
      %broadcast_in_dim3A_2383 = arith.constant 1597463007 : i32
      %broadcast_in_dim3A_2384 = vector.broadcast %broadcast_in_dim3A_2383 : i32 to vector<16xi32>
      %shift_right_arithmetic3A_2385 = arith.constant 1 : i32
      %shift_right_arithmetic3A_2386 = vector.broadcast %shift_right_arithmetic3A_2385 : i32 to vector<16xi32>
      %shift_right_arithmetic3A_2387 = arith.shrsi %bitcast_convert_type3A_2382, %shift_right_arithmetic3A_2386 : vector<16xi32>
      %sub3A_2388 = arith.subi %broadcast_in_dim3A_2384, %shift_right_arithmetic3A_2387 : vector<16xi32>
      %bitcast_convert_type3A_2389 = tpu.bitcast %sub3A_2388 : vector<16xi32> -> vector<16xf32>
      %mul3A_2390 = arith.constant 5.000000e-01 : f32
      %mul3A_2391 = vector.broadcast %mul3A_2390 : f32 to vector<16xf32>
      %mul3A_2392 = arith.mulf %mul3A_2391, %add3A_2381 : vector<16xf32>
      %mul3A_2393 = arith.mulf %mul3A_2392, %bitcast_convert_type3A_2389 : vector<16xf32>
      %mul3A_2394 = arith.mulf %mul3A_2393, %bitcast_convert_type3A_2389 : vector<16xf32>
      %sub3A_2395 = arith.constant 1.500000e+00 : f32
      %sub3A_2396 = vector.broadcast %sub3A_2395 : f32 to vector<16xf32>
      %sub3A_2397 = arith.subf %sub3A_2396, %mul3A_2394 : vector<16xf32>
      %mul3A_2398 = arith.mulf %bitcast_convert_type3A_2389, %sub3A_2397 : vector<16xf32>
      %mul3A_2399 = arith.constant 5.000000e-01 : f32
      %mul3A_2400 = vector.broadcast %mul3A_2399 : f32 to vector<16xf32>
      %mul3A_2401 = arith.mulf %mul3A_2400, %add3A_2381 : vector<16xf32>
      %mul3A_2402 = arith.mulf %mul3A_2401, %mul3A_2398 : vector<16xf32>
      %mul3A_2403 = arith.mulf %mul3A_2402, %mul3A_2398 : vector<16xf32>
      %sub3A_2404 = arith.constant 1.500000e+00 : f32
      %sub3A_2405 = vector.broadcast %sub3A_2404 : f32 to vector<16xf32>
      %sub3A_2406 = arith.subf %sub3A_2405, %mul3A_2403 : vector<16xf32>
      %mul3A_2407 = arith.mulf %mul3A_2398, %sub3A_2406 : vector<16xf32>
      %mul3A_2408 = arith.constant 5.000000e-01 : f32
      %mul3A_2409 = vector.broadcast %mul3A_2408 : f32 to vector<16xf32>
      %mul3A_2410 = arith.mulf %mul3A_2409, %add3A_2381 : vector<16xf32>
      %mul3A_2411 = arith.mulf %mul3A_2410, %mul3A_2407 : vector<16xf32>
      %mul3A_2412 = arith.mulf %mul3A_2411, %mul3A_2407 : vector<16xf32>
      %sub3A_2413 = arith.constant 1.500000e+00 : f32
      %sub3A_2414 = vector.broadcast %sub3A_2413 : f32 to vector<16xf32>
      %sub3A_2415 = arith.subf %sub3A_2414, %mul3A_2412 : vector<16xf32>
      %mul3A_2416 = arith.mulf %mul3A_2407, %sub3A_2415 : vector<16xf32>
      %iota3A_2417 = tpu.iota {dimensions = array<i32: 0>} : vector<16xi32>
      %xor3A_2418 = arith.constant 1 : i32
      %xor3A_2419 = vector.broadcast %xor3A_2418 : i32 to vector<16xi32>
      %xor3A_2420 = arith.xori %iota3A_2417, %xor3A_2419 : vector<16xi32>
      %lt3A_2421 = arith.constant 0 : i32
      %lt3A_2422 = vector.broadcast %lt3A_2421 : i32 to vector<16xi32>
      %lt3A_2423 = arith.cmpi slt, %xor3A_2420, %lt3A_2422 : vector<16xi32>
      %add3A_2424 = arith.constant 16 : i32
      %add3A_2425 = vector.broadcast %add3A_2424 : i32 to vector<16xi32>
      %add3A_2426 = arith.addi %xor3A_2420, %add3A_2425 : vector<16xi32>
      %select_n3A_2427 = arith.select %lt3A_2423, %add3A_2426, %xor3A_2420 : vector<16xi1>, vector<16xi32>
      %broadcast_in_dim3A_2428 = vector.shape_cast %select_n3A_2427 : vector<16xi32> to vector<16x1xi32>
      %gather3A_2429 = vector.shape_cast %broadcast_in_dim3A_2428 : vector<16x1xi32> to vector<16xi32>
      %gather3A_2430 = tpu.dynamic_gather %parallel_loop3A_1616#10[%gather3A_2429] in [0] : vector<16xf32>, vector<16xi32> -> vector<16xf32>
      %add3A_2431 = arith.addf %parallel_loop3A_1616#10, %gather3A_2430 : vector<16xf32>
      %xor3A_2432 = arith.constant 2 : i32
      %xor3A_2433 = vector.broadcast %xor3A_2432 : i32 to vector<16xi32>
      %xor3A_2434 = arith.xori %iota3A_2417, %xor3A_2433 : vector<16xi32>
      %lt3A_2435 = arith.constant 0 : i32
      %lt3A_2436 = vector.broadcast %lt3A_2435 : i32 to vector<16xi32>
      %lt3A_2437 = arith.cmpi slt, %xor3A_2434, %lt3A_2436 : vector<16xi32>
      %add3A_2438 = arith.constant 16 : i32
      %add3A_2439 = vector.broadcast %add3A_2438 : i32 to vector<16xi32>
      %add3A_2440 = arith.addi %xor3A_2434, %add3A_2439 : vector<16xi32>
      %select_n3A_2441 = arith.select %lt3A_2437, %add3A_2440, %xor3A_2434 : vector<16xi1>, vector<16xi32>
      %broadcast_in_dim3A_2442 = vector.shape_cast %select_n3A_2441 : vector<16xi32> to vector<16x1xi32>
      %gather3A_2443 = vector.shape_cast %broadcast_in_dim3A_2442 : vector<16x1xi32> to vector<16xi32>
      %gather3A_2444 = tpu.dynamic_gather %add3A_2431[%gather3A_2443] in [0] : vector<16xf32>, vector<16xi32> -> vector<16xf32>
      %add3A_2445 = arith.addf %add3A_2431, %gather3A_2444 : vector<16xf32>
      %xor3A_2446 = arith.constant 4 : i32
      %xor3A_2447 = vector.broadcast %xor3A_2446 : i32 to vector<16xi32>
      %xor3A_2448 = arith.xori %iota3A_2417, %xor3A_2447 : vector<16xi32>
      %lt3A_2449 = arith.constant 0 : i32
      %lt3A_2450 = vector.broadcast %lt3A_2449 : i32 to vector<16xi32>
      %lt3A_2451 = arith.cmpi slt, %xor3A_2448, %lt3A_2450 : vector<16xi32>
      %add3A_2452 = arith.constant 16 : i32
      %add3A_2453 = vector.broadcast %add3A_2452 : i32 to vector<16xi32>
      %add3A_2454 = arith.addi %xor3A_2448, %add3A_2453 : vector<16xi32>
      %select_n3A_2455 = arith.select %lt3A_2451, %add3A_2454, %xor3A_2448 : vector<16xi1>, vector<16xi32>
      %broadcast_in_dim3A_2456 = vector.shape_cast %select_n3A_2455 : vector<16xi32> to vector<16x1xi32>
      %gather3A_2457 = vector.shape_cast %broadcast_in_dim3A_2456 : vector<16x1xi32> to vector<16xi32>
      %gather3A_2458 = tpu.dynamic_gather %add3A_2445[%gather3A_2457] in [0] : vector<16xf32>, vector<16xi32> -> vector<16xf32>
      %add3A_2459 = arith.addf %add3A_2445, %gather3A_2458 : vector<16xf32>
      %xor3A_2460 = arith.constant 8 : i32
      %xor3A_2461 = vector.broadcast %xor3A_2460 : i32 to vector<16xi32>
      %xor3A_2462 = arith.xori %iota3A_2417, %xor3A_2461 : vector<16xi32>
      %lt3A_2463 = arith.constant 0 : i32
      %lt3A_2464 = vector.broadcast %lt3A_2463 : i32 to vector<16xi32>
      %lt3A_2465 = arith.cmpi slt, %xor3A_2462, %lt3A_2464 : vector<16xi32>
      %add3A_2466 = arith.constant 16 : i32
      %add3A_2467 = vector.broadcast %add3A_2466 : i32 to vector<16xi32>
      %add3A_2468 = arith.addi %xor3A_2462, %add3A_2467 : vector<16xi32>
      %select_n3A_2469 = arith.select %lt3A_2465, %add3A_2468, %xor3A_2462 : vector<16xi1>, vector<16xi32>
      %broadcast_in_dim3A_2470 = vector.shape_cast %select_n3A_2469 : vector<16xi32> to vector<16x1xi32>
      %gather3A_2471 = vector.shape_cast %broadcast_in_dim3A_2470 : vector<16x1xi32> to vector<16xi32>
      %gather3A_2472 = tpu.dynamic_gather %add3A_2459[%gather3A_2471] in [0] : vector<16xf32>, vector<16xi32> -> vector<16xf32>
      %add3A_2473 = arith.addf %add3A_2459, %gather3A_2472 : vector<16xf32>
      %mul3A_2474 = arith.constant 4.8828125E-4 : f32
      %mul3A_2475 = vector.broadcast %mul3A_2474 : f32 to vector<16xf32>
      %mul3A_2476 = arith.mulf %add3A_2473, %mul3A_2475 : vector<16xf32>
      %iota3A_2477 = tpu.iota {dimensions = array<i32: 0>} : vector<16xi32>
      %xor3A_2478 = arith.constant 1 : i32
      %xor3A_2479 = vector.broadcast %xor3A_2478 : i32 to vector<16xi32>
      %xor3A_2480 = arith.xori %iota3A_2477, %xor3A_2479 : vector<16xi32>
      %lt3A_2481 = arith.constant 0 : i32
      %lt3A_2482 = vector.broadcast %lt3A_2481 : i32 to vector<16xi32>
      %lt3A_2483 = arith.cmpi slt, %xor3A_2480, %lt3A_2482 : vector<16xi32>
      %add3A_2484 = arith.constant 16 : i32
      %add3A_2485 = vector.broadcast %add3A_2484 : i32 to vector<16xi32>
      %add3A_2486 = arith.addi %xor3A_2480, %add3A_2485 : vector<16xi32>
      %select_n3A_2487 = arith.select %lt3A_2483, %add3A_2486, %xor3A_2480 : vector<16xi1>, vector<16xi32>
      %broadcast_in_dim3A_2488 = vector.shape_cast %select_n3A_2487 : vector<16xi32> to vector<16x1xi32>
      %gather3A_2489 = vector.shape_cast %broadcast_in_dim3A_2488 : vector<16x1xi32> to vector<16xi32>
      %gather3A_2490 = tpu.dynamic_gather %parallel_loop3A_1616#11[%gather3A_2489] in [0] : vector<16xf32>, vector<16xi32> -> vector<16xf32>
      %add3A_2491 = arith.addf %parallel_loop3A_1616#11, %gather3A_2490 : vector<16xf32>
      %xor3A_2492 = arith.constant 2 : i32
      %xor3A_2493 = vector.broadcast %xor3A_2492 : i32 to vector<16xi32>
      %xor3A_2494 = arith.xori %iota3A_2477, %xor3A_2493 : vector<16xi32>
      %lt3A_2495 = arith.constant 0 : i32
      %lt3A_2496 = vector.broadcast %lt3A_2495 : i32 to vector<16xi32>
      %lt3A_2497 = arith.cmpi slt, %xor3A_2494, %lt3A_2496 : vector<16xi32>
      %add3A_2498 = arith.constant 16 : i32
      %add3A_2499 = vector.broadcast %add3A_2498 : i32 to vector<16xi32>
      %add3A_2500 = arith.addi %xor3A_2494, %add3A_2499 : vector<16xi32>
      %select_n3A_2501 = arith.select %lt3A_2497, %add3A_2500, %xor3A_2494 : vector<16xi1>, vector<16xi32>
      %broadcast_in_dim3A_2502 = vector.shape_cast %select_n3A_2501 : vector<16xi32> to vector<16x1xi32>
      %gather3A_2503 = vector.shape_cast %broadcast_in_dim3A_2502 : vector<16x1xi32> to vector<16xi32>
      %gather3A_2504 = tpu.dynamic_gather %add3A_2491[%gather3A_2503] in [0] : vector<16xf32>, vector<16xi32> -> vector<16xf32>
      %add3A_2505 = arith.addf %add3A_2491, %gather3A_2504 : vector<16xf32>
      %xor3A_2506 = arith.constant 4 : i32
      %xor3A_2507 = vector.broadcast %xor3A_2506 : i32 to vector<16xi32>
      %xor3A_2508 = arith.xori %iota3A_2477, %xor3A_2507 : vector<16xi32>
      %lt3A_2509 = arith.constant 0 : i32
      %lt3A_2510 = vector.broadcast %lt3A_2509 : i32 to vector<16xi32>
      %lt3A_2511 = arith.cmpi slt, %xor3A_2508, %lt3A_2510 : vector<16xi32>
      %add3A_2512 = arith.constant 16 : i32
      %add3A_2513 = vector.broadcast %add3A_2512 : i32 to vector<16xi32>
      %add3A_2514 = arith.addi %xor3A_2508, %add3A_2513 : vector<16xi32>
      %select_n3A_2515 = arith.select %lt3A_2511, %add3A_2514, %xor3A_2508 : vector<16xi1>, vector<16xi32>
      %broadcast_in_dim3A_2516 = vector.shape_cast %select_n3A_2515 : vector<16xi32> to vector<16x1xi32>
      %gather3A_2517 = vector.shape_cast %broadcast_in_dim3A_2516 : vector<16x1xi32> to vector<16xi32>
      %gather3A_2518 = tpu.dynamic_gather %add3A_2505[%gather3A_2517] in [0] : vector<16xf32>, vector<16xi32> -> vector<16xf32>
      %add3A_2519 = arith.addf %add3A_2505, %gather3A_2518 : vector<16xf32>
      %xor3A_2520 = arith.constant 8 : i32
      %xor3A_2521 = vector.broadcast %xor3A_2520 : i32 to vector<16xi32>
      %xor3A_2522 = arith.xori %iota3A_2477, %xor3A_2521 : vector<16xi32>
      %lt3A_2523 = arith.constant 0 : i32
      %lt3A_2524 = vector.broadcast %lt3A_2523 : i32 to vector<16xi32>
      %lt3A_2525 = arith.cmpi slt, %xor3A_2522, %lt3A_2524 : vector<16xi32>
      %add3A_2526 = arith.constant 16 : i32
      %add3A_2527 = vector.broadcast %add3A_2526 : i32 to vector<16xi32>
      %add3A_2528 = arith.addi %xor3A_2522, %add3A_2527 : vector<16xi32>
      %select_n3A_2529 = arith.select %lt3A_2525, %add3A_2528, %xor3A_2522 : vector<16xi1>, vector<16xi32>
      %broadcast_in_dim3A_2530 = vector.shape_cast %select_n3A_2529 : vector<16xi32> to vector<16x1xi32>
      %gather3A_2531 = vector.shape_cast %broadcast_in_dim3A_2530 : vector<16x1xi32> to vector<16xi32>
      %gather3A_2532 = tpu.dynamic_gather %add3A_2519[%gather3A_2531] in [0] : vector<16xf32>, vector<16xi32> -> vector<16xf32>
      %add3A_2533 = arith.addf %add3A_2519, %gather3A_2532 : vector<16xf32>
      %mul3A_2534 = arith.constant 4.8828125E-4 : f32
      %mul3A_2535 = vector.broadcast %mul3A_2534 : f32 to vector<16xf32>
      %mul3A_2536 = arith.mulf %add3A_2533, %mul3A_2535 : vector<16xf32>
      %mul3A_2537 = arith.mulf %mul3A_2476, %mul3A_2476 : vector<16xf32>
      %sub3A_2538 = arith.subf %mul3A_2536, %mul3A_2537 : vector<16xf32>
      %add3A_2539 = arith.constant 9.99999997E-7 : f32
      %add3A_2540 = vector.broadcast %add3A_2539 : f32 to vector<16xf32>
      %add3A_2541 = arith.addf %sub3A_2538, %add3A_2540 : vector<16xf32>
      %bitcast_convert_type3A_2542 = tpu.bitcast %add3A_2541 : vector<16xf32> -> vector<16xi32>
      %broadcast_in_dim3A_2543 = arith.constant 1597463007 : i32
      %broadcast_in_dim3A_2544 = vector.broadcast %broadcast_in_dim3A_2543 : i32 to vector<16xi32>
      %shift_right_arithmetic3A_2545 = arith.constant 1 : i32
      %shift_right_arithmetic3A_2546 = vector.broadcast %shift_right_arithmetic3A_2545 : i32 to vector<16xi32>
      %shift_right_arithmetic3A_2547 = arith.shrsi %bitcast_convert_type3A_2542, %shift_right_arithmetic3A_2546 : vector<16xi32>
      %sub3A_2548 = arith.subi %broadcast_in_dim3A_2544, %shift_right_arithmetic3A_2547 : vector<16xi32>
      %bitcast_convert_type3A_2549 = tpu.bitcast %sub3A_2548 : vector<16xi32> -> vector<16xf32>
      %mul3A_2550 = arith.constant 5.000000e-01 : f32
      %mul3A_2551 = vector.broadcast %mul3A_2550 : f32 to vector<16xf32>
      %mul3A_2552 = arith.mulf %mul3A_2551, %add3A_2541 : vector<16xf32>
      %mul3A_2553 = arith.mulf %mul3A_2552, %bitcast_convert_type3A_2549 : vector<16xf32>
      %mul3A_2554 = arith.mulf %mul3A_2553, %bitcast_convert_type3A_2549 : vector<16xf32>
      %sub3A_2555 = arith.constant 1.500000e+00 : f32
      %sub3A_2556 = vector.broadcast %sub3A_2555 : f32 to vector<16xf32>
      %sub3A_2557 = arith.subf %sub3A_2556, %mul3A_2554 : vector<16xf32>
      %mul3A_2558 = arith.mulf %bitcast_convert_type3A_2549, %sub3A_2557 : vector<16xf32>
      %mul3A_2559 = arith.constant 5.000000e-01 : f32
      %mul3A_2560 = vector.broadcast %mul3A_2559 : f32 to vector<16xf32>
      %mul3A_2561 = arith.mulf %mul3A_2560, %add3A_2541 : vector<16xf32>
      %mul3A_2562 = arith.mulf %mul3A_2561, %mul3A_2558 : vector<16xf32>
      %mul3A_2563 = arith.mulf %mul3A_2562, %mul3A_2558 : vector<16xf32>
      %sub3A_2564 = arith.constant 1.500000e+00 : f32
      %sub3A_2565 = vector.broadcast %sub3A_2564 : f32 to vector<16xf32>
      %sub3A_2566 = arith.subf %sub3A_2565, %mul3A_2563 : vector<16xf32>
      %mul3A_2567 = arith.mulf %mul3A_2558, %sub3A_2566 : vector<16xf32>
      %mul3A_2568 = arith.constant 5.000000e-01 : f32
      %mul3A_2569 = vector.broadcast %mul3A_2568 : f32 to vector<16xf32>
      %mul3A_2570 = arith.mulf %mul3A_2569, %add3A_2541 : vector<16xf32>
      %mul3A_2571 = arith.mulf %mul3A_2570, %mul3A_2567 : vector<16xf32>
      %mul3A_2572 = arith.mulf %mul3A_2571, %mul3A_2567 : vector<16xf32>
      %sub3A_2573 = arith.constant 1.500000e+00 : f32
      %sub3A_2574 = vector.broadcast %sub3A_2573 : f32 to vector<16xf32>
      %sub3A_2575 = arith.subf %sub3A_2574, %mul3A_2572 : vector<16xf32>
      %mul3A_2576 = arith.mulf %mul3A_2567, %sub3A_2575 : vector<16xf32>
      %iota3A_2577 = tpu.iota {dimensions = array<i32: 0>} : vector<16xi32>
      %xor3A_2578 = arith.constant 1 : i32
      %xor3A_2579 = vector.broadcast %xor3A_2578 : i32 to vector<16xi32>
      %xor3A_2580 = arith.xori %iota3A_2577, %xor3A_2579 : vector<16xi32>
      %lt3A_2581 = arith.constant 0 : i32
      %lt3A_2582 = vector.broadcast %lt3A_2581 : i32 to vector<16xi32>
      %lt3A_2583 = arith.cmpi slt, %xor3A_2580, %lt3A_2582 : vector<16xi32>
      %add3A_2584 = arith.constant 16 : i32
      %add3A_2585 = vector.broadcast %add3A_2584 : i32 to vector<16xi32>
      %add3A_2586 = arith.addi %xor3A_2580, %add3A_2585 : vector<16xi32>
      %select_n3A_2587 = arith.select %lt3A_2583, %add3A_2586, %xor3A_2580 : vector<16xi1>, vector<16xi32>
      %broadcast_in_dim3A_2588 = vector.shape_cast %select_n3A_2587 : vector<16xi32> to vector<16x1xi32>
      %gather3A_2589 = vector.shape_cast %broadcast_in_dim3A_2588 : vector<16x1xi32> to vector<16xi32>
      %gather3A_2590 = tpu.dynamic_gather %parallel_loop3A_1616#12[%gather3A_2589] in [0] : vector<16xf32>, vector<16xi32> -> vector<16xf32>
      %add3A_2591 = arith.addf %parallel_loop3A_1616#12, %gather3A_2590 : vector<16xf32>
      %xor3A_2592 = arith.constant 2 : i32
      %xor3A_2593 = vector.broadcast %xor3A_2592 : i32 to vector<16xi32>
      %xor3A_2594 = arith.xori %iota3A_2577, %xor3A_2593 : vector<16xi32>
      %lt3A_2595 = arith.constant 0 : i32
      %lt3A_2596 = vector.broadcast %lt3A_2595 : i32 to vector<16xi32>
      %lt3A_2597 = arith.cmpi slt, %xor3A_2594, %lt3A_2596 : vector<16xi32>
      %add3A_2598 = arith.constant 16 : i32
      %add3A_2599 = vector.broadcast %add3A_2598 : i32 to vector<16xi32>
      %add3A_2600 = arith.addi %xor3A_2594, %add3A_2599 : vector<16xi32>
      %select_n3A_2601 = arith.select %lt3A_2597, %add3A_2600, %xor3A_2594 : vector<16xi1>, vector<16xi32>
      %broadcast_in_dim3A_2602 = vector.shape_cast %select_n3A_2601 : vector<16xi32> to vector<16x1xi32>
      %gather3A_2603 = vector.shape_cast %broadcast_in_dim3A_2602 : vector<16x1xi32> to vector<16xi32>
      %gather3A_2604 = tpu.dynamic_gather %add3A_2591[%gather3A_2603] in [0] : vector<16xf32>, vector<16xi32> -> vector<16xf32>
      %add3A_2605 = arith.addf %add3A_2591, %gather3A_2604 : vector<16xf32>
      %xor3A_2606 = arith.constant 4 : i32
      %xor3A_2607 = vector.broadcast %xor3A_2606 : i32 to vector<16xi32>
      %xor3A_2608 = arith.xori %iota3A_2577, %xor3A_2607 : vector<16xi32>
      %lt3A_2609 = arith.constant 0 : i32
      %lt3A_2610 = vector.broadcast %lt3A_2609 : i32 to vector<16xi32>
      %lt3A_2611 = arith.cmpi slt, %xor3A_2608, %lt3A_2610 : vector<16xi32>
      %add3A_2612 = arith.constant 16 : i32
      %add3A_2613 = vector.broadcast %add3A_2612 : i32 to vector<16xi32>
      %add3A_2614 = arith.addi %xor3A_2608, %add3A_2613 : vector<16xi32>
      %select_n3A_2615 = arith.select %lt3A_2611, %add3A_2614, %xor3A_2608 : vector<16xi1>, vector<16xi32>
      %broadcast_in_dim3A_2616 = vector.shape_cast %select_n3A_2615 : vector<16xi32> to vector<16x1xi32>
      %gather3A_2617 = vector.shape_cast %broadcast_in_dim3A_2616 : vector<16x1xi32> to vector<16xi32>
      %gather3A_2618 = tpu.dynamic_gather %add3A_2605[%gather3A_2617] in [0] : vector<16xf32>, vector<16xi32> -> vector<16xf32>
      %add3A_2619 = arith.addf %add3A_2605, %gather3A_2618 : vector<16xf32>
      %xor3A_2620 = arith.constant 8 : i32
      %xor3A_2621 = vector.broadcast %xor3A_2620 : i32 to vector<16xi32>
      %xor3A_2622 = arith.xori %iota3A_2577, %xor3A_2621 : vector<16xi32>
      %lt3A_2623 = arith.constant 0 : i32
      %lt3A_2624 = vector.broadcast %lt3A_2623 : i32 to vector<16xi32>
      %lt3A_2625 = arith.cmpi slt, %xor3A_2622, %lt3A_2624 : vector<16xi32>
      %add3A_2626 = arith.constant 16 : i32
      %add3A_2627 = vector.broadcast %add3A_2626 : i32 to vector<16xi32>
      %add3A_2628 = arith.addi %xor3A_2622, %add3A_2627 : vector<16xi32>
      %select_n3A_2629 = arith.select %lt3A_2625, %add3A_2628, %xor3A_2622 : vector<16xi1>, vector<16xi32>
      %broadcast_in_dim3A_2630 = vector.shape_cast %select_n3A_2629 : vector<16xi32> to vector<16x1xi32>
      %gather3A_2631 = vector.shape_cast %broadcast_in_dim3A_2630 : vector<16x1xi32> to vector<16xi32>
      %gather3A_2632 = tpu.dynamic_gather %add3A_2619[%gather3A_2631] in [0] : vector<16xf32>, vector<16xi32> -> vector<16xf32>
      %add3A_2633 = arith.addf %add3A_2619, %gather3A_2632 : vector<16xf32>
      %mul3A_2634 = arith.constant 4.8828125E-4 : f32
      %mul3A_2635 = vector.broadcast %mul3A_2634 : f32 to vector<16xf32>
      %mul3A_2636 = arith.mulf %add3A_2633, %mul3A_2635 : vector<16xf32>
      %iota3A_2637 = tpu.iota {dimensions = array<i32: 0>} : vector<16xi32>
      %xor3A_2638 = arith.constant 1 : i32
      %xor3A_2639 = vector.broadcast %xor3A_2638 : i32 to vector<16xi32>
      %xor3A_2640 = arith.xori %iota3A_2637, %xor3A_2639 : vector<16xi32>
      %lt3A_2641 = arith.constant 0 : i32
      %lt3A_2642 = vector.broadcast %lt3A_2641 : i32 to vector<16xi32>
      %lt3A_2643 = arith.cmpi slt, %xor3A_2640, %lt3A_2642 : vector<16xi32>
      %add3A_2644 = arith.constant 16 : i32
      %add3A_2645 = vector.broadcast %add3A_2644 : i32 to vector<16xi32>
      %add3A_2646 = arith.addi %xor3A_2640, %add3A_2645 : vector<16xi32>
      %select_n3A_2647 = arith.select %lt3A_2643, %add3A_2646, %xor3A_2640 : vector<16xi1>, vector<16xi32>
      %broadcast_in_dim3A_2648 = vector.shape_cast %select_n3A_2647 : vector<16xi32> to vector<16x1xi32>
      %gather3A_2649 = vector.shape_cast %broadcast_in_dim3A_2648 : vector<16x1xi32> to vector<16xi32>
      %gather3A_2650 = tpu.dynamic_gather %parallel_loop3A_1616#13[%gather3A_2649] in [0] : vector<16xf32>, vector<16xi32> -> vector<16xf32>
      %add3A_2651 = arith.addf %parallel_loop3A_1616#13, %gather3A_2650 : vector<16xf32>
      %xor3A_2652 = arith.constant 2 : i32
      %xor3A_2653 = vector.broadcast %xor3A_2652 : i32 to vector<16xi32>
      %xor3A_2654 = arith.xori %iota3A_2637, %xor3A_2653 : vector<16xi32>
      %lt3A_2655 = arith.constant 0 : i32
      %lt3A_2656 = vector.broadcast %lt3A_2655 : i32 to vector<16xi32>
      %lt3A_2657 = arith.cmpi slt, %xor3A_2654, %lt3A_2656 : vector<16xi32>
      %add3A_2658 = arith.constant 16 : i32
      %add3A_2659 = vector.broadcast %add3A_2658 : i32 to vector<16xi32>
      %add3A_2660 = arith.addi %xor3A_2654, %add3A_2659 : vector<16xi32>
      %select_n3A_2661 = arith.select %lt3A_2657, %add3A_2660, %xor3A_2654 : vector<16xi1>, vector<16xi32>
      %broadcast_in_dim3A_2662 = vector.shape_cast %select_n3A_2661 : vector<16xi32> to vector<16x1xi32>
      %gather3A_2663 = vector.shape_cast %broadcast_in_dim3A_2662 : vector<16x1xi32> to vector<16xi32>
      %gather3A_2664 = tpu.dynamic_gather %add3A_2651[%gather3A_2663] in [0] : vector<16xf32>, vector<16xi32> -> vector<16xf32>
      %add3A_2665 = arith.addf %add3A_2651, %gather3A_2664 : vector<16xf32>
      %xor3A_2666 = arith.constant 4 : i32
      %xor3A_2667 = vector.broadcast %xor3A_2666 : i32 to vector<16xi32>
      %xor3A_2668 = arith.xori %iota3A_2637, %xor3A_2667 : vector<16xi32>
      %lt3A_2669 = arith.constant 0 : i32
      %lt3A_2670 = vector.broadcast %lt3A_2669 : i32 to vector<16xi32>
      %lt3A_2671 = arith.cmpi slt, %xor3A_2668, %lt3A_2670 : vector<16xi32>
      %add3A_2672 = arith.constant 16 : i32
      %add3A_2673 = vector.broadcast %add3A_2672 : i32 to vector<16xi32>
      %add3A_2674 = arith.addi %xor3A_2668, %add3A_2673 : vector<16xi32>
      %select_n3A_2675 = arith.select %lt3A_2671, %add3A_2674, %xor3A_2668 : vector<16xi1>, vector<16xi32>
      %broadcast_in_dim3A_2676 = vector.shape_cast %select_n3A_2675 : vector<16xi32> to vector<16x1xi32>
      %gather3A_2677 = vector.shape_cast %broadcast_in_dim3A_2676 : vector<16x1xi32> to vector<16xi32>
      %gather3A_2678 = tpu.dynamic_gather %add3A_2665[%gather3A_2677] in [0] : vector<16xf32>, vector<16xi32> -> vector<16xf32>
      %add3A_2679 = arith.addf %add3A_2665, %gather3A_2678 : vector<16xf32>
      %xor3A_2680 = arith.constant 8 : i32
      %xor3A_2681 = vector.broadcast %xor3A_2680 : i32 to vector<16xi32>
      %xor3A_2682 = arith.xori %iota3A_2637, %xor3A_2681 : vector<16xi32>
      %lt3A_2683 = arith.constant 0 : i32
      %lt3A_2684 = vector.broadcast %lt3A_2683 : i32 to vector<16xi32>
      %lt3A_2685 = arith.cmpi slt, %xor3A_2682, %lt3A_2684 : vector<16xi32>
      %add3A_2686 = arith.constant 16 : i32
      %add3A_2687 = vector.broadcast %add3A_2686 : i32 to vector<16xi32>
      %add3A_2688 = arith.addi %xor3A_2682, %add3A_2687 : vector<16xi32>
      %select_n3A_2689 = arith.select %lt3A_2685, %add3A_2688, %xor3A_2682 : vector<16xi1>, vector<16xi32>
      %broadcast_in_dim3A_2690 = vector.shape_cast %select_n3A_2689 : vector<16xi32> to vector<16x1xi32>
      %gather3A_2691 = vector.shape_cast %broadcast_in_dim3A_2690 : vector<16x1xi32> to vector<16xi32>
      %gather3A_2692 = tpu.dynamic_gather %add3A_2679[%gather3A_2691] in [0] : vector<16xf32>, vector<16xi32> -> vector<16xf32>
      %add3A_2693 = arith.addf %add3A_2679, %gather3A_2692 : vector<16xf32>
      %mul3A_2694 = arith.constant 4.8828125E-4 : f32
      %mul3A_2695 = vector.broadcast %mul3A_2694 : f32 to vector<16xf32>
      %mul3A_2696 = arith.mulf %add3A_2693, %mul3A_2695 : vector<16xf32>
      %mul3A_2697 = arith.mulf %mul3A_2636, %mul3A_2636 : vector<16xf32>
      %sub3A_2698 = arith.subf %mul3A_2696, %mul3A_2697 : vector<16xf32>
      %add3A_2699 = arith.constant 9.99999997E-7 : f32
      %add3A_2700 = vector.broadcast %add3A_2699 : f32 to vector<16xf32>
      %add3A_2701 = arith.addf %sub3A_2698, %add3A_2700 : vector<16xf32>
      %bitcast_convert_type3A_2702 = tpu.bitcast %add3A_2701 : vector<16xf32> -> vector<16xi32>
      %broadcast_in_dim3A_2703 = arith.constant 1597463007 : i32
      %broadcast_in_dim3A_2704 = vector.broadcast %broadcast_in_dim3A_2703 : i32 to vector<16xi32>
      %shift_right_arithmetic3A_2705 = arith.constant 1 : i32
      %shift_right_arithmetic3A_2706 = vector.broadcast %shift_right_arithmetic3A_2705 : i32 to vector<16xi32>
      %shift_right_arithmetic3A_2707 = arith.shrsi %bitcast_convert_type3A_2702, %shift_right_arithmetic3A_2706 : vector<16xi32>
      %sub3A_2708 = arith.subi %broadcast_in_dim3A_2704, %shift_right_arithmetic3A_2707 : vector<16xi32>
      %bitcast_convert_type3A_2709 = tpu.bitcast %sub3A_2708 : vector<16xi32> -> vector<16xf32>
      %mul3A_2710 = arith.constant 5.000000e-01 : f32
      %mul3A_2711 = vector.broadcast %mul3A_2710 : f32 to vector<16xf32>
      %mul3A_2712 = arith.mulf %mul3A_2711, %add3A_2701 : vector<16xf32>
      %mul3A_2713 = arith.mulf %mul3A_2712, %bitcast_convert_type3A_2709 : vector<16xf32>
      %mul3A_2714 = arith.mulf %mul3A_2713, %bitcast_convert_type3A_2709 : vector<16xf32>
      %sub3A_2715 = arith.constant 1.500000e+00 : f32
      %sub3A_2716 = vector.broadcast %sub3A_2715 : f32 to vector<16xf32>
      %sub3A_2717 = arith.subf %sub3A_2716, %mul3A_2714 : vector<16xf32>
      %mul3A_2718 = arith.mulf %bitcast_convert_type3A_2709, %sub3A_2717 : vector<16xf32>
      %mul3A_2719 = arith.constant 5.000000e-01 : f32
      %mul3A_2720 = vector.broadcast %mul3A_2719 : f32 to vector<16xf32>
      %mul3A_2721 = arith.mulf %mul3A_2720, %add3A_2701 : vector<16xf32>
      %mul3A_2722 = arith.mulf %mul3A_2721, %mul3A_2718 : vector<16xf32>
      %mul3A_2723 = arith.mulf %mul3A_2722, %mul3A_2718 : vector<16xf32>
      %sub3A_2724 = arith.constant 1.500000e+00 : f32
      %sub3A_2725 = vector.broadcast %sub3A_2724 : f32 to vector<16xf32>
      %sub3A_2726 = arith.subf %sub3A_2725, %mul3A_2723 : vector<16xf32>
      %mul3A_2727 = arith.mulf %mul3A_2718, %sub3A_2726 : vector<16xf32>
      %mul3A_2728 = arith.constant 5.000000e-01 : f32
      %mul3A_2729 = vector.broadcast %mul3A_2728 : f32 to vector<16xf32>
      %mul3A_2730 = arith.mulf %mul3A_2729, %add3A_2701 : vector<16xf32>
      %mul3A_2731 = arith.mulf %mul3A_2730, %mul3A_2727 : vector<16xf32>
      %mul3A_2732 = arith.mulf %mul3A_2731, %mul3A_2727 : vector<16xf32>
      %sub3A_2733 = arith.constant 1.500000e+00 : f32
      %sub3A_2734 = vector.broadcast %sub3A_2733 : f32 to vector<16xf32>
      %sub3A_2735 = arith.subf %sub3A_2734, %mul3A_2732 : vector<16xf32>
      %mul3A_2736 = arith.mulf %mul3A_2727, %sub3A_2735 : vector<16xf32>
      %iota3A_2737 = tpu.iota {dimensions = array<i32: 0>} : vector<16xi32>
      %xor3A_2738 = arith.constant 1 : i32
      %xor3A_2739 = vector.broadcast %xor3A_2738 : i32 to vector<16xi32>
      %xor3A_2740 = arith.xori %iota3A_2737, %xor3A_2739 : vector<16xi32>
      %lt3A_2741 = arith.constant 0 : i32
      %lt3A_2742 = vector.broadcast %lt3A_2741 : i32 to vector<16xi32>
      %lt3A_2743 = arith.cmpi slt, %xor3A_2740, %lt3A_2742 : vector<16xi32>
      %add3A_2744 = arith.constant 16 : i32
      %add3A_2745 = vector.broadcast %add3A_2744 : i32 to vector<16xi32>
      %add3A_2746 = arith.addi %xor3A_2740, %add3A_2745 : vector<16xi32>
      %select_n3A_2747 = arith.select %lt3A_2743, %add3A_2746, %xor3A_2740 : vector<16xi1>, vector<16xi32>
      %broadcast_in_dim3A_2748 = vector.shape_cast %select_n3A_2747 : vector<16xi32> to vector<16x1xi32>
      %gather3A_2749 = vector.shape_cast %broadcast_in_dim3A_2748 : vector<16x1xi32> to vector<16xi32>
      %gather3A_2750 = tpu.dynamic_gather %parallel_loop3A_1616#14[%gather3A_2749] in [0] : vector<16xf32>, vector<16xi32> -> vector<16xf32>
      %add3A_2751 = arith.addf %parallel_loop3A_1616#14, %gather3A_2750 : vector<16xf32>
      %xor3A_2752 = arith.constant 2 : i32
      %xor3A_2753 = vector.broadcast %xor3A_2752 : i32 to vector<16xi32>
      %xor3A_2754 = arith.xori %iota3A_2737, %xor3A_2753 : vector<16xi32>
      %lt3A_2755 = arith.constant 0 : i32
      %lt3A_2756 = vector.broadcast %lt3A_2755 : i32 to vector<16xi32>
      %lt3A_2757 = arith.cmpi slt, %xor3A_2754, %lt3A_2756 : vector<16xi32>
      %add3A_2758 = arith.constant 16 : i32
      %add3A_2759 = vector.broadcast %add3A_2758 : i32 to vector<16xi32>
      %add3A_2760 = arith.addi %xor3A_2754, %add3A_2759 : vector<16xi32>
      %select_n3A_2761 = arith.select %lt3A_2757, %add3A_2760, %xor3A_2754 : vector<16xi1>, vector<16xi32>
      %broadcast_in_dim3A_2762 = vector.shape_cast %select_n3A_2761 : vector<16xi32> to vector<16x1xi32>
      %gather3A_2763 = vector.shape_cast %broadcast_in_dim3A_2762 : vector<16x1xi32> to vector<16xi32>
      %gather3A_2764 = tpu.dynamic_gather %add3A_2751[%gather3A_2763] in [0] : vector<16xf32>, vector<16xi32> -> vector<16xf32>
      %add3A_2765 = arith.addf %add3A_2751, %gather3A_2764 : vector<16xf32>
      %xor3A_2766 = arith.constant 4 : i32
      %xor3A_2767 = vector.broadcast %xor3A_2766 : i32 to vector<16xi32>
      %xor3A_2768 = arith.xori %iota3A_2737, %xor3A_2767 : vector<16xi32>
      %lt3A_2769 = arith.constant 0 : i32
      %lt3A_2770 = vector.broadcast %lt3A_2769 : i32 to vector<16xi32>
      %lt3A_2771 = arith.cmpi slt, %xor3A_2768, %lt3A_2770 : vector<16xi32>
      %add3A_2772 = arith.constant 16 : i32
      %add3A_2773 = vector.broadcast %add3A_2772 : i32 to vector<16xi32>
      %add3A_2774 = arith.addi %xor3A_2768, %add3A_2773 : vector<16xi32>
      %select_n3A_2775 = arith.select %lt3A_2771, %add3A_2774, %xor3A_2768 : vector<16xi1>, vector<16xi32>
      %broadcast_in_dim3A_2776 = vector.shape_cast %select_n3A_2775 : vector<16xi32> to vector<16x1xi32>
      %gather3A_2777 = vector.shape_cast %broadcast_in_dim3A_2776 : vector<16x1xi32> to vector<16xi32>
      %gather3A_2778 = tpu.dynamic_gather %add3A_2765[%gather3A_2777] in [0] : vector<16xf32>, vector<16xi32> -> vector<16xf32>
      %add3A_2779 = arith.addf %add3A_2765, %gather3A_2778 : vector<16xf32>
      %xor3A_2780 = arith.constant 8 : i32
      %xor3A_2781 = vector.broadcast %xor3A_2780 : i32 to vector<16xi32>
      %xor3A_2782 = arith.xori %iota3A_2737, %xor3A_2781 : vector<16xi32>
      %lt3A_2783 = arith.constant 0 : i32
      %lt3A_2784 = vector.broadcast %lt3A_2783 : i32 to vector<16xi32>
      %lt3A_2785 = arith.cmpi slt, %xor3A_2782, %lt3A_2784 : vector<16xi32>
      %add3A_2786 = arith.constant 16 : i32
      %add3A_2787 = vector.broadcast %add3A_2786 : i32 to vector<16xi32>
      %add3A_2788 = arith.addi %xor3A_2782, %add3A_2787 : vector<16xi32>
      %select_n3A_2789 = arith.select %lt3A_2785, %add3A_2788, %xor3A_2782 : vector<16xi1>, vector<16xi32>
      %broadcast_in_dim3A_2790 = vector.shape_cast %select_n3A_2789 : vector<16xi32> to vector<16x1xi32>
      %gather3A_2791 = vector.shape_cast %broadcast_in_dim3A_2790 : vector<16x1xi32> to vector<16xi32>
      %gather3A_2792 = tpu.dynamic_gather %add3A_2779[%gather3A_2791] in [0] : vector<16xf32>, vector<16xi32> -> vector<16xf32>
      %add3A_2793 = arith.addf %add3A_2779, %gather3A_2792 : vector<16xf32>
      %mul3A_2794 = arith.constant 4.8828125E-4 : f32
      %mul3A_2795 = vector.broadcast %mul3A_2794 : f32 to vector<16xf32>
      %mul3A_2796 = arith.mulf %add3A_2793, %mul3A_2795 : vector<16xf32>
      %iota3A_2797 = tpu.iota {dimensions = array<i32: 0>} : vector<16xi32>
      %xor3A_2798 = arith.constant 1 : i32
      %xor3A_2799 = vector.broadcast %xor3A_2798 : i32 to vector<16xi32>
      %xor3A_2800 = arith.xori %iota3A_2797, %xor3A_2799 : vector<16xi32>
      %lt3A_2801 = arith.constant 0 : i32
      %lt3A_2802 = vector.broadcast %lt3A_2801 : i32 to vector<16xi32>
      %lt3A_2803 = arith.cmpi slt, %xor3A_2800, %lt3A_2802 : vector<16xi32>
      %add3A_2804 = arith.constant 16 : i32
      %add3A_2805 = vector.broadcast %add3A_2804 : i32 to vector<16xi32>
      %add3A_2806 = arith.addi %xor3A_2800, %add3A_2805 : vector<16xi32>
      %select_n3A_2807 = arith.select %lt3A_2803, %add3A_2806, %xor3A_2800 : vector<16xi1>, vector<16xi32>
      %broadcast_in_dim3A_2808 = vector.shape_cast %select_n3A_2807 : vector<16xi32> to vector<16x1xi32>
      %gather3A_2809 = vector.shape_cast %broadcast_in_dim3A_2808 : vector<16x1xi32> to vector<16xi32>
      %gather3A_2810 = tpu.dynamic_gather %parallel_loop3A_1616#15[%gather3A_2809] in [0] : vector<16xf32>, vector<16xi32> -> vector<16xf32>
      %add3A_2811 = arith.addf %parallel_loop3A_1616#15, %gather3A_2810 : vector<16xf32>
      %xor3A_2812 = arith.constant 2 : i32
      %xor3A_2813 = vector.broadcast %xor3A_2812 : i32 to vector<16xi32>
      %xor3A_2814 = arith.xori %iota3A_2797, %xor3A_2813 : vector<16xi32>
      %lt3A_2815 = arith.constant 0 : i32
      %lt3A_2816 = vector.broadcast %lt3A_2815 : i32 to vector<16xi32>
      %lt3A_2817 = arith.cmpi slt, %xor3A_2814, %lt3A_2816 : vector<16xi32>
      %add3A_2818 = arith.constant 16 : i32
      %add3A_2819 = vector.broadcast %add3A_2818 : i32 to vector<16xi32>
      %add3A_2820 = arith.addi %xor3A_2814, %add3A_2819 : vector<16xi32>
      %select_n3A_2821 = arith.select %lt3A_2817, %add3A_2820, %xor3A_2814 : vector<16xi1>, vector<16xi32>
      %broadcast_in_dim3A_2822 = vector.shape_cast %select_n3A_2821 : vector<16xi32> to vector<16x1xi32>
      %gather3A_2823 = vector.shape_cast %broadcast_in_dim3A_2822 : vector<16x1xi32> to vector<16xi32>
      %gather3A_2824 = tpu.dynamic_gather %add3A_2811[%gather3A_2823] in [0] : vector<16xf32>, vector<16xi32> -> vector<16xf32>
      %add3A_2825 = arith.addf %add3A_2811, %gather3A_2824 : vector<16xf32>
      %xor3A_2826 = arith.constant 4 : i32
      %xor3A_2827 = vector.broadcast %xor3A_2826 : i32 to vector<16xi32>
      %xor3A_2828 = arith.xori %iota3A_2797, %xor3A_2827 : vector<16xi32>
      %lt3A_2829 = arith.constant 0 : i32
      %lt3A_2830 = vector.broadcast %lt3A_2829 : i32 to vector<16xi32>
      %lt3A_2831 = arith.cmpi slt, %xor3A_2828, %lt3A_2830 : vector<16xi32>
      %add3A_2832 = arith.constant 16 : i32
      %add3A_2833 = vector.broadcast %add3A_2832 : i32 to vector<16xi32>
      %add3A_2834 = arith.addi %xor3A_2828, %add3A_2833 : vector<16xi32>
      %select_n3A_2835 = arith.select %lt3A_2831, %add3A_2834, %xor3A_2828 : vector<16xi1>, vector<16xi32>
      %broadcast_in_dim3A_2836 = vector.shape_cast %select_n3A_2835 : vector<16xi32> to vector<16x1xi32>
      %gather3A_2837 = vector.shape_cast %broadcast_in_dim3A_2836 : vector<16x1xi32> to vector<16xi32>
      %gather3A_2838 = tpu.dynamic_gather %add3A_2825[%gather3A_2837] in [0] : vector<16xf32>, vector<16xi32> -> vector<16xf32>
      %add3A_2839 = arith.addf %add3A_2825, %gather3A_2838 : vector<16xf32>
      %xor3A_2840 = arith.constant 8 : i32
      %xor3A_2841 = vector.broadcast %xor3A_2840 : i32 to vector<16xi32>
      %xor3A_2842 = arith.xori %iota3A_2797, %xor3A_2841 : vector<16xi32>
      %lt3A_2843 = arith.constant 0 : i32
      %lt3A_2844 = vector.broadcast %lt3A_2843 : i32 to vector<16xi32>
      %lt3A_2845 = arith.cmpi slt, %xor3A_2842, %lt3A_2844 : vector<16xi32>
      %add3A_2846 = arith.constant 16 : i32
      %add3A_2847 = vector.broadcast %add3A_2846 : i32 to vector<16xi32>
      %add3A_2848 = arith.addi %xor3A_2842, %add3A_2847 : vector<16xi32>
      %select_n3A_2849 = arith.select %lt3A_2845, %add3A_2848, %xor3A_2842 : vector<16xi1>, vector<16xi32>
      %broadcast_in_dim3A_2850 = vector.shape_cast %select_n3A_2849 : vector<16xi32> to vector<16x1xi32>
      %gather3A_2851 = vector.shape_cast %broadcast_in_dim3A_2850 : vector<16x1xi32> to vector<16xi32>
      %gather3A_2852 = tpu.dynamic_gather %add3A_2839[%gather3A_2851] in [0] : vector<16xf32>, vector<16xi32> -> vector<16xf32>
      %add3A_2853 = arith.addf %add3A_2839, %gather3A_2852 : vector<16xf32>
      %mul3A_2854 = arith.constant 4.8828125E-4 : f32
      %mul3A_2855 = vector.broadcast %mul3A_2854 : f32 to vector<16xf32>
      %mul3A_2856 = arith.mulf %add3A_2853, %mul3A_2855 : vector<16xf32>
      %mul3A_2857 = arith.mulf %mul3A_2796, %mul3A_2796 : vector<16xf32>
      %sub3A_2858 = arith.subf %mul3A_2856, %mul3A_2857 : vector<16xf32>
      %add3A_2859 = arith.constant 9.99999997E-7 : f32
      %add3A_2860 = vector.broadcast %add3A_2859 : f32 to vector<16xf32>
      %add3A_2861 = arith.addf %sub3A_2858, %add3A_2860 : vector<16xf32>
      %bitcast_convert_type3A_2862 = tpu.bitcast %add3A_2861 : vector<16xf32> -> vector<16xi32>
      %broadcast_in_dim3A_2863 = arith.constant 1597463007 : i32
      %broadcast_in_dim3A_2864 = vector.broadcast %broadcast_in_dim3A_2863 : i32 to vector<16xi32>
      %shift_right_arithmetic3A_2865 = arith.constant 1 : i32
      %shift_right_arithmetic3A_2866 = vector.broadcast %shift_right_arithmetic3A_2865 : i32 to vector<16xi32>
      %shift_right_arithmetic3A_2867 = arith.shrsi %bitcast_convert_type3A_2862, %shift_right_arithmetic3A_2866 : vector<16xi32>
      %sub3A_2868 = arith.subi %broadcast_in_dim3A_2864, %shift_right_arithmetic3A_2867 : vector<16xi32>
      %bitcast_convert_type3A_2869 = tpu.bitcast %sub3A_2868 : vector<16xi32> -> vector<16xf32>
      %mul3A_2870 = arith.constant 5.000000e-01 : f32
      %mul3A_2871 = vector.broadcast %mul3A_2870 : f32 to vector<16xf32>
      %mul3A_2872 = arith.mulf %mul3A_2871, %add3A_2861 : vector<16xf32>
      %mul3A_2873 = arith.mulf %mul3A_2872, %bitcast_convert_type3A_2869 : vector<16xf32>
      %mul3A_2874 = arith.mulf %mul3A_2873, %bitcast_convert_type3A_2869 : vector<16xf32>
      %sub3A_2875 = arith.constant 1.500000e+00 : f32
      %sub3A_2876 = vector.broadcast %sub3A_2875 : f32 to vector<16xf32>
      %sub3A_2877 = arith.subf %sub3A_2876, %mul3A_2874 : vector<16xf32>
      %mul3A_2878 = arith.mulf %bitcast_convert_type3A_2869, %sub3A_2877 : vector<16xf32>
      %mul3A_2879 = arith.constant 5.000000e-01 : f32
      %mul3A_2880 = vector.broadcast %mul3A_2879 : f32 to vector<16xf32>
      %mul3A_2881 = arith.mulf %mul3A_2880, %add3A_2861 : vector<16xf32>
      %mul3A_2882 = arith.mulf %mul3A_2881, %mul3A_2878 : vector<16xf32>
      %mul3A_2883 = arith.mulf %mul3A_2882, %mul3A_2878 : vector<16xf32>
      %sub3A_2884 = arith.constant 1.500000e+00 : f32
      %sub3A_2885 = vector.broadcast %sub3A_2884 : f32 to vector<16xf32>
      %sub3A_2886 = arith.subf %sub3A_2885, %mul3A_2883 : vector<16xf32>
      %mul3A_2887 = arith.mulf %mul3A_2878, %sub3A_2886 : vector<16xf32>
      %mul3A_2888 = arith.constant 5.000000e-01 : f32
      %mul3A_2889 = vector.broadcast %mul3A_2888 : f32 to vector<16xf32>
      %mul3A_2890 = arith.mulf %mul3A_2889, %add3A_2861 : vector<16xf32>
      %mul3A_2891 = arith.mulf %mul3A_2890, %mul3A_2887 : vector<16xf32>
      %mul3A_2892 = arith.mulf %mul3A_2891, %mul3A_2887 : vector<16xf32>
      %sub3A_2893 = arith.constant 1.500000e+00 : f32
      %sub3A_2894 = vector.broadcast %sub3A_2893 : f32 to vector<16xf32>
      %sub3A_2895 = arith.subf %sub3A_2894, %mul3A_2892 : vector<16xf32>
      %mul3A_2896 = arith.mulf %mul3A_2887, %sub3A_2895 : vector<16xf32>
      %parallel_loop3A_2897 = arith.constant 0 : i32
      %parallel_loop3A_2898 = arith.constant 128 : i32
      %parallel_loop3A_2899 = arith.constant 1 : i32
      scf.for %parallel_loop3A_2968 = %parallel_loop3A_2897 to %parallel_loop3A_2898 step %parallel_loop3A_2899  : i32 {
        %parallel_loop3A_2969 = arith.constant 16 : i32
        %parallel_loop3A_2970 = arith.muli %parallel_loop3A_2968, %parallel_loop3A_2969 : i32
        %parallel_loop3A_2971 = arith.index_cast %parallel_loop3A_2970 : i32 to index
        %parallel_loop3A_2972 = tpu.vector_load %arg16[%parallel_loop3A_2971] {strides = array<i32>} : memref<2048xf32, #tpu.memory_space<vmem>>, vector<16xf32>,
        %parallel_loop3A_2973 = vector.shape_cast %parallel_loop3A_2972 : vector<16xf32> to vector<16xf32>
        %parallel_loop3A_2974 = arith.index_cast %parallel_loop3A_2970 : i32 to index
        %parallel_loop3A_2975 = tpu.vector_load %arg17[%parallel_loop3A_2974] {strides = array<i32>} : memref<2048xf32, #tpu.memory_space<vmem>>, vector<16xf32>,
        %parallel_loop3A_2976 = vector.shape_cast %parallel_loop3A_2975 : vector<16xf32> to vector<16xf32>
        %parallel_loop3A_2977 = arith.constant 0 : i32
        %parallel_loop3A_2978 = arith.index_cast %parallel_loop3A_2977 : i32 to index
        %parallel_loop3A_2979 = arith.index_cast %parallel_loop3A_2970 : i32 to index
        %parallel_loop3A_2980 = tpu.vector_load %arg15[%parallel_loop3A_2978, %parallel_loop3A_2979] {strides = array<i32>} : memref<8x2048xf32, #tpu.memory_space<vmem>>, vector<1x16xf32>,
        %parallel_loop3A_2981 = vector.shape_cast %parallel_loop3A_2980 : vector<1x16xf32> to vector<16xf32>
        %parallel_loop3A_2982 = arith.subf %parallel_loop3A_2981, %mul3A_1676 : vector<16xf32>
        %parallel_loop3A_2983 = arith.mulf %parallel_loop3A_2982, %mul3A_1776 : vector<16xf32>
        %parallel_loop3A_2984 = arith.mulf %parallel_loop3A_2983, %parallel_loop3A_2973 : vector<16xf32>
        %parallel_loop3A_2985 = arith.addf %parallel_loop3A_2984, %parallel_loop3A_2976 : vector<16xf32>
        %parallel_loop3A_2986 = arith.constant 0 : i32
        %parallel_loop3A_2987 = arith.index_cast %parallel_loop3A_2986 : i32 to index
        %parallel_loop3A_2988 = arith.index_cast %parallel_loop3A_2970 : i32 to index
        %parallel_loop3A_2989 = tpu.vector_load %arg14[%parallel_loop3A_2987, %parallel_loop3A_2988] {strides = array<i32>} : memref<8x2048xf32, #tpu.memory_space<vmem>>, vector<1x16xf32>,
        %parallel_loop3A_2990 = vector.shape_cast %parallel_loop3A_2989 : vector<1x16xf32> to vector<16xf32>
        %parallel_loop3A_2991 = vector.shape_cast %parallel_loop3A_2985 : vector<16xf32> to vector<1x16xf32>
        tpu.vector_store %arg14[%parallel_loop3A_2987, %parallel_loop3A_2988], %parallel_loop3A_2991 {strides = array<i32>} : memref<8x2048xf32, #tpu.memory_space<vmem>>, vector<1x16xf32>,
        %parallel_loop3A_2992 = arith.constant 1 : i32
        %parallel_loop3A_2993 = arith.index_cast %parallel_loop3A_2992 : i32 to index
        %parallel_loop3A_2994 = arith.index_cast %parallel_loop3A_2970 : i32 to index
        %parallel_loop3A_2995 = tpu.vector_load %arg15[%parallel_loop3A_2993, %parallel_loop3A_2994] {strides = array<i32>} : memref<8x2048xf32, #tpu.memory_space<vmem>>, vector<1x16xf32>,
        %parallel_loop3A_2996 = vector.shape_cast %parallel_loop3A_2995 : vector<1x16xf32> to vector<16xf32>
        %parallel_loop3A_2997 = arith.subf %parallel_loop3A_2996, %mul3A_1836 : vector<16xf32>
        %parallel_loop3A_2998 = arith.mulf %parallel_loop3A_2997, %mul3A_1936 : vector<16xf32>
        %parallel_loop3A_2999 = arith.mulf %parallel_loop3A_2998, %parallel_loop3A_2973 : vector<16xf32>
        %parallel_loop3A_3000 = arith.addf %parallel_loop3A_2999, %parallel_loop3A_2976 : vector<16xf32>
        %parallel_loop3A_3001 = arith.constant 2 : i32
        %parallel_loop3A_3002 = arith.index_cast %parallel_loop3A_3001 : i32 to index
        %parallel_loop3A_3003 = arith.index_cast %parallel_loop3A_2970 : i32 to index
        %parallel_loop3A_3004 = tpu.vector_load %arg14[%parallel_loop3A_3002, %parallel_loop3A_3003] {strides = array<i32>} : memref<8x2048xf32, #tpu.memory_space<vmem>>, vector<1x16xf32>,
        %parallel_loop3A_3005 = vector.shape_cast %parallel_loop3A_3004 : vector<1x16xf32> to vector<16xf32>
        %parallel_loop3A_3006 = vector.shape_cast %parallel_loop3A_3000 : vector<16xf32> to vector<1x16xf32>
        tpu.vector_store %arg14[%parallel_loop3A_3002, %parallel_loop3A_3003], %parallel_loop3A_3006 {strides = array<i32>} : memref<8x2048xf32, #tpu.memory_space<vmem>>, vector<1x16xf32>,
        %parallel_loop3A_3007 = arith.constant 2 : i32
        %parallel_loop3A_3008 = arith.index_cast %parallel_loop3A_3007 : i32 to index
        %parallel_loop3A_3009 = arith.index_cast %parallel_loop3A_2970 : i32 to index
        %parallel_loop3A_3010 = tpu.vector_load %arg15[%parallel_loop3A_3008, %parallel_loop3A_3009] {strides = array<i32>} : memref<8x2048xf32, #tpu.memory_space<vmem>>, vector<1x16xf32>,
        %parallel_loop3A_3011 = vector.shape_cast %parallel_loop3A_3010 : vector<1x16xf32> to vector<16xf32>
        %parallel_loop3A_3012 = arith.subf %parallel_loop3A_3011, %mul3A_1996 : vector<16xf32>
        %parallel_loop3A_3013 = arith.mulf %parallel_loop3A_3012, %mul3A_2096 : vector<16xf32>
        %parallel_loop3A_3014 = arith.mulf %parallel_loop3A_3013, %parallel_loop3A_2973 : vector<16xf32>
        %parallel_loop3A_3015 = arith.addf %parallel_loop3A_3014, %parallel_loop3A_2976 : vector<16xf32>
        %parallel_loop3A_3016 = arith.constant 4 : i32
        %parallel_loop3A_3017 = arith.index_cast %parallel_loop3A_3016 : i32 to index
        %parallel_loop3A_3018 = arith.index_cast %parallel_loop3A_2970 : i32 to index
        %parallel_loop3A_3019 = tpu.vector_load %arg14[%parallel_loop3A_3017, %parallel_loop3A_3018] {strides = array<i32>} : memref<8x2048xf32, #tpu.memory_space<vmem>>, vector<1x16xf32>,
        %parallel_loop3A_3020 = vector.shape_cast %parallel_loop3A_3019 : vector<1x16xf32> to vector<16xf32>
        %parallel_loop3A_3021 = vector.shape_cast %parallel_loop3A_3015 : vector<16xf32> to vector<1x16xf32>
        tpu.vector_store %arg14[%parallel_loop3A_3017, %parallel_loop3A_3018], %parallel_loop3A_3021 {strides = array<i32>} : memref<8x2048xf32, #tpu.memory_space<vmem>>, vector<1x16xf32>,
        %parallel_loop3A_3022 = arith.constant 3 : i32
        %parallel_loop3A_3023 = arith.index_cast %parallel_loop3A_3022 : i32 to index
        %parallel_loop3A_3024 = arith.index_cast %parallel_loop3A_2970 : i32 to index
        %parallel_loop3A_3025 = tpu.vector_load %arg15[%parallel_loop3A_3023, %parallel_loop3A_3024] {strides = array<i32>} : memref<8x2048xf32, #tpu.memory_space<vmem>>, vector<1x16xf32>,
        %parallel_loop3A_3026 = vector.shape_cast %parallel_loop3A_3025 : vector<1x16xf32> to vector<16xf32>
        %parallel_loop3A_3027 = arith.subf %parallel_loop3A_3026, %mul3A_2156 : vector<16xf32>
        %parallel_loop3A_3028 = arith.mulf %parallel_loop3A_3027, %mul3A_2256 : vector<16xf32>
        %parallel_loop3A_3029 = arith.mulf %parallel_loop3A_3028, %parallel_loop3A_2973 : vector<16xf32>
        %parallel_loop3A_3030 = arith.addf %parallel_loop3A_3029, %parallel_loop3A_2976 : vector<16xf32>
        %parallel_loop3A_3031 = arith.constant 6 : i32
        %parallel_loop3A_3032 = arith.index_cast %parallel_loop3A_3031 : i32 to index
        %parallel_loop3A_3033 = arith.index_cast %parallel_loop3A_2970 : i32 to index
        %parallel_loop3A_3034 = tpu.vector_load %arg14[%parallel_loop3A_3032, %parallel_loop3A_3033] {strides = array<i32>} : memref<8x2048xf32, #tpu.memory_space<vmem>>, vector<1x16xf32>,
        %parallel_loop3A_3035 = vector.shape_cast %parallel_loop3A_3034 : vector<1x16xf32> to vector<16xf32>
        %parallel_loop3A_3036 = vector.shape_cast %parallel_loop3A_3030 : vector<16xf32> to vector<1x16xf32>
        tpu.vector_store %arg14[%parallel_loop3A_3032, %parallel_loop3A_3033], %parallel_loop3A_3036 {strides = array<i32>} : memref<8x2048xf32, #tpu.memory_space<vmem>>, vector<1x16xf32>,
        %parallel_loop3A_3037 = arith.constant 4 : i32
        %parallel_loop3A_3038 = arith.index_cast %parallel_loop3A_3037 : i32 to index
        %parallel_loop3A_3039 = arith.index_cast %parallel_loop3A_2970 : i32 to index
        %parallel_loop3A_3040 = tpu.vector_load %arg15[%parallel_loop3A_3038, %parallel_loop3A_3039] {strides = array<i32>} : memref<8x2048xf32, #tpu.memory_space<vmem>>, vector<1x16xf32>,
        %parallel_loop3A_3041 = vector.shape_cast %parallel_loop3A_3040 : vector<1x16xf32> to vector<16xf32>
        %parallel_loop3A_3042 = arith.subf %parallel_loop3A_3041, %mul3A_2316 : vector<16xf32>
        %parallel_loop3A_3043 = arith.mulf %parallel_loop3A_3042, %mul3A_2416 : vector<16xf32>
        %parallel_loop3A_3044 = arith.mulf %parallel_loop3A_3043, %parallel_loop3A_2973 : vector<16xf32>
        %parallel_loop3A_3045 = arith.addf %parallel_loop3A_3044, %parallel_loop3A_2976 : vector<16xf32>
        %parallel_loop3A_3046 = arith.constant 1 : i32
        %parallel_loop3A_3047 = arith.index_cast %parallel_loop3A_3046 : i32 to index
        %parallel_loop3A_3048 = arith.index_cast %parallel_loop3A_2970 : i32 to index
        %parallel_loop3A_3049 = tpu.vector_load %arg14[%parallel_loop3A_3047, %parallel_loop3A_3048] {strides = array<i32>} : memref<8x2048xf32, #tpu.memory_space<vmem>>, vector<1x16xf32>,
        %parallel_loop3A_3050 = vector.shape_cast %parallel_loop3A_3049 : vector<1x16xf32> to vector<16xf32>
        %parallel_loop3A_3051 = vector.shape_cast %parallel_loop3A_3045 : vector<16xf32> to vector<1x16xf32>
        tpu.vector_store %arg14[%parallel_loop3A_3047, %parallel_loop3A_3048], %parallel_loop3A_3051 {strides = array<i32>} : memref<8x2048xf32, #tpu.memory_space<vmem>>, vector<1x16xf32>,
        %parallel_loop3A_3052 = arith.constant 5 : i32
        %parallel_loop3A_3053 = arith.index_cast %parallel_loop3A_3052 : i32 to index
        %parallel_loop3A_3054 = arith.index_cast %parallel_loop3A_2970 : i32 to index
        %parallel_loop3A_3055 = tpu.vector_load %arg15[%parallel_loop3A_3053, %parallel_loop3A_3054] {strides = array<i32>} : memref<8x2048xf32, #tpu.memory_space<vmem>>, vector<1x16xf32>,
        %parallel_loop3A_3056 = vector.shape_cast %parallel_loop3A_3055 : vector<1x16xf32> to vector<16xf32>
        %parallel_loop3A_3057 = arith.subf %parallel_loop3A_3056, %mul3A_2476 : vector<16xf32>
        %parallel_loop3A_3058 = arith.mulf %parallel_loop3A_3057, %mul3A_2576 : vector<16xf32>
        %parallel_loop3A_3059 = arith.mulf %parallel_loop3A_3058, %parallel_loop3A_2973 : vector<16xf32>
        %parallel_loop3A_3060 = arith.addf %parallel_loop3A_3059, %parallel_loop3A_2976 : vector<16xf32>
        %parallel_loop3A_3061 = arith.constant 3 : i32
        %parallel_loop3A_3062 = arith.index_cast %parallel_loop3A_3061 : i32 to index
        %parallel_loop3A_3063 = arith.index_cast %parallel_loop3A_2970 : i32 to index
        %parallel_loop3A_3064 = tpu.vector_load %arg14[%parallel_loop3A_3062, %parallel_loop3A_3063] {strides = array<i32>} : memref<8x2048xf32, #tpu.memory_space<vmem>>, vector<1x16xf32>,
        %parallel_loop3A_3065 = vector.shape_cast %parallel_loop3A_3064 : vector<1x16xf32> to vector<16xf32>
        %parallel_loop3A_3066 = vector.shape_cast %parallel_loop3A_3060 : vector<16xf32> to vector<1x16xf32>
        tpu.vector_store %arg14[%parallel_loop3A_3062, %parallel_loop3A_3063], %parallel_loop3A_3066 {strides = array<i32>} : memref<8x2048xf32, #tpu.memory_space<vmem>>, vector<1x16xf32>,
        %parallel_loop3A_3067 = arith.constant 6 : i32
        %parallel_loop3A_3068 = arith.index_cast %parallel_loop3A_3067 : i32 to index
        %parallel_loop3A_3069 = arith.index_cast %parallel_loop3A_2970 : i32 to index
        %parallel_loop3A_3070 = tpu.vector_load %arg15[%parallel_loop3A_3068, %parallel_loop3A_3069] {strides = array<i32>} : memref<8x2048xf32, #tpu.memory_space<vmem>>, vector<1x16xf32>,
        %parallel_loop3A_3071 = vector.shape_cast %parallel_loop3A_3070 : vector<1x16xf32> to vector<16xf32>
        %parallel_loop3A_3072 = arith.subf %parallel_loop3A_3071, %mul3A_2636 : vector<16xf32>
        %parallel_loop3A_3073 = arith.mulf %parallel_loop3A_3072, %mul3A_2736 : vector<16xf32>
        %parallel_loop3A_3074 = arith.mulf %parallel_loop3A_3073, %parallel_loop3A_2973 : vector<16xf32>
        %parallel_loop3A_3075 = arith.addf %parallel_loop3A_3074, %parallel_loop3A_2976 : vector<16xf32>
        %parallel_loop3A_3076 = arith.constant 5 : i32
        %parallel_loop3A_3077 = arith.index_cast %parallel_loop3A_3076 : i32 to index
        %parallel_loop3A_3078 = arith.index_cast %parallel_loop3A_2970 : i32 to index
        %parallel_loop3A_3079 = tpu.vector_load %arg14[%parallel_loop3A_3077, %parallel_loop3A_3078] {strides = array<i32>} : memref<8x2048xf32, #tpu.memory_space<vmem>>, vector<1x16xf32>,
        %parallel_loop3A_3080 = vector.shape_cast %parallel_loop3A_3079 : vector<1x16xf32> to vector<16xf32>
        %parallel_loop3A_3081 = vector.shape_cast %parallel_loop3A_3075 : vector<16xf32> to vector<1x16xf32>
        tpu.vector_store %arg14[%parallel_loop3A_3077, %parallel_loop3A_3078], %parallel_loop3A_3081 {strides = array<i32>} : memref<8x2048xf32, #tpu.memory_space<vmem>>, vector<1x16xf32>,
        %parallel_loop3A_3082 = arith.constant 7 : i32
        %parallel_loop3A_3083 = arith.index_cast %parallel_loop3A_3082 : i32 to index
        %parallel_loop3A_3084 = arith.index_cast %parallel_loop3A_2970 : i32 to index
        %parallel_loop3A_3085 = tpu.vector_load %arg15[%parallel_loop3A_3083, %parallel_loop3A_3084] {strides = array<i32>} : memref<8x2048xf32, #tpu.memory_space<vmem>>, vector<1x16xf32>,
        %parallel_loop3A_3086 = vector.shape_cast %parallel_loop3A_3085 : vector<1x16xf32> to vector<16xf32>
        %parallel_loop3A_3087 = arith.subf %parallel_loop3A_3086, %mul3A_2796 : vector<16xf32>
        %parallel_loop3A_3088 = arith.mulf %parallel_loop3A_3087, %mul3A_2896 : vector<16xf32>
        %parallel_loop3A_3089 = arith.mulf %parallel_loop3A_3088, %parallel_loop3A_2973 : vector<16xf32>
        %parallel_loop3A_3090 = arith.addf %parallel_loop3A_3089, %parallel_loop3A_2976 : vector<16xf32>
        %parallel_loop3A_3091 = arith.constant 7 : i32
        %parallel_loop3A_3092 = arith.index_cast %parallel_loop3A_3091 : i32 to index
        %parallel_loop3A_3093 = arith.index_cast %parallel_loop3A_2970 : i32 to index
        %parallel_loop3A_3094 = tpu.vector_load %arg14[%parallel_loop3A_3092, %parallel_loop3A_3093] {strides = array<i32>} : memref<8x2048xf32, #tpu.memory_space<vmem>>, vector<1x16xf32>,
        %parallel_loop3A_3095 = vector.shape_cast %parallel_loop3A_3094 : vector<1x16xf32> to vector<16xf32>
        %parallel_loop3A_3096 = vector.shape_cast %parallel_loop3A_3090 : vector<16xf32> to vector<1x16xf32>
        tpu.vector_store %arg14[%parallel_loop3A_3092, %parallel_loop3A_3093], %parallel_loop3A_3096 {strides = array<i32>} : memref<8x2048xf32, #tpu.memory_space<vmem>>, vector<1x16xf32>,
      } {sc.loop_unroll_factor = 2 : i64, sc.parallel_access}
      %add3A_2900 = arith.constant 0 : i32
      %add3A_2901 = arith.addi %add3A_2900, %mul3A_4 : i32
      %mul3A_2902 = arith.constant 2 : i32
      %mul3A_2903 = arith.muli %add3A_1543, %mul3A_2902 : i32
      %add3A_2904 = arith.addi %add3A_2901, %mul3A_2903 : i32
      %dma_start3A_2905 = arith.constant 0 : i32
      %dma_start3A_2906 = arith.constant 0 : i32
      %dma_start3A_2907 = tpu.memref_slice %arg14[%dma_start3A_2905, %dma_start3A_2906] : memref<8x2048xf32, #tpu.memory_space<vmem>> -> memref<2x2048xf32, #tpu.memory_space<vmem>>
      %dma_start3A_2908 = arith.constant 0 : i32
      %dma_start3A_2909 = tpu.memref_slice %arg7[%add3A_2904, %dma_start3A_2908] : memref<8192x2048xf32, #tpu.memory_space<hbm>> -> memref<2x2048xf32, #tpu.memory_space<hbm>>
      %dma_start3A_2910 = arith.constant 0 : i32
      %dma_start3A_2911 = tpu.memref_slice %arg7[%add3A_2904, %dma_start3A_2910] : memref<8192x2048xf32, #tpu.memory_space<hbm>> -> memref<2x2048xf32, #tpu.memory_space<hbm>>
      %dma_start3A_2912 = arith.constant 0 : i32
      %dma_start3A_2913 = arith.constant 0 : i32
      %dma_start3A_2914 = tpu.memref_slice %arg14[%dma_start3A_2912, %dma_start3A_2913] : memref<8x2048xf32, #tpu.memory_space<vmem>> -> memref<2x2048xf32, #tpu.memory_space<vmem>>
      tpu.enqueue_dma source(%dma_start3A_2914 : memref<2x2048xf32, #tpu.memory_space<vmem>>) target(%dma_start3A_2911 : memref<2x2048xf32, #tpu.memory_space<hbm>>) target_semaphore(%arg23 : memref<!tpu.dma_semaphore, #tpu.memory_space<semaphore_mem>>)
      %add3A_2915 = arith.constant 2048 : i32
      %add3A_2916 = arith.addi %add3A_2915, %mul3A_4 : i32
      %mul3A_2917 = arith.constant 2 : i32
      %mul3A_2918 = arith.muli %add3A_1543, %mul3A_2917 : i32
      %add3A_2919 = arith.addi %add3A_2916, %mul3A_2918 : i32
      %dma_start3A_2920 = arith.constant 2 : i32
      %dma_start3A_2921 = arith.constant 0 : i32
      %dma_start3A_2922 = tpu.memref_slice %arg14[%dma_start3A_2920, %dma_start3A_2921] : memref<8x2048xf32, #tpu.memory_space<vmem>> -> memref<2x2048xf32, #tpu.memory_space<vmem>>
      %dma_start3A_2923 = arith.constant 0 : i32
      %dma_start3A_2924 = tpu.memref_slice %arg7[%add3A_2919, %dma_start3A_2923] : memref<8192x2048xf32, #tpu.memory_space<hbm>> -> memref<2x2048xf32, #tpu.memory_space<hbm>>
      %dma_start3A_2925 = arith.constant 0 : i32
      %dma_start3A_2926 = tpu.memref_slice %arg7[%add3A_2919, %dma_start3A_2925] : memref<8192x2048xf32, #tpu.memory_space<hbm>> -> memref<2x2048xf32, #tpu.memory_space<hbm>>
      %dma_start3A_2927 = arith.constant 2 : i32
      %dma_start3A_2928 = arith.constant 0 : i32
      %dma_start3A_2929 = tpu.memref_slice %arg14[%dma_start3A_2927, %dma_start3A_2928] : memref<8x2048xf32, #tpu.memory_space<vmem>> -> memref<2x2048xf32, #tpu.memory_space<vmem>>
      tpu.enqueue_dma source(%dma_start3A_2929 : memref<2x2048xf32, #tpu.memory_space<vmem>>) target(%dma_start3A_2926 : memref<2x2048xf32, #tpu.memory_space<hbm>>) target_semaphore(%arg23 : memref<!tpu.dma_semaphore, #tpu.memory_space<semaphore_mem>>)
      %add3A_2930 = arith.constant 4096 : i32
      %add3A_2931 = arith.addi %add3A_2930, %mul3A_4 : i32
      %mul3A_2932 = arith.constant 2 : i32
      %mul3A_2933 = arith.muli %add3A_1543, %mul3A_2932 : i32
      %add3A_2934 = arith.addi %add3A_2931, %mul3A_2933 : i32
      %dma_start3A_2935 = arith.constant 4 : i32
      %dma_start3A_2936 = arith.constant 0 : i32
      %dma_start3A_2937 = tpu.memref_slice %arg14[%dma_start3A_2935, %dma_start3A_2936] : memref<8x2048xf32, #tpu.memory_space<vmem>> -> memref<2x2048xf32, #tpu.memory_space<vmem>>
      %dma_start3A_2938 = arith.constant 0 : i32
      %dma_start3A_2939 = tpu.memref_slice %arg7[%add3A_2934, %dma_start3A_2938] : memref<8192x2048xf32, #tpu.memory_space<hbm>> -> memref<2x2048xf32, #tpu.memory_space<hbm>>
      %dma_start3A_2940 = arith.constant 0 : i32
      %dma_start3A_2941 = tpu.memref_slice %arg7[%add3A_2934, %dma_start3A_2940] : memref<8192x2048xf32, #tpu.memory_space<hbm>> -> memref<2x2048xf32, #tpu.memory_space<hbm>>
      %dma_start3A_2942 = arith.constant 4 : i32
      %dma_start3A_2943 = arith.constant 0 : i32
      %dma_start3A_2944 = tpu.memref_slice %arg14[%dma_start3A_2942, %dma_start3A_2943] : memref<8x2048xf32, #tpu.memory_space<vmem>> -> memref<2x2048xf32, #tpu.memory_space<vmem>>
      tpu.enqueue_dma source(%dma_start3A_2944 : memref<2x2048xf32, #tpu.memory_space<vmem>>) target(%dma_start3A_2941 : memref<2x2048xf32, #tpu.memory_space<hbm>>) target_semaphore(%arg23 : memref<!tpu.dma_semaphore, #tpu.memory_space<semaphore_mem>>)
      %add3A_2945 = arith.constant 6144 : i32
      %add3A_2946 = arith.addi %add3A_2945, %mul3A_4 : i32
      %mul3A_2947 = arith.constant 2 : i32
      %mul3A_2948 = arith.muli %add3A_1543, %mul3A_2947 : i32
      %add3A_2949 = arith.addi %add3A_2946, %mul3A_2948 : i32
      %dma_start3A_2950 = arith.constant 6 : i32
      %dma_start3A_2951 = arith.constant 0 : i32
      %dma_start3A_2952 = tpu.memref_slice %arg14[%dma_start3A_2950, %dma_start3A_2951] : memref<8x2048xf32, #tpu.memory_space<vmem>> -> memref<2x2048xf32, #tpu.memory_space<vmem>>
      %dma_start3A_2953 = arith.constant 0 : i32
      %dma_start3A_2954 = tpu.memref_slice %arg7[%add3A_2949, %dma_start3A_2953] : memref<8192x2048xf32, #tpu.memory_space<hbm>> -> memref<2x2048xf32, #tpu.memory_space<hbm>>
      %dma_start3A_2955 = arith.constant 0 : i32
      %dma_start3A_2956 = tpu.memref_slice %arg7[%add3A_2949, %dma_start3A_2955] : memref<8192x2048xf32, #tpu.memory_space<hbm>> -> memref<2x2048xf32, #tpu.memory_space<hbm>>
      %dma_start3A_2957 = arith.constant 6 : i32
      %dma_start3A_2958 = arith.constant 0 : i32
      %dma_start3A_2959 = tpu.memref_slice %arg14[%dma_start3A_2957, %dma_start3A_2958] : memref<8x2048xf32, #tpu.memory_space<vmem>> -> memref<2x2048xf32, #tpu.memory_space<vmem>>
      tpu.enqueue_dma source(%dma_start3A_2959 : memref<2x2048xf32, #tpu.memory_space<vmem>>) target(%dma_start3A_2956 : memref<2x2048xf32, #tpu.memory_space<hbm>>) target_semaphore(%arg23 : memref<!tpu.dma_semaphore, #tpu.memory_space<semaphore_mem>>)
      %add3A_2960 = arith.constant 2 : i32
      %add3A_2961 = arith.addi %add3A_1543, %add3A_2960 : i32
      %lt3A_2962 = arith.constant 32 : i32
      %lt3A_2963 = arith.cmpi slt, %add3A_2961, %lt3A_2962 : i32
      %convert_element_type3A_2964 = arith.extui %lt3A_2963 : i1 to i32
      %cond3A_2965 = arith.constant 0 : i32
      %cond3A_2966 = arith.cmpi ne, %convert_element_type3A_2964, %cond3A_2965 : i32
      scf.if %cond3A_2966 {
        %add3A_2968 = arith.constant 2 : i32
        %add3A_2969 = arith.addi %add3A_1543, %add3A_2968 : i32
        %mul3A_2970 = arith.constant 2 : i32
        %mul3A_2971 = arith.muli %add3A_2969, %mul3A_2970 : i32
        %add3A_2972 = arith.addi %mul3A_4, %mul3A_2971 : i32
        %dma_start3A_2973 = arith.constant 0 : i32
        %dma_start3A_2974 = tpu.memref_slice %arg4[%add3A_2972, %dma_start3A_2973] : memref<2048x2048xf32, #tpu.memory_space<hbm>> -> memref<2x2048xf32, #tpu.memory_space<hbm>>
        %dma_start3A_2975 = arith.constant 0 : i32
        %dma_start3A_2976 = tpu.memref_slice %arg4[%add3A_2972, %dma_start3A_2975] : memref<2048x2048xf32, #tpu.memory_space<hbm>> -> memref<2x2048xf32, #tpu.memory_space<hbm>>
        tpu.enqueue_dma source(%dma_start3A_2976 : memref<2x2048xf32, #tpu.memory_space<hbm>>) target(%arg12 : memref<2x2048xf32, #tpu.memory_space<vmem>>) target_semaphore(%arg21 : memref<!tpu.dma_semaphore, #tpu.memory_space<semaphore_mem>>)
        %mul3A_2977 = arith.constant 8 : i32
        %mul3A_2978 = arith.muli %add3A_2969, %mul3A_2977 : i32
        %dma_start3A_2979 = tpu.memref_slice %arg8[%mul3A_2978] : memref<256xi32, #tpu.memory_space<vmem>> -> memref<8xi32, #tpu.memory_space<vmem>>
        %dma_start3A_2980 = arith.constant 0 : i32
        %dma_start3A_2981 = arith.constant 0 : i32
        %dma_start3A_2982 = tpu.memref_slice %arg3[%dma_start3A_2980, %dma_start3A_2981] : memref<32000x2048xf32, #tpu.memory_space<hbm>> -> memref<32000x2048xf32, #tpu.memory_space<hbm>>
        tpu.enqueue_indirect_dma source(%dma_start3A_2982 : memref<32000x2048xf32, #tpu.memory_space<hbm>>) target(%arg10 : memref<8x2048xf32, #tpu.memory_space<vmem>>) offsets(%dma_start3A_2979 : memref<8xi32, #tpu.memory_space<vmem>>) semaphore(%arg19 : memref<!tpu.dma_semaphore, #tpu.memory_space<semaphore_mem>>)
      } else {
      }
      %scan3A_2967 = arith.constant 0 : i32
      scf.yield %scan3A_2967 : i32
    }
    %scan3A_31 = arith.constant 16 : i32
    %dma_wait3A = arith.constant 0 : i32
    %dma_wait3A_32 = arith.constant 0 : i32
    %dma_wait3A_33 = tpu.memref_slice %arg13[%dma_wait3A, %dma_wait3A_32] : memref<8x2048xf32, #tpu.memory_space<vmem>> -> memref<2x2048xf32, #tpu.memory_space<vmem>>
    %dma_wait3A_34 = arith.constant 0 : i32
    %dma_wait3A_35 = arith.constant 0 : i32
    %dma_wait3A_36 = tpu.memref_slice %arg7[%dma_wait3A_34, %dma_wait3A_35] : memref<8192x2048xf32, #tpu.memory_space<hbm>> -> memref<2x2048xf32, #tpu.memory_space<hbm>>
    %dma_wait3A_37 = arith.constant 0 : i32
    %dma_wait3A_38 = arith.constant 0 : i32
    %dma_wait3A_39 = tpu.memref_slice %arg7[%dma_wait3A_37, %dma_wait3A_38] : memref<8192x2048xf32, #tpu.memory_space<hbm>> -> memref<2x2048xf32, #tpu.memory_space<hbm>>
    %dma_wait3A_40 = arith.constant 0 : i32
    %dma_wait3A_41 = arith.constant 0 : i32
    %dma_wait3A_42 = tpu.memref_slice %arg13[%dma_wait3A_40, %dma_wait3A_41] : memref<8x2048xf32, #tpu.memory_space<vmem>> -> memref<2x2048xf32, #tpu.memory_space<vmem>>
    tpu.wait_dma2 semaphore(%arg22 : memref<!tpu.dma_semaphore, #tpu.memory_space<semaphore_mem>>) src(%dma_wait3A_42 : memref<2x2048xf32, #tpu.memory_space<vmem>>) dst(%dma_wait3A_39 : memref<2x2048xf32, #tpu.memory_space<hbm>>)
    %dma_wait3A_43 = arith.constant 2 : i32
    %dma_wait3A_44 = arith.constant 0 : i32
    %dma_wait3A_45 = tpu.memref_slice %arg13[%dma_wait3A_43, %dma_wait3A_44] : memref<8x2048xf32, #tpu.memory_space<vmem>> -> memref<2x2048xf32, #tpu.memory_space<vmem>>
    %dma_wait3A_46 = arith.constant 0 : i32
    %dma_wait3A_47 = arith.constant 0 : i32
    %dma_wait3A_48 = tpu.memref_slice %arg7[%dma_wait3A_46, %dma_wait3A_47] : memref<8192x2048xf32, #tpu.memory_space<hbm>> -> memref<2x2048xf32, #tpu.memory_space<hbm>>
    %dma_wait3A_49 = arith.constant 0 : i32
    %dma_wait3A_50 = arith.constant 0 : i32
    %dma_wait3A_51 = tpu.memref_slice %arg7[%dma_wait3A_49, %dma_wait3A_50] : memref<8192x2048xf32, #tpu.memory_space<hbm>> -> memref<2x2048xf32, #tpu.memory_space<hbm>>
    %dma_wait3A_52 = arith.constant 2 : i32
    %dma_wait3A_53 = arith.constant 0 : i32
    %dma_wait3A_54 = tpu.memref_slice %arg13[%dma_wait3A_52, %dma_wait3A_53] : memref<8x2048xf32, #tpu.memory_space<vmem>> -> memref<2x2048xf32, #tpu.memory_space<vmem>>
    tpu.wait_dma2 semaphore(%arg22 : memref<!tpu.dma_semaphore, #tpu.memory_space<semaphore_mem>>) src(%dma_wait3A_54 : memref<2x2048xf32, #tpu.memory_space<vmem>>) dst(%dma_wait3A_51 : memref<2x2048xf32, #tpu.memory_space<hbm>>)
    %dma_wait3A_55 = arith.constant 4 : i32
    %dma_wait3A_56 = arith.constant 0 : i32
    %dma_wait3A_57 = tpu.memref_slice %arg13[%dma_wait3A_55, %dma_wait3A_56] : memref<8x2048xf32, #tpu.memory_space<vmem>> -> memref<2x2048xf32, #tpu.memory_space<vmem>>
    %dma_wait3A_58 = arith.constant 0 : i32
    %dma_wait3A_59 = arith.constant 0 : i32
    %dma_wait3A_60 = tpu.memref_slice %arg7[%dma_wait3A_58, %dma_wait3A_59] : memref<8192x2048xf32, #tpu.memory_space<hbm>> -> memref<2x2048xf32, #tpu.memory_space<hbm>>
    %dma_wait3A_61 = arith.constant 0 : i32
    %dma_wait3A_62 = arith.constant 0 : i32
    %dma_wait3A_63 = tpu.memref_slice %arg7[%dma_wait3A_61, %dma_wait3A_62] : memref<8192x2048xf32, #tpu.memory_space<hbm>> -> memref<2x2048xf32, #tpu.memory_space<hbm>>
    %dma_wait3A_64 = arith.constant 4 : i32
    %dma_wait3A_65 = arith.constant 0 : i32
    %dma_wait3A_66 = tpu.memref_slice %arg13[%dma_wait3A_64, %dma_wait3A_65] : memref<8x2048xf32, #tpu.memory_space<vmem>> -> memref<2x2048xf32, #tpu.memory_space<vmem>>
    tpu.wait_dma2 semaphore(%arg22 : memref<!tpu.dma_semaphore, #tpu.memory_space<semaphore_mem>>) src(%dma_wait3A_66 : memref<2x2048xf32, #tpu.memory_space<vmem>>) dst(%dma_wait3A_63 : memref<2x2048xf32, #tpu.memory_space<hbm>>)
    %dma_wait3A_67 = arith.constant 6 : i32
    %dma_wait3A_68 = arith.constant 0 : i32
    %dma_wait3A_69 = tpu.memref_slice %arg13[%dma_wait3A_67, %dma_wait3A_68] : memref<8x2048xf32, #tpu.memory_space<vmem>> -> memref<2x2048xf32, #tpu.memory_space<vmem>>
    %dma_wait3A_70 = arith.constant 0 : i32
    %dma_wait3A_71 = arith.constant 0 : i32
    %dma_wait3A_72 = tpu.memref_slice %arg7[%dma_wait3A_70, %dma_wait3A_71] : memref<8192x2048xf32, #tpu.memory_space<hbm>> -> memref<2x2048xf32, #tpu.memory_space<hbm>>
    %dma_wait3A_73 = arith.constant 0 : i32
    %dma_wait3A_74 = arith.constant 0 : i32
    %dma_wait3A_75 = tpu.memref_slice %arg7[%dma_wait3A_73, %dma_wait3A_74] : memref<8192x2048xf32, #tpu.memory_space<hbm>> -> memref<2x2048xf32, #tpu.memory_space<hbm>>
    %dma_wait3A_76 = arith.constant 6 : i32
    %dma_wait3A_77 = arith.constant 0 : i32
    %dma_wait3A_78 = tpu.memref_slice %arg13[%dma_wait3A_76, %dma_wait3A_77] : memref<8x2048xf32, #tpu.memory_space<vmem>> -> memref<2x2048xf32, #tpu.memory_space<vmem>>
    tpu.wait_dma2 semaphore(%arg22 : memref<!tpu.dma_semaphore, #tpu.memory_space<semaphore_mem>>) src(%dma_wait3A_78 : memref<2x2048xf32, #tpu.memory_space<vmem>>) dst(%dma_wait3A_75 : memref<2x2048xf32, #tpu.memory_space<hbm>>)
    %dma_wait3A_79 = arith.constant 0 : i32
    %dma_wait3A_80 = arith.constant 0 : i32
    %dma_wait3A_81 = tpu.memref_slice %arg14[%dma_wait3A_79, %dma_wait3A_80] : memref<8x2048xf32, #tpu.memory_space<vmem>> -> memref<2x2048xf32, #tpu.memory_space<vmem>>
    %dma_wait3A_82 = arith.constant 0 : i32
    %dma_wait3A_83 = arith.constant 0 : i32
    %dma_wait3A_84 = tpu.memref_slice %arg7[%dma_wait3A_82, %dma_wait3A_83] : memref<8192x2048xf32, #tpu.memory_space<hbm>> -> memref<2x2048xf32, #tpu.memory_space<hbm>>
    %dma_wait3A_85 = arith.constant 0 : i32
    %dma_wait3A_86 = arith.constant 0 : i32
    %dma_wait3A_87 = tpu.memref_slice %arg7[%dma_wait3A_85, %dma_wait3A_86] : memref<8192x2048xf32, #tpu.memory_space<hbm>> -> memref<2x2048xf32, #tpu.memory_space<hbm>>
    %dma_wait3A_88 = arith.constant 0 : i32
    %dma_wait3A_89 = arith.constant 0 : i32
    %dma_wait3A_90 = tpu.memref_slice %arg14[%dma_wait3A_88, %dma_wait3A_89] : memref<8x2048xf32, #tpu.memory_space<vmem>> -> memref<2x2048xf32, #tpu.memory_space<vmem>>
    tpu.wait_dma2 semaphore(%arg23 : memref<!tpu.dma_semaphore, #tpu.memory_space<semaphore_mem>>) src(%dma_wait3A_90 : memref<2x2048xf32, #tpu.memory_space<vmem>>) dst(%dma_wait3A_87 : memref<2x2048xf32, #tpu.memory_space<hbm>>)
    %dma_wait3A_91 = arith.constant 2 : i32
    %dma_wait3A_92 = arith.constant 0 : i32
    %dma_wait3A_93 = tpu.memref_slice %arg14[%dma_wait3A_91, %dma_wait3A_92] : memref<8x2048xf32, #tpu.memory_space<vmem>> -> memref<2x2048xf32, #tpu.memory_space<vmem>>
    %dma_wait3A_94 = arith.constant 0 : i32
    %dma_wait3A_95 = arith.constant 0 : i32
    %dma_wait3A_96 = tpu.memref_slice %arg7[%dma_wait3A_94, %dma_wait3A_95] : memref<8192x2048xf32, #tpu.memory_space<hbm>> -> memref<2x2048xf32, #tpu.memory_space<hbm>>
    %dma_wait3A_97 = arith.constant 0 : i32
    %dma_wait3A_98 = arith.constant 0 : i32
    %dma_wait3A_99 = tpu.memref_slice %arg7[%dma_wait3A_97, %dma_wait3A_98] : memref<8192x2048xf32, #tpu.memory_space<hbm>> -> memref<2x2048xf32, #tpu.memory_space<hbm>>
    %dma_wait3A_100 = arith.constant 2 : i32
    %dma_wait3A_101 = arith.constant 0 : i32
    %dma_wait3A_102 = tpu.memref_slice %arg14[%dma_wait3A_100, %dma_wait3A_101] : memref<8x2048xf32, #tpu.memory_space<vmem>> -> memref<2x2048xf32, #tpu.memory_space<vmem>>
    tpu.wait_dma2 semaphore(%arg23 : memref<!tpu.dma_semaphore, #tpu.memory_space<semaphore_mem>>) src(%dma_wait3A_102 : memref<2x2048xf32, #tpu.memory_space<vmem>>) dst(%dma_wait3A_99 : memref<2x2048xf32, #tpu.memory_space<hbm>>)
    %dma_wait3A_103 = arith.constant 4 : i32
    %dma_wait3A_104 = arith.constant 0 : i32
    %dma_wait3A_105 = tpu.memref_slice %arg14[%dma_wait3A_103, %dma_wait3A_104] : memref<8x2048xf32, #tpu.memory_space<vmem>> -> memref<2x2048xf32, #tpu.memory_space<vmem>>
    %dma_wait3A_106 = arith.constant 0 : i32
    %dma_wait3A_107 = arith.constant 0 : i32
    %dma_wait3A_108 = tpu.memref_slice %arg7[%dma_wait3A_106, %dma_wait3A_107] : memref<8192x2048xf32, #tpu.memory_space<hbm>> -> memref<2x2048xf32, #tpu.memory_space<hbm>>
    %dma_wait3A_109 = arith.constant 0 : i32
    %dma_wait3A_110 = arith.constant 0 : i32
    %dma_wait3A_111 = tpu.memref_slice %arg7[%dma_wait3A_109, %dma_wait3A_110] : memref<8192x2048xf32, #tpu.memory_space<hbm>> -> memref<2x2048xf32, #tpu.memory_space<hbm>>
    %dma_wait3A_112 = arith.constant 4 : i32
    %dma_wait3A_113 = arith.constant 0 : i32
    %dma_wait3A_114 = tpu.memref_slice %arg14[%dma_wait3A_112, %dma_wait3A_113] : memref<8x2048xf32, #tpu.memory_space<vmem>> -> memref<2x2048xf32, #tpu.memory_space<vmem>>
    tpu.wait_dma2 semaphore(%arg23 : memref<!tpu.dma_semaphore, #tpu.memory_space<semaphore_mem>>) src(%dma_wait3A_114 : memref<2x2048xf32, #tpu.memory_space<vmem>>) dst(%dma_wait3A_111 : memref<2x2048xf32, #tpu.memory_space<hbm>>)
    %dma_wait3A_115 = arith.constant 6 : i32
    %dma_wait3A_116 = arith.constant 0 : i32
    %dma_wait3A_117 = tpu.memref_slice %arg14[%dma_wait3A_115, %dma_wait3A_116] : memref<8x2048xf32, #tpu.memory_space<vmem>> -> memref<2x2048xf32, #tpu.memory_space<vmem>>
    %dma_wait3A_118 = arith.constant 0 : i32
    %dma_wait3A_119 = arith.constant 0 : i32
    %dma_wait3A_120 = tpu.memref_slice %arg7[%dma_wait3A_118, %dma_wait3A_119] : memref<8192x2048xf32, #tpu.memory_space<hbm>> -> memref<2x2048xf32, #tpu.memory_space<hbm>>
    %dma_wait3A_121 = arith.constant 0 : i32
    %dma_wait3A_122 = arith.constant 0 : i32
    %dma_wait3A_123 = tpu.memref_slice %arg7[%dma_wait3A_121, %dma_wait3A_122] : memref<8192x2048xf32, #tpu.memory_space<hbm>> -> memref<2x2048xf32, #tpu.memory_space<hbm>>
    %dma_wait3A_124 = arith.constant 6 : i32
    %dma_wait3A_125 = arith.constant 0 : i32
    %dma_wait3A_126 = tpu.memref_slice %arg14[%dma_wait3A_124, %dma_wait3A_125] : memref<8x2048xf32, #tpu.memory_space<vmem>> -> memref<2x2048xf32, #tpu.memory_space<vmem>>
    tpu.wait_dma2 semaphore(%arg23 : memref<!tpu.dma_semaphore, #tpu.memory_space<semaphore_mem>>) src(%dma_wait3A_126 : memref<2x2048xf32, #tpu.memory_space<vmem>>) dst(%dma_wait3A_123 : memref<2x2048xf32, #tpu.memory_space<hbm>>)
    return
  }
}

</mosaic_0001>

<sc_bundles>
// kernel: kernel.3.cloned.1.call-start
scs
__scs_entry_jumppad:
0x0: {  	(pc) =	sbr.rel $0x88, $3  }
0x1: {  	(tag) =	ssettag $0x0;
	lr =	simm.s32 $0x1  }
0x2: {  	[smem:$0x3F9C] =	sst lr;
	_ =	strace $0xD0000000  }
0x3: {  	_ = 	snop  }
0x4: {  	_ = 	snop  }
0x5: {  	_ = 	snop  }
0x6: {  	_ = 	snop  }
0x7: {  	_ = 	snop  }
__scs_overlays_trampoline_lowered:
0x8: {  	[smem:$0x3FAB] =	sst s0  }
0x9: {  	[smem:$0x3FAC] =	sst s1  }
0xa: {  	[smem:$0x3FAD] =	sst s2  }
0xb: {  	[smem:$0x3FAE] =	sst s3  }
0xc: {  	[smem:$0x3FAF] =	sst s4  }
0xd: {  	[smem:$0x3FB0] =	sst s5  }
0xe: {  	[smem:$0x3FB1] =	sst s6  }
0xf: {  	[smem:$0x3FB2] =	sst s7  }
0x10: {  	[smem:$0x3FB3] =	sst s8  }
0x11: {  	[smem:$0x3FB4] =	sst s9;
	s0 =	simm.s32 @!p0 $0x0  }
0x12: {  	s1 =	sld [smem:$0x3F9A];
	s0 =	simm.s32 @p0 $0x1  }
0x13: {  	[smem:$0x3FB5] =	sst s0;
	s0 =	simm.s32 @!p1 $0x0  }
0x14: {  	s2 =	sld [smem:$0x3F99];
	s0 =	simm.s32 @p1 $0x1  }
0x15: {  	[smem:$0x3FB6] =	sst s0;
	s0 =	simm.s32 @!p2 $0x0  }
0x16: {  	s3 =	sld [smem:$0x3FDB];
	s0 =	simm.s32 @p2 $0x1  }
0x17: {  	s4 =	simm.s32 $0x1BF5;
	[smem:$0x3FB8] =	sst s0  }
0x18: {  	s0 =	sld [smem:$0x3F9B];
	_ =	swait.ge [sflag:s4], $0x0  }
0x19: {  	s7 =	sld [smem:$0x3F9C]  }
0x1a: {  	s8 =	sadd.s32 $0xFFFFE003, lr  }
0x1b: {  	s9 =	sadd.s32 $0xFFFFFEF7, lr;
	s5 =	simm.s32 $0xFFFFFFFF;
	p2 =	slt.u32 s8, $0xFFFFF086  }
0x1c: {  	p1 =	slt.u32 s9, $0xF7A;
	s5 =	simm.s32 @!p2 $0x0  }
0x1d: {  	s5 =	simm.s32 @p1 $0x1;
	p0 =	seq.s32 s7, s2  }
0x1e: {  	s7 =	smul.u32 @!p0 $0xF7A, s2;
	p2 =	seq.s32 @!p0 s5, $0x0  }
0x1f: {  	s9 =	smul.u32 $0xF7A, s1;
	s8 =	simm.s32 @!p0 $0x1BF5;
	p2 =	por !p2, p0  }
0x20: {  	[sflag:s8] =	ssyncset.s32 @!p0 $0xFFFFF086;
	s6 =	sadd.s32 @!p0 s3, s7;
	s7 =	simm.s32 @!p0 $0x108  }
0x21: {  	s3 =	sadd.s32 s3, s9;
	s6 =	sadd.s32 @!p0 $0x88, s6;
	s7 =	simm.s32 @p2 $0x1082  }
0x22: {  	[simem:s7], [sflag:s8] =	dma.local @!p0 [hbm:s6], $0xF7A  }
0x23: {  	s9 =	sor.u32 $0xD0000000, s2;
	s6 =	simm.s32 $0x108;
	_ =	swait.ge @!p0 [sflag:s8], $0x0  }
0x24: {  	s3 =	sadd.s32 $0x88, s3;
	s6 =	simm.s32 @!p1 $0x1082;
	[sflag:s4] =	ssyncset.s32 $0xFFFFF086  }
0x25: {  	[simem:s6], [sflag:s4] =	dma.local [hbm:s3], $0xF7A  }
0x26: {  	[smem:$0x3F9C] =	sst s1;
	(tag) =	ssettag s2;
	_ =	strace s9  }
0x27: {  	s1 =	sld [smem:$0x3FAC]  }
0x28: {  	s2 =	sld [smem:$0x3FAD]  }
0x29: {  	s4 =	sld [smem:$0x3FAF]  }
0x2a: {  	p0 =	seq.s32 s5, $0x0;
	s5 =	sld [smem:$0x3FB0]  }
0x2b: {  	s6 =	sld [smem:$0x3FB1]  }
0x2c: {  	s7 =	sld [smem:$0x3FB2]  }
0x2d: {  	s3 =	simm.s32 $0x108;
	s8 =	sld [smem:$0x3FB3]  }
0x2e: {  	s3 =	simm.s32 @!p0 $0x1082;
	s9 =	sld [smem:$0x3FB4]  }
0x2f: {  	lr =	sadd.s32 s0, s3;
	s0 =	sld [smem:$0x3FAB]  }
0x30: {  	s3 =	sld [smem:$0x3FAE]  }
0x31: {  	[smem:$0x3FB7] =	sst s10  }
0x32: {  	s10 =	sld [smem:$0x3FB5];
	_ =	sdelay $0x3  }
0x33: {  	p0 =	seq.s32 s10, $0x1;
	s10 =	sld [smem:$0x3FB7];
	_ =	sdelay $0x3  }
0x34: {  	[smem:$0x3FB7] =	sst s10  }
0x35: {  	s10 =	sld [smem:$0x3FB6];
	_ =	sdelay $0x3  }
0x36: {  	p1 =	seq.s32 s10, $0x1;
	s10 =	sld [smem:$0x3FB7];
	_ =	sdelay $0x3  }
0x37: {  	[smem:$0x3FB7] =	sst s10  }
0x38: {  	s10 =	sld [smem:$0x3FB8]  }
0x39: {  	_ = 	snop;
	(pc) =	sbr.ind lr, $3  }
0x3a: {  	_ = 	snop  }
0x3b: {  	_ = 	snop  }
0x3c: {  	p2 =	seq.s32 s10, $0x1;
	s10 =	sld [smem:$0x3FB7]  }
0x3d: {  	_ =	shalt  }
0x3e: {  	_ =	shalt  }
0x3f: {  	_ =	shalt  }
0x40: {  	_ =	shalt  }
0x41: {  	_ =	shalt  }
0x42: {  	_ =	shalt  }
0x43: {  	_ =	shalt  }
0x44: {  	_ =	shalt  }
0x45: {  	_ =	shalt  }
0x46: {  	_ =	shalt  }
0x47: {  	_ =	shalt  }
0x48: {  	_ =	shalt  }
0x49: {  	_ =	shalt  }
0x4a: {  	_ =	shalt  }
0x4b: {  	_ =	shalt  }
0x4c: {  	_ =	shalt  }
0x4d: {  	_ =	shalt  }
0x4e: {  	_ =	shalt  }
0x4f: {  	_ =	shalt  }
0x50: {  	_ =	shalt  }
0x51: {  	_ =	shalt  }
0x52: {  	_ =	shalt  }
0x53: {  	_ =	shalt  }
0x54: {  	_ =	shalt  }
0x55: {  	_ =	shalt  }
0x56: {  	_ =	shalt  }
0x57: {  	_ =	shalt  }
0x58: {  	_ =	shalt  }
0x59: {  	_ =	shalt  }
0x5a: {  	_ =	shalt  }
0x5b: {  	_ =	shalt  }
0x5c: {  	_ =	shalt  }
0x5d: {  	_ =	shalt  }
0x5e: {  	_ =	shalt  }
0x5f: {  	_ =	shalt  }
0x60: {  	_ =	shalt  }
0x61: {  	_ =	shalt  }
0x62: {  	_ =	shalt  }
0x63: {  	_ =	shalt  }
0x64: {  	_ =	shalt  }
0x65: {  	_ =	shalt  }
0x66: {  	_ =	shalt  }
0x67: {  	_ =	shalt  }
0x68: {  	_ =	shalt  }
0x69: {  	_ =	shalt  }
0x6a: {  	_ =	shalt  }
0x6b: {  	_ =	shalt  }
0x6c: {  	_ =	shalt  }
0x6d: {  	_ =	shalt  }
0x6e: {  	_ =	shalt  }
0x6f: {  	_ =	shalt  }
0x70: {  	_ =	shalt  }
0x71: {  	_ =	shalt  }
0x72: {  	_ =	shalt  }
0x73: {  	_ =	shalt  }
0x74: {  	_ =	shalt  }
0x75: {  	_ =	shalt  }
0x76: {  	_ =	shalt  }
0x77: {  	_ =	shalt  }
0x78: {  	_ =	shalt  }
0x79: {  	_ =	shalt  }
0x7a: {  	_ =	shalt  }
0x7b: {  	_ =	shalt  }
0x7c: {  	_ =	shalt  }
0x7d: {  	_ =	shalt  }
0x7e: {  	_ =	shalt  }
0x7f: {  	_ =	shalt  }
0x80: {  	_ =	shalt  }
0x81: {  	_ =	shalt  }
0x82: {  	_ =	shalt  }
0x83: {  	_ =	shalt  }
0x84: {  	_ =	shalt  }
0x85: {  	_ =	shalt  }
0x86: {  	_ =	shalt  }
0x87: {  	_ =	shalt  }
.Lfunc_end0:
.L_simem_size_0:
called_computation_lowered:
.L_overlay_start_0:
0x88: {  	s2 =	sld [smem:$0x3FD9]  }
0x89: {  	s3 =	sld [smem:$0x3FFE];
	_ =	sdelay $0x1  }
0x8a: {  	s1 =	srdreg.scid  }
0x8b: {  	s0 =	sand.u32 $0x1, s1  }
0x8c: {  	s17 =	sshll.u32 s0, $0xA;
	s2 =	sadd.s32 s3, s2  }
0x8d: {  	s2 =	sadd.s32 s2, s17  }
0x8e: {  	[smem:$0x3FC3] =	sst s2  }
0x8f: {  	_ = 	snop  }
0x90: {  	s2 =	sld [smem:$0x3FC8]  }
0x91: {  	s18 =	sld [smem:$0x3FC7]  }
0x92: {  	s4 =	sld [smem:$0x3FC6]  }
0x93: {  	s5 =	sld [smem:$0x3FC5]  }
0x94: {  	s6 =	sld [smem:$0x3FD0];
	(tm) =	ssettm $0x1  }
0x95: {  	s7 =	sld [smem:$0x3FFB];
	_ =	sdelay $0x3  }
0x96: {  	_ =	strace s7  }
0x97: {  	s7 =	sld [smem:$0x3FFC];
	_ =	sdelay $0x3  }
0x98: {  	_ =	strace s7  }
0x99: {  	s7 =	sld [smem:$0x3FFD];
	_ =	sdelay $0x3  }
0x9a: {  	_ =	strace s7  }
0x9b: {  	_ =	strace $0x8FFFFFFF  }
0x9c: {  	s19 =	sld [smem:$0x3FDB];
	_ =	sdelay $0x1  }
0x9d: {  	s8 =	simm.s32 $_scs_section_size  }
0x9e: {  	s9 =	simm.s32 $_size__tile_overlayer_lowered;
	s10 =	simm.s32 $_tile_overlayer_lowered  }
0x9f: {  	s22 =	simm.s32 $0x1BFF;
	s21 =	sshll.u32 s10, $0x1;
	s7 =	sadd.s32 s8, s19  }
0xa0: {  	s11 =	simm.s32 $0x0;
	s20 =	sshll.u32 s9, $0x1;
	s9 =	sadd.s32 s21, s7  }
0xa1: {  	[timem:s11], [sflag:s22] =	dma.local [hbm:s9], s20  }
0xa2: {  	_ =	swait.ge [sflag:s22], s20  }
0xa3: {  	s8 =	ssub.s32 $0x0, s20;
	[sflag:s22] =	ssyncset.done $0x0  }
0xa4: {  	[sflag:s22] =	ssyncadd.s32 s8;
	_ =	sdelay $0x1  }
0xa5: {  	s23 =	simm.s32 $0x1B8B  }
0xa6: {  	_ =	swait.ge [sflag:s23], $0x1  }
0xa7: {  	[sflag:s23] =	ssyncset.done $0x0  }
0xa8: {  	s25 =	simm.s32 $0x1B8E;
	s24 =	sld [smem:$0x3FFE];
	[sflag:s23] =	ssyncadd.s32 $0xFFFFFFFF  }
0xa9: {  	s26 =	simm.s32 $execute0_lowered;
	[smem:$0x3FD2] =	sst s25  }
0xaa: {  	s9 =	sshll.u32 s26, $0x1;
	_ =	strace $0x80000046;
	[dreg:$0x1] =	wrdreg $0xFFFFFFFF  }
0xab: {  	s28 =	simm.s32 $_size_execute0_lowered;
	s7 =	sadd.s32 s7, s9;
	[dreg:$0x0] =	wrdreg $0x0  }
0xac: {  	s9 =	sshll.u32 s28, $0x1;
	[dreg:$0x2] =	wrdreg s7  }
0xad: {  	[dreg:$0x3] =	wrdreg s9  }
0xae: {  	[dreg:$0x4] =	wrdreg $0xC0  }
0xaf: {  	_ =	task [dreg:s11], $0x5FFFF  }
0xb0: {  	[dreg:$0x1] =	wrdreg $0xFFFFFFFF  }
0xb1: {  	[dreg:$0x0] =	wrdreg $0x60  }
0xb2: {  	[dreg:$0x2] =	wrdreg s24  }
0xb3: {  	[dreg:$0x3] =	wrdreg s2  }
0xb4: {  	[dreg:$0x4] =	wrdreg s18  }
0xb5: {  	[dreg:$0x5] =	wrdreg s4  }
0xb6: {  	[dreg:$0x6] =	wrdreg s5  }
0xb7: {  	[dreg:$0x7] =	wrdreg s6  }
0xb8: {  	[dreg:$0x8] =	wrdreg $0x9  }
0xb9: {  	_ =	task.clear_ibuf [dreg:s11], $0x9FFFF;
	_ =	strace $0x90000046  }
0xba: {  	s29 =	simm.s32 $0x9;
	_ =	strace $0x80000048  }
0xbb: {  	_ =	swait.ge [sflag:s29], $0x1  }
0xbc: {  	[sflag:s29] =	ssyncadd.s32 $0xFFFFFFFF  }
0xbd: {  	_ =	strace $0x90000048  }
0xbe: {  	_ =	sfence  }
0xbf: {  	s30 =	sld [smem:$0x0];
	_ =	sdelay $0x2  }
0xc0: {  	s31 =	sshll.u32 s1, $0xD;
	s1 =	sshrl.u32 s1, $0x2  }
0xc1: {  	s3 =	sand.u32 $0x4000, s31;
	s1 =	sadd.s32 s1, s30  }
0xc2: {  	s0 =	sor.u32 s3, s0;
	s1 =	sshll.u32 s1, $0x11  }
0xc3: {  	s0 =	sor.u32 s1, s0  }
0xc4: {  	s0 =	sadd.s32 $0x8F2B, s0  }
0xc5: {  	[sflag:s0] =	ssyncadd.remote.s32 $0x1  }
0xc6: {  	_ =	sfence.sel $0xFFFF  }
0xc7: {  	[dreg:$0x0] =	wrdreg $0xFFFFFFFF;
	(pc) =	sbr.abs _section_cstart, $3  }
0xc8: {  	[dreg:$0x1] =	wrdreg $0xFFFFFFFF  }
0xc9: {  	_ =	task.clear_ibuf [dreg:s11], $0x2FFFF;
	_ =	strace $0x9FFFFFFF  }
0xca: {  	(tm) =	ssettm $0x7FFFFFFF  }
0xcb: {  	_ =	shalt  }
tec
execute0_lowered:
.L_overlay_start_1:
0x0: {  	(tag) =	ssettag $0x1  }
0x1: {  	s0 =	rddreg [dreg:$0x0]  }
0x2: {  	s8 =	rddreg [dreg:$0x1]  }
0x3: {  	s5 =	rddreg [dreg:$0x2]  }
0x4: {  	s17 =	rddreg [dreg:$0x5];
	s7 =	simm.s32 $0x0  }
0x5: {  	v0 =	vimm.s32 $0xEFCDAB89;
	[smem:$0x7FF] =	sst s7;
	s24 =	sadd.s32 $0x300, s8  }
0x6: {  	v1 =	vimm.s32 $0x67452301;
	s25 =	sadd.s32 $0x400, s8;
	_ =	strace $0x80000047;
	[dreg:$0xc] =	wrdreg s24  }
0x7: {  	s1 =	srdreg.scid;
	v2 =	vimm.s32 $0xDCFE98BA;
	s26 =	sadd.s32 $0x500, s8;
	v0 =	vunpack.c.l.s4.s8 v0;
	v1 =	vunpack.c.l.s4.s8 v1;
	[dreg:$0xd] =	wrdreg s25  }
0x8: {  	s2 =	stileid.u32;
	v3 =	vimm.s32 $0x54761032;
	v4 =	vimm.s32 $0xBA98FEDC;
	s28 =	sadd.s32 $0x600, s8;
	[dreg:$0xe] =	wrdreg s26  }
0x9: {  	s1 =	sand.u32 $0x1, s1;
	s29 =	sadd.s32 $0x700, s8;
	v2 =	vunpack.c.l.s4.s8 v2;
	[dreg:$0xf] =	wrdreg s28;
	v0 =	vunpack.c.0.s8.s32 v0;
	v1 =	vunpack.c.0.s8.s32 v1  }
0xa: {  	v5 =	vimm.s32 $0x32107654;
	s2 =	sshll.u32 s2, $0x1;
	s18 =	sadd.s32 $0x100, s8;
	v3 =	vunpack.c.l.s4.s8 v3;
	v4 =	vunpack.c.l.s4.s8 v4;
	[dreg:$0x10] =	wrdreg s29  }
0xb: {  	s31 =	sadd.s32 $0x200, s8;
	s2 =	sor.u32 s1, s2;
	[dreg:$0xa] =	wrdreg s18;
	v6 =	vcombine.low v1, v0;
	v0 =	vunpack.c.0.s8.s32 v2;
	v1 =	vunpack.c.l.s4.s8 v5  }
0xc: {  	s1 =	ssub.s32 $0x2, s1;
	[dreg:$0xb] =	wrdreg s31;
	s3 =	sshll.u32 s2, $0x5;
	v2 =	vunpack.c.0.s8.s32 v3;
	v3 =	vunpack.c.0.s8.s32 v4;
	v4 =	vimm.s32 $0xFEDCBA98  }
0xd: {  	s4 =	sshrl.u32 s1, $0x1;
	s2 =	sshll.u32 s2, $0xE;
	s0 =	sadd.s32 s3, s0;
	v5 =	vimm.s32 $0x76543210;
	v4 =	vunpack.c.l.s4.s8 v4;
	v1 =	vunpack.c.0.s8.s32 v1  }
.Ltmp0:
0xe: {  	vm0 =	vmmov $0xffff;
	[dreg:$0x7] =	wrdreg s2;
	s23 =	sadd.s32 s5, s2;
	v7 =	vcombine.low v2, v0;
	v2 =	vunpack.c.l.s4.s8 v5;
	(pc) =	sbr.rel .LBB2_1-.Ltmp0, $4  }
0xf: {  	s1 =	ssub.s32 s1, s4;
	s0 =	sadd.s32 $0x400, s0;
	[dreg:$0x9] =	wrdreg s23;
	v0 =	vlaneseq.u32;
	v5 =	vcombine.low v1, v3;
	v3 =	vunpack.c.0.s8.s32 v4  }
0x10: {  	s30 =	smax.u32 s1, $0x1;
	[dreg:$0x8] =	wrdreg s0;
	v1 =	vshrl.u32 v0, $0x3;
	v0 =	vand.u32 $0x7, v0;
	v8 =	vunpack.c.0.s8.s32 v2  }
0x11: {  	s11 =	simm.s32 $0x5;
	s0 =	sadd.s32 $0x20, s23;
	[dreg:$0x12] =	wrdreg s30;
	v2 =	vand.u32 $0xF, v6;
	v1 =	vmul.u32 $0x8, v1;
	v6 =	vand.u32 $0xF, v3  }
0x12: {  	s12 =	simm.s32 $0x6;
	s1 =	simm.s32 $0x0;
	[dreg:$0x11] =	wrdreg s0;
	v3 =	vand.u32 $0xF, v7;
	v4 =	vand.u32 $0xF, v5;
	v5 =	vcombine.low v6, v8  }
.LBB2_12:
0x13: {  	s11 =	simm.s32 $0x5  }
0x14: {  	_ =	swait.ge [sflag:s11], $0x1000  }
0x15: {  	[sflag:s11] =	ssyncset.done $0x0  }
0x16: {  	[sflag:s11] =	ssyncadd.s32 $0xFFFFF000  }
0x17: {  	_ =	swait.ge [sflag:s11], $0x1000  }
0x18: {  	[sflag:s11] =	ssyncset.done $0x0  }
0x19: {  	[sflag:s11] =	ssyncadd.s32 $0xFFFFF000  }
0x1a: {  	_ =	swait.ge [sflag:s11], $0x1000  }
0x1b: {  	[sflag:s11] =	ssyncset.done $0x0  }
0x1c: {  	[sflag:s11] =	ssyncadd.s32 $0xFFFFF000  }
0x1d: {  	_ =	swait.ge [sflag:s11], $0x1000  }
0x1e: {  	[sflag:s11] =	ssyncset.done $0x0  }
0x1f: {  	s12 =	simm.s32 $0x6;
	[sflag:s11] =	ssyncadd.s32 $0xFFFFF000  }
0x20: {  	_ =	swait.ge [sflag:s12], $0x1000  }
0x21: {  	[sflag:s12] =	ssyncset.done $0x0  }
0x22: {  	[sflag:s12] =	ssyncadd.s32 $0xFFFFF000  }
0x23: {  	_ =	swait.ge [sflag:s12], $0x1000  }
0x24: {  	[sflag:s12] =	ssyncset.done $0x0  }
0x25: {  	[sflag:s12] =	ssyncadd.s32 $0xFFFFF000  }
0x26: {  	_ =	swait.ge [sflag:s12], $0x1000  }
0x27: {  	[sflag:s12] =	ssyncset.done $0x0  }
0x28: {  	[sflag:s12] =	ssyncadd.s32 $0xFFFFF000  }
0x29: {  	_ =	swait.ge [sflag:s12], $0x1000  }
0x2a: {  	s1 =	rddreg [dreg:$0x13]  }
0x2b: {  	s0 =	rddreg [dreg:$0x12];
	s1 =	sadd.s32 $0x1, s1  }
0x2c: {  	p0 =	sne.s32 s1, s0  }
.Ltmp1:
0x2d: {  	_ = 	snop;
	(pc) =	sbr.rel @!p0 .LBB2_13-.Ltmp1, $4  }
0x2e: {  	_ = 	snop  }
0x2f: {  	[sflag:s12] =	ssyncset.done $0x0;
	s18 =	rddreg [dreg:$0xa]  }
0x30: {  	s31 =	rddreg [dreg:$0xb];
	[sflag:s12] =	ssyncadd.s32 $0xFFFFF000  }
0x31: {  	s8 =	rddreg [dreg:$0x1]  }
.LBB2_1:
0x32: {  	[dreg:$0x13] =	wrdreg s1  }
0x33: {  	s0 =	rddreg [dreg:$0x8];
	s19 =	simm.s32 $0x7  }
0x34: {  	[tilespmem:s7], [sflag:$0x7] =	stream.linear.gather [hbm4b:s0+s7], $0x100, $0x38;
	[tilespmem:$0x17100] =	vst v63  }
0x35: {  	_ =	swait.ge [sflag:s19], $0x100  }
0x36: {  	s6 =	simm.s32 $0x100;
	s9 =	simm.s32 $0x400;
	[sflag:s19] =	ssyncset.done $0x0  }
0x37: {  	s21 =	simm.s32 $0x8100;
	s20 =	rddreg [dreg:$0x9];
	[sflag:s19] =	ssyncadd.s32 $0xFFFFFF00  }
0x38: {  	[tilespmem:s21], [sflag:$0x3] =	stream.strided.gather [hbm4b:s20+s6], $0x1000, s9, s6, $0x38;
	[tilespmem:$0x17100] =	vst v63  }
0x39: {  	v6 =	vld.msk [tilespmem:$0x0], $0xff;
	_ =	sdelay $0x4  }
0x3a: {  	v7 =	vshll.u32 v6, $0x4  }
0x3b: {  	v6 =	vand.u32 $0x7, v6;
	v7 =	vand.u32 $0xFFFFFF80, v7  }
0x3c: {  	v6 =	vor.u32 v6, v7  }
0x3d: {  	v6 =	vperm.xlane v6, v0;
	_ =	sdelay $0x1  }
0x3e: {  	v6 =	vadd.s32 v1, v6;
	_ =	sdelay $0x4  }
0x3f: {  	[tilespmem:s6], [sflag:$0x1] =	stream.indirect_vreg.gather [hbm4b:s8+s7], $0x80, v6, vm0, $0xb8;
	[tilespmem:$0x17100] =	vst v63  }
0x40: {  	s22 =	simm.s32 $0x900  }
0x41: {  	[tilespmem:s22], [sflag:$0x1] =	stream.indirect_vreg.gather [hbm4b:s18+s7], $0x80, v6, vm0, $0xb8;
	[tilespmem:$0x17100] =	vst v63  }
0x42: {  	s23 =	simm.s32 $0x1100  }
0x43: {  	[tilespmem:s23], [sflag:$0x1] =	stream.indirect_vreg.gather [hbm4b:s31+s7], $0x80, v6, vm0, $0xb8;
	[tilespmem:$0x17100] =	vst v63  }
0x44: {  	s25 =	simm.s32 $0x1900;
	s24 =	rddreg [dreg:$0xc]  }
0x45: {  	[tilespmem:s25], [sflag:$0x1] =	stream.indirect_vreg.gather [hbm4b:s24+s7], $0x80, v6, vm0, $0xb8;
	[tilespmem:$0x17100] =	vst v63  }
0x46: {  	s2 =	simm.s32 $0x2100;
	s26 =	rddreg [dreg:$0xd]  }
0x47: {  	[tilespmem:s2], [sflag:$0x1] =	stream.indirect_vreg.gather [hbm4b:s26+s7], $0x80, v6, vm0, $0xb8;
	[tilespmem:$0x17100] =	vst v63  }
0x48: {  	s3 =	simm.s32 $0x2900;
	s29 =	rddreg [dreg:$0xe]  }
0x49: {  	[tilespmem:s3], [sflag:$0x1] =	stream.indirect_vreg.gather [hbm4b:s29+s7], $0x80, v6, vm0, $0xb8;
	[tilespmem:$0x17100] =	vst v63  }
0x4a: {  	s4 =	simm.s32 $0x3100;
	s30 =	rddreg [dreg:$0xf]  }
0x4b: {  	[tilespmem:s4], [sflag:$0x1] =	stream.indirect_vreg.gather [hbm4b:s30+s7], $0x80, v6, vm0, $0xb8;
	[tilespmem:$0x17100] =	vst v63  }
0x4c: {  	s5 =	simm.s32 $0x3900;
	s13 =	rddreg [dreg:$0x10]  }
0x4d: {  	[tilespmem:s5], [sflag:$0x1] =	stream.indirect_vreg.gather [hbm4b:s13+s7], $0x80, v6, vm0, $0xb8;
	[tilespmem:$0x17100] =	vst v63  }
0x4e: {  	s10 =	simm.s32 $0x9100;
	s14 =	rddreg [dreg:$0x11]  }
0x4f: {  	[tilespmem:s10], [sflag:$0x4] =	stream.strided.gather [hbm4b:s14+s6], $0x1000, s9, s6, $0x38;
	[tilespmem:$0x17100] =	vst v63  }
0x50: {  	v6 =	vld.msk [tilespmem:$0x8], $0xff;
	_ =	sdelay $0x4  }
0x51: {  	v7 =	vshll.u32 v6, $0x4  }
0x52: {  	v6 =	vand.u32 $0x7, v6;
	v7 =	vand.u32 $0xFFFFFF80, v7  }
0x53: {  	v6 =	vor.u32 v6, v7  }
0x54: {  	v6 =	vperm.xlane v6, v0;
	_ =	sdelay $0x1  }
0x55: {  	v6 =	vadd.s32 v1, v6;
	_ =	sdelay $0x3  }
0x56: {  	s15 =	simm.s32 $0x4100  }
0x57: {  	[tilespmem:s15], [sflag:$0x2] =	stream.indirect_vreg.gather [hbm4b:s8+s7], $0x80, v6, vm0, $0xb8;
	[tilespmem:$0x17100] =	vst v63  }
0x58: {  	s16 =	simm.s32 $0x4900  }
0x59: {  	[tilespmem:s16], [sflag:$0x2] =	stream.indirect_vreg.gather [hbm4b:s18+s7], $0x80, v6, vm0, $0xb8;
	[tilespmem:$0x17100] =	vst v63  }
0x5a: {  	s19 =	simm.s32 $0x5100  }
0x5b: {  	[tilespmem:s19], [sflag:$0x2] =	stream.indirect_vreg.gather [hbm4b:s31+s7], $0x80, v6, vm0, $0xb8;
	[tilespmem:$0x17100] =	vst v63  }
0x5c: {  	s20 =	simm.s32 $0x5900  }
0x5d: {  	[tilespmem:s20], [sflag:$0x2] =	stream.indirect_vreg.gather [hbm4b:s24+s7], $0x80, v6, vm0, $0xb8;
	[tilespmem:$0x17100] =	vst v63  }
0x5e: {  	s21 =	simm.s32 $0x6100  }
0x5f: {  	[tilespmem:s21], [sflag:$0x2] =	stream.indirect_vreg.gather [hbm4b:s26+s7], $0x80, v6, vm0, $0xb8;
	[tilespmem:$0x17100] =	vst v63  }
0x60: {  	s22 =	simm.s32 $0x6900  }
0x61: {  	[tilespmem:s22], [sflag:$0x2] =	stream.indirect_vreg.gather [hbm4b:s29+s7], $0x80, v6, vm0, $0xb8;
	[tilespmem:$0x17100] =	vst v63  }
0x62: {  	s23 =	simm.s32 $0x7100  }
0x63: {  	[tilespmem:s23], [sflag:$0x2] =	stream.indirect_vreg.gather [hbm4b:s30+s7], $0x80, v6, vm0, $0xb8;
	[tilespmem:$0x17100] =	vst v63  }
0x64: {  	s24 =	simm.s32 $0x7900  }
0x65: {  	[tilespmem:s24], [sflag:$0x2] =	stream.indirect_vreg.gather [hbm4b:s13+s7], $0x80, v6, vm0, $0xb8;
	[tilespmem:$0x17100] =	vst v63  }
0x66: {  	s25 =	rddreg [dreg:$0x3];
	s26 =	simm.s32 $0x16100  }
0x67: {  	[tilespmem:s26], [sflag:$0x5] =	stream.linear.gather [hbm4b:s25+s7], $0x800, $0x38;
	[tilespmem:$0x17100] =	vst v63  }
0x68: {  	s29 =	rddreg [dreg:$0x4];
	s30 =	simm.s32 $0x16900  }
0x69: {  	[tilespmem:s30], [sflag:$0x6] =	stream.linear.gather [hbm4b:s29+s7], $0x800, $0x38;
	[tilespmem:$0x17100] =	vst v63  }
0x6a: {  	_ =	swait.ge [sflag:s11], $0x800  }
0x6b: {  	[sflag:s11] =	ssyncset.done $0x0  }
0x6c: {  	[sflag:s11] =	ssyncadd.s32 $0xFFFFF800  }
0x6d: {  	_ =	swait.ge [sflag:s12], $0x800  }
0x6e: {  	[sflag:s12] =	ssyncset.done $0x0  }
0x6f: {  	s28 =	simm.s32 $0x0;
	[sflag:s12] =	ssyncadd.s32 $0xFFFFF800  }
.LBB2_2:
0x70: {  	s0 =	simm.s32 $0x3  }
0x71: {  	_ =	swait.ge [sflag:s0], $0x1000  }
0x72: {  	[sflag:s0] =	ssyncset.done $0x0  }
0x73: {  	s20 =	simm.s32 $0x1;
	[sflag:s0] =	ssyncadd.s32 $0xFFFFF000  }
0x74: {  	_ =	swait.ge [sflag:s20], $0x4000  }
0x75: {  	p0 =	seq.s32 s28, $0x0;
	[sflag:s20] =	ssyncset.done $0x0  }
0x76: {  	s0 =	simm.s32 @!p0 $0x5;
	[sflag:s20] =	ssyncadd.s32 $0xFFFFC000  }
0x77: {  	_ =	swait.ge @!p0 [sflag:s0], $0x1000  }
0x78: {  	[sflag:s0] =	ssyncset.done @!p0 $0x0  }
0x79: {  	[sflag:s0] =	ssyncadd.s32 @!p0 $0xFFFFF000  }
0x7a: {  	_ =	swait.ge @!p0 [sflag:s0], $0x1000  }
0x7b: {  	[sflag:s0] =	ssyncset.done @!p0 $0x0  }
0x7c: {  	[sflag:s0] =	ssyncadd.s32 @!p0 $0xFFFFF000  }
0x7d: {  	_ =	swait.ge @!p0 [sflag:s0], $0x1000  }
0x7e: {  	[sflag:s0] =	ssyncset.done @!p0 $0x0  }
0x7f: {  	[sflag:s0] =	ssyncadd.s32 @!p0 $0xFFFFF000  }
0x80: {  	_ =	swait.ge @!p0 [sflag:s0], $0x1000  }
0x81: {  	[sflag:s0] =	ssyncset.done @!p0 $0x0  }
0x82: {  	s1 =	simm.s32 $0x100;
	[sflag:s0] =	ssyncadd.s32 @!p0 $0xFFFFF000  }
0x83: {  	v6 =	vld [tilespmem:s1+$0x0]  }
0x84: {  	s21 =	simm.s32 $0x8100;
	v7 =	vld [tilespmem:s1+$0x80]  }
0x85: {  	v8 =	vld [tilespmem:s21+$0x0]  }
0x86: {  	v9 =	vld [tilespmem:s1+$0x100]  }
0x87: {  	v10 =	vld [tilespmem:s1+$0x180]  }
0x88: {  	v11 =	vld [tilespmem:s1+$0x200]  }
0x89: {  	s0 =	simm.s32 $0x0;
	v12 =	vld [tilespmem:s21+$0x80]  }
0x8a: {  	v13 =	vld [tilespmem:s1+$0x280];
	s2 =	sand.u32 $0x70, s0;
	s3 =	sand.u32 $0x3C00, s0;
	v6 =	vadd.f32 v6, v8  }
0x8b: {  	v14 =	vld [tilespmem:s1+$0x300];
	s2 =	sor.u32 s2, s3;
	v7 =	vadd.f32 v7, v8  }
0x8c: {  	v15 =	vld [tilespmem:s1+$0x380];
	s22 =	sadd.s32 $0x12100, s2;
	v9 =	vadd.f32 v9, v8;
	[tilespmem:s2+$0x12100] =	vst v6  }
0x8d: {  	v8 =	vadd.f32 v10, v8;
	[tilespmem:s22+$0x80] =	vst v7  }
0x8e: {  	v10 =	vadd.f32 v11, v12;
	[tilespmem:s22+$0x100] =	vst v9  }
0x8f: {  	s24 =	simm.s32 $0x0;
	s23 =	sand.u32 $0x7, s0;
	v11 =	vadd.f32 v13, v12;
	[tilespmem:s22+$0x180] =	vst v8  }
0x90: {  	s4 =	sshll.u32 s23, $0x4;
	s3 =	sand.u32 $0xF, s24;
	v13 =	vadd.f32 v14, v12;
	[tilespmem:s22+$0x200] =	vst v10;
	s2 =	simm.s32 $0x10  }
0x91: {  	v27 =	vimm.f32 $0.0e+00;
	s5 =	sadd.s32 $0x0, s4;
	s6 =	sshll.u32 s3, $0xA;
	v12 =	vadd.f32 v15, v12;
	[tilespmem:s22+$0x280] =	vst v11;
	s4 =	sand.u32 $0x70, s2  }
0x92: {  	s25 =	sor.u32 $0x380, s5;
	v14 =	vmul.f32 v6, v6;
	[tilespmem:s22+$0x300] =	vst v13;
	v17 =	vadd.f32 v6, v27;
	s26 =	sor.u32 s4, s6  }
0x93: {  	s29 =	sshll.u32 s3, $0x8;
	v15 =	vmul.f32 v7, v7;
	v16 =	vmul.f32 v9, v9;
	v6 =	vadd.f32 v7, v27;
	[tilespmem:s25+$0x12100] =	vst v12;
	s5 =	sor.u32 $0x100, s26  }
0x94: {  	v22 =	vadd.f32 v9, v27;
	v9 =	vmul.f32 v13, v13;
	v25 =	vmul.f32 v12, v12;
	s1 =	sor.u32 s4, s29;
	v30 =	vld [tilespmem:s5+$0x0]  }
0x95: {  	v13 =	vadd.f32 v13, v27;
	v19 =	vadd.f32 v14, v27;
	v14 =	vmul.f32 v8, v8;
	s1 =	sadd.s32 $0x8100, s1;
	v29 =	vld [tilespmem:s5+$0x80]  }
0x96: {  	v18 =	vadd.f32 v15, v27;
	v7 =	vadd.f32 v16, v27;
	v15 =	vmul.f32 v10, v10;
	v20 =	vld [tilespmem:s1+$0x0]  }
0x97: {  	v16 =	vadd.f32 v8, v27;
	v23 =	vadd.f32 v14, v27;
	v14 =	vmul.f32 v11, v11;
	v21 =	vld [tilespmem:s5+$0x100]  }
0x98: {  	v24 =	vadd.f32 v15, v27;
	v15 =	vadd.f32 v10, v27;
	v28 =	vld [tilespmem:s5+$0x180]  }
0x99: {  	v26 =	vld [tilespmem:s5+$0x200];
	v10 =	vadd.f32 v25, v27;
	v8 =	vadd.f32 v14, v27  }
0x9a: {  	s30 =	sshll.u32 s28, $0x1;
	s9 =	simm.s32 $0x3;
	s3 =	simm.s32 $0x80;
	v25 =	vld [tilespmem:s1+$0x80];
	v14 =	vadd.f32 v9, v27;
	v9 =	vadd.f32 v11, v27  }
0x9b: {  	[dreg:$0x14] =	wrdreg s30;
	s6 =	simm.s32 $0x2;
	s1 =	sand.u32 $0x3C00, s3;
	v11 =	vadd.f32 v12, v27;
	v27 =	vld [tilespmem:s5+$0x280];
	v12 =	vadd.f32 v30, v20  }
.LBB2_3:
0x9c: {  	p1 =	sne.s32 s9, $0x80;
	v30 =	vld [tilespmem:s5+$0x300];
	s1 =	sor.u32 s4, s1;
	v29 =	vadd.f32 v29, v20  }
0x9d: {  	v21 =	vadd.f32 v21, v20;
	v31 =	vld [tilespmem:s5+$0x380];
	s5 =	sadd.s32 $0x12100, s1;
	[tilespmem:s1+$0x12100] =	vst v12;
	v17 =	vadd.f32 v12, v17;
	v12 =	vmul.f32 v12, v12  }
0x9e: {  	v20 =	vadd.f32 v28, v20;
	[tilespmem:s5+$0x80] =	vst v29;
	v6 =	vadd.f32 v29, v6;
	v29 =	vmul.f32 v29, v29  }
0x9f: {  	s0 =	sadd.s32 $0x1, s0;
	v19 =	vadd.f32 v12, v19;
	[tilespmem:s5+$0x100] =	vst v21;
	v12 =	vmul.f32 v21, v21;
	v26 =	vadd.f32 v26, v25  }
0xa0: {  	s4 =	sshrl.u32 s6, $0x3;
	s6 =	smov.u32 s9;
	s1 =	sand.u32 $0x7, s0;
	v28 =	vmul.f32 v20, v20;
	v18 =	vadd.f32 v29, v18;
	[tilespmem:s5+$0x180] =	vst v20;
	v27 =	vadd.f32 v27, v25  }
0xa1: {  	s2 =	sadd.s32 $0x10, s2;
	s10 =	sand.u32 $0xF, s4;
	s1 =	sshll.u32 s1, $0x4;
	v7 =	vadd.f32 v12, v7;
	[tilespmem:s5+$0x200] =	vst v26;
	v12 =	vmul.f32 v26, v26;
	v30 =	vadd.f32 v30, v25  }
0xa2: {  	s4 =	sand.u32 $0x70, s2;
	s11 =	sshll.u32 s10, $0xA;
	s1 =	sadd.s32 s1, s3;
	v23 =	vadd.f32 v28, v23;
	[tilespmem:s5+$0x280] =	vst v27;
	v28 =	vmul.f32 v27, v27;
	v25 =	vadd.f32 v31, v25  }
0xa3: {  	v22 =	vadd.f32 v21, v22;
	s1 =	sor.u32 $0x380, s1;
	v24 =	vadd.f32 v12, v24;
	[tilespmem:s5+$0x300] =	vst v30;
	v12 =	vmul.f32 v30, v30;
	s5 =	sor.u32 s4, s11  }
0xa4: {  	v16 =	vadd.f32 v20, v16;
	v8 =	vadd.f32 v28, v8;
	[tilespmem:s1+$0x12100] =	vst v25;
	v20 =	vmul.f32 v25, v25;
	s5 =	sor.u32 $0x100, s5;
	s1 =	sshll.u32 s10, $0x8  }
0xa5: {  	v15 =	vadd.f32 v26, v15;
	v31 =	vld [tilespmem:s5+$0x0];
	v14 =	vadd.f32 v12, v14;
	s1 =	sor.u32 s4, s1  }
0xa6: {  	v9 =	vadd.f32 v27, v9;
	v29 =	vld [tilespmem:s5+$0x80];
	v10 =	vadd.f32 v20, v10;
	s1 =	sadd.s32 $0x8100, s1  }
0xa7: {  	v13 =	vadd.f32 v30, v13;
	v11 =	vadd.f32 v25, v11;
	v20 =	vld [tilespmem:s1+$0x0]  }
.Ltmp2:
0xa8: {  	v21 =	vld [tilespmem:s5+$0x100];
	(pc) =	sbr.rel @p1 .LBB2_3-.Ltmp2, $4  }
0xa9: {  	v28 =	vld [tilespmem:s5+$0x180]  }
0xaa: {  	v26 =	vld [tilespmem:s5+$0x200]  }
0xab: {  	s3 =	sadd.s32 $0x80, s3;
	v25 =	vld [tilespmem:s1+$0x80]  }
0xac: {  	s9 =	sadd.s32 $0x1, s9;
	s1 =	sand.u32 $0x3C00, s3;
	v27 =	vld [tilespmem:s5+$0x280];
	v12 =	vadd.f32 v31, v20  }
0xad: {  	_ = 	snop  }
0xae: {  	v17 =	vadd.f32 v12, v17;
	v30 =	vmul.f32 v12, v12;
	_ =	sdelay $0x1  }
0xaf: {  	v19 =	vadd.f32 v30, v19;
	v30 =	vperm.xlane v17, v2;
	_ =	sdelay $0x1  }
0xb0: {  	v17 =	vadd.f32 v30, v17;
	v30 =	vperm.xlane v19, v2;
	_ =	sdelay $0x1  }
0xb1: {  	v31 =	vperm.xlane v17, v3;
	v19 =	vadd.f32 v30, v19;
	_ =	sdelay $0x1  }
0xb2: {  	v30 =	vadd.f32 v31, v17;
	v17 =	vperm.xlane v19, v3;
	_ =	sdelay $0x1  }
0xb3: {  	v31 =	vperm.xlane v30, v4;
	v19 =	vadd.f32 v17, v19  }
0xb4: {  	v17 =	vadd.f32 v29, v20  }
0xb5: {  	v29 =	vadd.f32 v31, v30;
	v30 =	vperm.xlane v19, v4  }
0xb6: {  	v6 =	vadd.f32 v17, v6;
	v31 =	vmul.f32 v17, v17  }
0xb7: {  	v19 =	vadd.f32 v30, v19  }
0xb8: {  	v32 =	vperm.xlane v29, v5;
	v18 =	vadd.f32 v31, v18;
	v30 =	vperm.xlane v6, v2  }
0xb9: {  	v31 =	vperm.xlane v19, v5  }
0xba: {  	v29 =	vadd.f32 v32, v29;
	v30 =	vadd.f32 v30, v6;
	v59 =	vperm.xlane v18, v2  }
0xbb: {  	v19 =	vadd.f32 v31, v19  }
0xbc: {  	v6 =	vmul.f32 $4.882812500e-04, v29;
	v29 =	vperm.xlane v30, v3;
	v18 =	vadd.f32 v59, v18  }
0xbd: {  	v21 =	vadd.f32 v21, v20;
	v31 =	vmul.f32 $4.882812500e-04, v19  }
0xbe: {  	v60 =	vmul.f32 v6, v6;
	v29 =	vadd.f32 v29, v30;
	v30 =	vperm.xlane v18, v3  }
0xbf: {  	v19 =	vadd.f32 v28, v20;
	v20 =	vadd.f32 v26, v25  }
0xc0: {  	v28 =	vsub.f32 v31, v60;
	v31 =	vmul.f32 v21, v21;
	v30 =	vadd.f32 v30, v18  }
0xc1: {  	v61 =	vperm.xlane v29, v4;
	v18 =	vadd.f32 v27, v25;
	v16 =	vadd.f32 v19, v16  }
0xc2: {  	v26 =	vmul.f32 v19, v19;
	v15 =	vadd.f32 v20, v15;
	v28 =	vadd.f32 $9.999999970e-07, v28  }
0xc3: {  	v27 =	vadd.f32 v61, v29;
	v29 =	vperm.xlane v30, v4;
	v31 =	vadd.f32 v31, v7  }
0xc4: {  	v7 =	vadd.f32 v21, v22;
	v42 =	vmul.f32 v18, v18;
	v47 =	vperm.xlane v16, v2  }
0xc5: {  	v61 =	vperm.xlane v15, v2;
	v32 =	vperm.xlane v27, v5  }
0xc6: {  	v33 =	vld [tilespmem:s5+$0x300];
	v22 =	vshra.s32 v28, $0x1;
	v29 =	vadd.f32 v29, v30;
	v35 =	vperm.xlane v7, v2  }
0xc7: {  	v28 =	vmul.f32 $5.000000000e-01, v28;
	v40 =	vperm.xlane v31, v2;
	v27 =	vadd.f32 v32, v27  }
0xc8: {  	v34 =	vsub.s32 $0x5F3759DF, v22;
	v62 =	vperm.xlane v29, v5;
	v63 =	vadd.f32 v35, v7  }
0xc9: {  	v26 =	vadd.f32 v26, v23;
	v36 =	vmul.f32 v34, v28;
	v7 =	vmul.f32 $4.882812500e-04, v27  }
0xca: {  	v27 =	vadd.f32 v62, v29;
	v23 =	vperm.xlane v63, v3;
	v29 =	vadd.f32 v40, v31  }
0xcb: {  	v30 =	vmul.f32 v20, v20;
	v16 =	vadd.f32 v47, v16;
	v22 =	vadd.f32 v33, v25  }
0xcc: {  	v37 =	vld [tilespmem:s5+$0x380];
	v36 =	vmul.f32 v34, v36;
	v33 =	vadd.f32 v23, v63;
	v43 =	vperm.xlane v29, v3  }
0xcd: {  	v51 =	vadd.f32 v42, v8;
	v27 =	vmul.f32 $4.882812500e-04, v27;
	v41 =	vmul.f32 v7, v7  }
0xce: {  	v24 =	vadd.f32 v30, v24;
	v30 =	vperm.xlane v33, v4;
	v29 =	vadd.f32 v43, v29  }
0xcf: {  	v49 =	vperm.xlane v26, v2;
	v31 =	vsub.f32 $1.500000000e+00, v36;
	v27 =	vsub.f32 v27, v41  }
0xd0: {  	v53 =	vperm.xlane v16, v3;
	v30 =	vadd.f32 v30, v33;
	v45 =	vperm.xlane v29, v4  }
0xd1: {  	v23 =	vadd.f32 v37, v25;
	v25 =	vmul.f32 v34, v31;
	v27 =	vadd.f32 $9.999999970e-07, v27  }
0xd2: {  	v16 =	vadd.f32 v53, v16;
	v48 =	vperm.xlane v30, v5;
	v29 =	vadd.f32 v45, v29  }
0xd3: {  	v31 =	vmul.f32 v25, v28;
	v46 =	vshra.s32 v27, $0x1;
	v27 =	vmul.f32 $5.000000000e-01, v27  }
0xd4: {  	v34 =	vsub.s32 $0x5F3759DF, v46;
	v30 =	vadd.f32 v48, v30;
	v50 =	vperm.xlane v29, v5  }
0xd5: {  	v26 =	vadd.f32 v49, v26;
	v37 =	vperm.xlane v16, v4;
	v52 =	vmul.f32 v34, v27  }
0xd6: {  	v31 =	vmul.f32 v31, v25;
	v8 =	vmul.f32 $4.882812500e-04, v30;
	v29 =	vadd.f32 v50, v29  }
0xd7: {  	v59 =	vadd.f32 v18, v9;
	v30 =	vperm.xlane v26, v3;
	v35 =	vmul.f32 v34, v52  }
0xd8: {  	v16 =	vadd.f32 v37, v16;
	v29 =	vmul.f32 $4.882812500e-04, v29;
	v54 =	vmul.f32 v8, v8  }
0xd9: {  	v41 =	vperm.xlane v51, v2;
	v31 =	vsub.f32 $1.500000000e+00, v31;
	v26 =	vadd.f32 v30, v26  }
0xda: {  	v55 =	vperm.xlane v16, v5;
	v35 =	vsub.f32 $1.500000000e+00, v35;
	v29 =	vsub.f32 v29, v54  }
0xdb: {  	v33 =	vadd.f32 v41, v51;
	v25 =	vmul.f32 v31, v25;
	v31 =	vperm.xlane v26, v4  }
0xdc: {  	v16 =	vadd.f32 v55, v16;
	v34 =	vmul.f32 v34, v35;
	v29 =	vadd.f32 $9.999999970e-07, v29  }
0xdd: {  	v45 =	vperm.xlane v33, v3;
	v28 =	vmul.f32 v25, v28;
	v26 =	vadd.f32 v31, v26  }
0xde: {  	v31 =	vmul.f32 v34, v27;
	v56 =	vshra.s32 v29, $0x1;
	v29 =	vmul.f32 $5.000000000e-01, v29  }
0xdf: {  	v28 =	vmul.f32 v28, v25;
	v57 =	vperm.xlane v26, v5;
	v35 =	vsub.s32 $0x5F3759DF, v56  }
0xe0: {  	v15 =	vadd.f32 v61, v15;
	v31 =	vmul.f32 v31, v34;
	v58 =	vmul.f32 v35, v29  }
0xe1: {  	v9 =	vmul.f32 $4.882812500e-04, v16;
	v30 =	vmul.f32 v23, v23;
	v26 =	vadd.f32 v57, v26  }
0xe2: {  	v28 =	vsub.f32 $1.500000000e+00, v28;
	v16 =	vsub.f32 $1.500000000e+00, v31;
	v31 =	vmul.f32 v35, v58  }
0xe3: {  	v60 =	vmul.f32 v9, v9;
	v30 =	vadd.f32 v30, v10;
	v26 =	vmul.f32 $4.882812500e-04, v26  }
0xe4: {  	v10 =	vmul.f32 v28, v25;
	v28 =	vperm.xlane v24, v2;
	v25 =	vsub.f32 $1.500000000e+00, v31  }
0xe5: {  	v44 =	vmul.f32 v22, v22;
	v33 =	vadd.f32 v45, v33;
	v26 =	vsub.f32 v26, v60  }
0xe6: {  	v24 =	vadd.f32 v28, v24;
	v31 =	vperm.xlane v15, v3;
	v25 =	vmul.f32 v35, v25  }
0xe7: {  	v48 =	vperm.xlane v33, v4;
	v28 =	vadd.f32 v23, v11;
	v26 =	vadd.f32 $9.999999970e-07, v26  }
0xe8: {  	v16 =	vmul.f32 v16, v34;
	v15 =	vadd.f32 v31, v15;
	v11 =	vmul.f32 v25, v29  }
0xe9: {  	v31 =	vperm.xlane v24, v3;
	v62 =	vshra.s32 v26, $0x1;
	v26 =	vmul.f32 $5.000000000e-01, v26  }
0xea: {  	v13 =	vadd.f32 v22, v13;
	v63 =	vperm.xlane v15, v4;
	v11 =	vmul.f32 v11, v25  }
0xeb: {  	v24 =	vadd.f32 v31, v24;
	v31 =	vperm.xlane v59, v2;
	v32 =	vsub.s32 $0x5F3759DF, v62  }
0xec: {  	v27 =	vmul.f32 v16, v27;
	v40 =	vmul.f32 v32, v26;
	v11 =	vsub.f32 $1.500000000e+00, v11  }
0xed: {  	v15 =	vadd.f32 v63, v15;
	v42 =	vperm.xlane v24, v4;
	v31 =	vadd.f32 v31, v59  }
0xee: {  	v14 =	vadd.f32 v44, v14;
	v25 =	vmul.f32 v11, v25;
	v11 =	vmul.f32 v32, v40  }
0xef: {  	v43 =	vperm.xlane v15, v5;
	v24 =	vadd.f32 v42, v24;
	v44 =	vperm.xlane v31, v3  }
0xf0: {  	v52 =	vperm.xlane v13, v2;
	v27 =	vmul.f32 v27, v16;
	v11 =	vsub.f32 $1.500000000e+00, v11  }
0xf1: {  	v15 =	vadd.f32 v43, v15;
	v46 =	vperm.xlane v24, v5;
	v31 =	vadd.f32 v44, v31  }
0xf2: {  	v29 =	vmul.f32 v25, v29;
	v32 =	vmul.f32 v32, v11  }
0xf3: {  	v11 =	vmul.f32 $4.882812500e-04, v15;
	v15 =	vadd.f32 v46, v24;
	v24 =	vperm.xlane v31, v4  }
0xf4: {  	v27 =	vsub.f32 $1.500000000e+00, v27;
	v29 =	vmul.f32 v29, v25;
	v47 =	vmul.f32 v32, v26  }
0xf5: {  	v49 =	vmul.f32 $4.882812500e-04, v15;
	v50 =	vmul.f32 v11, v11;
	v24 =	vadd.f32 v24, v31  }
0xf6: {  	v15 =	vmul.f32 v27, v16;
	v27 =	vadd.f32 v48, v33;
	v16 =	vmul.f32 v47, v32  }
0xf7: {  	v29 =	vsub.f32 $1.500000000e+00, v29;
	v31 =	vsub.f32 v49, v50;
	v51 =	vperm.xlane v24, v5  }
0xf8: {  	v56 =	vperm.xlane v30, v2;
	v35 =	vperm.xlane v27, v5;
	v34 =	vsub.f32 $1.500000000e+00, v16  }
0xf9: {  	v16 =	vmul.f32 v29, v25;
	v25 =	vadd.f32 $9.999999970e-07, v31;
	v24 =	vadd.f32 v51, v24  }
0xfa: {  	v27 =	vadd.f32 v35, v27;
	v29 =	vadd.f32 v52, v13;
	v31 =	vperm.xlane v14, v2  }
0xfb: {  	v30 =	vadd.f32 v56, v30;
	v13 =	vmul.f32 $4.882812500e-04, v24  }
0xfc: {  	v24 =	vmul.f32 $4.882812500e-04, v27;
	v27 =	vperm.xlane v29, v3;
	v14 =	vadd.f32 v31, v14  }
0xfd: {  	v55 =	vperm.xlane v28, v2;
	v53 =	vshra.s32 v25, $0x1;
	v54 =	vmul.f32 v13, v13  }
0xfe: {  	v25 =	vmul.f32 $5.000000000e-01, v25;
	v27 =	vadd.f32 v27, v29;
	v29 =	vperm.xlane v14, v3  }
0xff: {  	v28 =	vadd.f32 v55, v28;
	v31 =	vsub.s32 $0x5F3759DF, v53;
	v24 =	vsub.f32 v24, v54  }
0x100: {  	v57 =	vmul.f32 v31, v25;
	v58 =	vperm.xlane v27, v4;
	v14 =	vadd.f32 v29, v14  }
0x101: {  	v32 =	vmul.f32 v34, v32;
	v29 =	vperm.xlane v28, v3;
	v24 =	vadd.f32 $9.999999970e-07, v24  }
0x102: {  	v59 =	vmul.f32 v31, v57;
	v27 =	vadd.f32 v58, v27;
	v60 =	vperm.xlane v14, v4  }
0x103: {  	v28 =	vadd.f32 v29, v28;
	v29 =	vperm.xlane v30, v3;
	v61 =	vshra.s32 v24, $0x1  }
0x104: {  	v24 =	vmul.f32 $5.000000000e-01, v24;
	v62 =	vperm.xlane v27, v5;
	v34 =	vadd.f32 v60, v14  }
0x105: {  	v14 =	vperm.xlane v28, v4;
	v29 =	vadd.f32 v29, v30;
	v35 =	vsub.s32 $0x5F3759DF, v61  }
0x106: {  	v30 =	vmul.f32 v35, v24;
	v27 =	vadd.f32 v62, v27;
	v63 =	vperm.xlane v34, v5  }
0x107: {  	v33 =	vsub.f32 $1.500000000e+00, v59;
	v28 =	vadd.f32 v14, v28;
	v40 =	vperm.xlane v29, v4  }
0x108: {  	s1 =	sor.u32 s4, s1;
	v30 =	vmul.f32 v35, v30;
	v14 =	vmul.f32 $4.882812500e-04, v27;
	v27 =	vadd.f32 v63, v34  }
0x109: {  	s2 =	sadd.s32 $0x12100, s1;
	[tilespmem:s1+$0x12100] =	vst v12;
	v31 =	vmul.f32 v31, v33;
	v12 =	vperm.xlane v28, v5;
	v29 =	vadd.f32 v40, v29  }
0x10a: {  	[tilespmem:s2+$0x80] =	vst v17;
	v17 =	vsub.f32 $1.500000000e+00, v30;
	v27 =	vmul.f32 $4.882812500e-04, v27;
	v30 =	vmul.f32 v14, v14  }
0x10b: {  	s0 =	sadd.s32 $0x1, s0;
	[tilespmem:s2+$0x100] =	vst v21;
	v21 =	vmul.f32 v32, v26;
	v12 =	vadd.f32 v12, v28;
	v26 =	vperm.xlane v29, v5  }
0x10c: {  	s0 =	sand.u32 $0x7, s0;
	[tilespmem:s2+$0x180] =	vst v19;
	v19 =	vmul.f32 v31, v25;
	v17 =	vmul.f32 v35, v17;
	v27 =	vsub.f32 v27, v30  }
0x10d: {  	s21 =	simm.s32 $0x0;
	s0 =	sshll.u32 s0, $0x4;
	[tilespmem:s2+$0x200] =	vst v20;
	v20 =	vmul.f32 v21, v32;
	v12 =	vmul.f32 $4.882812500e-04, v12;
	v21 =	vadd.f32 v26, v29  }
0x10e: {  	s22 =	sand.u32 $0x60, s21;
	s0 =	sadd.s32 s0, s3;
	[tilespmem:s2+$0x280] =	vst v18;
	v18 =	vmul.f32 v19, v31;
	v19 =	vmul.f32 v17, v24;
	v26 =	vadd.f32 $9.999999970e-07, v27  }
0x10f: {  	s24 =	sand.u32 $0x3C00, s21;
	s23 =	sor.u32 $0x10, s22;
	s0 =	sor.u32 $0x380, s0;
	[tilespmem:s2+$0x300] =	vst v22;
	v20 =	vsub.f32 $1.500000000e+00, v20;
	v21 =	vmul.f32 $4.882812500e-04, v21;
	v22 =	vmul.f32 v12, v12  }
0x110: {  	s25 =	sor.u32 s24, s23;
	[tilespmem:s0+$0x12100] =	vst v23;
	v18 =	vsub.f32 $1.500000000e+00, v18;
	v23 =	vshra.s32 v26, $0x1;
	v26 =	vmul.f32 $5.000000000e-01, v26  }
0x111: {  	v19 =	vmul.f32 v19, v17;
	v21 =	vsub.f32 v21, v22;
	v22 =	vld [tilespmem:s25+$0x12100];
	v23 =	vsub.s32 $0x5F3759DF, v23  }
0x112: {  	v29 =	vld [tilespmem:s25+$0x12180];
	v27 =	vmul.f32 v18, v31;
	v28 =	vmul.f32 v23, v26  }
0x113: {  	s26 =	sand.u32 $0x780, s21;
	v18 =	vmul.f32 v20, v32;
	v19 =	vsub.f32 $1.500000000e+00, v19;
	v20 =	vadd.f32 $9.999999970e-07, v21;
	v21 =	vld [tilespmem:s25+$0x12200]  }
0x114: {  	s0 =	sor.u32 s26, s23;
	v41 =	vld [tilespmem:s25+$0x12280];
	v28 =	vmul.f32 v23, v28  }
0x115: {  	v31 =	vld [tilespmem:s0+$0x16100];
	v19 =	vmul.f32 v19, v17;
	v17 =	vshra.s32 v20, $0x1;
	v42 =	vmul.f32 $5.000000000e-01, v20  }
0x116: {  	v17 =	vsub.s32 $0x5F3759DF, v17;
	v22 =	vsub.f32 v22, v6;
	v20 =	vsub.f32 $1.500000000e+00, v28  }
0x117: {  	v30 =	vld [tilespmem:s0+$0x16900];
	v25 =	vmul.f32 v27, v25;
	v29 =	vsub.f32 v29, v7;
	v28 =	vmul.f32 v17, v42  }
0x118: {  	v21 =	vsub.f32 v21, v8;
	v23 =	vmul.f32 v23, v20;
	v20 =	vmul.f32 v22, v10  }
0x119: {  	v22 =	vmul.f32 v17, v28;
	v28 =	vmul.f32 v29, v15;
	v29 =	vsub.f32 v41, v9  }
0x11a: {  	v21 =	vmul.f32 v21, v16;
	v20 =	vmul.f32 v20, v31  }
0x11b: {  	v22 =	vsub.f32 $1.500000000e+00, v22;
	v28 =	vmul.f32 v28, v31;
	v29 =	vmul.f32 v29, v18  }
0x11c: {  	s29 =	sand.u32 $0x3, s21;
	s19 =	sor.u32 s22, s24;
	v43 =	vmul.f32 v23, v26;
	v21 =	vmul.f32 v21, v31;
	v20 =	vadd.f32 v20, v30  }
0x11d: {  	v45 =	vld [tilespmem:s19+$0x12180];
	s0 =	sshll.u32 s29, $0x5;
	v22 =	vmul.f32 v17, v22;
	v17 =	vadd.f32 v28, v30;
	v28 =	vmul.f32 v29, v31  }
0x11e: {  	v46 =	vld [tilespmem:s19+$0x12200];
	s21 =	sadd.s32 $0x0, s0;
	v25 =	vmul.f32 v25, v27;
	v24 =	vmul.f32 v19, v24;
	[tilespmem:s25+$0xA100] =	vst v20;
	v20 =	vadd.f32 v21, v30  }
0x11f: {  	v44 =	vld [tilespmem:s19+$0x12100];
	s30 =	sadd.s32 $0x10, s21;
	v29 =	vmul.f32 v43, v23;
	[tilespmem:s25+$0xA200] =	vst v17;
	v28 =	vadd.f32 v28, v30  }
0x120: {  	s9 =	simm.s32 $0x16100;
	v47 =	vld [tilespmem:s19+$0x12280];
	s10 =	sor.u32 $0x300, s30;
	v25 =	vsub.f32 $1.500000000e+00, v25;
	v21 =	vmul.f32 v24, v19;
	v24 =	vmul.f32 v22, v42;
	[tilespmem:s25+$0xA300] =	vst v20  }
0x121: {  	v29 =	vsub.f32 $1.500000000e+00, v29;
	v17 =	vld [tilespmem:s9+$0x0];
	[tilespmem:s10+$0xA100] =	vst v28  }
0x122: {  	s11 =	simm.s32 $0x20;
	v21 =	vsub.f32 $1.500000000e+00, v21;
	v24 =	vmul.f32 v24, v22;
	v20 =	vmul.f32 v25, v27;
	v25 =	vld [tilespmem:s25+$0x12300]  }
0x123: {  	s13 =	simm.s32 $0x100;
	s6 =	simm.s32 $0x16900;
	s12 =	sand.u32 $0x60, s11;
	v48 =	vsub.f32 v46, v8;
	v23 =	vmul.f32 v29, v23;
	v29 =	vsub.f32 v45, v7;
	v28 =	vld [tilespmem:s25+$0x12380]  }
0x124: {  	s5 =	sand.u32 $0x3C00, s13;
	s9 =	sor.u32 $0x10, s12;
	v27 =	vsub.f32 v44, v6;
	v21 =	vmul.f32 v21, v19;
	v24 =	vsub.f32 $1.500000000e+00, v24;
	v19 =	vld [tilespmem:s6+$0x0]  }
0x125: {  	v32 =	vmul.f32 v48, v16;
	s6 =	sor.u32 s5, s9;
	v29 =	vmul.f32 v29, v15  }
0x126: {  	v49 =	vmul.f32 v24, v22;
	v22 =	vmul.f32 v27, v10;
	v24 =	vsub.f32 v47, v9;
	v27 =	vld [tilespmem:s6+$0x12100]  }
0x127: {  	v50 =	vld [tilespmem:s6+$0x12180];
	v29 =	vmul.f32 v29, v17  }
0x128: {  	s0 =	sand.u32 $0x780, s11;
	v38 =	vld [tilespmem:s6+$0x12200];
	v32 =	vmul.f32 v32, v17;
	v24 =	vmul.f32 v24, v18;
	v25 =	vsub.f32 v25, v11  }
0x129: {  	s0 =	sor.u32 s0, s9;
	v39 =	vld [tilespmem:s6+$0x12280];
	v22 =	vmul.f32 v22, v17;
	v28 =	vsub.f32 v28, v13;
	v29 =	vadd.f32 v29, v19  }
0x12a: {  	v35 =	vld [tilespmem:s0+$0x16100];
	v32 =	vadd.f32 v32, v19;
	v24 =	vmul.f32 v24, v17;
	v25 =	vmul.f32 v25, v20  }
0x12b: {  	v22 =	vadd.f32 v22, v19;
	v28 =	vmul.f32 v28, v21;
	v27 =	vsub.f32 v27, v6  }
0x12c: {  	v34 =	vld [tilespmem:s0+$0x16900];
	v36 =	vsub.f32 v50, v7;
	[tilespmem:s19+$0xA200] =	vst v29;
	v24 =	vadd.f32 v24, v19;
	v25 =	vmul.f32 v25, v31  }
0x12d: {  	s0 =	sor.u32 s12, s5;
	[tilespmem:s19+$0xA100] =	vst v22;
	v22 =	vmul.f32 v28, v31;
	v27 =	vmul.f32 v27, v10;
	v28 =	vsub.f32 v38, v8  }
0x12e: {  	v52 =	vld [tilespmem:s0+$0x12100];
	s5 =	sor.u32 $0x300, s21;
	v51 =	vsub.f32 v39, v9;
	[tilespmem:s19+$0xA300] =	vst v32;
	v29 =	vmul.f32 v36, v15;
	v25 =	vadd.f32 v25, v30  }
0x12f: {  	s14 =	simm.s32 $0x1;
	v53 =	vld [tilespmem:s0+$0x12180];
	[tilespmem:s5+$0xA100] =	vst v24;
	v22 =	vadd.f32 v22, v30;
	v27 =	vmul.f32 v27, v35;
	v28 =	vmul.f32 v28, v16  }
0x130: {  	s4 =	sand.u32 $0x3, s14;
	s23 =	simm.s32 $0x40;
	v55 =	vld [tilespmem:s0+$0x12280];
	[tilespmem:s25+$0xA180] =	vst v25;
	v25 =	vmul.f32 v29, v35;
	v29 =	vmul.f32 v51, v18  }
0x131: {  	s13 =	simm.s32 $0x200;
	s15 =	sshll.u32 s4, $0x5;
	s12 =	sand.u32 $0x60, s23;
	v26 =	vmul.f32 v23, v26;
	v60 =	vld [tilespmem:s19+$0x12380];
	[tilespmem:s25+$0xA280] =	vst v22;
	v22 =	vadd.f32 v27, v34;
	v27 =	vmul.f32 v28, v35  }
0x132: {  	s13 =	sand.u32 $0x3C00, s13;
	s4 =	sand.u32 $0x780, s23;
	v33 =	vmul.f32 v49, v42;
	v28 =	vld [tilespmem:s10+$0x12100];
	s10 =	sor.u32 $0x10, s12;
	v24 =	vadd.f32 v25, v34;
	v25 =	vmul.f32 v29, v35  }
0x133: {  	v54 =	vld [tilespmem:s0+$0x12200];
	s9 =	sadd.s32 $0x100, s15;
	v26 =	vmul.f32 v26, v23;
	[tilespmem:s6+$0xA100] =	vst v22;
	v27 =	vadd.f32 v27, v34;
	s15 =	sor.u32 s4, s10;
	s10 =	sor.u32 s13, s10  }
0x134: {  	s20 =	simm.s32 $0x16120;
	s11 =	sadd.s32 $0x10, s9;
	v57 =	vsub.f32 v53, v7;
	v29 =	vmul.f32 v33, v49;
	v41 =	vld [tilespmem:s10+$0x12180];
	[tilespmem:s6+$0xA200] =	vst v24;
	v56 =	vadd.f32 v25, v34  }
0x135: {  	s22 =	sor.u32 $0x300, s11;
	v26 =	vsub.f32 $1.500000000e+00, v26;
	v33 =	vsub.f32 v55, v9;
	v24 =	vld [tilespmem:s20+$0x0];
	[tilespmem:s6+$0xA300] =	vst v27  }
0x136: {  	v32 =	vmul.f32 v57, v15;
	v62 =	vsub.f32 v60, v13;
	v29 =	vsub.f32 $1.500000000e+00, v29;
	v27 =	vld [tilespmem:s19+$0x12300];
	[tilespmem:s22+$0xA100] =	vst v56  }
0x137: {  	v25 =	vmul.f32 v26, v23;
	v26 =	vsub.f32 v52, v6;
	v28 =	vsub.f32 v28, v14;
	v58 =	vld [tilespmem:s6+$0x12300]  }
0x138: {  	v33 =	vmul.f32 v33, v18;
	v23 =	vmul.f32 v29, v49;
	v29 =	vsub.f32 v54, v8;
	v59 =	vld [tilespmem:s6+$0x12380]  }
0x139: {  	s16 =	simm.s32 $0x16920;
	v43 =	vld [tilespmem:s10+$0x12280];
	v50 =	vmul.f32 v62, v21;
	v28 =	vmul.f32 v28, v25  }
0x13a: {  	v22 =	vld [tilespmem:s16+$0x0];
	v26 =	vmul.f32 v26, v10;
	v29 =	vmul.f32 v29, v16  }
0x13b: {  	v51 =	vsub.f32 v41, v7;
	v27 =	vsub.f32 v27, v11;
	v28 =	vmul.f32 v28, v31  }
0x13c: {  	s4 =	sor.u32 s12, s13;
	v40 =	vld [tilespmem:s10+$0x12100];
	v61 =	vmul.f32 v26, v24;
	v32 =	vmul.f32 v32, v24;
	v36 =	vsub.f32 v58, v11  }
0x13d: {  	v44 =	vld [tilespmem:s4+$0x12100];
	v27 =	vmul.f32 v27, v20;
	v28 =	vadd.f32 v28, v30;
	v37 =	vsub.f32 v59, v13  }
0x13e: {  	v42 =	vld [tilespmem:s10+$0x12200];
	v43 =	vsub.f32 v43, v9;
	v29 =	vmul.f32 v29, v24;
	v36 =	vmul.f32 v36, v20  }
0x13f: {  	v55 =	vld [tilespmem:s4+$0x12280];
	v39 =	vadd.f32 v61, v22;
	v27 =	vmul.f32 v27, v17;
	[tilespmem:s25+$0xA380] =	vst v28;
	v28 =	vmul.f32 v37, v21  }
0x140: {  	v26 =	vld [tilespmem:s15+$0x16100];
	v32 =	vadd.f32 v32, v22;
	v29 =	vadd.f32 v29, v22;
	v36 =	vmul.f32 v36, v35  }
0x141: {  	v52 =	vld [tilespmem:s4+$0x12180];
	[tilespmem:s0+$0xA100] =	vst v39;
	v48 =	vadd.f32 v27, v19;
	v27 =	vsub.f32 v40, v6;
	v49 =	vmul.f32 v28, v35  }
0x142: {  	s14 =	sor.u32 $0x380, s30;
	v60 =	vsub.f32 v44, v6;
	v33 =	vmul.f32 v33, v24;
	[tilespmem:s0+$0xA200] =	vst v32;
	v28 =	vld [tilespmem:s15+$0x16900];
	v36 =	vadd.f32 v36, v34  }
0x143: {  	[tilespmem:s0+$0xA300] =	vst v29;
	v29 =	vsub.f32 v42, v8;
	v63 =	vld [tilespmem:s14+$0x12100];
	v27 =	vmul.f32 v27, v10;
	v40 =	vadd.f32 v49, v34  }
0x144: {  	v53 =	vld [tilespmem:s4+$0x12200];
	v33 =	vadd.f32 v33, v22;
	v32 =	vmul.f32 v50, v17;
	v37 =	vmul.f32 v51, v15;
	[tilespmem:s6+$0xA180] =	vst v36  }
0x145: {  	s12 =	sor.u32 $0x300, s9;
	v38 =	vsub.f32 v55, v9;
	v29 =	vmul.f32 v29, v16;
	v45 =	vmul.f32 v27, v26;
	[tilespmem:s6+$0xA280] =	vst v40  }
0x146: {  	v57 =	vmul.f32 v43, v18;
	s25 =	simm.s32 $0x2;
	[tilespmem:s12+$0xA100] =	vst v33;
	v32 =	vadd.f32 v32, v19;
	v56 =	vmul.f32 v37, v26;
	v40 =	vld [tilespmem:s22+$0x12100]  }
0x147: {  	s24 =	simm.s32 $0x16140;
	v41 =	vsub.f32 v52, v7;
	s26 =	sand.u32 $0x3, s25;
	v62 =	vld [tilespmem:s0+$0x12300];
	[tilespmem:s19+$0xA180] =	vst v48;
	v59 =	vmul.f32 v29, v26;
	v58 =	vadd.f32 v45, v28  }
0x148: {  	s29 =	simm.s32 $0x16940;
	s1 =	sshll.u32 s26, $0x5;
	v37 =	vmul.f32 v57, v26;
	[tilespmem:s19+$0xA280] =	vst v32;
	v27 =	vld [tilespmem:s24+$0x0];
	v54 =	vsub.f32 v63, v12;
	v33 =	vadd.f32 v56, v28  }
0x149: {  	v42 =	vsub.f32 v53, v8;
	s13 =	sadd.s32 $0x200, s1;
	v29 =	vld [tilespmem:s29+$0x0];
	v61 =	vadd.f32 v59, v28;
	[tilespmem:s10+$0xA100] =	vst v58  }
0x14a: {  	v41 =	vmul.f32 v41, v15;
	s3 =	sadd.s32 $0x10, s13;
	v47 =	vld [tilespmem:s5+$0x12100];
	v63 =	vadd.f32 v37, v28;
	v36 =	vmul.f32 v54, v23;
	[tilespmem:s10+$0xA200] =	vst v33  }
0x14b: {  	s2 =	simm.s32 $0x60;
	v42 =	vmul.f32 v42, v16;
	v32 =	vmul.f32 v60, v10;
	s30 =	sor.u32 $0x300, s3;
	v45 =	vld [tilespmem:s0+$0x12380];
	[tilespmem:s10+$0xA300] =	vst v61;
	v46 =	vsub.f32 v40, v14  }
0x14c: {  	s20 =	sand.u32 $0x60, s2;
	v48 =	vmul.f32 v38, v18;
	s1 =	simm.s32 $0x300;
	v39 =	vsub.f32 v62, v11;
	v31 =	vmul.f32 v36, v31;
	[tilespmem:s30+$0xA100] =	vst v63  }
0x14d: {  	s25 =	sor.u32 $0x10, s20;
	s22 =	sand.u32 $0x3C00, s1;
	v32 =	vmul.f32 v32, v27;
	v49 =	vld [tilespmem:s10+$0x12300];
	v36 =	vmul.f32 v46, v25  }
0x14e: {  	s5 =	sor.u32 s22, s25;
	v39 =	vmul.f32 v39, v20;
	v50 =	vmul.f32 v42, v27;
	v51 =	vld [tilespmem:s10+$0x12380]  }
0x14f: {  	v53 =	vld [tilespmem:s5+$0x12100];
	v31 =	vadd.f32 v31, v30;
	v32 =	vadd.f32 v32, v29;
	v36 =	vmul.f32 v36, v35  }
0x150: {  	v54 =	vld [tilespmem:s5+$0x12180];
	v39 =	vmul.f32 v39, v24;
	v37 =	vsub.f32 v45, v13;
	v40 =	vsub.f32 v47, v14  }
0x151: {  	v60 =	vld [tilespmem:s5+$0x12280];
	v30 =	vmul.f32 v41, v27;
	v41 =	vadd.f32 v50, v29;
	v36 =	vadd.f32 v36, v34  }
0x152: {  	s16 =	sand.u32 $0x780, s2;
	v33 =	vmul.f32 v48, v27;
	v58 =	vadd.f32 v39, v22;
	v46 =	vld [tilespmem:s5+$0x12200];
	v38 =	vsub.f32 v49, v11  }
0x153: {  	s23 =	sor.u32 s16, s25;
	s16 =	sor.u32 $0x380, s11;
	v52 =	vadd.f32 v30, v29;
	v37 =	vmul.f32 v37, v21;
	v42 =	vsub.f32 v51, v13;
	[tilespmem:s6+$0xA380] =	vst v36  }
0x154: {  	v40 =	vmul.f32 v40, v25;
	[tilespmem:s14+$0xA100] =	vst v31;
	v31 =	vadd.f32 v33, v29;
	v56 =	vmul.f32 v38, v20;
	v57 =	vld [tilespmem:s16+$0x12100]  }
0x155: {  	s20 =	sor.u32 s20, s22;
	v30 =	vld [tilespmem:s23+$0x16100];
	[tilespmem:s4+$0xA100] =	vst v32;
	v48 =	vsub.f32 v53, v6;
	v50 =	vsub.f32 v54, v7;
	v61 =	vmul.f32 v42, v21  }
0x156: {  	v63 =	vld [tilespmem:s20+$0x12100];
	[tilespmem:s4+$0xA300] =	vst v41;
	v39 =	vsub.f32 v60, v9;
	v55 =	vmul.f32 v37, v24;
	v36 =	vmul.f32 v56, v26  }
0x157: {  	v32 =	vld [tilespmem:s23+$0x16900];
	v59 =	vmul.f32 v40, v17;
	[tilespmem:s4+$0xA200] =	vst v52;
	v52 =	vsub.f32 v46, v8;
	v40 =	vmul.f32 v61, v26  }
0x158: {  	v53 =	vld [tilespmem:s20+$0x12200];
	[tilespmem:s0+$0xA180] =	vst v58;
	v54 =	vmul.f32 v50, v15;
	v39 =	vmul.f32 v39, v18;
	s6 =	sor.u32 $0x300, s13;
	v36 =	vadd.f32 v36, v28  }
0x159: {  	v51 =	vld [tilespmem:s20+$0x12180];
	[tilespmem:s6+$0xA100] =	vst v31;
	v47 =	vmul.f32 v52, v16;
	v40 =	vadd.f32 v40, v28;
	v37 =	vsub.f32 v57, v12  }
0x15a: {  	s24 =	simm.s32 $0x16160;
	v62 =	vadd.f32 v55, v22;
	v55 =	vld [tilespmem:s20+$0x12280];
	v38 =	vmul.f32 v54, v30;
	v31 =	vmul.f32 v48, v10;
	[tilespmem:s10+$0xA180] =	vst v36  }
0x15b: {  	v33 =	vld [tilespmem:s24+$0x0];
	v49 =	vadd.f32 v59, v19;
	v58 =	vmul.f32 v47, v30;
	[tilespmem:s10+$0xA280] =	vst v40;
	v37 =	vmul.f32 v37, v23  }
0x15c: {  	s25 =	simm.s32 $0x3;
	v56 =	vsub.f32 v63, v6;
	[tilespmem:s0+$0xA280] =	vst v62;
	v61 =	vadd.f32 v38, v32;
	v31 =	vmul.f32 v31, v30;
	v59 =	vld [tilespmem:s30+$0x12100]  }
0x15d: {  	s26 =	simm.s32 $0x16960;
	s29 =	sand.u32 $0x3, s25;
	[tilespmem:s19+$0xA380] =	vst v49;
	v62 =	vsub.f32 v53, v8;
	v38 =	vld [tilespmem:s4+$0x12300];
	v42 =	vadd.f32 v58, v32;
	v35 =	vmul.f32 v37, v35  }
0x15e: {  	s21 =	sor.u32 $0x380, s21;
	s11 =	sshll.u32 s29, $0x5;
	v39 =	vmul.f32 v39, v30;
	v60 =	vsub.f32 v51, v7;
	[tilespmem:s5+$0xA200] =	vst v61;
	v57 =	vadd.f32 v31, v32;
	v31 =	vld [tilespmem:s26+$0x0]  }
0x15f: {  	s22 =	sor.u32 $0x380, s9;
	s19 =	sor.u32 $0x380, s13;
	v63 =	vmul.f32 v56, v10;
	v44 =	vsub.f32 v55, v9;
	s30 =	sadd.s32 $0x300, s11;
	[tilespmem:s5+$0xA300] =	vst v42;
	v37 =	vld [tilespmem:s4+$0x12380];
	v48 =	vadd.f32 v35, v34  }
0x160: {  	s13 =	simm.s32 $0x16980;
	v43 =	vadd.f32 v39, v32;
	v36 =	vmul.f32 v60, v15;
	v40 =	vmul.f32 v62, v16;
	s11 =	simm.s32 $0x6;
	s14 =	sadd.s32 $0x10, s30;
	[tilespmem:s5+$0xA100] =	vst v57;
	v35 =	vld [tilespmem:s12+$0x12100]  }
0x161: {  	v41 =	vmul.f32 v44, v18;
	s9 =	sor.u32 $0x300, s30;
	s23 =	sor.u32 $0x380, s30;
	v42 =	vmul.f32 v63, v33;
	v39 =	vsub.f32 v59, v14;
	v34 =	vld [tilespmem:s21+$0x12100];
	s12 =	sor.u32 $0x300, s14;
	[tilespmem:s16+$0xA100] =	vst v48  }
.LBB2_5:
0x162: {  	v44 =	vmul.f32 v36, v33;
	v40 =	vmul.f32 v40, v33;
	v38 =	vsub.f32 v38, v11  }
0x163: {  	[tilespmem:s12+$0xA100] =	vst v43;
	s2 =	sadd.s32 $0x20, s2;
	v36 =	vmovc v29;
	v29 =	vmovc v31;
	v31 =	vld [tilespmem:s13+$0x0];
	v43 =	vmov v27;
	v27 =	vmov v33;
	v45 =	vmov v26  }
0x164: {  	s24 =	sadd.s32 $0x20, s24;
	v26 =	vmovc v30;
	s15 =	sand.u32 $0x60, s2;
	v42 =	vadd.f32 v42, v29;
	v41 =	vmul.f32 v41, v27;
	v46 =	vld [tilespmem:s5+$0x12300];
	v39 =	vmul.f32 v39, v25  }
0x165: {  	s1 =	sadd.s32 $0x100, s1;
	v48 =	vmovc v28;
	s26 =	sand.u32 $0x780, s2;
	s16 =	sor.u32 $0x10, s15;
	v44 =	vadd.f32 v44, v29;
	v40 =	vadd.f32 v40, v29;
	v47 =	vld [tilespmem:s5+$0x12380];
	v38 =	vmul.f32 v38, v20  }
0x166: {  	s29 =	sand.u32 $0x3C00, s1;
	v33 =	vld [tilespmem:s24+$0x0];
	s26 =	sor.u32 s26, s16;
	[tilespmem:s20+$0xA100] =	vst v42;
	v41 =	vadd.f32 v41, v29;
	v42 =	vsub.f32 v37, v13;
	v37 =	vmul.f32 v39, v45  }
0x167: {  	v35 =	vsub.f32 v35, v14;
	s30 =	sor.u32 s15, s29;
	v34 =	vsub.f32 v34, v12;
	s16 =	sor.u32 s29, s16;
	v30 =	vld [tilespmem:s26+$0x16100];
	[tilespmem:s20+$0xA200] =	vst v44;
	v38 =	vmul.f32 v38, v43  }
0x168: {  	v28 =	vmov v32;
	v39 =	vld [tilespmem:s16+$0x12100];
	[tilespmem:s20+$0xA300] =	vst v40;
	v40 =	vmul.f32 v42, v21;
	v37 =	vadd.f32 v37, v48  }
0x169: {  	v35 =	vmul.f32 v35, v25;
	v42 =	vld [tilespmem:s16+$0x12180];
	[tilespmem:s9+$0xA100] =	vst v41;
	v32 =	vsub.f32 v46, v11;
	v38 =	vadd.f32 v38, v36  }
0x16a: {  	s11 =	sadd.s32 $0x2, s11;
	s15 =	sor.u32 $0x380, s3;
	v34 =	vmul.f32 v34, v23;
	v41 =	vld [tilespmem:s16+$0x12200];
	v44 =	vsub.f32 v47, v13;
	v40 =	vmul.f32 v40, v43;
	[tilespmem:s10+$0xA380] =	vst v37;
	s10 =	smov.u32 s5  }
0x16b: {  	p1 =	slt.u32 s11, $0x7E;
	s3 =	smov.u32 s14;
	v35 =	vmul.f32 v35, v24;
	s5 =	smov.u32 s16;
	v32 =	vmul.f32 v32, v20;
	[tilespmem:s4+$0xA180] =	vst v38;
	v37 =	vld [tilespmem:s15+$0x12100]  }
0x16c: {  	v34 =	vmul.f32 v34, v17;
	v17 =	vmovc v24;
	v38 =	vld [tilespmem:s5+$0x12280];
	v44 =	vmul.f32 v44, v21;
	v40 =	vadd.f32 v40, v36  }
0x16d: {  	v24 =	vmovc v43;
	v35 =	vadd.f32 v35, v22;
	v46 =	vld [tilespmem:s30+$0x12100];
	v39 =	vsub.f32 v39, v6;
	v47 =	vmul.f32 v32, v26  }
0x16e: {  	v19 =	vadd.f32 v34, v19;
	v32 =	vld [tilespmem:s26+$0x16900];
	v42 =	vsub.f32 v42, v7;
	v43 =	vmul.f32 v44, v26;
	[tilespmem:s4+$0xA280] =	vst v40  }
0x16f: {  	v34 =	vld [tilespmem:s30+$0x12180];
	v39 =	vmul.f32 v39, v10;
	v40 =	vsub.f32 v41, v8;
	v41 =	vadd.f32 v47, v28;
	[tilespmem:s0+$0xA380] =	vst v35;
	s0 =	smov.u32 s4;
	s4 =	smov.u32 s20;
	s20 =	smov.u32 s30  }
0x170: {  	v35 =	vld [tilespmem:s20+$0x12200];
	v42 =	vmul.f32 v42, v15;
	v43 =	vadd.f32 v43, v28;
	v37 =	vsub.f32 v37, v12;
	[tilespmem:s21+$0xA100] =	vst v19;
	s21 =	smov.u32 s22;
	s22 =	smov.u32 s19;
	s19 =	smov.u32 s23  }
0x171: {  	v44 =	vld [tilespmem:s20+$0x12280];
	v49 =	vmul.f32 v39, v30;
	v39 =	vmul.f32 v40, v16;
	v40 =	vsub.f32 v38, v9;
	[tilespmem:s10+$0xA180] =	vst v41  }
0x172: {  	v41 =	vsub.f32 v46, v6;
	v42 =	vmul.f32 v42, v30;
	v38 =	vld [tilespmem:s4+$0x12300];
	[tilespmem:s10+$0xA280] =	vst v43;
	v43 =	vmul.f32 v37, v23  }
0x173: {  	s25 =	sadd.s32 $0x1, s25;
	v19 =	vmovc v22;
	v46 =	vadd.f32 v49, v32;
	v39 =	vmul.f32 v39, v30;
	v40 =	vmul.f32 v40, v18;
	v47 =	vld [tilespmem:s12+$0x12100]  }
.Ltmp3:
0x174: {  	v22 =	vmovc v36;
	s12 =	sand.u32 $0x3, s25;
	v49 =	vsub.f32 v34, v7;
	v34 =	vadd.f32 v42, v32;
	v37 =	vld [tilespmem:s4+$0x12380];
	v42 =	vmul.f32 v43, v45;
	(pc) =	sbr.rel @p1 .LBB2_5-.Ltmp3, $4  }
0x175: {  	s12 =	sshll.u32 s12, $0x5;
	v43 =	vsub.f32 v35, v8;
	[tilespmem:s5+$0xA100] =	vst v46;
	v39 =	vadd.f32 v39, v32;
	v45 =	vmul.f32 v40, v30;
	v35 =	vld [tilespmem:s6+$0x12100];
	s6 =	smov.u32 s9  }
0x176: {  	v41 =	vmul.f32 v41, v10;
	s12 =	sadd.s32 s12, s1;
	v44 =	vsub.f32 v44, v9;
	[tilespmem:s5+$0xA200] =	vst v34;
	v46 =	vadd.f32 v42, v48;
	v34 =	vld [tilespmem:s21+$0x12100]  }
0x177: {  	v36 =	vmul.f32 v49, v15;
	s9 =	sor.u32 $0x300, s12;
	s23 =	sor.u32 $0x380, s12;
	s14 =	sadd.s32 $0x10, s12;
	v40 =	vmul.f32 v43, v16;
	[tilespmem:s5+$0xA300] =	vst v39;
	v43 =	vadd.f32 v45, v32  }
0x178: {  	s13 =	sadd.s32 $0x20, s13;
	v42 =	vmul.f32 v41, v33;
	s12 =	sor.u32 $0x300, s14;
	v41 =	vmul.f32 v44, v18;
	v39 =	vsub.f32 v47, v14;
	[tilespmem:s15+$0xA100] =	vst v46  }
0x179: {  	v6 =	vmul.f32 v36, v33  }
0x17a: {  	v7 =	vmul.f32 v40, v33;
	v8 =	vadd.f32 v42, v31  }
0x17b: {  	[tilespmem:s12+$0xA100] =	vst v43;
	v9 =	vmul.f32 v41, v33;
	v6 =	vadd.f32 v6, v31  }
0x17c: {  	v7 =	vadd.f32 v7, v31;
	[tilespmem:s20+$0xA100] =	vst v8  }
0x17d: {  	v8 =	vadd.f32 v9, v31;
	[tilespmem:s20+$0xA200] =	vst v6;
	v6 =	vld [tilespmem:s5+$0x12300]  }
0x17e: {  	[tilespmem:s20+$0xA300] =	vst v7;
	v7 =	vld [tilespmem:s5+$0x12380]  }
0x17f: {  	[tilespmem:s9+$0xA100] =	vst v8  }
0x180: {  	v8 =	vld [tilespmem:s20+$0x12300]  }
0x181: {  	v9 =	vsub.f32 v38, v11;
	v10 =	vld [tilespmem:s20+$0x12380]  }
0x182: {  	v6 =	vsub.f32 v6, v11  }
0x183: {  	v9 =	vmul.f32 v9, v20;
	v7 =	vsub.f32 v7, v13  }
0x184: {  	v15 =	vsub.f32 v37, v13;
	v6 =	vmul.f32 v6, v20  }
0x185: {  	v9 =	vmul.f32 v9, v27;
	v8 =	vsub.f32 v8, v11;
	v7 =	vmul.f32 v7, v21  }
0x186: {  	v15 =	vmul.f32 v15, v21;
	v10 =	vsub.f32 v10, v13;
	v6 =	vmul.f32 v6, v30  }
0x187: {  	v9 =	vadd.f32 v9, v29;
	v8 =	vmul.f32 v8, v20;
	v7 =	vmul.f32 v7, v30  }
0x188: {  	v11 =	vmul.f32 v15, v27;
	v10 =	vmul.f32 v10, v21;
	v6 =	vadd.f32 v6, v32  }
0x189: {  	[tilespmem:s4+$0xA180] =	vst v9;
	v8 =	vmul.f32 v8, v33;
	v7 =	vadd.f32 v7, v32  }
0x18a: {  	v11 =	vadd.f32 v11, v29;
	v9 =	vmul.f32 v10, v33;
	[tilespmem:s5+$0xA180] =	vst v6  }
0x18b: {  	v6 =	vadd.f32 v8, v31;
	[tilespmem:s5+$0xA280] =	vst v7  }
0x18c: {  	[tilespmem:s4+$0xA280] =	vst v11;
	v7 =	vadd.f32 v9, v31;
	v8 =	vld [tilespmem:s12+$0x12100]  }
0x18d: {  	[tilespmem:s20+$0xA180] =	vst v6  }
0x18e: {  	v6 =	vld [tilespmem:s6+$0x12100];
	[tilespmem:s20+$0xA280] =	vst v7  }
0x18f: {  	v7 =	vld [tilespmem:s9+$0x12100]  }
0x190: {  	v9 =	vsub.f32 v35, v14  }
0x191: {  	v10 =	vmul.f32 v39, v25;
	v8 =	vsub.f32 v8, v14  }
0x192: {  	v9 =	vmul.f32 v9, v25  }
0x193: {  	v10 =	vmul.f32 v10, v26;
	v6 =	vsub.f32 v6, v14;
	v8 =	vmul.f32 v8, v25  }
0x194: {  	v9 =	vmul.f32 v9, v24;
	v7 =	vsub.f32 v7, v14  }
0x195: {  	v10 =	vadd.f32 v10, v28;
	v6 =	vmul.f32 v6, v25;
	v8 =	vmul.f32 v8, v30  }
0x196: {  	v9 =	vadd.f32 v9, v22;
	v7 =	vmul.f32 v7, v25  }
0x197: {  	s1 =	sor.u32 $0x380, s3;
	[tilespmem:s10+$0xA380] =	vst v10;
	v6 =	vmul.f32 v6, v27;
	v8 =	vadd.f32 v8, v32  }
0x198: {  	v10 =	vld [tilespmem:s1+$0x12100];
	[tilespmem:s0+$0xA380] =	vst v9;
	v7 =	vmul.f32 v7, v33  }
0x199: {  	s16 =	sor.u32 $0x380, s14;
	v9 =	vld [tilespmem:s22+$0x12100];
	v6 =	vadd.f32 v6, v29;
	[tilespmem:s5+$0xA380] =	vst v8  }
0x19a: {  	v7 =	vadd.f32 v7, v31;
	v8 =	vld [tilespmem:s16+$0x12100]  }
0x19b: {  	[tilespmem:s4+$0xA380] =	vst v6  }
0x19c: {  	[tilespmem:s20+$0xA380] =	vst v7;
	v7 =	vsub.f32 v34, v12  }
0x19d: {  	v10 =	vsub.f32 v10, v12;
	v6 =	vld [tilespmem:s19+$0x12100]  }
0x19e: {  	v9 =	vsub.f32 v9, v12;
	v11 =	vld [tilespmem:s23+$0x12100];
	v7 =	vmul.f32 v7, v23  }
0x19f: {  	v10 =	vmul.f32 v10, v23;
	v8 =	vsub.f32 v8, v12  }
0x1a0: {  	v9 =	vmul.f32 v9, v23;
	v7 =	vmul.f32 v7, v17  }
0x1a1: {  	v10 =	vmul.f32 v10, v26;
	v8 =	vmul.f32 v8, v23  }
0x1a2: {  	v9 =	vmul.f32 v9, v24;
	v6 =	vsub.f32 v6, v12;
	v7 =	vadd.f32 v7, v19  }
0x1a3: {  	v10 =	vadd.f32 v10, v28;
	v11 =	vsub.f32 v11, v12;
	v8 =	vmul.f32 v8, v30  }
0x1a4: {  	v6 =	vmul.f32 v6, v23;
	[tilespmem:s21+$0xA100] =	vst v7;
	v7 =	vadd.f32 v9, v22  }
0x1a5: {  	[tilespmem:s1+$0xA100] =	vst v10;
	v11 =	vmul.f32 v11, v23;
	v8 =	vadd.f32 v8, v32  }
0x1a6: {  	v6 =	vmul.f32 v6, v27;
	[tilespmem:s22+$0xA100] =	vst v7  }
0x1a7: {  	v9 =	vmul.f32 v11, v33;
	[tilespmem:s16+$0xA100] =	vst v8  }
0x1a8: {  	s2 =	sshll.u32 s28, $0x6;
	s21 =	sshll.u32 s28, $0xA;
	v6 =	vadd.f32 v6, v29;
	s5 =	rddreg [dreg:$0x7]  }
0x1a9: {  	s10 =	sand.u32 $0x40, s2;
	v7 =	vadd.f32 v9, v31;
	s1 =	sadd.s32 s5, s21  }
0x1aa: {  	s2 =	sadd.s32 s17, s10;
	[tilespmem:s19+$0xA100] =	vst v6;
	s22 =	sand.u32 $0xFFFF800, s1  }
0x1ab: {  	s24 =	simm.s32 $0xA100;
	[tilespmem:s23+$0xA100] =	vst v7;
	s0 =	sadd.s32 s22, s2  }
0x1ac: {  	[hbm4b:s0+s7] =	stream.linear.scatter [tilespmem:s24], [sflag:$0x5], $0x100, $0x38;
	[tilespmem:$0x17100] =	vst v63  }
0x1ad: {  	s26 =	simm.s32 $0xA500;
	s25 =	sadd.s32 $0x80, s0  }
0x1ae: {  	[hbm4b:s25+s7] =	stream.linear.scatter [tilespmem:s26], [sflag:$0x5], $0x100, $0x38;
	[tilespmem:$0x17100] =	vst v63  }
0x1af: {  	s30 =	simm.s32 $0xA900;
	s29 =	sadd.s32 $0x100, s0  }
0x1b0: {  	[hbm4b:s29+s7] =	stream.linear.scatter [tilespmem:s30], [sflag:$0x5], $0x100, $0x38;
	[tilespmem:$0x17100] =	vst v63  }
0x1b1: {  	s6 =	simm.s32 $0xAD00;
	s4 =	sadd.s32 $0x180, s0  }
0x1b2: {  	[hbm4b:s4+s7] =	stream.linear.scatter [tilespmem:s6], [sflag:$0x5], $0x100, $0x38;
	[tilespmem:$0x17100] =	vst v63  }
0x1b3: {  	s11 =	simm.s32 $0xB100;
	s9 =	sadd.s32 $0x200, s0  }
0x1b4: {  	[hbm4b:s9+s7] =	stream.linear.scatter [tilespmem:s11], [sflag:$0x5], $0x100, $0x38;
	[tilespmem:$0x17100] =	vst v63  }
0x1b5: {  	s13 =	simm.s32 $0xB500;
	s12 =	sadd.s32 $0x280, s0  }
0x1b6: {  	[hbm4b:s12+s7] =	stream.linear.scatter [tilespmem:s13], [sflag:$0x5], $0x100, $0x38;
	[tilespmem:$0x17100] =	vst v63  }
0x1b7: {  	s15 =	simm.s32 $0xB900;
	s14 =	sadd.s32 $0x300, s0  }
0x1b8: {  	[hbm4b:s14+s7] =	stream.linear.scatter [tilespmem:s15], [sflag:$0x5], $0x100, $0x38;
	[tilespmem:$0x17100] =	vst v63  }
0x1b9: {  	s17 =	simm.s32 $0xBD00;
	s16 =	sadd.s32 $0x380, s0  }
0x1ba: {  	[hbm4b:s16+s7] =	stream.linear.scatter [tilespmem:s17], [sflag:$0x5], $0x100, $0x38;
	[tilespmem:$0x17100] =	vst v63  }
0x1bb: {  	s20 =	simm.s32 $0xC100;
	s19 =	sadd.s32 $0x400, s0  }
0x1bc: {  	[hbm4b:s19+s7] =	stream.linear.scatter [tilespmem:s20], [sflag:$0x5], $0x100, $0x38;
	[tilespmem:$0x17100] =	vst v63  }
0x1bd: {  	[dreg:$0x15] =	wrdreg s22;
	s22 =	simm.s32 $0xC500;
	s21 =	sadd.s32 $0x480, s0  }
0x1be: {  	[hbm4b:s21+s7] =	stream.linear.scatter [tilespmem:s22], [sflag:$0x5], $0x100, $0x38;
	[tilespmem:$0x17100] =	vst v63  }
0x1bf: {  	s23 =	sadd.s32 $0x500, s0;
	s24 =	simm.s32 $0xC900  }
0x1c0: {  	[hbm4b:s23+s7] =	stream.linear.scatter [tilespmem:s24], [sflag:$0x5], $0x100, $0x38;
	[tilespmem:$0x17100] =	vst v63  }
0x1c1: {  	s25 =	sadd.s32 $0x580, s0;
	s26 =	simm.s32 $0xCD00  }
0x1c2: {  	[hbm4b:s25+s7] =	stream.linear.scatter [tilespmem:s26], [sflag:$0x5], $0x100, $0x38;
	[tilespmem:$0x17100] =	vst v63  }
0x1c3: {  	s29 =	sadd.s32 $0x600, s0;
	s30 =	simm.s32 $0xD100  }
0x1c4: {  	[hbm4b:s29+s7] =	stream.linear.scatter [tilespmem:s30], [sflag:$0x5], $0x100, $0x38;
	[tilespmem:$0x17100] =	vst v63  }
0x1c5: {  	s4 =	sadd.s32 $0x680, s0;
	s6 =	simm.s32 $0xD500  }
0x1c6: {  	[hbm4b:s4+s7] =	stream.linear.scatter [tilespmem:s6], [sflag:$0x5], $0x100, $0x38;
	[tilespmem:$0x17100] =	vst v63  }
0x1c7: {  	s9 =	sadd.s32 $0x700, s0;
	s11 =	simm.s32 $0xD900;
	s13 =	sand.u32 $0xFF7F800, s1  }
0x1c8: {  	[hbm4b:s9+s7] =	stream.linear.scatter [tilespmem:s11], [sflag:$0x5], $0x100, $0x38;
	[tilespmem:$0x17100] =	vst v63  }
0x1c9: {  	s0 =	sadd.s32 $0x780, s0;
	s12 =	simm.s32 $0xDD00;
	s20 =	sor.u32 $0x80000, s13  }
0x1ca: {  	[hbm4b:s0+s7] =	stream.linear.scatter [tilespmem:s12], [sflag:$0x5], $0x100, $0x38;
	[tilespmem:$0x17100] =	vst v63  }
0x1cb: {  	s14 =	simm.s32 $0xA200;
	s0 =	sadd.s32 s20, s2  }
0x1cc: {  	[hbm4b:s0+s7] =	stream.linear.scatter [tilespmem:s14], [sflag:$0x5], $0x100, $0x38;
	[tilespmem:$0x17100] =	vst v63  }
0x1cd: {  	s16 =	simm.s32 $0xA600;
	s15 =	sadd.s32 $0x80, s0  }
0x1ce: {  	[hbm4b:s15+s7] =	stream.linear.scatter [tilespmem:s16], [sflag:$0x5], $0x100, $0x38;
	[tilespmem:$0x17100] =	vst v63  }
0x1cf: {  	s19 =	simm.s32 $0xAA00;
	s17 =	sadd.s32 $0x100, s0  }
0x1d0: {  	[hbm4b:s17+s7] =	stream.linear.scatter [tilespmem:s19], [sflag:$0x5], $0x100, $0x38;
	[tilespmem:$0x17100] =	vst v63  }
0x1d1: {  	s22 =	simm.s32 $0xAE00;
	s21 =	sadd.s32 $0x180, s0  }
0x1d2: {  	[hbm4b:s21+s7] =	stream.linear.scatter [tilespmem:s22], [sflag:$0x5], $0x100, $0x38;
	[tilespmem:$0x17100] =	vst v63  }
0x1d3: {  	s24 =	simm.s32 $0xB200;
	s23 =	sadd.s32 $0x200, s0  }
0x1d4: {  	[hbm4b:s23+s7] =	stream.linear.scatter [tilespmem:s24], [sflag:$0x5], $0x100, $0x38;
	[tilespmem:$0x17100] =	vst v63  }
0x1d5: {  	s26 =	simm.s32 $0xB600;
	s25 =	sadd.s32 $0x280, s0  }
0x1d6: {  	[hbm4b:s25+s7] =	stream.linear.scatter [tilespmem:s26], [sflag:$0x5], $0x100, $0x38;
	[tilespmem:$0x17100] =	vst v63  }
0x1d7: {  	s30 =	simm.s32 $0xBA00;
	s29 =	sadd.s32 $0x300, s0  }
0x1d8: {  	[hbm4b:s29+s7] =	stream.linear.scatter [tilespmem:s30], [sflag:$0x5], $0x100, $0x38;
	[tilespmem:$0x17100] =	vst v63  }
0x1d9: {  	s6 =	simm.s32 $0xBE00;
	s4 =	sadd.s32 $0x380, s0  }
0x1da: {  	[hbm4b:s4+s7] =	stream.linear.scatter [tilespmem:s6], [sflag:$0x5], $0x100, $0x38;
	[tilespmem:$0x17100] =	vst v63  }
0x1db: {  	s11 =	simm.s32 $0xC200;
	s9 =	sadd.s32 $0x400, s0  }
0x1dc: {  	[hbm4b:s9+s7] =	stream.linear.scatter [tilespmem:s11], [sflag:$0x5], $0x100, $0x38;
	[tilespmem:$0x17100] =	vst v63  }
0x1dd: {  	s13 =	simm.s32 $0xC600;
	s12 =	sadd.s32 $0x480, s0  }
0x1de: {  	[hbm4b:s12+s7] =	stream.linear.scatter [tilespmem:s13], [sflag:$0x5], $0x100, $0x38;
	[tilespmem:$0x17100] =	vst v63  }
0x1df: {  	s14 =	sadd.s32 $0x500, s0;
	s15 =	simm.s32 $0xCA00  }
0x1e0: {  	[hbm4b:s14+s7] =	stream.linear.scatter [tilespmem:s15], [sflag:$0x5], $0x100, $0x38;
	[tilespmem:$0x17100] =	vst v63  }
0x1e1: {  	s16 =	sadd.s32 $0x580, s0;
	s17 =	simm.s32 $0xCE00  }
0x1e2: {  	[hbm4b:s16+s7] =	stream.linear.scatter [tilespmem:s17], [sflag:$0x5], $0x100, $0x38;
	[tilespmem:$0x17100] =	vst v63  }
0x1e3: {  	s19 =	sadd.s32 $0x600, s0;
	s21 =	simm.s32 $0xD200  }
0x1e4: {  	[hbm4b:s19+s7] =	stream.linear.scatter [tilespmem:s21], [sflag:$0x5], $0x100, $0x38;
	[tilespmem:$0x17100] =	vst v63  }
0x1e5: {  	s22 =	sadd.s32 $0x680, s0;
	s23 =	simm.s32 $0xD600  }
0x1e6: {  	[hbm4b:s22+s7] =	stream.linear.scatter [tilespmem:s23], [sflag:$0x5], $0x100, $0x38;
	[tilespmem:$0x17100] =	vst v63  }
0x1e7: {  	s24 =	sadd.s32 $0x700, s0;
	s25 =	simm.s32 $0xDA00  }
0x1e8: {  	[hbm4b:s24+s7] =	stream.linear.scatter [tilespmem:s25], [sflag:$0x5], $0x100, $0x38;
	[tilespmem:$0x17100] =	vst v63  }
0x1e9: {  	s0 =	sadd.s32 $0x780, s0;
	s26 =	simm.s32 $0xDE00;
	s29 =	sand.u32 $0xFEFF800, s1  }
0x1ea: {  	[hbm4b:s0+s7] =	stream.linear.scatter [tilespmem:s26], [sflag:$0x5], $0x100, $0x38;
	[tilespmem:$0x17100] =	vst v63  }
0x1eb: {  	s0 =	sor.u32 $0x100000, s29  }
0x1ec: {  	s30 =	simm.s32 $0xA300;
	s3 =	sadd.s32 s0, s2  }
0x1ed: {  	[hbm4b:s3+s7] =	stream.linear.scatter [tilespmem:s30], [sflag:$0x5], $0x100, $0x38;
	[tilespmem:$0x17100] =	vst v63  }
0x1ee: {  	s9 =	simm.s32 $0xA700;
	s6 =	sadd.s32 $0x80, s3  }
0x1ef: {  	[hbm4b:s6+s7] =	stream.linear.scatter [tilespmem:s9], [sflag:$0x5], $0x100, $0x38;
	[tilespmem:$0x17100] =	vst v63  }
0x1f0: {  	s12 =	simm.s32 $0xAB00;
	s11 =	sadd.s32 $0x100, s3  }
0x1f1: {  	[hbm4b:s11+s7] =	stream.linear.scatter [tilespmem:s12], [sflag:$0x5], $0x100, $0x38;
	[tilespmem:$0x17100] =	vst v63  }
0x1f2: {  	s14 =	simm.s32 $0xAF00;
	s13 =	sadd.s32 $0x180, s3  }
0x1f3: {  	[hbm4b:s13+s7] =	stream.linear.scatter [tilespmem:s14], [sflag:$0x5], $0x100, $0x38;
	[tilespmem:$0x17100] =	vst v63  }
0x1f4: {  	s16 =	simm.s32 $0xB300;
	s15 =	sadd.s32 $0x200, s3  }
0x1f5: {  	[hbm4b:s15+s7] =	stream.linear.scatter [tilespmem:s16], [sflag:$0x5], $0x100, $0x38;
	[tilespmem:$0x17100] =	vst v63  }
0x1f6: {  	s19 =	simm.s32 $0xB700;
	s17 =	sadd.s32 $0x280, s3  }
0x1f7: {  	[hbm4b:s17+s7] =	stream.linear.scatter [tilespmem:s19], [sflag:$0x5], $0x100, $0x38;
	[tilespmem:$0x17100] =	vst v63  }
0x1f8: {  	s22 =	simm.s32 $0xBB00;
	s21 =	sadd.s32 $0x300, s3  }
0x1f9: {  	[hbm4b:s21+s7] =	stream.linear.scatter [tilespmem:s22], [sflag:$0x5], $0x100, $0x38;
	[tilespmem:$0x17100] =	vst v63  }
0x1fa: {  	s24 =	simm.s32 $0xBF00;
	s23 =	sadd.s32 $0x380, s3  }
0x1fb: {  	[hbm4b:s23+s7] =	stream.linear.scatter [tilespmem:s24], [sflag:$0x5], $0x100, $0x38;
	[tilespmem:$0x17100] =	vst v63  }
0x1fc: {  	s26 =	simm.s32 $0xC300;
	s25 =	sadd.s32 $0x400, s3  }
0x1fd: {  	[hbm4b:s25+s7] =	stream.linear.scatter [tilespmem:s26], [sflag:$0x5], $0x100, $0x38;
	[tilespmem:$0x17100] =	vst v63  }
0x1fe: {  	s29 =	sadd.s32 $0x480, s3;
	s30 =	simm.s32 $0xC700  }
0x1ff: {  	[hbm4b:s29+s7] =	stream.linear.scatter [tilespmem:s30], [sflag:$0x5], $0x100, $0x38;
	[tilespmem:$0x17100] =	vst v63  }
0x200: {  	s6 =	sadd.s32 $0x500, s3;
	s9 =	simm.s32 $0xCB00  }
0x201: {  	[hbm4b:s6+s7] =	stream.linear.scatter [tilespmem:s9], [sflag:$0x5], $0x100, $0x38;
	[tilespmem:$0x17100] =	vst v63  }
0x202: {  	s11 =	sadd.s32 $0x580, s3;
	s12 =	simm.s32 $0xCF00  }
0x203: {  	[hbm4b:s11+s7] =	stream.linear.scatter [tilespmem:s12], [sflag:$0x5], $0x100, $0x38;
	[tilespmem:$0x17100] =	vst v63  }
0x204: {  	s13 =	sadd.s32 $0x600, s3;
	s14 =	simm.s32 $0xD300  }
0x205: {  	[hbm4b:s13+s7] =	stream.linear.scatter [tilespmem:s14], [sflag:$0x5], $0x100, $0x38;
	[tilespmem:$0x17100] =	vst v63  }
0x206: {  	s15 =	sadd.s32 $0x680, s3;
	s16 =	simm.s32 $0xD700  }
0x207: {  	[hbm4b:s15+s7] =	stream.linear.scatter [tilespmem:s16], [sflag:$0x5], $0x100, $0x38;
	[tilespmem:$0x17100] =	vst v63  }
0x208: {  	s17 =	sadd.s32 $0x700, s3;
	s19 =	simm.s32 $0xDB00  }
0x209: {  	[hbm4b:s17+s7] =	stream.linear.scatter [tilespmem:s19], [sflag:$0x5], $0x100, $0x38;
	[tilespmem:$0x17100] =	vst v63  }
0x20a: {  	s1 =	sand.u32 $0xFE7F800, s1;
	s3 =	sadd.s32 $0x780, s3;
	s21 =	simm.s32 $0xDF00  }
0x20b: {  	[hbm4b:s3+s7] =	stream.linear.scatter [tilespmem:s21], [sflag:$0x5], $0x100, $0x38;
	[tilespmem:$0x17100] =	vst v63  }
0x20c: {  	s21 =	sor.u32 $0x180000, s1  }
0x20d: {  	s22 =	simm.s32 $0xA400;
	s1 =	sadd.s32 s21, s2  }
0x20e: {  	[hbm4b:s1+s7] =	stream.linear.scatter [tilespmem:s22], [sflag:$0x5], $0x100, $0x38;
	[tilespmem:$0x17100] =	vst v63  }
0x20f: {  	s24 =	simm.s32 $0xA800;
	s23 =	sadd.s32 $0x80, s1  }
0x210: {  	[hbm4b:s23+s7] =	stream.linear.scatter [tilespmem:s24], [sflag:$0x5], $0x100, $0x38;
	[tilespmem:$0x17100] =	vst v63  }
0x211: {  	s26 =	simm.s32 $0xAC00;
	s25 =	sadd.s32 $0x100, s1  }
0x212: {  	[hbm4b:s25+s7] =	stream.linear.scatter [tilespmem:s26], [sflag:$0x5], $0x100, $0x38;
	[tilespmem:$0x17100] =	vst v63  }
0x213: {  	s30 =	simm.s32 $0xB000;
	s29 =	sadd.s32 $0x180, s1  }
0x214: {  	[hbm4b:s29+s7] =	stream.linear.scatter [tilespmem:s30], [sflag:$0x5], $0x100, $0x38;
	[tilespmem:$0x17100] =	vst v63  }
0x215: {  	s6 =	simm.s32 $0xB400;
	s4 =	sadd.s32 $0x200, s1  }
0x216: {  	[hbm4b:s4+s7] =	stream.linear.scatter [tilespmem:s6], [sflag:$0x5], $0x100, $0x38;
	[tilespmem:$0x17100] =	vst v63  }
0x217: {  	s11 =	simm.s32 $0xB800;
	s9 =	sadd.s32 $0x280, s1  }
0x218: {  	[hbm4b:s9+s7] =	stream.linear.scatter [tilespmem:s11], [sflag:$0x5], $0x100, $0x38;
	[tilespmem:$0x17100] =	vst v63  }
0x219: {  	s13 =	simm.s32 $0xBC00;
	s12 =	sadd.s32 $0x300, s1  }
0x21a: {  	[hbm4b:s12+s7] =	stream.linear.scatter [tilespmem:s13], [sflag:$0x5], $0x100, $0x38;
	[tilespmem:$0x17100] =	vst v63  }
0x21b: {  	s15 =	simm.s32 $0xC000;
	s14 =	sadd.s32 $0x380, s1  }
0x21c: {  	[hbm4b:s14+s7] =	stream.linear.scatter [tilespmem:s15], [sflag:$0x5], $0x100, $0x38;
	[tilespmem:$0x17100] =	vst v63  }
0x21d: {  	s17 =	simm.s32 $0xC400;
	s16 =	sadd.s32 $0x400, s1  }
0x21e: {  	[hbm4b:s16+s7] =	stream.linear.scatter [tilespmem:s17], [sflag:$0x5], $0x100, $0x38;
	[tilespmem:$0x17100] =	vst v63  }
0x21f: {  	s19 =	sadd.s32 $0x480, s1;
	s22 =	simm.s32 $0xC800  }
0x220: {  	[hbm4b:s19+s7] =	stream.linear.scatter [tilespmem:s22], [sflag:$0x5], $0x100, $0x38;
	[tilespmem:$0x17100] =	vst v63  }
0x221: {  	s23 =	sadd.s32 $0x500, s1;
	s24 =	simm.s32 $0xCC00  }
0x222: {  	[hbm4b:s23+s7] =	stream.linear.scatter [tilespmem:s24], [sflag:$0x5], $0x100, $0x38;
	[tilespmem:$0x17100] =	vst v63  }
0x223: {  	s25 =	sadd.s32 $0x580, s1;
	s26 =	simm.s32 $0xD000  }
0x224: {  	[hbm4b:s25+s7] =	stream.linear.scatter [tilespmem:s26], [sflag:$0x5], $0x100, $0x38;
	[tilespmem:$0x17100] =	vst v63  }
0x225: {  	s29 =	sadd.s32 $0x600, s1;
	s30 =	simm.s32 $0xD400  }
0x226: {  	[hbm4b:s29+s7] =	stream.linear.scatter [tilespmem:s30], [sflag:$0x5], $0x100, $0x38;
	[tilespmem:$0x17100] =	vst v63  }
0x227: {  	s4 =	sadd.s32 $0x680, s1;
	s6 =	simm.s32 $0xD800  }
0x228: {  	[hbm4b:s4+s7] =	stream.linear.scatter [tilespmem:s6], [sflag:$0x5], $0x100, $0x38;
	[tilespmem:$0x17100] =	vst v63  }
0x229: {  	s9 =	sadd.s32 $0x700, s1;
	s11 =	simm.s32 $0xDC00  }
0x22a: {  	[hbm4b:s9+s7] =	stream.linear.scatter [tilespmem:s11], [sflag:$0x5], $0x100, $0x38;
	[tilespmem:$0x17100] =	vst v63  }
0x22b: {  	s1 =	sadd.s32 $0x780, s1;
	s12 =	simm.s32 $0xE000  }
0x22c: {  	[hbm4b:s1+s7] =	stream.linear.scatter [tilespmem:s12], [sflag:$0x5], $0x100, $0x38;
	[tilespmem:$0x17100] =	vst v63  }
0x22d: {  	p1 =	seq.s32 s28, $0xF;
	s1 =	rddreg [dreg:$0x14]  }
0x22e: {  	s1 =	sadd.s32 @!p1 $0x2, s1  }
0x22f: {  	s4 =	rddreg [dreg:$0x2];
	s2 =	sshll.u32 @!p1 s1, $0x9;
	s1 =	sshll.u32 @!p1 s1, $0x5  }
0x230: {  	s2 =	sadd.s32 @!p1 s5, s2;
	s3 =	sand.u32 @!p1 $0x40, s1;
	s5 =	simm.s32 @!p1 $0x8100  }
0x231: {  	s1 =	sshrl.u32 @!p1 s1, $0x2;
	s2 =	sand.u32 @!p1 $0xFF800, s2;
	s3 =	sadd.s32 @!p1 s4, s3  }
0x232: {  	s4 =	simm.s32 @!p1 $0x400;
	s2 =	sadd.s32 @!p1 s2, s3;
	s3 =	simm.s32 @!p1 $0x100  }
0x233: {  	[tilespmem:s5], [sflag:$0x3] =	stream.strided.gather @!p1 [hbm4b:s2+s3], $0x1000, s4, s3, $0x38;
	[tilespmem:$0x17100] =	vst v63  }
0x234: {  	v6 =	vld.msk @!p1 [tilespmem:s1+$0x0], $0xff;
	_ =	sdelay $0x4  }
0x235: {  	v7 =	vshll.u32 @!p1 v6, $0x4  }
0x236: {  	v8 =	vlaneseq.u32 @!p1;
	v6 =	vand.u32 @!p1 $0x7, v6;
	v7 =	vand.u32 @!p1 $0xFFFFFF80, v7  }
0x237: {  	v6 =	vor.u32 @!p1 v6, v7;
	v7 =	vand.u32 @!p1 $0x7, v8;
	v8 =	vshrl.u32 @!p1 v8, $0x3  }
0x238: {  	v6 =	vperm.xlane @!p1 v6, v7;
	v7 =	vmul.u32 @!p1 $0x8, v8;
	_ =	sdelay $0x1  }
0x239: {  	v6 =	vadd.s32 @!p1 v7, v6;
	_ =	sdelay $0x3  }
0x23a: {  	vm1 =	vmmov @!p1 $0xffff;
	s1 =	simm.s32 @!p1 $0x0  }
0x23b: {  	[tilespmem:s3], [sflag:$0x1] =	stream.indirect_vreg.gather @!p1 [hbm4b:s8+s1], $0x80, v6, vm1, $0xb8;
	[tilespmem:$0x17100] =	vst v63  }
0x23c: {  	s2 =	simm.s32 @!p1 $0x900  }
0x23d: {  	[tilespmem:s2], [sflag:$0x1] =	stream.indirect_vreg.gather @!p1 [hbm4b:s18+s1], $0x80, v6, vm1, $0xb8;
	[tilespmem:$0x17100] =	vst v63  }
0x23e: {  	s2 =	simm.s32 @!p1 $0x1100  }
0x23f: {  	[tilespmem:s2], [sflag:$0x1] =	stream.indirect_vreg.gather @!p1 [hbm4b:s31+s1], $0x80, v6, vm1, $0xb8;
	[tilespmem:$0x17100] =	vst v63  }
0x240: {  	s3 =	rddreg [dreg:$0xc];
	s2 =	simm.s32 @!p1 $0x1900  }
0x241: {  	[tilespmem:s2], [sflag:$0x1] =	stream.indirect_vreg.gather @!p1 [hbm4b:s3+s1], $0x80, v6, vm1, $0xb8;
	[tilespmem:$0x17100] =	vst v63  }
0x242: {  	s2 =	simm.s32 @!p1 $0x2100;
	s3 =	rddreg [dreg:$0xd]  }
0x243: {  	[tilespmem:s2], [sflag:$0x1] =	stream.indirect_vreg.gather @!p1 [hbm4b:s3+s1], $0x80, v6, vm1, $0xb8;
	[tilespmem:$0x17100] =	vst v63  }
0x244: {  	s2 =	simm.s32 @!p1 $0x2900;
	s3 =	rddreg [dreg:$0xe]  }
0x245: {  	[tilespmem:s2], [sflag:$0x1] =	stream.indirect_vreg.gather @!p1 [hbm4b:s3+s1], $0x80, v6, vm1, $0xb8;
	[tilespmem:$0x17100] =	vst v63  }
0x246: {  	s2 =	simm.s32 @!p1 $0x3100;
	s3 =	rddreg [dreg:$0xf]  }
0x247: {  	[tilespmem:s2], [sflag:$0x1] =	stream.indirect_vreg.gather @!p1 [hbm4b:s3+s1], $0x80, v6, vm1, $0xb8;
	[tilespmem:$0x17100] =	vst v63  }
0x248: {  	s13 =	simm.s32 $0x4;
	s2 =	simm.s32 @!p1 $0x3900;
	s3 =	rddreg [dreg:$0x10]  }
0x249: {  	[tilespmem:s2], [sflag:$0x1] =	stream.indirect_vreg.gather @!p1 [hbm4b:s3+s1], $0x80, v6, vm1, $0xb8;
	[tilespmem:$0x17100] =	vst v63  }
0x24a: {  	_ =	swait.ge [sflag:s13], $0x1000  }
0x24b: {  	[sflag:s13] =	ssyncset.done $0x0  }
0x24c: {  	s14 =	simm.s32 $0x2;
	[sflag:s13] =	ssyncadd.s32 $0xFFFFF000  }
0x24d: {  	_ =	swait.ge [sflag:s14], $0x4000  }
0x24e: {  	[sflag:s14] =	ssyncset.done $0x0  }
0x24f: {  	s1 =	simm.s32 @!p0 $0x6;
	[sflag:s14] =	ssyncadd.s32 $0xFFFFC000  }
0x250: {  	_ =	swait.ge @!p0 [sflag:s1], $0x1000  }
0x251: {  	[sflag:s1] =	ssyncset.done @!p0 $0x0  }
0x252: {  	[sflag:s1] =	ssyncadd.s32 @!p0 $0xFFFFF000  }
0x253: {  	_ =	swait.ge @!p0 [sflag:s1], $0x1000  }
0x254: {  	[sflag:s1] =	ssyncset.done @!p0 $0x0  }
0x255: {  	[sflag:s1] =	ssyncadd.s32 @!p0 $0xFFFFF000  }
0x256: {  	_ =	swait.ge @!p0 [sflag:s1], $0x1000  }
0x257: {  	[sflag:s1] =	ssyncset.done @!p0 $0x0  }
0x258: {  	[sflag:s1] =	ssyncadd.s32 @!p0 $0xFFFFF000  }
0x259: {  	_ =	swait.ge @!p0 [sflag:s1], $0x1000  }
0x25a: {  	[sflag:s1] =	ssyncset.done @!p0 $0x0  }
0x25b: {  	s15 =	simm.s32 $0x4100;
	[sflag:s1] =	ssyncadd.s32 @!p0 $0xFFFFF000  }
0x25c: {  	v6 =	vld [tilespmem:s15+$0x0]  }
0x25d: {  	s16 =	simm.s32 $0x9100;
	v7 =	vld [tilespmem:s15+$0x80]  }
0x25e: {  	v8 =	vld [tilespmem:s16+$0x0]  }
0x25f: {  	v9 =	vld [tilespmem:s15+$0x100]  }
0x260: {  	v10 =	vld [tilespmem:s15+$0x180]  }
0x261: {  	v11 =	vld [tilespmem:s15+$0x200]  }
0x262: {  	s3 =	simm.s32 $0x0;
	v12 =	vld [tilespmem:s16+$0x80]  }
0x263: {  	s17 =	sand.u32 $0x70, s3;
	s18 =	sand.u32 $0x3C00, s3;
	v13 =	vld [tilespmem:s15+$0x280];
	v6 =	vadd.f32 v6, v8  }
0x264: {  	s2 =	sor.u32 s17, s18;
	v14 =	vld [tilespmem:s15+$0x300];
	v7 =	vadd.f32 v7, v8  }
0x265: {  	s19 =	sadd.s32 $0x12100, s2;
	v15 =	vld [tilespmem:s15+$0x380];
	v9 =	vadd.f32 v9, v8;
	[tilespmem:s2+$0x12100] =	vst v6  }
0x266: {  	v8 =	vadd.f32 v10, v8;
	[tilespmem:s19+$0x80] =	vst v7  }
0x267: {  	v10 =	vadd.f32 v11, v12;
	[tilespmem:s19+$0x100] =	vst v9  }
0x268: {  	s23 =	simm.s32 $0x0;
	s22 =	sand.u32 $0x7, s3;
	v11 =	vadd.f32 v13, v12;
	[tilespmem:s19+$0x180] =	vst v8  }
0x269: {  	s4 =	sand.u32 $0xF, s23;
	s24 =	sshll.u32 s22, $0x4;
	v13 =	vadd.f32 v14, v12;
	[tilespmem:s19+$0x200] =	vst v10;
	s2 =	simm.s32 $0x10  }
0x26a: {  	v27 =	vimm.f32 $0.0e+00;
	s26 =	sshll.u32 s4, $0xA;
	s25 =	sadd.s32 $0x0, s24;
	v12 =	vadd.f32 v15, v12;
	[tilespmem:s19+$0x280] =	vst v11;
	s5 =	sand.u32 $0x70, s2  }
0x26b: {  	s29 =	sor.u32 $0x380, s25;
	v14 =	vmul.f32 v6, v6;
	[tilespmem:s19+$0x300] =	vst v13;
	v17 =	vadd.f32 v6, v27;
	s30 =	sor.u32 s5, s26  }
0x26c: {  	s31 =	sshll.u32 s4, $0x8;
	v15 =	vmul.f32 v7, v7;
	v16 =	vmul.f32 v9, v9;
	v6 =	vadd.f32 v7, v27;
	[tilespmem:s29+$0x12100] =	vst v12;
	s6 =	sor.u32 $0x4100, s30  }
0x26d: {  	v22 =	vadd.f32 v9, v27;
	v9 =	vmul.f32 v13, v13;
	v25 =	vmul.f32 v12, v12;
	s1 =	sor.u32 s5, s31;
	v30 =	vld [tilespmem:s6+$0x0]  }
0x26e: {  	v13 =	vadd.f32 v13, v27;
	v19 =	vadd.f32 v14, v27;
	v14 =	vmul.f32 v8, v8;
	s1 =	sadd.s32 $0x9100, s1;
	v29 =	vld [tilespmem:s6+$0x80]  }
0x26f: {  	v18 =	vadd.f32 v15, v27;
	v7 =	vadd.f32 v16, v27;
	v15 =	vmul.f32 v10, v10;
	v20 =	vld [tilespmem:s1+$0x0]  }
0x270: {  	v16 =	vadd.f32 v8, v27;
	v23 =	vadd.f32 v14, v27;
	v14 =	vmul.f32 v11, v11;
	v21 =	vld [tilespmem:s6+$0x100]  }
0x271: {  	v24 =	vadd.f32 v15, v27;
	v15 =	vadd.f32 v10, v27;
	v28 =	vld [tilespmem:s6+$0x180]  }
0x272: {  	v26 =	vld [tilespmem:s6+$0x200];
	v10 =	vadd.f32 v25, v27;
	v8 =	vadd.f32 v14, v27  }
0x273: {  	s4 =	simm.s32 $0x80;
	v25 =	vld [tilespmem:s1+$0x80];
	v14 =	vadd.f32 v9, v27;
	v9 =	vadd.f32 v11, v27  }
0x274: {  	s9 =	simm.s32 $0x2;
	s11 =	simm.s32 $0x3;
	s1 =	sand.u32 $0x3C00, s4;
	v11 =	vadd.f32 v12, v27;
	v27 =	vld [tilespmem:s6+$0x280];
	v12 =	vadd.f32 v30, v20  }
.LBB2_7:
0x275: {  	p0 =	sne.s32 s11, $0x80;
	v30 =	vld [tilespmem:s6+$0x300];
	s1 =	sor.u32 s5, s1;
	v29 =	vadd.f32 v29, v20  }
0x276: {  	v21 =	vadd.f32 v21, v20;
	v31 =	vld [tilespmem:s6+$0x380];
	s6 =	sadd.s32 $0x12100, s1;
	[tilespmem:s1+$0x12100] =	vst v12;
	v17 =	vadd.f32 v12, v17;
	v12 =	vmul.f32 v12, v12  }
0x277: {  	v20 =	vadd.f32 v28, v20;
	[tilespmem:s6+$0x80] =	vst v29;
	v6 =	vadd.f32 v29, v6;
	v29 =	vmul.f32 v29, v29  }
0x278: {  	s3 =	sadd.s32 $0x1, s3;
	v19 =	vadd.f32 v12, v19;
	[tilespmem:s6+$0x100] =	vst v21;
	v12 =	vmul.f32 v21, v21;
	v26 =	vadd.f32 v26, v25  }
0x279: {  	s5 =	sshrl.u32 s9, $0x3;
	s9 =	smov.u32 s11;
	s1 =	sand.u32 $0x7, s3;
	v28 =	vmul.f32 v20, v20;
	v18 =	vadd.f32 v29, v18;
	[tilespmem:s6+$0x180] =	vst v20;
	v27 =	vadd.f32 v27, v25  }
0x27a: {  	s2 =	sadd.s32 $0x10, s2;
	s12 =	sand.u32 $0xF, s5;
	s1 =	sshll.u32 s1, $0x4;
	v7 =	vadd.f32 v12, v7;
	[tilespmem:s6+$0x200] =	vst v26;
	v12 =	vmul.f32 v26, v26;
	v30 =	vadd.f32 v30, v25  }
0x27b: {  	s5 =	sand.u32 $0x70, s2;
	s13 =	sshll.u32 s12, $0xA;
	s1 =	sadd.s32 s1, s4;
	v23 =	vadd.f32 v28, v23;
	[tilespmem:s6+$0x280] =	vst v27;
	v28 =	vmul.f32 v27, v27;
	v25 =	vadd.f32 v31, v25  }
0x27c: {  	v22 =	vadd.f32 v21, v22;
	s1 =	sor.u32 $0x380, s1;
	v24 =	vadd.f32 v12, v24;
	[tilespmem:s6+$0x300] =	vst v30;
	v12 =	vmul.f32 v30, v30;
	s6 =	sor.u32 s5, s13  }
0x27d: {  	v16 =	vadd.f32 v20, v16;
	v8 =	vadd.f32 v28, v8;
	[tilespmem:s1+$0x12100] =	vst v25;
	v20 =	vmul.f32 v25, v25;
	s6 =	sor.u32 $0x4100, s6;
	s1 =	sshll.u32 s12, $0x8  }
0x27e: {  	v15 =	vadd.f32 v26, v15;
	v31 =	vld [tilespmem:s6+$0x0];
	v14 =	vadd.f32 v12, v14;
	s1 =	sor.u32 s5, s1  }
0x27f: {  	v9 =	vadd.f32 v27, v9;
	v29 =	vld [tilespmem:s6+$0x80];
	v10 =	vadd.f32 v20, v10;
	s1 =	sadd.s32 $0x9100, s1  }
0x280: {  	v13 =	vadd.f32 v30, v13;
	v11 =	vadd.f32 v25, v11;
	v20 =	vld [tilespmem:s1+$0x0]  }
.Ltmp4:
0x281: {  	v21 =	vld [tilespmem:s6+$0x100];
	(pc) =	sbr.rel @p0 .LBB2_7-.Ltmp4, $4  }
0x282: {  	v28 =	vld [tilespmem:s6+$0x180]  }
0x283: {  	v26 =	vld [tilespmem:s6+$0x200]  }
0x284: {  	s4 =	sadd.s32 $0x80, s4;
	v25 =	vld [tilespmem:s1+$0x80]  }
0x285: {  	s11 =	sadd.s32 $0x1, s11;
	s1 =	sand.u32 $0x3C00, s4;
	v27 =	vld [tilespmem:s6+$0x280];
	v12 =	vadd.f32 v31, v20  }
0x286: {  	_ = 	snop  }
0x287: {  	v17 =	vadd.f32 v12, v17;
	v30 =	vmul.f32 v12, v12;
	_ =	sdelay $0x1  }
0x288: {  	v19 =	vadd.f32 v30, v19;
	v30 =	vperm.xlane v17, v2;
	_ =	sdelay $0x1  }
0x289: {  	v17 =	vadd.f32 v30, v17;
	v30 =	vperm.xlane v19, v2;
	_ =	sdelay $0x1  }
0x28a: {  	v31 =	vperm.xlane v17, v3;
	v19 =	vadd.f32 v30, v19;
	_ =	sdelay $0x1  }
0x28b: {  	v30 =	vadd.f32 v31, v17;
	v17 =	vperm.xlane v19, v3;
	_ =	sdelay $0x1  }
0x28c: {  	v31 =	vperm.xlane v30, v4;
	v19 =	vadd.f32 v17, v19  }
0x28d: {  	v17 =	vadd.f32 v29, v20  }
0x28e: {  	v29 =	vadd.f32 v31, v30;
	v30 =	vperm.xlane v19, v4  }
0x28f: {  	v6 =	vadd.f32 v17, v6;
	v31 =	vmul.f32 v17, v17  }
0x290: {  	v19 =	vadd.f32 v30, v19  }
0x291: {  	v32 =	vperm.xlane v29, v5;
	v18 =	vadd.f32 v31, v18;
	v30 =	vperm.xlane v6, v2  }
0x292: {  	v31 =	vperm.xlane v19, v5  }
0x293: {  	v29 =	vadd.f32 v32, v29;
	v30 =	vadd.f32 v30, v6;
	v59 =	vperm.xlane v18, v2  }
0x294: {  	v19 =	vadd.f32 v31, v19  }
0x295: {  	v6 =	vmul.f32 $4.882812500e-04, v29;
	v29 =	vperm.xlane v30, v3;
	v18 =	vadd.f32 v59, v18  }
0x296: {  	v21 =	vadd.f32 v21, v20;
	v31 =	vmul.f32 $4.882812500e-04, v19  }
0x297: {  	v60 =	vmul.f32 v6, v6;
	v29 =	vadd.f32 v29, v30;
	v30 =	vperm.xlane v18, v3  }
0x298: {  	v19 =	vadd.f32 v28, v20;
	v20 =	vadd.f32 v26, v25  }
0x299: {  	v28 =	vsub.f32 v31, v60;
	v31 =	vmul.f32 v21, v21;
	v30 =	vadd.f32 v30, v18  }
0x29a: {  	v61 =	vperm.xlane v29, v4;
	v18 =	vadd.f32 v27, v25;
	v16 =	vadd.f32 v19, v16  }
0x29b: {  	v26 =	vmul.f32 v19, v19;
	v15 =	vadd.f32 v20, v15;
	v28 =	vadd.f32 $9.999999970e-07, v28  }
0x29c: {  	v27 =	vadd.f32 v61, v29;
	v29 =	vperm.xlane v30, v4;
	v31 =	vadd.f32 v31, v7  }
0x29d: {  	v7 =	vadd.f32 v21, v22;
	v42 =	vmul.f32 v18, v18;
	v47 =	vperm.xlane v16, v2  }
0x29e: {  	v61 =	vperm.xlane v15, v2;
	v32 =	vperm.xlane v27, v5  }
0x29f: {  	v33 =	vld [tilespmem:s6+$0x300];
	v22 =	vshra.s32 v28, $0x1;
	v29 =	vadd.f32 v29, v30;
	v35 =	vperm.xlane v7, v2  }
0x2a0: {  	v28 =	vmul.f32 $5.000000000e-01, v28;
	v40 =	vperm.xlane v31, v2;
	v27 =	vadd.f32 v32, v27  }
0x2a1: {  	v34 =	vsub.s32 $0x5F3759DF, v22;
	v62 =	vperm.xlane v29, v5;
	v63 =	vadd.f32 v35, v7  }
0x2a2: {  	v26 =	vadd.f32 v26, v23;
	v36 =	vmul.f32 v34, v28;
	v7 =	vmul.f32 $4.882812500e-04, v27  }
0x2a3: {  	v27 =	vadd.f32 v62, v29;
	v23 =	vperm.xlane v63, v3;
	v29 =	vadd.f32 v40, v31  }
0x2a4: {  	v30 =	vmul.f32 v20, v20;
	v16 =	vadd.f32 v47, v16;
	v22 =	vadd.f32 v33, v25  }
0x2a5: {  	v37 =	vld [tilespmem:s6+$0x380];
	v36 =	vmul.f32 v34, v36;
	v33 =	vadd.f32 v23, v63;
	v43 =	vperm.xlane v29, v3  }
0x2a6: {  	v51 =	vadd.f32 v42, v8;
	v27 =	vmul.f32 $4.882812500e-04, v27;
	v41 =	vmul.f32 v7, v7  }
0x2a7: {  	v24 =	vadd.f32 v30, v24;
	v30 =	vperm.xlane v33, v4;
	v29 =	vadd.f32 v43, v29  }
0x2a8: {  	v49 =	vperm.xlane v26, v2;
	v31 =	vsub.f32 $1.500000000e+00, v36;
	v27 =	vsub.f32 v27, v41  }
0x2a9: {  	v53 =	vperm.xlane v16, v3;
	v30 =	vadd.f32 v30, v33;
	v45 =	vperm.xlane v29, v4  }
0x2aa: {  	v23 =	vadd.f32 v37, v25;
	v25 =	vmul.f32 v34, v31;
	v27 =	vadd.f32 $9.999999970e-07, v27  }
0x2ab: {  	v16 =	vadd.f32 v53, v16;
	v48 =	vperm.xlane v30, v5;
	v29 =	vadd.f32 v45, v29  }
0x2ac: {  	v31 =	vmul.f32 v25, v28;
	v46 =	vshra.s32 v27, $0x1;
	v27 =	vmul.f32 $5.000000000e-01, v27  }
0x2ad: {  	v34 =	vsub.s32 $0x5F3759DF, v46;
	v30 =	vadd.f32 v48, v30;
	v50 =	vperm.xlane v29, v5  }
0x2ae: {  	v26 =	vadd.f32 v49, v26;
	v37 =	vperm.xlane v16, v4;
	v52 =	vmul.f32 v34, v27  }
0x2af: {  	v31 =	vmul.f32 v31, v25;
	v8 =	vmul.f32 $4.882812500e-04, v30;
	v29 =	vadd.f32 v50, v29  }
0x2b0: {  	v59 =	vadd.f32 v18, v9;
	v30 =	vperm.xlane v26, v3;
	v35 =	vmul.f32 v34, v52  }
0x2b1: {  	v16 =	vadd.f32 v37, v16;
	v29 =	vmul.f32 $4.882812500e-04, v29;
	v54 =	vmul.f32 v8, v8  }
0x2b2: {  	v41 =	vperm.xlane v51, v2;
	v31 =	vsub.f32 $1.500000000e+00, v31;
	v26 =	vadd.f32 v30, v26  }
0x2b3: {  	v55 =	vperm.xlane v16, v5;
	v35 =	vsub.f32 $1.500000000e+00, v35;
	v29 =	vsub.f32 v29, v54  }
0x2b4: {  	v33 =	vadd.f32 v41, v51;
	v25 =	vmul.f32 v31, v25;
	v31 =	vperm.xlane v26, v4  }
0x2b5: {  	v16 =	vadd.f32 v55, v16;
	v34 =	vmul.f32 v34, v35;
	v29 =	vadd.f32 $9.999999970e-07, v29  }
0x2b6: {  	v45 =	vperm.xlane v33, v3;
	v28 =	vmul.f32 v25, v28;
	v26 =	vadd.f32 v31, v26  }
0x2b7: {  	v31 =	vmul.f32 v34, v27;
	v56 =	vshra.s32 v29, $0x1;
	v29 =	vmul.f32 $5.000000000e-01, v29  }
0x2b8: {  	v28 =	vmul.f32 v28, v25;
	v57 =	vperm.xlane v26, v5;
	v35 =	vsub.s32 $0x5F3759DF, v56  }
0x2b9: {  	v15 =	vadd.f32 v61, v15;
	v31 =	vmul.f32 v31, v34;
	v58 =	vmul.f32 v35, v29  }
0x2ba: {  	v9 =	vmul.f32 $4.882812500e-04, v16;
	v30 =	vmul.f32 v23, v23;
	v26 =	vadd.f32 v57, v26  }
0x2bb: {  	v28 =	vsub.f32 $1.500000000e+00, v28;
	v16 =	vsub.f32 $1.500000000e+00, v31;
	v31 =	vmul.f32 v35, v58  }
0x2bc: {  	v60 =	vmul.f32 v9, v9;
	v30 =	vadd.f32 v30, v10;
	v26 =	vmul.f32 $4.882812500e-04, v26  }
0x2bd: {  	v10 =	vmul.f32 v28, v25;
	v28 =	vperm.xlane v24, v2;
	v25 =	vsub.f32 $1.500000000e+00, v31  }
0x2be: {  	v44 =	vmul.f32 v22, v22;
	v33 =	vadd.f32 v45, v33;
	v26 =	vsub.f32 v26, v60  }
0x2bf: {  	v24 =	vadd.f32 v28, v24;
	v31 =	vperm.xlane v15, v3;
	v25 =	vmul.f32 v35, v25  }
0x2c0: {  	v48 =	vperm.xlane v33, v4;
	v28 =	vadd.f32 v23, v11;
	v26 =	vadd.f32 $9.999999970e-07, v26  }
0x2c1: {  	v16 =	vmul.f32 v16, v34;
	v15 =	vadd.f32 v31, v15;
	v11 =	vmul.f32 v25, v29  }
0x2c2: {  	v31 =	vperm.xlane v24, v3;
	v62 =	vshra.s32 v26, $0x1;
	v26 =	vmul.f32 $5.000000000e-01, v26  }
0x2c3: {  	v13 =	vadd.f32 v22, v13;
	v63 =	vperm.xlane v15, v4;
	v11 =	vmul.f32 v11, v25  }
0x2c4: {  	v24 =	vadd.f32 v31, v24;
	v31 =	vperm.xlane v59, v2;
	v32 =	vsub.s32 $0x5F3759DF, v62  }
0x2c5: {  	v27 =	vmul.f32 v16, v27;
	v40 =	vmul.f32 v32, v26;
	v11 =	vsub.f32 $1.500000000e+00, v11  }
0x2c6: {  	v15 =	vadd.f32 v63, v15;
	v42 =	vperm.xlane v24, v4;
	v31 =	vadd.f32 v31, v59  }
0x2c7: {  	v14 =	vadd.f32 v44, v14;
	v25 =	vmul.f32 v11, v25;
	v11 =	vmul.f32 v32, v40  }
0x2c8: {  	v43 =	vperm.xlane v15, v5;
	v24 =	vadd.f32 v42, v24;
	v44 =	vperm.xlane v31, v3  }
0x2c9: {  	v52 =	vperm.xlane v13, v2;
	v27 =	vmul.f32 v27, v16;
	v11 =	vsub.f32 $1.500000000e+00, v11  }
0x2ca: {  	v15 =	vadd.f32 v43, v15;
	v46 =	vperm.xlane v24, v5;
	v31 =	vadd.f32 v44, v31  }
0x2cb: {  	v29 =	vmul.f32 v25, v29;
	v32 =	vmul.f32 v32, v11  }
0x2cc: {  	v11 =	vmul.f32 $4.882812500e-04, v15;
	v15 =	vadd.f32 v46, v24;
	v24 =	vperm.xlane v31, v4  }
0x2cd: {  	v27 =	vsub.f32 $1.500000000e+00, v27;
	v29 =	vmul.f32 v29, v25;
	v47 =	vmul.f32 v32, v26  }
0x2ce: {  	v49 =	vmul.f32 $4.882812500e-04, v15;
	v50 =	vmul.f32 v11, v11;
	v24 =	vadd.f32 v24, v31  }
0x2cf: {  	v15 =	vmul.f32 v27, v16;
	v27 =	vadd.f32 v48, v33;
	v16 =	vmul.f32 v47, v32  }
0x2d0: {  	v29 =	vsub.f32 $1.500000000e+00, v29;
	v31 =	vsub.f32 v49, v50;
	v51 =	vperm.xlane v24, v5  }
0x2d1: {  	v56 =	vperm.xlane v30, v2;
	v35 =	vperm.xlane v27, v5;
	v34 =	vsub.f32 $1.500000000e+00, v16  }
0x2d2: {  	v16 =	vmul.f32 v29, v25;
	v25 =	vadd.f32 $9.999999970e-07, v31;
	v24 =	vadd.f32 v51, v24  }
0x2d3: {  	v27 =	vadd.f32 v35, v27;
	v29 =	vadd.f32 v52, v13;
	v31 =	vperm.xlane v14, v2  }
0x2d4: {  	v30 =	vadd.f32 v56, v30;
	v13 =	vmul.f32 $4.882812500e-04, v24  }
0x2d5: {  	v24 =	vmul.f32 $4.882812500e-04, v27;
	v27 =	vperm.xlane v29, v3;
	v14 =	vadd.f32 v31, v14  }
0x2d6: {  	v55 =	vperm.xlane v28, v2;
	v53 =	vshra.s32 v25, $0x1;
	v54 =	vmul.f32 v13, v13  }
0x2d7: {  	v25 =	vmul.f32 $5.000000000e-01, v25;
	v27 =	vadd.f32 v27, v29;
	v29 =	vperm.xlane v14, v3  }
0x2d8: {  	v28 =	vadd.f32 v55, v28;
	v31 =	vsub.s32 $0x5F3759DF, v53;
	v24 =	vsub.f32 v24, v54  }
0x2d9: {  	v57 =	vmul.f32 v31, v25;
	v58 =	vperm.xlane v27, v4;
	v14 =	vadd.f32 v29, v14  }
0x2da: {  	v32 =	vmul.f32 v34, v32;
	v29 =	vperm.xlane v28, v3;
	v24 =	vadd.f32 $9.999999970e-07, v24  }
0x2db: {  	v59 =	vmul.f32 v31, v57;
	v27 =	vadd.f32 v58, v27;
	v60 =	vperm.xlane v14, v4  }
0x2dc: {  	v28 =	vadd.f32 v29, v28;
	v29 =	vperm.xlane v30, v3;
	v61 =	vshra.s32 v24, $0x1  }
0x2dd: {  	v24 =	vmul.f32 $5.000000000e-01, v24;
	v62 =	vperm.xlane v27, v5;
	v34 =	vadd.f32 v60, v14  }
0x2de: {  	v14 =	vperm.xlane v28, v4;
	v29 =	vadd.f32 v29, v30;
	v35 =	vsub.s32 $0x5F3759DF, v61  }
0x2df: {  	v30 =	vmul.f32 v35, v24;
	v27 =	vadd.f32 v62, v27;
	v63 =	vperm.xlane v34, v5  }
0x2e0: {  	v33 =	vsub.f32 $1.500000000e+00, v59;
	v28 =	vadd.f32 v14, v28;
	v40 =	vperm.xlane v29, v4  }
0x2e1: {  	s1 =	sor.u32 s5, s1;
	v30 =	vmul.f32 v35, v30;
	v14 =	vmul.f32 $4.882812500e-04, v27;
	v27 =	vadd.f32 v63, v34  }
0x2e2: {  	s2 =	sadd.s32 $0x12100, s1;
	[tilespmem:s1+$0x12100] =	vst v12;
	v31 =	vmul.f32 v31, v33;
	v12 =	vperm.xlane v28, v5;
	v29 =	vadd.f32 v40, v29  }
0x2e3: {  	[tilespmem:s2+$0x80] =	vst v17;
	v17 =	vsub.f32 $1.500000000e+00, v30;
	v27 =	vmul.f32 $4.882812500e-04, v27;
	v30 =	vmul.f32 v14, v14  }
0x2e4: {  	s25 =	sadd.s32 $0x1, s3;
	[tilespmem:s2+$0x100] =	vst v21;
	v21 =	vmul.f32 v32, v26;
	v12 =	vadd.f32 v12, v28;
	v26 =	vperm.xlane v29, v5  }
0x2e5: {  	s1 =	sand.u32 $0x7, s25;
	[tilespmem:s2+$0x180] =	vst v19;
	v19 =	vmul.f32 v31, v25;
	v17 =	vmul.f32 v35, v17;
	v27 =	vsub.f32 v27, v30  }
0x2e6: {  	s26 =	simm.s32 $0x0;
	s1 =	sshll.u32 s1, $0x4;
	[tilespmem:s2+$0x200] =	vst v20;
	v20 =	vmul.f32 v21, v32;
	v12 =	vmul.f32 $4.882812500e-04, v12;
	v21 =	vadd.f32 v26, v29  }
0x2e7: {  	s6 =	sand.u32 $0x60, s26;
	s1 =	sadd.s32 s1, s4;
	[tilespmem:s2+$0x280] =	vst v18;
	v18 =	vmul.f32 v19, v31;
	v19 =	vmul.f32 v17, v24;
	v26 =	vadd.f32 $9.999999970e-07, v27  }
0x2e8: {  	s9 =	sand.u32 $0x3C00, s26;
	s8 =	sor.u32 $0x10, s6;
	s1 =	sor.u32 $0x380, s1;
	[tilespmem:s2+$0x300] =	vst v22;
	v20 =	vsub.f32 $1.500000000e+00, v20;
	v21 =	vmul.f32 $4.882812500e-04, v21;
	v22 =	vmul.f32 v12, v12  }
0x2e9: {  	s3 =	sor.u32 s9, s8;
	[tilespmem:s1+$0x12100] =	vst v23;
	v18 =	vsub.f32 $1.500000000e+00, v18;
	v23 =	vshra.s32 v26, $0x1;
	v26 =	vmul.f32 $5.000000000e-01, v26  }
0x2ea: {  	v19 =	vmul.f32 v19, v17;
	v21 =	vsub.f32 v21, v22;
	v22 =	vld [tilespmem:s3+$0x12100];
	v23 =	vsub.s32 $0x5F3759DF, v23  }
0x2eb: {  	v29 =	vld [tilespmem:s3+$0x12180];
	v27 =	vmul.f32 v18, v31;
	v28 =	vmul.f32 v23, v26  }
0x2ec: {  	s11 =	sand.u32 $0x780, s26;
	v18 =	vmul.f32 v20, v32;
	v19 =	vsub.f32 $1.500000000e+00, v19;
	v20 =	vadd.f32 $9.999999970e-07, v21;
	v21 =	vld [tilespmem:s3+$0x12200]  }
0x2ed: {  	s1 =	sor.u32 s11, s8;
	v41 =	vld [tilespmem:s3+$0x12280];
	v28 =	vmul.f32 v23, v28  }
0x2ee: {  	v31 =	vld [tilespmem:s1+$0x16100];
	v19 =	vmul.f32 v19, v17;
	v17 =	vshra.s32 v20, $0x1;
	v42 =	vmul.f32 $5.000000000e-01, v20  }
0x2ef: {  	v17 =	vsub.s32 $0x5F3759DF, v17;
	v22 =	vsub.f32 v22, v6;
	v20 =	vsub.f32 $1.500000000e+00, v28  }
0x2f0: {  	v30 =	vld [tilespmem:s1+$0x16900];
	v29 =	vsub.f32 v29, v7;
	v28 =	vmul.f32 v17, v42  }
0x2f1: {  	v21 =	vsub.f32 v21, v8;
	v23 =	vmul.f32 v23, v20;
	v20 =	vmul.f32 v22, v10  }
0x2f2: {  	v22 =	vmul.f32 v17, v28;
	v28 =	vmul.f32 v29, v15;
	v29 =	vsub.f32 v41, v9  }
0x2f3: {  	v21 =	vmul.f32 v21, v16;
	v20 =	vmul.f32 v20, v31  }
0x2f4: {  	s24 =	sor.u32 s6, s9;
	v22 =	vsub.f32 $1.500000000e+00, v22;
	v28 =	vmul.f32 v28, v31;
	v29 =	vmul.f32 v29, v18  }
0x2f5: {  	s15 =	simm.s32 $0x20;
	s12 =	sand.u32 $0x3, s26;
	v45 =	vld [tilespmem:s24+$0x12180];
	v25 =	vmul.f32 v27, v25;
	v21 =	vmul.f32 v21, v31;
	v20 =	vadd.f32 v20, v30  }
0x2f6: {  	s17 =	simm.s32 $0x100;
	s16 =	sand.u32 $0x60, s15;
	v44 =	vld [tilespmem:s24+$0x12100];
	s1 =	sshll.u32 s12, $0x5;
	v22 =	vmul.f32 v17, v22;
	v17 =	vadd.f32 v28, v30;
	v28 =	vmul.f32 v29, v31  }
0x2f7: {  	s11 =	sor.u32 $0x10, s16;
	v46 =	vld [tilespmem:s24+$0x12200];
	s12 =	sand.u32 $0x3C00, s17;
	s26 =	sadd.s32 $0x0, s1;
	v25 =	vmul.f32 v25, v27;
	v24 =	vmul.f32 v19, v24;
	[tilespmem:s3+$0xE100] =	vst v20;
	v20 =	vadd.f32 v21, v30  }
0x2f8: {  	v47 =	vld [tilespmem:s24+$0x12280];
	s1 =	sor.u32 s12, s11;
	s5 =	sadd.s32 $0x10, s26;
	v43 =	vmul.f32 v23, v26;
	[tilespmem:s3+$0xE200] =	vst v17;
	v28 =	vadd.f32 v28, v30  }
0x2f9: {  	s13 =	simm.s32 $0x16100;
	v50 =	vld [tilespmem:s1+$0x12180];
	s14 =	sor.u32 $0x300, s5;
	v25 =	vsub.f32 $1.500000000e+00, v25;
	v21 =	vmul.f32 v24, v19;
	v24 =	vmul.f32 v22, v42;
	[tilespmem:s3+$0xE300] =	vst v20  }
0x2fa: {  	v29 =	vmul.f32 v43, v23;
	v17 =	vld [tilespmem:s13+$0x0];
	[tilespmem:s14+$0xE100] =	vst v28  }
0x2fb: {  	v24 =	vmul.f32 v24, v22;
	v20 =	vmul.f32 v25, v27;
	v25 =	vld [tilespmem:s3+$0x12300]  }
0x2fc: {  	v29 =	vsub.f32 $1.500000000e+00, v29;
	v21 =	vsub.f32 $1.500000000e+00, v21;
	v28 =	vld [tilespmem:s3+$0x12380]  }
0x2fd: {  	s9 =	simm.s32 $0x16900;
	v39 =	vld [tilespmem:s1+$0x12280];
	v27 =	vsub.f32 v44, v6;
	v24 =	vsub.f32 $1.500000000e+00, v24  }
0x2fe: {  	v48 =	vsub.f32 v46, v8;
	v23 =	vmul.f32 v29, v23;
	v21 =	vmul.f32 v21, v19;
	v19 =	vld [tilespmem:s9+$0x0]  }
0x2ff: {  	v29 =	vsub.f32 v45, v7;
	v49 =	vmul.f32 v24, v22;
	v22 =	vmul.f32 v27, v10;
	v27 =	vld [tilespmem:s1+$0x12100]  }
0x300: {  	v32 =	vmul.f32 v48, v16;
	v36 =	vsub.f32 v50, v7;
	v25 =	vsub.f32 v25, v11  }
0x301: {  	s4 =	sand.u32 $0x780, s15;
	v38 =	vld [tilespmem:s1+$0x12200];
	v29 =	vmul.f32 v29, v15;
	v22 =	vmul.f32 v22, v17;
	v28 =	vsub.f32 v28, v13  }
0x302: {  	s4 =	sor.u32 s4, s11;
	v51 =	vsub.f32 v39, v9;
	v24 =	vsub.f32 v47, v9;
	v25 =	vmul.f32 v25, v20  }
0x303: {  	v35 =	vld [tilespmem:s4+$0x16100];
	v29 =	vmul.f32 v29, v17;
	v22 =	vadd.f32 v22, v19;
	v28 =	vmul.f32 v28, v21  }
0x304: {  	v32 =	vmul.f32 v32, v17;
	v27 =	vsub.f32 v27, v6;
	v25 =	vmul.f32 v25, v31  }
0x305: {  	v34 =	vld [tilespmem:s4+$0x16900];
	v24 =	vmul.f32 v24, v18;
	v29 =	vadd.f32 v29, v19;
	[tilespmem:s24+$0xE100] =	vst v22;
	v22 =	vmul.f32 v28, v31  }
0x306: {  	v27 =	vmul.f32 v27, v10;
	v28 =	vsub.f32 v38, v8;
	v25 =	vadd.f32 v25, v30  }
0x307: {  	s22 =	sor.u32 s16, s12;
	v24 =	vmul.f32 v24, v17;
	[tilespmem:s24+$0xE200] =	vst v29;
	v29 =	vmul.f32 v36, v15;
	v22 =	vadd.f32 v22, v30  }
0x308: {  	v53 =	vld [tilespmem:s22+$0x12180];
	v32 =	vadd.f32 v32, v19;
	v27 =	vmul.f32 v27, v35;
	v28 =	vmul.f32 v28, v16;
	[tilespmem:s3+$0xE180] =	vst v25  }
0x309: {  	v55 =	vld [tilespmem:s22+$0x12280];
	v26 =	vmul.f32 v23, v26;
	v24 =	vadd.f32 v24, v19;
	v25 =	vmul.f32 v29, v35;
	[tilespmem:s3+$0xE280] =	vst v22  }
0x30a: {  	s18 =	simm.s32 $0x1;
	s6 =	sor.u32 $0x300, s26;
	[tilespmem:s24+$0xE300] =	vst v32;
	v29 =	vmul.f32 v51, v18;
	v22 =	vadd.f32 v27, v34;
	v27 =	vmul.f32 v28, v35;
	v28 =	vld [tilespmem:s14+$0x12100]  }
0x30b: {  	s4 =	sand.u32 $0x3, s18;
	v52 =	vld [tilespmem:s22+$0x12100];
	v26 =	vmul.f32 v26, v23;
	[tilespmem:s6+$0xE100] =	vst v24  }
0x30c: {  	s19 =	sshll.u32 s4, $0x5;
	v33 =	vmul.f32 v49, v42;
	v60 =	vld [tilespmem:s24+$0x12380];
	v24 =	vadd.f32 v25, v34;
	v25 =	vmul.f32 v29, v35  }
0x30d: {  	s23 =	simm.s32 $0x16920;
	s2 =	sadd.s32 $0x100, s19;
	v54 =	vld [tilespmem:s22+$0x12200];
	v26 =	vsub.f32 $1.500000000e+00, v26;
	[tilespmem:s1+$0xE100] =	vst v22;
	v27 =	vadd.f32 v27, v34  }
0x30e: {  	s25 =	simm.s32 $0x16120;
	v57 =	vsub.f32 v53, v7;
	s9 =	sadd.s32 $0x10, s2;
	v29 =	vmul.f32 v33, v49;
	v22 =	vld [tilespmem:s23+$0x0];
	[tilespmem:s1+$0xE200] =	vst v24;
	v56 =	vadd.f32 v25, v34  }
0x30f: {  	s16 =	simm.s32 $0x40;
	s8 =	sor.u32 $0x300, s9;
	v33 =	vsub.f32 v55, v9;
	v24 =	vld [tilespmem:s25+$0x0];
	[tilespmem:s1+$0xE300] =	vst v27;
	v25 =	vmul.f32 v26, v23;
	v28 =	vsub.f32 v28, v14  }
0x310: {  	s13 =	sand.u32 $0x60, s16;
	v32 =	vmul.f32 v57, v15;
	s14 =	simm.s32 $0x200;
	v29 =	vsub.f32 $1.500000000e+00, v29;
	v26 =	vsub.f32 v52, v6;
	v27 =	vld [tilespmem:s24+$0x12300];
	[tilespmem:s8+$0xE100] =	vst v56  }
0x311: {  	s4 =	sand.u32 $0x780, s16;
	s17 =	sor.u32 $0x10, s13;
	s14 =	sand.u32 $0x3C00, s14;
	v62 =	vsub.f32 v60, v13;
	v33 =	vmul.f32 v33, v18;
	v58 =	vld [tilespmem:s1+$0x12300];
	v28 =	vmul.f32 v28, v25  }
0x312: {  	s15 =	sor.u32 s4, s17;
	s4 =	sor.u32 s14, s17;
	v23 =	vmul.f32 v29, v49;
	v29 =	vsub.f32 v54, v8;
	v26 =	vmul.f32 v26, v10;
	v59 =	vld [tilespmem:s1+$0x12380]  }
0x313: {  	v41 =	vld [tilespmem:s4+$0x12180];
	v50 =	vmul.f32 v62, v21;
	v28 =	vmul.f32 v28, v31  }
0x314: {  	v40 =	vld [tilespmem:s4+$0x12100];
	v29 =	vmul.f32 v29, v16;
	v61 =	vmul.f32 v26, v24  }
0x315: {  	v43 =	vld [tilespmem:s4+$0x12280];
	v32 =	vmul.f32 v32, v24;
	v27 =	vsub.f32 v27, v11;
	v28 =	vadd.f32 v28, v30  }
0x316: {  	v42 =	vld [tilespmem:s4+$0x12200];
	v33 =	vmul.f32 v33, v24;
	v29 =	vmul.f32 v29, v24;
	v36 =	vsub.f32 v58, v11  }
0x317: {  	s11 =	sor.u32 $0x380, s5;
	v26 =	vld [tilespmem:s15+$0x16100];
	v39 =	vadd.f32 v61, v22;
	v27 =	vmul.f32 v27, v20;
	v37 =	vsub.f32 v59, v13;
	[tilespmem:s3+$0xE380] =	vst v28  }
0x318: {  	v51 =	vsub.f32 v41, v7;
	v32 =	vadd.f32 v32, v22;
	v36 =	vmul.f32 v36, v20;
	s3 =	sor.u32 s13, s14;
	v63 =	vld [tilespmem:s11+$0x12100]  }
0x319: {  	v29 =	vadd.f32 v29, v22;
	v27 =	vmul.f32 v27, v17;
	[tilespmem:s22+$0xE100] =	vst v39;
	v28 =	vmul.f32 v37, v21;
	v44 =	vld [tilespmem:s3+$0x12100]  }
0x31a: {  	v43 =	vsub.f32 v43, v9;
	v33 =	vadd.f32 v33, v22;
	[tilespmem:s22+$0xE200] =	vst v32;
	v52 =	vld [tilespmem:s3+$0x12180];
	v36 =	vmul.f32 v36, v35  }
0x31b: {  	[tilespmem:s22+$0xE300] =	vst v29;
	s13 =	sor.u32 $0x300, s2;
	v48 =	vadd.f32 v27, v19;
	v27 =	vsub.f32 v40, v6;
	v53 =	vld [tilespmem:s3+$0x12200];
	v49 =	vmul.f32 v28, v35  }
0x31c: {  	v32 =	vmul.f32 v50, v17;
	v29 =	vsub.f32 v42, v8;
	[tilespmem:s13+$0xE100] =	vst v33;
	v28 =	vld [tilespmem:s15+$0x16900];
	v36 =	vadd.f32 v36, v34  }
0x31d: {  	v37 =	vmul.f32 v51, v15;
	v55 =	vld [tilespmem:s3+$0x12280];
	v27 =	vmul.f32 v27, v10;
	[tilespmem:s24+$0xE180] =	vst v48;
	v40 =	vadd.f32 v49, v34  }
0x31e: {  	v57 =	vmul.f32 v43, v18;
	v32 =	vadd.f32 v32, v19;
	v29 =	vmul.f32 v29, v16;
	[tilespmem:s1+$0xE180] =	vst v36  }
0x31f: {  	s19 =	simm.s32 $0x2;
	v56 =	vmul.f32 v37, v26;
	v62 =	vld [tilespmem:s22+$0x12300];
	v45 =	vmul.f32 v27, v26;
	v54 =	vsub.f32 v63, v12;
	[tilespmem:s1+$0xE280] =	vst v40  }
0x320: {  	s30 =	simm.s32 $0x300;
	s23 =	sand.u32 $0x3, s19;
	v37 =	vmul.f32 v57, v26;
	[tilespmem:s24+$0xE280] =	vst v32;
	v60 =	vsub.f32 v44, v6;
	v41 =	vsub.f32 v52, v7;
	v40 =	vld [tilespmem:s8+$0x12100]  }
0x321: {  	s18 =	simm.s32 $0x16140;
	s5 =	sshll.u32 s23, $0x5;
	v59 =	vmul.f32 v29, v26;
	v47 =	vld [tilespmem:s6+$0x12100];
	s6 =	simm.s32 $0x60;
	v42 =	vsub.f32 v53, v8;
	v58 =	vadd.f32 v45, v28  }
0x322: {  	s25 =	simm.s32 $0x16940;
	s12 =	sadd.s32 $0x200, s5;
	v27 =	vld [tilespmem:s18+$0x0];
	s17 =	sand.u32 $0x60, s6;
	v38 =	vsub.f32 v55, v9;
	v33 =	vadd.f32 v56, v28  }
0x323: {  	v29 =	vld [tilespmem:s25+$0x0];
	s25 =	sand.u32 $0x3C00, s30;
	s23 =	sand.u32 $0x780, s6;
	s16 =	sor.u32 $0x10, s17;
	v61 =	vadd.f32 v59, v28;
	v63 =	vadd.f32 v37, v28;
	v36 =	vmul.f32 v54, v23;
	[tilespmem:s4+$0xE100] =	vst v58  }
0x324: {  	s5 =	sadd.s32 $0x10, s12;
	v45 =	vld [tilespmem:s22+$0x12380];
	v39 =	vsub.f32 v62, v11;
	s29 =	sor.u32 s23, s16;
	s23 =	sor.u32 s25, s16;
	v32 =	vmul.f32 v60, v10;
	v41 =	vmul.f32 v41, v15;
	[tilespmem:s4+$0xE200] =	vst v33  }
0x325: {  	s8 =	sor.u32 $0x300, s5;
	v42 =	vmul.f32 v42, v16;
	v48 =	vmul.f32 v38, v18;
	v53 =	vld [tilespmem:s23+$0x12100];
	[tilespmem:s4+$0xE300] =	vst v61;
	v46 =	vsub.f32 v40, v14  }
0x326: {  	v54 =	vld [tilespmem:s23+$0x12180];
	v39 =	vmul.f32 v39, v20;
	v31 =	vmul.f32 v36, v31;
	[tilespmem:s8+$0xE100] =	vst v63  }
0x327: {  	v32 =	vmul.f32 v32, v27;
	v49 =	vld [tilespmem:s4+$0x12300];
	v36 =	vmul.f32 v46, v25  }
0x328: {  	v50 =	vmul.f32 v42, v27;
	v51 =	vld [tilespmem:s4+$0x12380];
	v39 =	vmul.f32 v39, v24;
	v31 =	vadd.f32 v31, v30  }
0x329: {  	v60 =	vld [tilespmem:s23+$0x12280];
	v32 =	vadd.f32 v32, v29;
	v37 =	vsub.f32 v45, v13;
	v36 =	vmul.f32 v36, v35  }
0x32a: {  	v30 =	vmul.f32 v41, v27;
	v40 =	vsub.f32 v47, v14;
	v41 =	vadd.f32 v50, v29  }
0x32b: {  	v58 =	vadd.f32 v39, v22;
	v36 =	vadd.f32 v36, v34  }
0x32c: {  	v33 =	vmul.f32 v48, v27;
	v48 =	vsub.f32 v53, v6;
	v46 =	vld [tilespmem:s23+$0x12200];
	v38 =	vsub.f32 v49, v11  }
0x32d: {  	s18 =	sor.u32 $0x380, s9;
	v50 =	vsub.f32 v54, v7;
	v42 =	vsub.f32 v51, v13;
	[tilespmem:s1+$0xE380] =	vst v36  }
0x32e: {  	v39 =	vsub.f32 v60, v9;
	v37 =	vmul.f32 v37, v21;
	[tilespmem:s11+$0xE100] =	vst v31;
	v56 =	vmul.f32 v38, v20;
	v57 =	vld [tilespmem:s18+$0x12100]  }
0x32f: {  	s25 =	sor.u32 s17, s25;
	v52 =	vadd.f32 v30, v29;
	v30 =	vld [tilespmem:s29+$0x16100];
	v40 =	vmul.f32 v40, v25;
	[tilespmem:s3+$0xE100] =	vst v32;
	v61 =	vmul.f32 v42, v21  }
0x330: {  	v63 =	vld [tilespmem:s25+$0x12100];
	v31 =	vadd.f32 v33, v29;
	[tilespmem:s3+$0xE300] =	vst v41;
	v54 =	vmul.f32 v50, v15;
	v36 =	vmul.f32 v56, v26  }
0x331: {  	v32 =	vld [tilespmem:s29+$0x16900];
	v59 =	vmul.f32 v40, v17;
	[tilespmem:s3+$0xE200] =	vst v52;
	v52 =	vsub.f32 v46, v8;
	v40 =	vmul.f32 v61, v26  }
0x332: {  	v53 =	vld [tilespmem:s25+$0x12200];
	[tilespmem:s22+$0xE180] =	vst v58;
	v39 =	vmul.f32 v39, v18;
	v55 =	vmul.f32 v37, v24;
	s1 =	sor.u32 $0x300, s12;
	v36 =	vadd.f32 v36, v28  }
0x333: {  	v51 =	vld [tilespmem:s25+$0x12180];
	[tilespmem:s1+$0xE100] =	vst v31;
	v47 =	vmul.f32 v52, v16;
	v40 =	vadd.f32 v40, v28;
	v37 =	vsub.f32 v57, v12  }
0x334: {  	s31 =	simm.s32 $0x16160;
	v62 =	vadd.f32 v55, v22;
	v55 =	vld [tilespmem:s25+$0x12280];
	v38 =	vmul.f32 v54, v30;
	v31 =	vmul.f32 v48, v10;
	[tilespmem:s4+$0xE180] =	vst v36  }
0x335: {  	v33 =	vld [tilespmem:s31+$0x0];
	v49 =	vadd.f32 v59, v19;
	v58 =	vmul.f32 v47, v30;
	[tilespmem:s4+$0xE280] =	vst v40;
	v37 =	vmul.f32 v37, v23  }
0x336: {  	s11 =	simm.s32 $0x3;
	v56 =	vsub.f32 v63, v6;
	[tilespmem:s22+$0xE280] =	vst v62;
	v61 =	vadd.f32 v38, v32;
	v31 =	vmul.f32 v31, v30;
	v59 =	vld [tilespmem:s8+$0x12100]  }
0x337: {  	s19 =	simm.s32 $0x16960;
	[tilespmem:s24+$0xE380] =	vst v49;
	s24 =	sand.u32 $0x3, s11;
	v62 =	vsub.f32 v53, v8;
	v38 =	vld [tilespmem:s3+$0x12300];
	v42 =	vadd.f32 v58, v32;
	v35 =	vmul.f32 v37, v35  }
0x338: {  	s26 =	sor.u32 $0x380, s26;
	v39 =	vmul.f32 v39, v30;
	v60 =	vsub.f32 v51, v7;
	s9 =	sshll.u32 s24, $0x5;
	[tilespmem:s23+$0xE200] =	vst v61;
	v57 =	vadd.f32 v31, v32;
	v31 =	vld [tilespmem:s19+$0x0]  }
0x339: {  	s2 =	sor.u32 $0x380, s2;
	s14 =	simm.s32 $0x16980;
	s9 =	sadd.s32 $0x300, s9;
	v63 =	vmul.f32 v56, v10;
	v44 =	vsub.f32 v55, v9;
	[tilespmem:s23+$0xE300] =	vst v42;
	v37 =	vld [tilespmem:s3+$0x12380];
	v48 =	vadd.f32 v35, v34  }
0x33a: {  	s24 =	sor.u32 $0x380, s12;
	s12 =	simm.s32 $0x6;
	v43 =	vadd.f32 v39, v32;
	s15 =	sadd.s32 $0x10, s9;
	v36 =	vmul.f32 v60, v15;
	v40 =	vmul.f32 v62, v16;
	[tilespmem:s23+$0xE100] =	vst v57;
	v35 =	vld [tilespmem:s13+$0x12100]  }
0x33b: {  	s29 =	sor.u32 $0x300, s9;
	s9 =	sor.u32 $0x380, s9;
	v41 =	vmul.f32 v44, v18;
	v42 =	vmul.f32 v63, v33;
	v39 =	vsub.f32 v59, v14;
	v34 =	vld [tilespmem:s26+$0x12100];
	s13 =	sor.u32 $0x300, s15;
	[tilespmem:s18+$0xE100] =	vst v48  }
.LBB2_9:
0x33c: {  	v44 =	vmul.f32 v36, v33;
	v40 =	vmul.f32 v40, v33;
	v38 =	vsub.f32 v38, v11  }
0x33d: {  	[tilespmem:s13+$0xE100] =	vst v43;
	s6 =	sadd.s32 $0x20, s6;
	v36 =	vmovc v29;
	v29 =	vmovc v31;
	v31 =	vld [tilespmem:s14+$0x0];
	v43 =	vmov v27;
	v27 =	vmov v33;
	v45 =	vmov v26  }
0x33e: {  	s31 =	sadd.s32 $0x20, s31;
	v26 =	vmovc v30;
	s16 =	sand.u32 $0x60, s6;
	v42 =	vadd.f32 v42, v29;
	v41 =	vmul.f32 v41, v27;
	v46 =	vld [tilespmem:s23+$0x12300];
	v39 =	vmul.f32 v39, v25  }
0x33f: {  	s30 =	sadd.s32 $0x100, s30;
	v48 =	vmovc v28;
	s8 =	sand.u32 $0x780, s6;
	s17 =	sor.u32 $0x10, s16;
	v44 =	vadd.f32 v44, v29;
	v40 =	vadd.f32 v40, v29;
	v47 =	vld [tilespmem:s23+$0x12380];
	v38 =	vmul.f32 v38, v20  }
0x340: {  	s18 =	sand.u32 $0x3C00, s30;
	v33 =	vld [tilespmem:s31+$0x0];
	s8 =	sor.u32 s8, s17;
	[tilespmem:s25+$0xE100] =	vst v42;
	v41 =	vadd.f32 v41, v29;
	v42 =	vsub.f32 v37, v13;
	v37 =	vmul.f32 v39, v45  }
0x341: {  	v35 =	vsub.f32 v35, v14;
	s19 =	sor.u32 s16, s18;
	v34 =	vsub.f32 v34, v12;
	s17 =	sor.u32 s18, s17;
	v30 =	vld [tilespmem:s8+$0x16100];
	[tilespmem:s25+$0xE200] =	vst v44;
	v38 =	vmul.f32 v38, v43  }
0x342: {  	v28 =	vmov v32;
	v39 =	vld [tilespmem:s17+$0x12100];
	[tilespmem:s25+$0xE300] =	vst v40;
	v40 =	vmul.f32 v42, v21;
	v37 =	vadd.f32 v37, v48  }
0x343: {  	v35 =	vmul.f32 v35, v25;
	v42 =	vld [tilespmem:s17+$0x12180];
	[tilespmem:s29+$0xE100] =	vst v41;
	v32 =	vsub.f32 v46, v11;
	v38 =	vadd.f32 v38, v36  }
0x344: {  	s12 =	sadd.s32 $0x2, s12;
	s16 =	sor.u32 $0x380, s5;
	v34 =	vmul.f32 v34, v23;
	v41 =	vld [tilespmem:s17+$0x12200];
	v44 =	vsub.f32 v47, v13;
	v40 =	vmul.f32 v40, v43;
	[tilespmem:s4+$0xE380] =	vst v37;
	s4 =	smov.u32 s23  }
0x345: {  	p0 =	slt.u32 s12, $0x7E;
	s5 =	smov.u32 s15;
	v35 =	vmul.f32 v35, v24;
	s23 =	smov.u32 s17;
	v32 =	vmul.f32 v32, v20;
	[tilespmem:s3+$0xE180] =	vst v38;
	v37 =	vld [tilespmem:s16+$0x12100]  }
0x346: {  	v34 =	vmul.f32 v34, v17;
	v17 =	vmovc v24;
	v38 =	vld [tilespmem:s23+$0x12280];
	v44 =	vmul.f32 v44, v21;
	v40 =	vadd.f32 v40, v36  }
0x347: {  	v24 =	vmovc v43;
	v35 =	vadd.f32 v35, v22;
	v46 =	vld [tilespmem:s19+$0x12100];
	v39 =	vsub.f32 v39, v6;
	v47 =	vmul.f32 v32, v26  }
0x348: {  	v19 =	vadd.f32 v34, v19;
	v32 =	vld [tilespmem:s8+$0x16900];
	v42 =	vsub.f32 v42, v7;
	v43 =	vmul.f32 v44, v26;
	[tilespmem:s3+$0xE280] =	vst v40  }
0x349: {  	v34 =	vld [tilespmem:s19+$0x12180];
	v39 =	vmul.f32 v39, v10;
	v40 =	vsub.f32 v41, v8;
	v41 =	vadd.f32 v47, v28;
	[tilespmem:s22+$0xE380] =	vst v35;
	s22 =	smov.u32 s3;
	s3 =	smov.u32 s25;
	s25 =	smov.u32 s19  }
0x34a: {  	v35 =	vld [tilespmem:s25+$0x12200];
	v42 =	vmul.f32 v42, v15;
	v43 =	vadd.f32 v43, v28;
	v37 =	vsub.f32 v37, v12;
	[tilespmem:s26+$0xE100] =	vst v19;
	s26 =	smov.u32 s2;
	s2 =	smov.u32 s24;
	s24 =	smov.u32 s9  }
0x34b: {  	v44 =	vld [tilespmem:s25+$0x12280];
	v49 =	vmul.f32 v39, v30;
	v39 =	vmul.f32 v40, v16;
	v40 =	vsub.f32 v38, v9;
	[tilespmem:s4+$0xE180] =	vst v41  }
0x34c: {  	v41 =	vsub.f32 v46, v6;
	v42 =	vmul.f32 v42, v30;
	v38 =	vld [tilespmem:s3+$0x12300];
	[tilespmem:s4+$0xE280] =	vst v43;
	v43 =	vmul.f32 v37, v23  }
0x34d: {  	s11 =	sadd.s32 $0x1, s11;
	v19 =	vmovc v22;
	v46 =	vadd.f32 v49, v32;
	v39 =	vmul.f32 v39, v30;
	v40 =	vmul.f32 v40, v18;
	v47 =	vld [tilespmem:s13+$0x12100]  }
.Ltmp5:
0x34e: {  	s8 =	sand.u32 $0x3, s11;
	v22 =	vmovc v36;
	v49 =	vsub.f32 v34, v7;
	v34 =	vadd.f32 v42, v32;
	v37 =	vld [tilespmem:s3+$0x12380];
	v42 =	vmul.f32 v43, v45;
	(pc) =	sbr.rel @p0 .LBB2_9-.Ltmp5, $4  }
0x34f: {  	s8 =	sshll.u32 s8, $0x5;
	v43 =	vsub.f32 v35, v8;
	[tilespmem:s23+$0xE100] =	vst v46;
	v39 =	vadd.f32 v39, v32;
	v45 =	vmul.f32 v40, v30;
	v35 =	vld [tilespmem:s1+$0x12100];
	s1 =	smov.u32 s29  }
0x350: {  	s8 =	sadd.s32 s8, s30;
	v41 =	vmul.f32 v41, v10;
	v44 =	vsub.f32 v44, v9;
	[tilespmem:s23+$0xE200] =	vst v34;
	v46 =	vadd.f32 v42, v48;
	v34 =	vld [tilespmem:s26+$0x12100]  }
0x351: {  	s9 =	sor.u32 $0x380, s8;
	s15 =	sadd.s32 $0x10, s8;
	s29 =	sor.u32 $0x300, s8;
	v36 =	vmul.f32 v49, v15;
	v40 =	vmul.f32 v43, v16;
	[tilespmem:s23+$0xE300] =	vst v39;
	v43 =	vadd.f32 v45, v32  }
0x352: {  	s14 =	sadd.s32 $0x20, s14;
	s13 =	sor.u32 $0x300, s15;
	v42 =	vmul.f32 v41, v33;
	v41 =	vmul.f32 v44, v18;
	v39 =	vsub.f32 v47, v14;
	[tilespmem:s16+$0xE100] =	vst v46  }
0x353: {  	v6 =	vmul.f32 v36, v33  }
0x354: {  	v7 =	vmul.f32 v40, v33;
	v8 =	vadd.f32 v42, v31  }
0x355: {  	[tilespmem:s13+$0xE100] =	vst v43;
	v9 =	vmul.f32 v41, v33;
	v6 =	vadd.f32 v6, v31  }
0x356: {  	v7 =	vadd.f32 v7, v31;
	[tilespmem:s25+$0xE100] =	vst v8  }
0x357: {  	v52 =	vadd.f32 v9, v31;
	[tilespmem:s25+$0xE200] =	vst v6  }
0x358: {  	v6 =	vld [tilespmem:s23+$0x12300];
	[tilespmem:s25+$0xE300] =	vst v7  }
0x359: {  	v7 =	vld [tilespmem:s23+$0x12380];
	[tilespmem:s29+$0xE100] =	vst v52  }
0x35a: {  	v8 =	vld [tilespmem:s25+$0x12300]  }
0x35b: {  	v53 =	vsub.f32 v38, v11;
	v10 =	vld [tilespmem:s25+$0x12380]  }
0x35c: {  	v15 =	vsub.f32 v37, v13  }
0x35d: {  	v9 =	vmul.f32 v53, v20;
	v6 =	vsub.f32 v6, v11  }
0x35e: {  	v15 =	vmul.f32 v15, v21;
	v7 =	vsub.f32 v7, v13  }
0x35f: {  	v9 =	vmul.f32 v9, v27;
	v6 =	vmul.f32 v6, v20;
	v8 =	vsub.f32 v8, v11  }
0x360: {  	v54 =	vmul.f32 v15, v27;
	v7 =	vmul.f32 v7, v21;
	v10 =	vsub.f32 v10, v13  }
0x361: {  	v9 =	vadd.f32 v9, v29;
	v6 =	vmul.f32 v6, v30;
	v8 =	vmul.f32 v8, v20  }
0x362: {  	v11 =	vadd.f32 v54, v29;
	v7 =	vmul.f32 v7, v30;
	v10 =	vmul.f32 v10, v21  }
0x363: {  	[tilespmem:s3+$0xE180] =	vst v9;
	v6 =	vadd.f32 v6, v32;
	v8 =	vmul.f32 v8, v33  }
0x364: {  	[tilespmem:s3+$0xE280] =	vst v11;
	v7 =	vadd.f32 v7, v32;
	v55 =	vmul.f32 v10, v33  }
0x365: {  	[tilespmem:s23+$0xE180] =	vst v6;
	v6 =	vadd.f32 v8, v31  }
0x366: {  	[tilespmem:s23+$0xE280] =	vst v7;
	v7 =	vadd.f32 v55, v31  }
0x367: {  	v56 =	vld [tilespmem:s13+$0x12100];
	[tilespmem:s25+$0xE180] =	vst v6  }
0x368: {  	v6 =	vld [tilespmem:s1+$0x12100];
	[tilespmem:s25+$0xE280] =	vst v7  }
0x369: {  	v7 =	vld [tilespmem:s29+$0x12100];
	_ =	sdelay $0x1  }
0x36a: {  	v57 =	vsub.f32 v35, v14  }
0x36b: {  	v58 =	vmul.f32 v39, v25;
	v8 =	vsub.f32 v56, v14  }
0x36c: {  	v9 =	vmul.f32 v57, v25;
	v6 =	vsub.f32 v6, v14  }
0x36d: {  	v10 =	vmul.f32 v58, v26;
	v8 =	vmul.f32 v8, v25;
	v7 =	vsub.f32 v7, v14  }
0x36e: {  	v9 =	vmul.f32 v9, v24;
	v6 =	vmul.f32 v6, v25  }
0x36f: {  	v10 =	vadd.f32 v10, v28;
	v8 =	vmul.f32 v8, v30;
	v7 =	vmul.f32 v7, v25  }
0x370: {  	v9 =	vadd.f32 v9, v22;
	v6 =	vmul.f32 v6, v27  }
0x371: {  	s19 =	sor.u32 $0x380, s5;
	[tilespmem:s4+$0xE380] =	vst v10;
	v8 =	vadd.f32 v8, v32;
	v7 =	vmul.f32 v7, v33  }
0x372: {  	[tilespmem:s22+$0xE380] =	vst v9;
	v59 =	vld [tilespmem:s19+$0x12100];
	v6 =	vadd.f32 v6, v29  }
0x373: {  	s22 =	sor.u32 $0x380, s15;
	v60 =	vld [tilespmem:s2+$0x12100];
	[tilespmem:s23+$0xE380] =	vst v8;
	v7 =	vadd.f32 v7, v31  }
0x374: {  	[tilespmem:s3+$0xE380] =	vst v6;
	v6 =	vld [tilespmem:s22+$0x12100]  }
0x375: {  	[tilespmem:s25+$0xE380] =	vst v7;
	v7 =	vld [tilespmem:s24+$0x12100]  }
0x376: {  	v61 =	vsub.f32 v34, v12;
	v62 =	vld [tilespmem:s9+$0x12100]  }
0x377: {  	v9 =	vsub.f32 v59, v12  }
0x378: {  	v10 =	vmul.f32 v61, v23;
	v8 =	vsub.f32 v60, v12  }
0x379: {  	v9 =	vmul.f32 v9, v23;
	v6 =	vsub.f32 v6, v12  }
0x37a: {  	v10 =	vmul.f32 v10, v17;
	v8 =	vmul.f32 v8, v23;
	v7 =	vsub.f32 v7, v12  }
0x37b: {  	v9 =	vmul.f32 v9, v26;
	v6 =	vmul.f32 v6, v23;
	v11 =	vsub.f32 v62, v12  }
0x37c: {  	v10 =	vadd.f32 v10, v19;
	v8 =	vmul.f32 v8, v24;
	v7 =	vmul.f32 v7, v23  }
0x37d: {  	v9 =	vadd.f32 v9, v28;
	v6 =	vmul.f32 v6, v30;
	v11 =	vmul.f32 v11, v23  }
0x37e: {  	[tilespmem:s26+$0xE100] =	vst v10;
	v8 =	vadd.f32 v8, v22;
	v7 =	vmul.f32 v7, v27  }
0x37f: {  	[tilespmem:s19+$0xE100] =	vst v9;
	v6 =	vadd.f32 v6, v32;
	v63 =	vmul.f32 v11, v33  }
0x380: {  	[tilespmem:s2+$0xE100] =	vst v8;
	v7 =	vadd.f32 v7, v29  }
0x381: {  	[tilespmem:s22+$0xE100] =	vst v6;
	v6 =	vadd.f32 v63, v31  }
0x382: {  	s17 =	rddreg [dreg:$0x5];
	[tilespmem:s24+$0xE100] =	vst v7  }
0x383: {  	s23 =	sadd.s32 s10, s17;
	[tilespmem:s9+$0xE100] =	vst v6  }
0x384: {  	s1 =	sadd.s32 $0x20, s23;
	s2 =	rddreg [dreg:$0x15]  }
0x385: {  	s25 =	simm.s32 $0xE100;
	s2 =	sadd.s32 s2, s1  }
0x386: {  	[hbm4b:s2+s7] =	stream.linear.scatter [tilespmem:s25], [sflag:$0x6], $0x100, $0x38;
	[tilespmem:$0x17100] =	vst v63  }
0x387: {  	s29 =	simm.s32 $0xE500;
	s26 =	sadd.s32 $0x80, s2  }
0x388: {  	[hbm4b:s26+s7] =	stream.linear.scatter [tilespmem:s29], [sflag:$0x6], $0x100, $0x38;
	[tilespmem:$0x17100] =	vst v63  }
0x389: {  	s31 =	simm.s32 $0xE900;
	s30 =	sadd.s32 $0x100, s2  }
0x38a: {  	[hbm4b:s30+s7] =	stream.linear.scatter [tilespmem:s31], [sflag:$0x6], $0x100, $0x38;
	[tilespmem:$0x17100] =	vst v63  }
0x38b: {  	s5 =	simm.s32 $0xED00;
	s4 =	sadd.s32 $0x180, s2  }
0x38c: {  	[hbm4b:s4+s7] =	stream.linear.scatter [tilespmem:s5], [sflag:$0x6], $0x100, $0x38;
	[tilespmem:$0x17100] =	vst v63  }
0x38d: {  	s8 =	simm.s32 $0xF100;
	s6 =	sadd.s32 $0x200, s2  }
0x38e: {  	[hbm4b:s6+s7] =	stream.linear.scatter [tilespmem:s8], [sflag:$0x6], $0x100, $0x38;
	[tilespmem:$0x17100] =	vst v63  }
0x38f: {  	s10 =	simm.s32 $0xF500;
	s9 =	sadd.s32 $0x280, s2  }
0x390: {  	[hbm4b:s9+s7] =	stream.linear.scatter [tilespmem:s10], [sflag:$0x6], $0x100, $0x38;
	[tilespmem:$0x17100] =	vst v63  }
0x391: {  	s12 =	simm.s32 $0xF900;
	s11 =	sadd.s32 $0x300, s2  }
0x392: {  	[hbm4b:s11+s7] =	stream.linear.scatter [tilespmem:s12], [sflag:$0x6], $0x100, $0x38;
	[tilespmem:$0x17100] =	vst v63  }
0x393: {  	s14 =	simm.s32 $0xFD00;
	s13 =	sadd.s32 $0x380, s2  }
0x394: {  	[hbm4b:s13+s7] =	stream.linear.scatter [tilespmem:s14], [sflag:$0x6], $0x100, $0x38;
	[tilespmem:$0x17100] =	vst v63  }
0x395: {  	s16 =	simm.s32 $0x10100;
	s15 =	sadd.s32 $0x400, s2  }
0x396: {  	[hbm4b:s15+s7] =	stream.linear.scatter [tilespmem:s16], [sflag:$0x6], $0x100, $0x38;
	[tilespmem:$0x17100] =	vst v63  }
0x397: {  	s19 =	simm.s32 $0x10500;
	s18 =	sadd.s32 $0x480, s2  }
0x398: {  	[hbm4b:s18+s7] =	stream.linear.scatter [tilespmem:s19], [sflag:$0x6], $0x100, $0x38;
	[tilespmem:$0x17100] =	vst v63  }
0x399: {  	s23 =	simm.s32 $0x10900;
	s22 =	sadd.s32 $0x500, s2  }
0x39a: {  	[hbm4b:s22+s7] =	stream.linear.scatter [tilespmem:s23], [sflag:$0x6], $0x100, $0x38;
	[tilespmem:$0x17100] =	vst v63  }
0x39b: {  	s24 =	sadd.s32 $0x580, s2;
	s25 =	simm.s32 $0x10D00  }
0x39c: {  	[hbm4b:s24+s7] =	stream.linear.scatter [tilespmem:s25], [sflag:$0x6], $0x100, $0x38;
	[tilespmem:$0x17100] =	vst v63  }
0x39d: {  	s26 =	sadd.s32 $0x600, s2;
	s29 =	simm.s32 $0x11100  }
0x39e: {  	[hbm4b:s26+s7] =	stream.linear.scatter [tilespmem:s29], [sflag:$0x6], $0x100, $0x38;
	[tilespmem:$0x17100] =	vst v63  }
0x39f: {  	s30 =	sadd.s32 $0x680, s2;
	s31 =	simm.s32 $0x11500  }
0x3a0: {  	[hbm4b:s30+s7] =	stream.linear.scatter [tilespmem:s31], [sflag:$0x6], $0x100, $0x38;
	[tilespmem:$0x17100] =	vst v63  }
0x3a1: {  	s5 =	sadd.s32 $0x700, s2;
	s6 =	simm.s32 $0x11900  }
0x3a2: {  	[hbm4b:s5+s7] =	stream.linear.scatter [tilespmem:s6], [sflag:$0x6], $0x100, $0x38;
	[tilespmem:$0x17100] =	vst v63  }
0x3a3: {  	s2 =	sadd.s32 $0x780, s2;
	s8 =	simm.s32 $0x11D00  }
0x3a4: {  	[hbm4b:s2+s7] =	stream.linear.scatter [tilespmem:s8], [sflag:$0x6], $0x100, $0x38;
	[tilespmem:$0x17100] =	vst v63  }
0x3a5: {  	s9 =	simm.s32 $0xE200;
	s2 =	sadd.s32 s20, s1  }
0x3a6: {  	[hbm4b:s2+s7] =	stream.linear.scatter [tilespmem:s9], [sflag:$0x6], $0x100, $0x38;
	[tilespmem:$0x17100] =	vst v63  }
0x3a7: {  	s11 =	simm.s32 $0xE600;
	s10 =	sadd.s32 $0x80, s2  }
0x3a8: {  	[hbm4b:s10+s7] =	stream.linear.scatter [tilespmem:s11], [sflag:$0x6], $0x100, $0x38;
	[tilespmem:$0x17100] =	vst v63  }
0x3a9: {  	s13 =	simm.s32 $0xEA00;
	s12 =	sadd.s32 $0x100, s2  }
0x3aa: {  	[hbm4b:s12+s7] =	stream.linear.scatter [tilespmem:s13], [sflag:$0x6], $0x100, $0x38;
	[tilespmem:$0x17100] =	vst v63  }
0x3ab: {  	s15 =	simm.s32 $0xEE00;
	s14 =	sadd.s32 $0x180, s2  }
0x3ac: {  	[hbm4b:s14+s7] =	stream.linear.scatter [tilespmem:s15], [sflag:$0x6], $0x100, $0x38;
	[tilespmem:$0x17100] =	vst v63  }
0x3ad: {  	s18 =	simm.s32 $0xF200;
	s16 =	sadd.s32 $0x200, s2  }
0x3ae: {  	[hbm4b:s16+s7] =	stream.linear.scatter [tilespmem:s18], [sflag:$0x6], $0x100, $0x38;
	[tilespmem:$0x17100] =	vst v63  }
0x3af: {  	s20 =	simm.s32 $0xF600;
	s19 =	sadd.s32 $0x280, s2  }
0x3b0: {  	[hbm4b:s19+s7] =	stream.linear.scatter [tilespmem:s20], [sflag:$0x6], $0x100, $0x38;
	[tilespmem:$0x17100] =	vst v63  }
0x3b1: {  	s23 =	simm.s32 $0xFA00;
	s22 =	sadd.s32 $0x300, s2  }
0x3b2: {  	[hbm4b:s22+s7] =	stream.linear.scatter [tilespmem:s23], [sflag:$0x6], $0x100, $0x38;
	[tilespmem:$0x17100] =	vst v63  }
0x3b3: {  	s25 =	simm.s32 $0xFE00;
	s24 =	sadd.s32 $0x380, s2  }
0x3b4: {  	[hbm4b:s24+s7] =	stream.linear.scatter [tilespmem:s25], [sflag:$0x6], $0x100, $0x38;
	[tilespmem:$0x17100] =	vst v63  }
0x3b5: {  	s29 =	simm.s32 $0x10200;
	s26 =	sadd.s32 $0x400, s2  }
0x3b6: {  	[hbm4b:s26+s7] =	stream.linear.scatter [tilespmem:s29], [sflag:$0x6], $0x100, $0x38;
	[tilespmem:$0x17100] =	vst v63  }
0x3b7: {  	s31 =	simm.s32 $0x10600;
	s30 =	sadd.s32 $0x480, s2  }
0x3b8: {  	[hbm4b:s30+s7] =	stream.linear.scatter [tilespmem:s31], [sflag:$0x6], $0x100, $0x38;
	[tilespmem:$0x17100] =	vst v63  }
0x3b9: {  	s6 =	simm.s32 $0x10A00;
	s5 =	sadd.s32 $0x500, s2  }
0x3ba: {  	[hbm4b:s5+s7] =	stream.linear.scatter [tilespmem:s6], [sflag:$0x6], $0x100, $0x38;
	[tilespmem:$0x17100] =	vst v63  }
0x3bb: {  	s8 =	sadd.s32 $0x580, s2;
	s9 =	simm.s32 $0x10E00  }
0x3bc: {  	[hbm4b:s8+s7] =	stream.linear.scatter [tilespmem:s9], [sflag:$0x6], $0x100, $0x38;
	[tilespmem:$0x17100] =	vst v63  }
0x3bd: {  	s10 =	sadd.s32 $0x600, s2;
	s11 =	simm.s32 $0x11200  }
0x3be: {  	[hbm4b:s10+s7] =	stream.linear.scatter [tilespmem:s11], [sflag:$0x6], $0x100, $0x38;
	[tilespmem:$0x17100] =	vst v63  }
0x3bf: {  	s12 =	sadd.s32 $0x680, s2;
	s13 =	simm.s32 $0x11600  }
0x3c0: {  	[hbm4b:s12+s7] =	stream.linear.scatter [tilespmem:s13], [sflag:$0x6], $0x100, $0x38;
	[tilespmem:$0x17100] =	vst v63  }
0x3c1: {  	s14 =	sadd.s32 $0x700, s2;
	s15 =	simm.s32 $0x11A00  }
0x3c2: {  	[hbm4b:s14+s7] =	stream.linear.scatter [tilespmem:s15], [sflag:$0x6], $0x100, $0x38;
	[tilespmem:$0x17100] =	vst v63  }
0x3c3: {  	s2 =	sadd.s32 $0x780, s2;
	s16 =	simm.s32 $0x11E00  }
0x3c4: {  	[hbm4b:s2+s7] =	stream.linear.scatter [tilespmem:s16], [sflag:$0x6], $0x100, $0x38;
	[tilespmem:$0x17100] =	vst v63  }
0x3c5: {  	s0 =	sadd.s32 s0, s1;
	s18 =	simm.s32 $0xE300  }
0x3c6: {  	[hbm4b:s0+s7] =	stream.linear.scatter [tilespmem:s18], [sflag:$0x6], $0x100, $0x38;
	[tilespmem:$0x17100] =	vst v63  }
0x3c7: {  	s19 =	sadd.s32 $0x80, s0;
	s20 =	simm.s32 $0xE700  }
0x3c8: {  	[hbm4b:s19+s7] =	stream.linear.scatter [tilespmem:s20], [sflag:$0x6], $0x100, $0x38;
	[tilespmem:$0x17100] =	vst v63  }
0x3c9: {  	s22 =	sadd.s32 $0x100, s0;
	s23 =	simm.s32 $0xEB00  }
0x3ca: {  	[hbm4b:s22+s7] =	stream.linear.scatter [tilespmem:s23], [sflag:$0x6], $0x100, $0x38;
	[tilespmem:$0x17100] =	vst v63  }
0x3cb: {  	s24 =	sadd.s32 $0x180, s0;
	s25 =	simm.s32 $0xEF00  }
0x3cc: {  	[hbm4b:s24+s7] =	stream.linear.scatter [tilespmem:s25], [sflag:$0x6], $0x100, $0x38;
	[tilespmem:$0x17100] =	vst v63  }
0x3cd: {  	s26 =	sadd.s32 $0x200, s0;
	s29 =	simm.s32 $0xF300  }
0x3ce: {  	[hbm4b:s26+s7] =	stream.linear.scatter [tilespmem:s29], [sflag:$0x6], $0x100, $0x38;
	[tilespmem:$0x17100] =	vst v63  }
0x3cf: {  	s30 =	sadd.s32 $0x280, s0;
	s31 =	simm.s32 $0xF700  }
0x3d0: {  	[hbm4b:s30+s7] =	stream.linear.scatter [tilespmem:s31], [sflag:$0x6], $0x100, $0x38;
	[tilespmem:$0x17100] =	vst v63  }
0x3d1: {  	s3 =	sadd.s32 $0x300, s0;
	s4 =	simm.s32 $0xFB00  }
0x3d2: {  	[hbm4b:s3+s7] =	stream.linear.scatter [tilespmem:s4], [sflag:$0x6], $0x100, $0x38;
	[tilespmem:$0x17100] =	vst v63  }
0x3d3: {  	s5 =	sadd.s32 $0x380, s0;
	s6 =	simm.s32 $0xFF00  }
0x3d4: {  	[hbm4b:s5+s7] =	stream.linear.scatter [tilespmem:s6], [sflag:$0x6], $0x100, $0x38;
	[tilespmem:$0x17100] =	vst v63  }
0x3d5: {  	s8 =	sadd.s32 $0x400, s0;
	s9 =	simm.s32 $0x10300  }
0x3d6: {  	[hbm4b:s8+s7] =	stream.linear.scatter [tilespmem:s9], [sflag:$0x6], $0x100, $0x38;
	[tilespmem:$0x17100] =	vst v63  }
0x3d7: {  	s10 =	sadd.s32 $0x480, s0;
	s11 =	simm.s32 $0x10700  }
0x3d8: {  	[hbm4b:s10+s7] =	stream.linear.scatter [tilespmem:s11], [sflag:$0x6], $0x100, $0x38;
	[tilespmem:$0x17100] =	vst v63  }
0x3d9: {  	s12 =	sadd.s32 $0x500, s0;
	s13 =	simm.s32 $0x10B00  }
0x3da: {  	[hbm4b:s12+s7] =	stream.linear.scatter [tilespmem:s13], [sflag:$0x6], $0x100, $0x38;
	[tilespmem:$0x17100] =	vst v63  }
0x3db: {  	s14 =	sadd.s32 $0x580, s0;
	s15 =	simm.s32 $0x10F00  }
0x3dc: {  	[hbm4b:s14+s7] =	stream.linear.scatter [tilespmem:s15], [sflag:$0x6], $0x100, $0x38;
	[tilespmem:$0x17100] =	vst v63  }
0x3dd: {  	s16 =	sadd.s32 $0x600, s0;
	s18 =	simm.s32 $0x11300  }
0x3de: {  	[hbm4b:s16+s7] =	stream.linear.scatter [tilespmem:s18], [sflag:$0x6], $0x100, $0x38;
	[tilespmem:$0x17100] =	vst v63  }
0x3df: {  	s19 =	sadd.s32 $0x680, s0;
	s20 =	simm.s32 $0x11700  }
0x3e0: {  	[hbm4b:s19+s7] =	stream.linear.scatter [tilespmem:s20], [sflag:$0x6], $0x100, $0x38;
	[tilespmem:$0x17100] =	vst v63  }
0x3e1: {  	s22 =	sadd.s32 $0x700, s0;
	s23 =	simm.s32 $0x11B00  }
0x3e2: {  	[hbm4b:s22+s7] =	stream.linear.scatter [tilespmem:s23], [sflag:$0x6], $0x100, $0x38;
	[tilespmem:$0x17100] =	vst v63  }
0x3e3: {  	s0 =	sadd.s32 $0x780, s0;
	s24 =	simm.s32 $0x11F00  }
0x3e4: {  	[hbm4b:s0+s7] =	stream.linear.scatter [tilespmem:s24], [sflag:$0x6], $0x100, $0x38;
	[tilespmem:$0x17100] =	vst v63  }
0x3e5: {  	s25 =	simm.s32 $0xE400;
	s0 =	sadd.s32 s21, s1  }
0x3e6: {  	[hbm4b:s0+s7] =	stream.linear.scatter [tilespmem:s25], [sflag:$0x6], $0x100, $0x38;
	[tilespmem:$0x17100] =	vst v63  }
0x3e7: {  	s29 =	simm.s32 $0xE800;
	s26 =	sadd.s32 $0x80, s0  }
0x3e8: {  	[hbm4b:s26+s7] =	stream.linear.scatter [tilespmem:s29], [sflag:$0x6], $0x100, $0x38;
	[tilespmem:$0x17100] =	vst v63  }
0x3e9: {  	s31 =	simm.s32 $0xEC00;
	s30 =	sadd.s32 $0x100, s0  }
0x3ea: {  	[hbm4b:s30+s7] =	stream.linear.scatter [tilespmem:s31], [sflag:$0x6], $0x100, $0x38;
	[tilespmem:$0x17100] =	vst v63  }
0x3eb: {  	s4 =	simm.s32 $0xF000;
	s3 =	sadd.s32 $0x180, s0  }
0x3ec: {  	[hbm4b:s3+s7] =	stream.linear.scatter [tilespmem:s4], [sflag:$0x6], $0x100, $0x38;
	[tilespmem:$0x17100] =	vst v63  }
0x3ed: {  	s6 =	simm.s32 $0xF400;
	s5 =	sadd.s32 $0x200, s0  }
0x3ee: {  	[hbm4b:s5+s7] =	stream.linear.scatter [tilespmem:s6], [sflag:$0x6], $0x100, $0x38;
	[tilespmem:$0x17100] =	vst v63  }
0x3ef: {  	s9 =	simm.s32 $0xF800;
	s8 =	sadd.s32 $0x280, s0  }
0x3f0: {  	[hbm4b:s8+s7] =	stream.linear.scatter [tilespmem:s9], [sflag:$0x6], $0x100, $0x38;
	[tilespmem:$0x17100] =	vst v63  }
0x3f1: {  	s11 =	simm.s32 $0xFC00;
	s10 =	sadd.s32 $0x300, s0  }
0x3f2: {  	[hbm4b:s10+s7] =	stream.linear.scatter [tilespmem:s11], [sflag:$0x6], $0x100, $0x38;
	[tilespmem:$0x17100] =	vst v63  }
0x3f3: {  	s13 =	simm.s32 $0x10000;
	s12 =	sadd.s32 $0x380, s0  }
0x3f4: {  	[hbm4b:s12+s7] =	stream.linear.scatter [tilespmem:s13], [sflag:$0x6], $0x100, $0x38;
	[tilespmem:$0x17100] =	vst v63  }
0x3f5: {  	s15 =	simm.s32 $0x10400;
	s14 =	sadd.s32 $0x400, s0  }
0x3f6: {  	[hbm4b:s14+s7] =	stream.linear.scatter [tilespmem:s15], [sflag:$0x6], $0x100, $0x38;
	[tilespmem:$0x17100] =	vst v63  }
0x3f7: {  	s18 =	simm.s32 $0x10800;
	s16 =	sadd.s32 $0x480, s0  }
0x3f8: {  	[hbm4b:s16+s7] =	stream.linear.scatter [tilespmem:s18], [sflag:$0x6], $0x100, $0x38;
	[tilespmem:$0x17100] =	vst v63  }
0x3f9: {  	s20 =	simm.s32 $0x10C00;
	s19 =	sadd.s32 $0x500, s0  }
0x3fa: {  	[hbm4b:s19+s7] =	stream.linear.scatter [tilespmem:s20], [sflag:$0x6], $0x100, $0x38;
	[tilespmem:$0x17100] =	vst v63  }
0x3fb: {  	s22 =	simm.s32 $0x11000;
	s21 =	sadd.s32 $0x580, s0  }
0x3fc: {  	[hbm4b:s21+s7] =	stream.linear.scatter [tilespmem:s22], [sflag:$0x6], $0x100, $0x38;
	[tilespmem:$0x17100] =	vst v63  }
0x3fd: {  	s24 =	simm.s32 $0x11400;
	s23 =	sadd.s32 $0x600, s0  }
0x3fe: {  	[hbm4b:s23+s7] =	stream.linear.scatter [tilespmem:s24], [sflag:$0x6], $0x100, $0x38;
	[tilespmem:$0x17100] =	vst v63  }
0x3ff: {  	s25 =	sadd.s32 $0x680, s0;
	s26 =	simm.s32 $0x11800  }
0x400: {  	[hbm4b:s25+s7] =	stream.linear.scatter [tilespmem:s26], [sflag:$0x6], $0x100, $0x38;
	[tilespmem:$0x17100] =	vst v63  }
.Ltmp6:
0x401: {  	_ = 	snop;
	(pc) =	sbr.rel @p1 .LBB2_12-.Ltmp6, $4  }
0x402: {  	s29 =	sadd.s32 $0x700, s0;
	s30 =	simm.s32 $0x11C00  }
0x403: {  	[hbm4b:s29+s7] =	stream.linear.scatter [tilespmem:s30], [sflag:$0x6], $0x100, $0x38;
	[tilespmem:$0x17100] =	vst v63  }
0x404: {  	s0 =	sadd.s32 $0x780, s0;
	s31 =	simm.s32 $0x12000  }
0x405: {  	[hbm4b:s0+s7] =	stream.linear.scatter [tilespmem:s31], [sflag:$0x6], $0x100, $0x38;
	[tilespmem:$0x17100] =	vst v63  }
0x406: {  	s0 =	rddreg [dreg:$0x14]  }
0x407: {  	s2 =	rddreg [dreg:$0x7];
	s0 =	sadd.s32 $0x3, s0  }
0x408: {  	s3 =	rddreg [dreg:$0x2];
	s1 =	sshll.u32 s0, $0x9;
	s0 =	sshll.u32 s0, $0x5  }
0x409: {  	s12 =	simm.s32 $0x100;
	s1 =	sadd.s32 s2, s1;
	s11 =	sand.u32 $0x60, s0  }
0x40a: {  	s13 =	simm.s32 $0x400;
	s1 =	sand.u32 $0xFF800, s1;
	s2 =	sadd.s32 s3, s11  }
0x40b: {  	s4 =	simm.s32 $0x9100;
	s0 =	sshrl.u32 s0, $0x2;
	s1 =	sadd.s32 s1, s2  }
0x40c: {  	[tilespmem:s4], [sflag:$0x4] =	stream.strided.gather [hbm4b:s1+s12], $0x1000, s13, s12, $0x38;
	[tilespmem:$0x17100] =	vst v63  }
0x40d: {  	v6 =	vld.msk [tilespmem:s0+$0x0], $0xff;
	_ =	sdelay $0x4  }
0x40e: {  	v7 =	vshll.u32 v6, $0x4  }
0x40f: {  	v6 =	vand.u32 $0x7, v6;
	v7 =	vand.u32 $0xFFFFFF80, v7  }
0x410: {  	v6 =	vor.u32 v6, v7  }
0x411: {  	v6 =	vperm.xlane v6, v0;
	_ =	sdelay $0x1  }
0x412: {  	v6 =	vadd.s32 v1, v6;
	_ =	sdelay $0x3  }
0x413: {  	s8 =	rddreg [dreg:$0x1];
	s14 =	simm.s32 $0x4100  }
0x414: {  	[tilespmem:s14], [sflag:$0x2] =	stream.indirect_vreg.gather [hbm4b:s8+s7], $0x80, v6, vm0, $0xb8;
	[tilespmem:$0x17100] =	vst v63  }
0x415: {  	s18 =	rddreg [dreg:$0xa];
	s15 =	simm.s32 $0x4900  }
0x416: {  	[tilespmem:s15], [sflag:$0x2] =	stream.indirect_vreg.gather [hbm4b:s18+s7], $0x80, v6, vm0, $0xb8;
	[tilespmem:$0x17100] =	vst v63  }
0x417: {  	s31 =	rddreg [dreg:$0xb];
	s16 =	simm.s32 $0x5100  }
0x418: {  	[tilespmem:s16], [sflag:$0x2] =	stream.indirect_vreg.gather [hbm4b:s31+s7], $0x80, v6, vm0, $0xb8;
	[tilespmem:$0x17100] =	vst v63  }
0x419: {  	s19 =	rddreg [dreg:$0xc];
	s20 =	simm.s32 $0x5900  }
0x41a: {  	[tilespmem:s20], [sflag:$0x2] =	stream.indirect_vreg.gather [hbm4b:s19+s7], $0x80, v6, vm0, $0xb8;
	[tilespmem:$0x17100] =	vst v63  }
0x41b: {  	s21 =	rddreg [dreg:$0xd];
	s22 =	simm.s32 $0x6100  }
0x41c: {  	[tilespmem:s22], [sflag:$0x2] =	stream.indirect_vreg.gather [hbm4b:s21+s7], $0x80, v6, vm0, $0xb8;
	[tilespmem:$0x17100] =	vst v63  }
0x41d: {  	s23 =	rddreg [dreg:$0xe];
	s24 =	simm.s32 $0x6900  }
0x41e: {  	[tilespmem:s24], [sflag:$0x2] =	stream.indirect_vreg.gather [hbm4b:s23+s7], $0x80, v6, vm0, $0xb8;
	[tilespmem:$0x17100] =	vst v63  }
.Ltmp7:
0x41f: {  	_ = 	snop;
	(pc) =	sbr.rel .LBB2_2-.Ltmp7, $4  }
0x420: {  	s25 =	rddreg [dreg:$0xf];
	s26 =	simm.s32 $0x7100  }
0x421: {  	[tilespmem:s26], [sflag:$0x2] =	stream.indirect_vreg.gather [hbm4b:s25+s7], $0x80, v6, vm0, $0xb8;
	[tilespmem:$0x17100] =	vst v63  }
0x422: {  	s29 =	rddreg [dreg:$0x10];
	s30 =	simm.s32 $0x7900;
	s28 =	sadd.s32 $0x1, s28  }
0x423: {  	[tilespmem:s30], [sflag:$0x2] =	stream.indirect_vreg.gather [hbm4b:s29+s7], $0x80, v6, vm0, $0xb8;
	[tilespmem:$0x17100] =	vst v63  }
.LBB2_13:
0x424: {  	_ =	sfence.sel $0x180000  }
0x425: {  	[bflag:$0x0] =	sbarrier.arrive $0xFFFF  }
0x426: {  	_ =	strace $0x90000047  }
0x427: {  	s0 =	stileid.u32;
	[bflag:$0x2] =	sbarrier.arrive $0xFFFF  }
0x428: {  	p0 =	sne.s32 s0, $0x0;
	s0 =	rddreg [dreg:$0x6]  }
0x429: {  	s0 =	sadd.s32 @!p0 $0x100000, s0  }
0x42a: {  	[sflag:s0] =	ssyncadd.tile.s32 @!p0 $0x1;
	_ =	shalt  }
.Lfunc_end2:
_tile_overlayer_lowered:
.L_overlay_start_2:
0x42b: {  	(tag) =	ssettag $0x2  }
0x42c: {  	s0 =	rddreg [dreg:$0x0];
	s2 =	stileid.u32  }
0x42d: {  	s1 =	rddreg [dreg:$0x1];
	p0 =	sne.s32 s2, $0x0  }
0x42e: {  	s3 =	rddreg [dreg:$0x2];
	[bflag:$0x3] =	sbarrier.arrive $0xFFFF;
	s2 =	simm.s32 @!p0 $0x1C07  }
0x42f: {  	[timem:s3], [sflag:s2] =	dma.local @!p0 [hbm:s0], s1  }
0x430: {  	s0 =	simm.s32 @!p0 $0x7  }
0x431: {  	_ =	swait.ge @!p0 [sflag:s0], s1  }
0x432: {  	s1 =	ssub.s32 @!p0 $0x0, s1;
	[sflag:s0] =	ssyncset.done @!p0 $0x0  }
0x433: {  	[sflag:s0] =	ssyncadd.s32 @!p0 s1  }
0x434: {  	[bflag:$0x3] =	sbarrier.arrive $0xFFFF  }
0x435: {  	_ =	shalt  }

</sc_bundles>
